<compile_context>
chip_gen: v7x
topology: tpu7x:2x2x1
jax: 0.10.2.dev20260603
libtpu: 0.0.44.dev20260713+nightly
codegen_flags: <defaults>
</compile_context>

<pallas_src>
import jax
import jax.numpy as jnp
import numpy as np
from jax import lax
from jax.experimental import pallas as pl
from jax.experimental.pallas import tpu as pltpu
from jax.experimental.pallas import tpu_sc as plsc

N = 10000
E = 320000
F_IN = 128
H = 8
C1 = 20
D1 = H * C1
DH = D1 // 2
D2 = 16

NP = 10240
DHP = DH + 16
DHB = 96
D2P = 32
NCORE = 2
NSUB = 16
NW = NCORE * NSUB
CH = 128
CPT = 82
PT = CH * CPT
EP = NW * PT
EPX = EP + 2 * CH
RPT = NP // NSUB
BR = 512


def _mesh():
    return plsc.VectorSubcoreMesh(
        core_axis_name="c", subcore_axis_name="s",
        num_cores=NCORE, num_subcores=NSUB)


_SC_PARAMS = pltpu.CompilerParams(
    needs_layout_passes=False, use_tc_tiling_on_sc=False)


def _tca_body(x_ref, wa_ref, wb_ref, asa_ref, asb_ref, ada_ref, adb_ref,
              ha_ref, hb_ref, ts_ref, td_ref):
    x = x_ref[...]
    ha = jnp.dot(x, wa_ref[...], preferred_element_type=jnp.float32)
    hb = jnp.dot(x, wb_ref[...], preferred_element_type=jnp.float32)
    ha_ref[...] = ha.astype(jnp.bfloat16)
    hb_ref[...] = hb.astype(jnp.bfloat16)
    ts_ref[...] = (
        jnp.dot(ha, asa_ref[...], preferred_element_type=jnp.float32)
        + jnp.dot(hb, asb_ref[...], preferred_element_type=jnp.float32))
    td_ref[...] = (
        jnp.dot(ha, ada_ref[...], preferred_element_type=jnp.float32)
        + jnp.dot(hb, adb_ref[...], preferred_element_type=jnp.float32))


def _tca(x_pad, W1a, W1b, AsA, AsB, AdA, AdB):
    full = lambda r, c: pl.BlockSpec((r, c), lambda i: (0, 0))
    return pl.pallas_call(
        _tca_body,
        grid=(NP // BR,),
        in_specs=[
            pl.BlockSpec((BR, F_IN), lambda i: (i, 0)),
            full(F_IN, DHB), full(F_IN, DHB),
            full(DHB, 16), full(DHB, 16), full(DHB, 16), full(DHB, 16),
        ],
        out_specs=[
            pl.BlockSpec((BR, DHB), lambda i: (i, 0)),
            pl.BlockSpec((BR, DHB), lambda i: (i, 0)),
            pl.BlockSpec((BR, 16), lambda i: (i, 0)),
            pl.BlockSpec((BR, 16), lambda i: (i, 0)),
        ],
        out_shape=[
            jax.ShapeDtypeStruct((NP, DHB), jnp.bfloat16),
            jax.ShapeDtypeStruct((NP, DHB), jnp.bfloat16),
            jax.ShapeDtypeStruct((NP, 16), jnp.float32),
            jax.ShapeDtypeStruct((NP, 16), jnp.float32),
        ],
    )(x_pad, W1a, W1b, AsA, AsB, AdA, AdB)


def _sc1_body(src_hbm, dst_hbm, ts_hbm, td_hbm, ha_hbm, hb_hbm, out_hbm,
              src_a, dst_a, dsts_a, as_a, ad_a, h_a, msg_a, w_a,
              src_b, dst_b, dsts_b, as_b, ad_b, h_b, msg_b, w_b,
              acc_sh, semi_a, semg_a, sems_a, semi_b, semg_b, sems_b):
    cid = lax.axis_index("c")
    sid = lax.axis_index("s")
    wid = sid * NCORE + cid

    iota = lax.iota(jnp.int32, 16)
    hmask = jnp.where(iota < H, 1.0, 0.0).astype(jnp.float32)
    zz = jnp.zeros((16,), jnp.float32)
    row0 = sid * RPT
    ebase0 = wid * PT

    sets = (
        (src_a, dst_a, dsts_a, as_a, ad_a, h_a, msg_a, w_a,
         semi_a, semg_a, sems_a),
        (src_b, dst_b, dsts_b, as_b, ad_b, h_b, msg_b, w_b,
         semi_b, semg_b, sems_b),
    )

    def issue_idx(S, c):
        (src_v, dst_v, _, _, _, _, _, _, semi, _, _) = S
        eb = ebase0 + c * CH
        pltpu.async_copy(src_hbm.at[pl.ds(eb, CH)], src_v, semi)
        pltpu.async_copy(dst_hbm.at[pl.ds(eb, CH)], dst_v, semi)

    def wait_idx(S):
        (src_v, dst_v, _, _, _, _, _, _, semi, _, _) = S
        pltpu.make_async_copy(src_hbm.at[pl.ds(0, CH)], src_v, semi).wait()
        pltpu.make_async_copy(dst_hbm.at[pl.ds(0, CH)], dst_v, semi).wait()

    def shadow_dst(S):
        (_, dst_v, dsts_v, _, _, _, _, _, _, _, _) = S

        @plsc.parallel_loop(0, CH // 16)
        def _(j):
            dsts_v[pl.ds(j * 16, 16)] = dst_v[pl.ds(j * 16, 16)]

    for phase, h_hbm in ((0, ha_hbm), (1, hb_hbm)):
        hmaps = [(iota + 16 * k) // C1 + 4 * phase for k in range(DH // 16)]

        def issue_gathers(S, c, _h_hbm=h_hbm):
            (src_v, dst_v, _, as_v, ad_v, h_v, _, _, _, semg, _) = S
            pltpu.async_copy(ts_hbm.at[src_v], as_v, semg)
            pltpu.async_copy(td_hbm.at[dst_v], ad_v, semg)
            pltpu.async_copy(_h_hbm.at[src_v], h_v, semg)

        def wait_gathers(S, _h_hbm=h_hbm):
            (src_v, dst_v, _, as_v, ad_v, h_v, _, _, _, semg, _) = S
            pltpu.make_async_copy(ts_hbm.at[src_v], as_v, semg).wait()
            pltpu.make_async_copy(td_hbm.at[dst_v], ad_v, semg).wait()
            pltpu.make_async_copy(_h_hbm.at[src_v], h_v, semg).wait()

        def issue_scatter(S, c):
            (_, _, dsts_v, _, _, _, msg_v, _, _, _, sems) = S
            pltpu.async_copy(msg_v, acc_sh.at[dsts_v], sems, add=True)

        def wait_scatter(S):
            (_, _, dsts_v, _, _, _, msg_v, _, _, _, sems) = S
            pltpu.make_async_copy(msg_v, acc_sh.at[dsts_v], sems).wait()

        def compute(S, _hmaps=hmaps):
            (_, _, _, as_v, ad_v, h_v, msg_v, w_v, _, _, _) = S

            @plsc.parallel_loop(0, CH, unroll=4)
            def _(i):
                s = as_v[i] + ad_v[i]
                w = jnp.exp(jnp.maximum(s, 0.2 * s))
                w_v[pl.ds(i * 16, 16)] = w
                msg_v[i, pl.ds(DH, 16)] = w * hmask

            @plsc.parallel_loop(0, CH, unroll=4)
            def _(i):
                scs = [plsc.load_gather(w_v, [i * 16 + _hmaps[k]])
                       for k in range(DH // 16)]
                for q in range(DHB // 32):
                    h32 = h_v[i, pl.ds(q * 32, 32)]
                    a, b = plsc.unpack(
                        h32, format=plsc.PackFormat.INTERLEAVED)
                    msg_v[i, pl.ds(q * 32, 16)] = a * scs[2 * q]
                    if 2 * q + 1 < DH // 16:
                        msg_v[i, pl.ds(q * 32 + 16, 16)] = b * scs[2 * q + 1]

        @pl.loop(0, CH)
        def _(i):
            for k in range(DHP // 16):
                msg_a[i, pl.ds(k * 16, 16)] = zz

        for j in range(RPT // CH):
            pltpu.sync_copy(msg_a, acc_sh.at[pl.ds(row0 + j * CH, CH)])
        plsc.subcore_barrier()

        issue_idx(sets[0], 0)
        issue_idx(sets[1], 1)
        wait_idx(sets[0])
        issue_gathers(sets[0], 0)

        @pl.loop(0, CPT // 2)
        def _(g):
            c0 = g * 2
            A, B = sets

            @pl.when(g > 0)
            def _():
                wait_scatter(A)

            wait_gathers(A)
            shadow_dst(A)
            issue_idx(A, c0 + 2)
            wait_idx(B)
            issue_gathers(B, c0 + 1)
            compute(A)
            issue_scatter(A, c0)

            @pl.when(g > 0)
            def _():
                wait_scatter(B)

            wait_gathers(B)
            shadow_dst(B)
            issue_idx(B, c0 + 3)
            wait_idx(A)
            issue_gathers(A, c0 + 2)
            compute(B)
            issue_scatter(B, c0 + 1)

        wait_gathers(sets[0])
        wait_idx(sets[1])
        wait_scatter(sets[0])
        wait_scatter(sets[1])

        plsc.subcore_barrier()
        ob = (cid * 2 + phase) * NP + row0
        for j in range(RPT // CH):
            pltpu.sync_copy(acc_sh.at[pl.ds(row0 + j * CH, CH)], msg_a)
            pltpu.sync_copy(msg_a, out_hbm.at[pl.ds(ob + j * CH, CH)])
        plsc.subcore_barrier()


def _sc1(srcE, dstE, ts, td, ha, hb):
    buf = lambda: [
        pltpu.VMEM((CH,), jnp.int32),
        pltpu.VMEM((CH,), jnp.int32),
        pltpu.VMEM((CH,), jnp.int32),
        pltpu.VMEM((CH, 16), jnp.float32),
        pltpu.VMEM((CH, 16), jnp.float32),
        pltpu.VMEM((CH, DHB), jnp.bfloat16),
        pltpu.VMEM((CH, DHP), jnp.float32),
        pltpu.VMEM((CH * 16,), jnp.float32),
    ]
    k = pl.kernel(
        _sc1_body,
        out_type=jax.ShapeDtypeStruct((NCORE * 2 * NP, DHP), jnp.float32),
        mesh=_mesh(),
        compiler_params=_SC_PARAMS,
        scratch_types=buf() + buf() + [
            pltpu.VMEM_SHARED((NP, DHP), jnp.float32),
            pltpu.SemaphoreType.DMA,
            pltpu.SemaphoreType.DMA,
            pltpu.SemaphoreType.DMA,
            pltpu.SemaphoreType.DMA,
            pltpu.SemaphoreType.DMA,
            pltpu.SemaphoreType.DMA,
        ],
    )
    return k(srcE, dstE, ts, td, ha, hb)


def _tcb_body(p0a_ref, p0b_ref, p1a_ref, p1b_ref, w2a_ref, w2b_ref,
              b1_ref, rexp_ref, as2_ref, ad2_ref,
              h2_ref, s2_ref, d2_ref):
    accA = p0a_ref[...] + p0b_ref[...]
    accB = p1a_ref[...] + p1b_ref[...]
    den = accA[:, DH:DH + H]
    rec = 1.0 / (den + 1e-16)
    rec160 = jnp.dot(rec, rexp_ref[...], preferred_element_type=jnp.float32)
    outA = jnp.maximum(
        accA[:, :DH] * rec160[:, :DH] + b1_ref[:, :DH], 0.0)
    outB = jnp.maximum(
        accB[:, :DH] * rec160[:, DH:] + b1_ref[:, DH:], 0.0)
    h2 = (jnp.dot(outA, w2a_ref[...], preferred_element_type=jnp.float32)
          + jnp.dot(outB, w2b_ref[...], preferred_element_type=jnp.float32))
    h2_ref[...] = h2
    s2_ref[...] = jnp.sum(h2 * as2_ref[...], axis=1)
    d2_ref[...] = jnp.sum(h2 * ad2_ref[...], axis=1)


def _tcb(acc1, W2a, W2b, b1r, Rexp, as2r, ad2r):
    full = lambda r, c: pl.BlockSpec((r, c), lambda i: (0, 0))
    nb = NP // BR
    return pl.pallas_call(
        _tcb_body,
        grid=(nb,),
        in_specs=[
            pl.BlockSpec((BR, DHP), lambda i: (i, 0)),
            pl.BlockSpec((BR, DHP), lambda i: (i + 2 * nb, 0)),
            pl.BlockSpec((BR, DHP), lambda i: (i + nb, 0)),
            pl.BlockSpec((BR, DHP), lambda i: (i + 3 * nb, 0)),
            full(DH, D2), full(DH, D2),
            full(1, D1), full(H, D1), full(1, D2), full(1, D2),
        ],
        out_specs=[
            pl.BlockSpec((BR, D2), lambda i: (i, 0)),
            pl.BlockSpec((BR,), lambda i: (i,)),
            pl.BlockSpec((BR,), lambda i: (i,)),
        ],
        out_shape=[
            jax.ShapeDtypeStruct((NP, D2), jnp.float32),
            jax.ShapeDtypeStruct((NP,), jnp.float32),
            jax.ShapeDtypeStruct((NP,), jnp.float32),
        ],
    )(acc1, acc1, acc1, acc1, W2a, W2b, b1r, Rexp, as2r, ad2r)


def _sc2_body(src_hbm, dst_hbm, as2_hbm, ad2_hbm, h2_hbm, out_hbm,
              src_a, dst_a, dsts_a, w_a, h2_a, msg_a,
              src_b, dst_b, dsts_b, w_b, h2_b, msg_b,
              as2_v, ad2_v, acc_sh,
              semi_a, semg_a, sems_a, semi_b, semg_b, sems_b):
    cid = lax.axis_index("c")
    sid = lax.axis_index("s")
    wid = sid * NCORE + cid

    iota = lax.iota(jnp.int32, 16)
    l0mask = jnp.where(iota == 0, 1.0, 0.0).astype(jnp.float32)
    zz = jnp.zeros((16,), jnp.float32)
    row0 = sid * RPT
    ebase0 = wid * PT

    pltpu.sync_copy(as2_hbm, as2_v)
    pltpu.sync_copy(ad2_hbm, ad2_v)

    sets = (
        (src_a, dst_a, dsts_a, w_a, h2_a, msg_a, semi_a, semg_a, sems_a),
        (src_b, dst_b, dsts_b, w_b, h2_b, msg_b, semi_b, semg_b, sems_b),
    )

    def issue_idx(S, c):
        (src_v, dst_v, _, _, _, _, semi, _, _) = S
        eb = ebase0 + c * CH
        pltpu.async_copy(src_hbm.at[pl.ds(eb, CH)], src_v, semi)
        pltpu.async_copy(dst_hbm.at[pl.ds(eb, CH)], dst_v, semi)

    def wait_idx(S):
        (src_v, dst_v, _, _, _, _, semi, _, _) = S
        pltpu.make_async_copy(src_hbm.at[pl.ds(0, CH)], src_v, semi).wait()
        pltpu.make_async_copy(dst_hbm.at[pl.ds(0, CH)], dst_v, semi).wait()

    def issue_gathers(S):
        (src_v, _, _, _, h2_v, _, _, semg, _) = S
        pltpu.async_copy(h2_hbm.at[src_v], h2_v, semg)

    def wait_gathers(S):
        (src_v, _, _, _, h2_v, _, _, semg, _) = S
        pltpu.make_async_copy(h2_hbm.at[src_v], h2_v, semg).wait()

    def issue_scatter(S):
        (_, _, dsts_v, _, _, msg_v, _, _, sems) = S
        pltpu.async_copy(msg_v, acc_sh.at[dsts_v], sems, add=True)

    def wait_scatter(S):
        (_, _, dsts_v, _, _, msg_v, _, _, sems) = S
        pltpu.make_async_copy(msg_v, acc_sh.at[dsts_v], sems).wait()

    def shadow_dst(S):
        (_, dst_v, dsts_v, _, _, _, _, _, _) = S

        @plsc.parallel_loop(0, CH // 16)
        def _(j):
            dsts_v[pl.ds(j * 16, 16)] = dst_v[pl.ds(j * 16, 16)]

    def compute(S):
        (src_v, dst_v, _, w_v, h2_v, msg_v, _, _, _) = S

        @plsc.parallel_loop(0, CH // 16)
        def _(j):
            sv = src_v[pl.ds(j * 16, 16)]
            dv = dst_v[pl.ds(j * 16, 16)]
            s = plsc.load_gather(as2_v, [sv]) + plsc.load_gather(ad2_v, [dv])
            w_v[pl.ds(j * 16, 16)] = jnp.exp(jnp.maximum(s, 0.2 * s))

        @plsc.parallel_loop(0, CH, unroll=4)
        def _(i):
            sc = plsc.load_gather(w_v, [iota * 0 + i])
            msg_v[i, pl.ds(0, 16)] = h2_v[i] * sc
            msg_v[i, pl.ds(16, 16)] = sc * l0mask

    @pl.loop(0, CH)
    def _(i):
        msg_a[i, pl.ds(0, 16)] = zz
        msg_a[i, pl.ds(16, 16)] = zz

    for j in range(RPT // CH):
        pltpu.sync_copy(msg_a, acc_sh.at[pl.ds(row0 + j * CH, CH)])
    plsc.subcore_barrier()

    issue_idx(sets[0], 0)
    issue_idx(sets[1], 1)
    wait_idx(sets[0])
    issue_gathers(sets[0])

    @pl.loop(0, CPT // 2)
    def _(g):
        c0 = g * 2
        A, B = sets

        @pl.when(g > 0)
        def _():
            wait_scatter(A)

        wait_gathers(A)
        shadow_dst(A)
        issue_idx(A, c0 + 2)
        wait_idx(B)
        issue_gathers(B)
        compute(A)
        issue_scatter(A)

        @pl.when(g > 0)
        def _():
            wait_scatter(B)

        wait_gathers(B)
        shadow_dst(B)
        issue_idx(B, c0 + 3)
        wait_idx(A)
        issue_gathers(A)
        compute(B)
        issue_scatter(B)

    wait_gathers(sets[0])
    wait_idx(sets[1])
    wait_scatter(sets[0])
    wait_scatter(sets[1])

    plsc.subcore_barrier()
    ob = cid * NP + row0
    for j in range(RPT // CH):
        pltpu.sync_copy(acc_sh.at[pl.ds(row0 + j * CH, CH)], msg_a)
        pltpu.sync_copy(msg_a, out_hbm.at[pl.ds(ob + j * CH, CH)])


def _sc2(srcE, dstE, as2, ad2, h2):
    buf = lambda: [
        pltpu.VMEM((CH,), jnp.int32),
        pltpu.VMEM((CH,), jnp.int32),
        pltpu.VMEM((CH,), jnp.int32),
        pltpu.VMEM((CH,), jnp.float32),
        pltpu.VMEM((CH, D2), jnp.float32),
        pltpu.VMEM((CH, D2P), jnp.float32),
    ]
    k = pl.kernel(
        _sc2_body,
        out_type=jax.ShapeDtypeStruct((NCORE * NP, D2P), jnp.float32),
        mesh=_mesh(),
        compiler_params=_SC_PARAMS,
        scratch_types=buf() + buf() + [
            pltpu.VMEM((NP,), jnp.float32),
            pltpu.VMEM((NP,), jnp.float32),
            pltpu.VMEM_SHARED((NP, D2P), jnp.float32),
            pltpu.SemaphoreType.DMA,
            pltpu.SemaphoreType.DMA,
            pltpu.SemaphoreType.DMA,
            pltpu.SemaphoreType.DMA,
            pltpu.SemaphoreType.DMA,
            pltpu.SemaphoreType.DMA,
        ],
    )
    return k(srcE, dstE, as2, ad2, h2)


def _tcc_body(a_ref, b_ref, b2_ref, o_ref):
    acc = a_ref[...] + b_ref[...]
    den = acc[:, D2:D2 + 1]
    o_ref[...] = acc[:, :D2] / (den + 1e-16) + b2_ref[...]


def _tcc(acc2, b2r):
    return pl.pallas_call(
        _tcc_body,
        grid=(NP // BR,),
        in_specs=[
            pl.BlockSpec((BR, D2P), lambda i: (i, 0)),
            pl.BlockSpec((BR, D2P), lambda i: (i + NP // BR, 0)),
            pl.BlockSpec((1, D2), lambda i: (0, 0)),
        ],
        out_specs=pl.BlockSpec((BR, D2), lambda i: (i, 0)),
        out_shape=jax.ShapeDtypeStruct((NP, D2), jnp.float32),
    )(acc2, acc2, b2r)


def kernel(x, edge_index, W1, a_src1, a_dst1, b1, W2, a_src2, a_dst2, b2):
    loop = jnp.arange(N, dtype=jnp.int32)
    padi = jnp.full((EPX - E - N,), N, dtype=jnp.int32)
    srcE = jnp.concatenate([edge_index[0], loop, padi])
    dstE = jnp.concatenate([edge_index[1], loop, padi])

    x_pad = jnp.zeros((NP, F_IN), jnp.float32).at[:N].set(x)

    idx = jnp.arange(D1)
    As16 = jnp.zeros((D1, 16), jnp.float32).at[idx, idx // C1].set(
        a_src1.reshape(-1))
    Ad16 = jnp.zeros((D1, 16), jnp.float32).at[idx, idx // C1].set(
        a_dst1.reshape(-1))
    Rexp = jnp.zeros((H, D1), jnp.float32).at[idx // C1, idx].set(1.0)

    b1r = b1.reshape(1, D1)
    b2r = b2.reshape(1, D2)

    sidx = np.arange(DHB)
    q, r = sidx // 32, sidx % 32
    olocal = np.where(sidx % 2 == 0, 32 * q + r // 2, 32 * q + 16 + r // 2)
    valid = (olocal < DH).astype(np.float32)
    vmask = jnp.asarray(valid)
    oclip = np.minimum(olocal, DH - 1)

    def _perm_w(Wh):
        return Wh[:, oclip] * vmask[None, :]

    def _perm_a(Ah):
        return Ah[oclip, :] * vmask[:, None]

    ha, hb, ts, td = _tca(
        x_pad,
        _perm_w(W1[:, :DH]), _perm_w(W1[:, DH:]),
        _perm_a(As16[:DH]), _perm_a(As16[DH:]),
        _perm_a(Ad16[:DH]), _perm_a(Ad16[DH:]))
    acc1 = _sc1(srcE, dstE, ts, td, ha, hb)
    h2, as2, ad2 = _tcb(acc1, W2[:DH], W2[DH:], b1r, Rexp, a_src2, a_dst2)
    acc2 = _sc2(srcE, dstE, as2, ad2, h2)
    out = _tcc(acc2, b2r)
    return out[:N]

# --- scband reference (transcript-rebuilt; emitter-appended) ---
"""Pipeline reference for scband-gatnet-67697274520361 (READ-ONLY COPY).

The authoritative reference and input builder live on the scoring server;
editing this copy changes nothing except your own understanding.
"""

import jax, jax.numpy as jnp
import numpy as np

N = 10000
E = 320000
F_IN = 128
H = 8
C1 = 20
NC = 16


def setup_inputs(seed: int = 0) -> dict:
    key = jax.random.key(seed)
    ks = jax.random.split(key, 10)
    x = jax.random.normal(ks[0], (N, F_IN), dtype=jnp.float32)
    edge_index = jax.random.randint(ks[1], (2, E), 0, N, dtype=jnp.int32)
    W1 = jax.random.normal(ks[2], (F_IN, H * C1), dtype=jnp.float32) * 0.1
    a_src1 = jax.random.normal(ks[3], (H, C1), dtype=jnp.float32) * 0.1
    a_dst1 = jax.random.normal(ks[4], (H, C1), dtype=jnp.float32) * 0.1
    b1 = jnp.zeros((H * C1,), dtype=jnp.float32)
    W2 = jax.random.normal(ks[5], (H * C1, NC), dtype=jnp.float32) * 0.1
    a_src2 = jax.random.normal(ks[6], (1, NC), dtype=jnp.float32) * 0.1
    a_dst2 = jax.random.normal(ks[7], (1, NC), dtype=jnp.float32) * 0.1
    b2 = jnp.zeros((NC,), dtype=jnp.float32)
    return {"x": x, "edge_index": edge_index, "W1": W1, "a_src1": a_src1,
            "a_dst1": a_dst1, "b1": b1, "W2": W2, "a_src2": a_src2,
            "a_dst2": a_dst2, "b2": b2}


def _gat_conv(x, src, dst, W, a_s, a_d, b, heads, out_ch):
    # PyG-style GATConv: linear transform per head, additive attention,
    # LeakyReLU(0.2), softmax over incoming edges per destination node,
    # weighted scatter-sum, concat heads, add bias.
    n = x.shape[0]
    h = (x @ W).reshape(n, heads, out_ch)
    alpha_src = jnp.sum(h * a_s[None, :, :], axis=-1)  # [n, H]
    alpha_dst = jnp.sum(h * a_d[None, :, :], axis=-1)  # [n, H]
    e = jax.nn.leaky_relu(alpha_src[src] + alpha_dst[dst], negative_slope=0.2)  # [E, H]
    e_max = jax.ops.segment_max(e, dst, num_segments=n)
    e_max = jnp.where(jnp.isfinite(e_max), e_max, 0.0)
    e_exp = jnp.exp(e - e_max[dst])
    denom = jax.ops.segment_sum(e_exp, dst, num_segments=n)
    alpha = e_exp / (denom[dst] + 1e-16)  # softmax per dst node
    msg = h[src] * alpha[:, :, None]  # gather source feats, weight by attention
    out = jax.ops.segment_sum(msg, dst, num_segments=n)  # scatter-add to dst
    return out.reshape(n, heads * out_ch) + b


def reference(x, edge_index, W1, a_src1, a_dst1, b1, W2, a_src2, a_dst2, b2):
    n = x.shape[0]
    # GATConv default add_self_loops=True
    loop = jnp.arange(n, dtype=edge_index.dtype)
    src = jnp.concatenate([edge_index[0], loop])
    dst = jnp.concatenate([edge_index[1], loop])
    h1 = _gat_conv(x, src, dst, W1, a_src1, a_dst1, b1, H, C1)
    h1 = jax.nn.relu(h1)
    out = _gat_conv(h1, src, dst, W2, a_src2, a_dst2, b2, 1, NC)
    return out

if __name__ == "__main__":
    import jax
    _d = setup_inputs()
    print(jax.jit(kernel)(*tuple(_d.values())))

</pallas_src>

<mosaic_0001>
#map = affine_map<(d0, d1) -> (0)>
#map1 = affine_map<(d0, d1) -> (0, 0)>
module attributes {stable_mosaic.version = 14 : i64} {
  func.func @_sc1_body(%arg0: i32, %arg1: i32, %arg2: memref<336128xi32, #tpu.memory_space<hbm>>, %arg3: memref<336128xi32, #tpu.memory_space<hbm>>, %arg4: memref<10240x16xf32, #tpu.memory_space<hbm>>, %arg5: memref<10240x16xf32, #tpu.memory_space<hbm>>, %arg6: memref<10240x96xbf16, #tpu.memory_space<hbm>>, %arg7: memref<10240x96xbf16, #tpu.memory_space<hbm>>, %arg8: memref<40960x96xf32, #tpu.memory_space<hbm>>, %arg9: memref<128xi32, #tpu.memory_space<vmem>>, %arg10: memref<128xi32, #tpu.memory_space<vmem>>, %arg11: memref<128xi32, #tpu.memory_space<vmem>>, %arg12: memref<128x16xf32, #tpu.memory_space<vmem>>, %arg13: memref<128x16xf32, #tpu.memory_space<vmem>>, %arg14: memref<128x96xbf16, #tpu.memory_space<vmem>>, %arg15: memref<128x96xf32, #tpu.memory_space<vmem>>, %arg16: memref<2048xf32, #tpu.memory_space<vmem>>, %arg17: memref<128xi32, #tpu.memory_space<vmem>>, %arg18: memref<128xi32, #tpu.memory_space<vmem>>, %arg19: memref<128xi32, #tpu.memory_space<vmem>>, %arg20: memref<128x16xf32, #tpu.memory_space<vmem>>, %arg21: memref<128x16xf32, #tpu.memory_space<vmem>>, %arg22: memref<128x96xbf16, #tpu.memory_space<vmem>>, %arg23: memref<128x96xf32, #tpu.memory_space<vmem>>, %arg24: memref<2048xf32, #tpu.memory_space<vmem>>, %arg25: memref<10240x96xf32, #tpu.memory_space<vmem_shared>>, %arg26: memref<!tpu.dma_semaphore, #tpu.memory_space<semaphore_mem>>, %arg27: memref<!tpu.dma_semaphore, #tpu.memory_space<semaphore_mem>>, %arg28: memref<!tpu.dma_semaphore, #tpu.memory_space<semaphore_mem>>, %arg29: memref<!tpu.dma_semaphore, #tpu.memory_space<semaphore_mem>>, %arg30: memref<!tpu.dma_semaphore, #tpu.memory_space<semaphore_mem>>, %arg31: memref<!tpu.dma_semaphore, #tpu.memory_space<semaphore_mem>>) attributes {dimension_semantics = [#tpu.dimension_semantics<core_parallel>, #tpu.dimension_semantics<subcore_parallel>], iteration_bounds = array<i64: 2, 16>, scalar_prefetch = 0 : i64, scratch_operands = 23 : i64, tpu.core_type = #tpu.core_type<sc_vector_subcore>, window_params = [{transform_indices = #map}, {transform_indices = #map}, {transform_indices = #map1}, {transform_indices = #map1}, {transform_indices = #map1}, {transform_indices = #map1}, {transform_indices = #map1}]} {
    %mul3A = arith.constant 2 : i32
    %mul3A_0 = arith.muli %arg1, %mul3A : i32
    %add3A = arith.addi %mul3A_0, %arg0 : i32
    %iota3A = tpu.iota {dimensions = array<i32: 0>} : vector<16xi32>
    %lt3A = arith.constant 8 : i32
    %lt3A_1 = vector.broadcast %lt3A : i32 to vector<16xi32>
    %lt3A_2 = arith.cmpi slt, %iota3A, %lt3A_1 : vector<16xi32>
    %jit3A = arith.constant 1.000000e+00 : f32
    %jit3A_3 = arith.constant 0.000000e+00 : f32
    %broadcast_in_dim3A = vector.broadcast %jit3A : f32 to vector<16xf32>
    %broadcast_in_dim3A_4 = vector.broadcast %jit3A_3 : f32 to vector<16xf32>
    %select_n3A = arith.select %lt3A_2, %broadcast_in_dim3A, %broadcast_in_dim3A_4 : vector<16xi1>, vector<16xf32>
    %broadcast_in_dim3A_5 = arith.constant 0.000000e+00 : f32
    %broadcast_in_dim3A_6 = vector.broadcast %broadcast_in_dim3A_5 : f32 to vector<16xf32>
    %mul3A_7 = arith.constant 640 : i32
    %mul3A_8 = arith.muli %arg1, %mul3A_7 : i32
    %mul3A_9 = arith.constant 10496 : i32
    %mul3A_10 = arith.muli %add3A, %mul3A_9 : i32
    %add3A_11 = arith.constant 0 : i32
    %add3A_12 = vector.broadcast %add3A_11 : i32 to vector<16xi32>
    %add3A_13 = arith.addi %iota3A, %add3A_12 : vector<16xi32>
    %jit3A_14 = arith.constant 20 : i32
    %div3A = vector.broadcast %jit3A_14 : i32 to vector<16xi32>
    %div3A_15 = arith.divsi %add3A_13, %div3A : vector<16xi32>
    %sign3A = arith.constant 0 : i32
    %sign3A_16 = vector.broadcast %sign3A : i32 to vector<16xi32>
    %sign3A_17 = arith.cmpi sgt, %add3A_13, %sign3A_16 : vector<16xi32>
    %sign3A_18 = arith.extui %sign3A_17 : vector<16xi1> to vector<16xi32>
    %sign3A_19 = arith.constant 0 : i32
    %sign3A_20 = vector.broadcast %sign3A_19 : i32 to vector<16xi32>
    %sign3A_21 = arith.cmpi slt, %add3A_13, %sign3A_20 : vector<16xi32>
    %sign3A_22 = arith.extui %sign3A_21 : vector<16xi1> to vector<16xi32>
    %sign3A_23 = arith.subi %sign3A_18, %sign3A_22 : vector<16xi32>
    %sign3A_24 = arith.constant 0 : i32
    %sign3A_25 = arith.cmpi sgt, %jit3A_14, %sign3A_24 : i32
    %sign3A_26 = arith.extui %sign3A_25 : i1 to i32
    %sign3A_27 = arith.constant 0 : i32
    %sign3A_28 = arith.cmpi slt, %jit3A_14, %sign3A_27 : i32
    %sign3A_29 = arith.extui %sign3A_28 : i1 to i32
    %sign3A_30 = arith.subi %sign3A_26, %sign3A_29 : i32
    %ne3A = vector.broadcast %sign3A_30 : i32 to vector<16xi32>
    %ne3A_31 = arith.cmpi ne, %sign3A_23, %ne3A : vector<16xi32>
    %rem3A = vector.broadcast %jit3A_14 : i32 to vector<16xi32>
    %rem3A_32 = arith.remsi %add3A_13, %rem3A : vector<16xi32>
    %ne3A_33 = arith.constant 0 : i32
    %ne3A_34 = vector.broadcast %ne3A_33 : i32 to vector<16xi32>
    %ne3A_35 = arith.cmpi ne, %rem3A_32, %ne3A_34 : vector<16xi32>
    %and3A = arith.andi %ne3A_31, %ne3A_35 : vector<16xi1>
    %sub3A = arith.constant 1 : i32
    %sub3A_36 = vector.broadcast %sub3A : i32 to vector<16xi32>
    %sub3A_37 = arith.subi %div3A_15, %sub3A_36 : vector<16xi32>
    %select_n3A_38 = arith.select %and3A, %sub3A_37, %div3A_15 : vector<16xi1>, vector<16xi32>
    %add3A_39 = arith.constant 0 : i32
    %add3A_40 = vector.broadcast %add3A_39 : i32 to vector<16xi32>
    %add3A_41 = arith.addi %select_n3A_38, %add3A_40 : vector<16xi32>
    %add3A_42 = arith.constant 16 : i32
    %add3A_43 = vector.broadcast %add3A_42 : i32 to vector<16xi32>
    %add3A_44 = arith.addi %iota3A, %add3A_43 : vector<16xi32>
    %jit3A_45 = arith.constant 20 : i32
    %div3A_46 = vector.broadcast %jit3A_45 : i32 to vector<16xi32>
    %div3A_47 = arith.divsi %add3A_44, %div3A_46 : vector<16xi32>
    %sign3A_48 = arith.constant 0 : i32
    %sign3A_49 = vector.broadcast %sign3A_48 : i32 to vector<16xi32>
    %sign3A_50 = arith.cmpi sgt, %add3A_44, %sign3A_49 : vector<16xi32>
    %sign3A_51 = arith.extui %sign3A_50 : vector<16xi1> to vector<16xi32>
    %sign3A_52 = arith.constant 0 : i32
    %sign3A_53 = vector.broadcast %sign3A_52 : i32 to vector<16xi32>
    %sign3A_54 = arith.cmpi slt, %add3A_44, %sign3A_53 : vector<16xi32>
    %sign3A_55 = arith.extui %sign3A_54 : vector<16xi1> to vector<16xi32>
    %sign3A_56 = arith.subi %sign3A_51, %sign3A_55 : vector<16xi32>
    %sign3A_57 = arith.constant 0 : i32
    %sign3A_58 = arith.cmpi sgt, %jit3A_45, %sign3A_57 : i32
    %sign3A_59 = arith.extui %sign3A_58 : i1 to i32
    %sign3A_60 = arith.constant 0 : i32
    %sign3A_61 = arith.cmpi slt, %jit3A_45, %sign3A_60 : i32
    %sign3A_62 = arith.extui %sign3A_61 : i1 to i32
    %sign3A_63 = arith.subi %sign3A_59, %sign3A_62 : i32
    %ne3A_64 = vector.broadcast %sign3A_63 : i32 to vector<16xi32>
    %ne3A_65 = arith.cmpi ne, %sign3A_56, %ne3A_64 : vector<16xi32>
    %rem3A_66 = vector.broadcast %jit3A_45 : i32 to vector<16xi32>
    %rem3A_67 = arith.remsi %add3A_44, %rem3A_66 : vector<16xi32>
    %ne3A_68 = arith.constant 0 : i32
    %ne3A_69 = vector.broadcast %ne3A_68 : i32 to vector<16xi32>
    %ne3A_70 = arith.cmpi ne, %rem3A_67, %ne3A_69 : vector<16xi32>
    %and3A_71 = arith.andi %ne3A_65, %ne3A_70 : vector<16xi1>
    %sub3A_72 = arith.constant 1 : i32
    %sub3A_73 = vector.broadcast %sub3A_72 : i32 to vector<16xi32>
    %sub3A_74 = arith.subi %div3A_47, %sub3A_73 : vector<16xi32>
    %select_n3A_75 = arith.select %and3A_71, %sub3A_74, %div3A_47 : vector<16xi1>, vector<16xi32>
    %add3A_76 = arith.constant 0 : i32
    %add3A_77 = vector.broadcast %add3A_76 : i32 to vector<16xi32>
    %add3A_78 = arith.addi %select_n3A_75, %add3A_77 : vector<16xi32>
    %add3A_79 = arith.constant 32 : i32
    %add3A_80 = vector.broadcast %add3A_79 : i32 to vector<16xi32>
    %add3A_81 = arith.addi %iota3A, %add3A_80 : vector<16xi32>
    %jit3A_82 = arith.constant 20 : i32
    %div3A_83 = vector.broadcast %jit3A_82 : i32 to vector<16xi32>
    %div3A_84 = arith.divsi %add3A_81, %div3A_83 : vector<16xi32>
    %sign3A_85 = arith.constant 0 : i32
    %sign3A_86 = vector.broadcast %sign3A_85 : i32 to vector<16xi32>
    %sign3A_87 = arith.cmpi sgt, %add3A_81, %sign3A_86 : vector<16xi32>
    %sign3A_88 = arith.extui %sign3A_87 : vector<16xi1> to vector<16xi32>
    %sign3A_89 = arith.constant 0 : i32
    %sign3A_90 = vector.broadcast %sign3A_89 : i32 to vector<16xi32>
    %sign3A_91 = arith.cmpi slt, %add3A_81, %sign3A_90 : vector<16xi32>
    %sign3A_92 = arith.extui %sign3A_91 : vector<16xi1> to vector<16xi32>
    %sign3A_93 = arith.subi %sign3A_88, %sign3A_92 : vector<16xi32>
    %sign3A_94 = arith.constant 0 : i32
    %sign3A_95 = arith.cmpi sgt, %jit3A_82, %sign3A_94 : i32
    %sign3A_96 = arith.extui %sign3A_95 : i1 to i32
    %sign3A_97 = arith.constant 0 : i32
    %sign3A_98 = arith.cmpi slt, %jit3A_82, %sign3A_97 : i32
    %sign3A_99 = arith.extui %sign3A_98 : i1 to i32
    %sign3A_100 = arith.subi %sign3A_96, %sign3A_99 : i32
    %ne3A_101 = vector.broadcast %sign3A_100 : i32 to vector<16xi32>
    %ne3A_102 = arith.cmpi ne, %sign3A_93, %ne3A_101 : vector<16xi32>
    %rem3A_103 = vector.broadcast %jit3A_82 : i32 to vector<16xi32>
    %rem3A_104 = arith.remsi %add3A_81, %rem3A_103 : vector<16xi32>
    %ne3A_105 = arith.constant 0 : i32
    %ne3A_106 = vector.broadcast %ne3A_105 : i32 to vector<16xi32>
    %ne3A_107 = arith.cmpi ne, %rem3A_104, %ne3A_106 : vector<16xi32>
    %and3A_108 = arith.andi %ne3A_102, %ne3A_107 : vector<16xi1>
    %sub3A_109 = arith.constant 1 : i32
    %sub3A_110 = vector.broadcast %sub3A_109 : i32 to vector<16xi32>
    %sub3A_111 = arith.subi %div3A_84, %sub3A_110 : vector<16xi32>
    %select_n3A_112 = arith.select %and3A_108, %sub3A_111, %div3A_84 : vector<16xi1>, vector<16xi32>
    %add3A_113 = arith.constant 0 : i32
    %add3A_114 = vector.broadcast %add3A_113 : i32 to vector<16xi32>
    %add3A_115 = arith.addi %select_n3A_112, %add3A_114 : vector<16xi32>
    %add3A_116 = arith.constant 48 : i32
    %add3A_117 = vector.broadcast %add3A_116 : i32 to vector<16xi32>
    %add3A_118 = arith.addi %iota3A, %add3A_117 : vector<16xi32>
    %jit3A_119 = arith.constant 20 : i32
    %div3A_120 = vector.broadcast %jit3A_119 : i32 to vector<16xi32>
    %div3A_121 = arith.divsi %add3A_118, %div3A_120 : vector<16xi32>
    %sign3A_122 = arith.constant 0 : i32
    %sign3A_123 = vector.broadcast %sign3A_122 : i32 to vector<16xi32>
    %sign3A_124 = arith.cmpi sgt, %add3A_118, %sign3A_123 : vector<16xi32>
    %sign3A_125 = arith.extui %sign3A_124 : vector<16xi1> to vector<16xi32>
    %sign3A_126 = arith.constant 0 : i32
    %sign3A_127 = vector.broadcast %sign3A_126 : i32 to vector<16xi32>
    %sign3A_128 = arith.cmpi slt, %add3A_118, %sign3A_127 : vector<16xi32>
    %sign3A_129 = arith.extui %sign3A_128 : vector<16xi1> to vector<16xi32>
    %sign3A_130 = arith.subi %sign3A_125, %sign3A_129 : vector<16xi32>
    %sign3A_131 = arith.constant 0 : i32
    %sign3A_132 = arith.cmpi sgt, %jit3A_119, %sign3A_131 : i32
    %sign3A_133 = arith.extui %sign3A_132 : i1 to i32
    %sign3A_134 = arith.constant 0 : i32
    %sign3A_135 = arith.cmpi slt, %jit3A_119, %sign3A_134 : i32
    %sign3A_136 = arith.extui %sign3A_135 : i1 to i32
    %sign3A_137 = arith.subi %sign3A_133, %sign3A_136 : i32
    %ne3A_138 = vector.broadcast %sign3A_137 : i32 to vector<16xi32>
    %ne3A_139 = arith.cmpi ne, %sign3A_130, %ne3A_138 : vector<16xi32>
    %rem3A_140 = vector.broadcast %jit3A_119 : i32 to vector<16xi32>
    %rem3A_141 = arith.remsi %add3A_118, %rem3A_140 : vector<16xi32>
    %ne3A_142 = arith.constant 0 : i32
    %ne3A_143 = vector.broadcast %ne3A_142 : i32 to vector<16xi32>
    %ne3A_144 = arith.cmpi ne, %rem3A_141, %ne3A_143 : vector<16xi32>
    %and3A_145 = arith.andi %ne3A_139, %ne3A_144 : vector<16xi1>
    %sub3A_146 = arith.constant 1 : i32
    %sub3A_147 = vector.broadcast %sub3A_146 : i32 to vector<16xi32>
    %sub3A_148 = arith.subi %div3A_121, %sub3A_147 : vector<16xi32>
    %select_n3A_149 = arith.select %and3A_145, %sub3A_148, %div3A_121 : vector<16xi1>, vector<16xi32>
    %add3A_150 = arith.constant 0 : i32
    %add3A_151 = vector.broadcast %add3A_150 : i32 to vector<16xi32>
    %add3A_152 = arith.addi %select_n3A_149, %add3A_151 : vector<16xi32>
    %add3A_153 = arith.constant 64 : i32
    %add3A_154 = vector.broadcast %add3A_153 : i32 to vector<16xi32>
    %add3A_155 = arith.addi %iota3A, %add3A_154 : vector<16xi32>
    %jit3A_156 = arith.constant 20 : i32
    %div3A_157 = vector.broadcast %jit3A_156 : i32 to vector<16xi32>
    %div3A_158 = arith.divsi %add3A_155, %div3A_157 : vector<16xi32>
    %sign3A_159 = arith.constant 0 : i32
    %sign3A_160 = vector.broadcast %sign3A_159 : i32 to vector<16xi32>
    %sign3A_161 = arith.cmpi sgt, %add3A_155, %sign3A_160 : vector<16xi32>
    %sign3A_162 = arith.extui %sign3A_161 : vector<16xi1> to vector<16xi32>
    %sign3A_163 = arith.constant 0 : i32
    %sign3A_164 = vector.broadcast %sign3A_163 : i32 to vector<16xi32>
    %sign3A_165 = arith.cmpi slt, %add3A_155, %sign3A_164 : vector<16xi32>
    %sign3A_166 = arith.extui %sign3A_165 : vector<16xi1> to vector<16xi32>
    %sign3A_167 = arith.subi %sign3A_162, %sign3A_166 : vector<16xi32>
    %sign3A_168 = arith.constant 0 : i32
    %sign3A_169 = arith.cmpi sgt, %jit3A_156, %sign3A_168 : i32
    %sign3A_170 = arith.extui %sign3A_169 : i1 to i32
    %sign3A_171 = arith.constant 0 : i32
    %sign3A_172 = arith.cmpi slt, %jit3A_156, %sign3A_171 : i32
    %sign3A_173 = arith.extui %sign3A_172 : i1 to i32
    %sign3A_174 = arith.subi %sign3A_170, %sign3A_173 : i32
    %ne3A_175 = vector.broadcast %sign3A_174 : i32 to vector<16xi32>
    %ne3A_176 = arith.cmpi ne, %sign3A_167, %ne3A_175 : vector<16xi32>
    %rem3A_177 = vector.broadcast %jit3A_156 : i32 to vector<16xi32>
    %rem3A_178 = arith.remsi %add3A_155, %rem3A_177 : vector<16xi32>
    %ne3A_179 = arith.constant 0 : i32
    %ne3A_180 = vector.broadcast %ne3A_179 : i32 to vector<16xi32>
    %ne3A_181 = arith.cmpi ne, %rem3A_178, %ne3A_180 : vector<16xi32>
    %and3A_182 = arith.andi %ne3A_176, %ne3A_181 : vector<16xi1>
    %sub3A_183 = arith.constant 1 : i32
    %sub3A_184 = vector.broadcast %sub3A_183 : i32 to vector<16xi32>
    %sub3A_185 = arith.subi %div3A_158, %sub3A_184 : vector<16xi32>
    %select_n3A_186 = arith.select %and3A_182, %sub3A_185, %div3A_158 : vector<16xi1>, vector<16xi32>
    %add3A_187 = arith.constant 0 : i32
    %add3A_188 = vector.broadcast %add3A_187 : i32 to vector<16xi32>
    %add3A_189 = arith.addi %select_n3A_186, %add3A_188 : vector<16xi32>
    %scan3A = arith.constant 0 : i32
    %scan3A_190 = arith.constant 128 : i32
    %scan3A_191 = arith.addi %scan3A, %scan3A_190 : i32
    %scan3A_192 = arith.constant 1 : i32
    scf.for %scan3A_575 = %scan3A to %scan3A_191 step %scan3A_192  : i32 {
      %mul3A_576 = arith.constant 1 : i32
      %mul3A_577 = arith.muli %scan3A_575, %mul3A_576 : i32
      %add3A_578 = arith.constant 0 : i32
      %add3A_579 = arith.addi %add3A_578, %mul3A_577 : i32
      %swap3A = arith.index_cast %add3A_579 : i32 to index
      %swap3A_580 = arith.constant 0 : index
      %swap3A_581 = tpu.vector_load %arg15[%swap3A, %swap3A_580] {strides = array<i32>} : memref<128x96xf32, #tpu.memory_space<vmem>>, vector<16xf32>,
      tpu.vector_store %arg15[%swap3A, %swap3A_580], %broadcast_in_dim3A_6 {strides = array<i32>} : memref<128x96xf32, #tpu.memory_space<vmem>>, vector<16xf32>,
      %swap3A_582 = arith.index_cast %add3A_579 : i32 to index
      %swap3A_583 = arith.constant 16 : index
      %swap3A_584 = tpu.vector_load %arg15[%swap3A_582, %swap3A_583] {strides = array<i32>} : memref<128x96xf32, #tpu.memory_space<vmem>>, vector<16xf32>,
      tpu.vector_store %arg15[%swap3A_582, %swap3A_583], %broadcast_in_dim3A_6 {strides = array<i32>} : memref<128x96xf32, #tpu.memory_space<vmem>>, vector<16xf32>,
      %swap3A_585 = arith.index_cast %add3A_579 : i32 to index
      %swap3A_586 = arith.constant 32 : index
      %swap3A_587 = tpu.vector_load %arg15[%swap3A_585, %swap3A_586] {strides = array<i32>} : memref<128x96xf32, #tpu.memory_space<vmem>>, vector<16xf32>,
      tpu.vector_store %arg15[%swap3A_585, %swap3A_586], %broadcast_in_dim3A_6 {strides = array<i32>} : memref<128x96xf32, #tpu.memory_space<vmem>>, vector<16xf32>,
      %swap3A_588 = arith.index_cast %add3A_579 : i32 to index
      %swap3A_589 = arith.constant 48 : index
      %swap3A_590 = tpu.vector_load %arg15[%swap3A_588, %swap3A_589] {strides = array<i32>} : memref<128x96xf32, #tpu.memory_space<vmem>>, vector<16xf32>,
      tpu.vector_store %arg15[%swap3A_588, %swap3A_589], %broadcast_in_dim3A_6 {strides = array<i32>} : memref<128x96xf32, #tpu.memory_space<vmem>>, vector<16xf32>,
      %swap3A_591 = arith.index_cast %add3A_579 : i32 to index
      %swap3A_592 = arith.constant 64 : index
      %swap3A_593 = tpu.vector_load %arg15[%swap3A_591, %swap3A_592] {strides = array<i32>} : memref<128x96xf32, #tpu.memory_space<vmem>>, vector<16xf32>,
      tpu.vector_store %arg15[%swap3A_591, %swap3A_592], %broadcast_in_dim3A_6 {strides = array<i32>} : memref<128x96xf32, #tpu.memory_space<vmem>>, vector<16xf32>,
      %swap3A_594 = arith.index_cast %add3A_579 : i32 to index
      %swap3A_595 = arith.constant 80 : index
      %swap3A_596 = tpu.vector_load %arg15[%swap3A_594, %swap3A_595] {strides = array<i32>} : memref<128x96xf32, #tpu.memory_space<vmem>>, vector<16xf32>,
      tpu.vector_store %arg15[%swap3A_594, %swap3A_595], %broadcast_in_dim3A_6 {strides = array<i32>} : memref<128x96xf32, #tpu.memory_space<vmem>>, vector<16xf32>,
    }
    %scan3A_193 = arith.constant 128 : i32
    %add3A_194 = arith.constant 0 : i32
    %add3A_195 = arith.addi %mul3A_8, %add3A_194 : i32
    "tpu.region"() ({
      %run_scoped3A = tpu.sem_alloc : memref<!tpu.dma_semaphore, #tpu.memory_space<semaphore_mem>>
      %dma_start3A_575 = arith.constant 0 : i32
      %dma_start3A_576 = tpu.memref_slice %arg25[%add3A_195, %dma_start3A_575] : memref<10240x96xf32, #tpu.memory_space<vmem_shared>> -> memref<128x96xf32, #tpu.memory_space<vmem_shared>>
      %dma_start3A_577 = arith.constant 0 : i32
      %dma_start3A_578 = tpu.memref_slice %arg25[%add3A_195, %dma_start3A_577] : memref<10240x96xf32, #tpu.memory_space<vmem_shared>> -> memref<128x96xf32, #tpu.memory_space<vmem_shared>>
      tpu.enqueue_dma source(%arg15 : memref<128x96xf32, #tpu.memory_space<vmem>>) target(%dma_start3A_578 : memref<128x96xf32, #tpu.memory_space<vmem_shared>>) target_semaphore(%run_scoped3A : memref<!tpu.dma_semaphore, #tpu.memory_space<semaphore_mem>>)
      %dma_wait3A_579 = arith.constant 0 : i32
      %dma_wait3A_580 = tpu.memref_slice %arg25[%add3A_195, %dma_wait3A_579] : memref<10240x96xf32, #tpu.memory_space<vmem_shared>> -> memref<128x96xf32, #tpu.memory_space<vmem_shared>>
      %dma_wait3A_581 = arith.constant 0 : i32
      %dma_wait3A_582 = tpu.memref_slice %arg25[%add3A_195, %dma_wait3A_581] : memref<10240x96xf32, #tpu.memory_space<vmem_shared>> -> memref<128x96xf32, #tpu.memory_space<vmem_shared>>
      tpu.wait_dma2 semaphore(%run_scoped3A : memref<!tpu.dma_semaphore, #tpu.memory_space<semaphore_mem>>) src(%arg15 : memref<128x96xf32, #tpu.memory_space<vmem>>) dst(%dma_wait3A_582 : memref<128x96xf32, #tpu.memory_space<vmem_shared>>)
      tpu.yield
    }) : () -> ()
    %add3A_196 = arith.constant 128 : i32
    %add3A_197 = arith.addi %mul3A_8, %add3A_196 : i32
    "tpu.region"() ({
      %run_scoped3A = tpu.sem_alloc : memref<!tpu.dma_semaphore, #tpu.memory_space<semaphore_mem>>
      %dma_start3A_575 = arith.constant 0 : i32
      %dma_start3A_576 = tpu.memref_slice %arg25[%add3A_197, %dma_start3A_575] : memref<10240x96xf32, #tpu.memory_space<vmem_shared>> -> memref<128x96xf32, #tpu.memory_space<vmem_shared>>
      %dma_start3A_577 = arith.constant 0 : i32
      %dma_start3A_578 = tpu.memref_slice %arg25[%add3A_197, %dma_start3A_577] : memref<10240x96xf32, #tpu.memory_space<vmem_shared>> -> memref<128x96xf32, #tpu.memory_space<vmem_shared>>
      tpu.enqueue_dma source(%arg15 : memref<128x96xf32, #tpu.memory_space<vmem>>) target(%dma_start3A_578 : memref<128x96xf32, #tpu.memory_space<vmem_shared>>) target_semaphore(%run_scoped3A : memref<!tpu.dma_semaphore, #tpu.memory_space<semaphore_mem>>)
      %dma_wait3A_579 = arith.constant 0 : i32
      %dma_wait3A_580 = tpu.memref_slice %arg25[%add3A_197, %dma_wait3A_579] : memref<10240x96xf32, #tpu.memory_space<vmem_shared>> -> memref<128x96xf32, #tpu.memory_space<vmem_shared>>
      %dma_wait3A_581 = arith.constant 0 : i32
      %dma_wait3A_582 = tpu.memref_slice %arg25[%add3A_197, %dma_wait3A_581] : memref<10240x96xf32, #tpu.memory_space<vmem_shared>> -> memref<128x96xf32, #tpu.memory_space<vmem_shared>>
      tpu.wait_dma2 semaphore(%run_scoped3A : memref<!tpu.dma_semaphore, #tpu.memory_space<semaphore_mem>>) src(%arg15 : memref<128x96xf32, #tpu.memory_space<vmem>>) dst(%dma_wait3A_582 : memref<128x96xf32, #tpu.memory_space<vmem_shared>>)
      tpu.yield
    }) : () -> ()
    %add3A_198 = arith.constant 256 : i32
    %add3A_199 = arith.addi %mul3A_8, %add3A_198 : i32
    "tpu.region"() ({
      %run_scoped3A = tpu.sem_alloc : memref<!tpu.dma_semaphore, #tpu.memory_space<semaphore_mem>>
      %dma_start3A_575 = arith.constant 0 : i32
      %dma_start3A_576 = tpu.memref_slice %arg25[%add3A_199, %dma_start3A_575] : memref<10240x96xf32, #tpu.memory_space<vmem_shared>> -> memref<128x96xf32, #tpu.memory_space<vmem_shared>>
      %dma_start3A_577 = arith.constant 0 : i32
      %dma_start3A_578 = tpu.memref_slice %arg25[%add3A_199, %dma_start3A_577] : memref<10240x96xf32, #tpu.memory_space<vmem_shared>> -> memref<128x96xf32, #tpu.memory_space<vmem_shared>>
      tpu.enqueue_dma source(%arg15 : memref<128x96xf32, #tpu.memory_space<vmem>>) target(%dma_start3A_578 : memref<128x96xf32, #tpu.memory_space<vmem_shared>>) target_semaphore(%run_scoped3A : memref<!tpu.dma_semaphore, #tpu.memory_space<semaphore_mem>>)
      %dma_wait3A_579 = arith.constant 0 : i32
      %dma_wait3A_580 = tpu.memref_slice %arg25[%add3A_199, %dma_wait3A_579] : memref<10240x96xf32, #tpu.memory_space<vmem_shared>> -> memref<128x96xf32, #tpu.memory_space<vmem_shared>>
      %dma_wait3A_581 = arith.constant 0 : i32
      %dma_wait3A_582 = tpu.memref_slice %arg25[%add3A_199, %dma_wait3A_581] : memref<10240x96xf32, #tpu.memory_space<vmem_shared>> -> memref<128x96xf32, #tpu.memory_space<vmem_shared>>
      tpu.wait_dma2 semaphore(%run_scoped3A : memref<!tpu.dma_semaphore, #tpu.memory_space<semaphore_mem>>) src(%arg15 : memref<128x96xf32, #tpu.memory_space<vmem>>) dst(%dma_wait3A_582 : memref<128x96xf32, #tpu.memory_space<vmem_shared>>)
      tpu.yield
    }) : () -> ()
    %add3A_200 = arith.constant 384 : i32
    %add3A_201 = arith.addi %mul3A_8, %add3A_200 : i32
    "tpu.region"() ({
      %run_scoped3A = tpu.sem_alloc : memref<!tpu.dma_semaphore, #tpu.memory_space<semaphore_mem>>
      %dma_start3A_575 = arith.constant 0 : i32
      %dma_start3A_576 = tpu.memref_slice %arg25[%add3A_201, %dma_start3A_575] : memref<10240x96xf32, #tpu.memory_space<vmem_shared>> -> memref<128x96xf32, #tpu.memory_space<vmem_shared>>
      %dma_start3A_577 = arith.constant 0 : i32
      %dma_start3A_578 = tpu.memref_slice %arg25[%add3A_201, %dma_start3A_577] : memref<10240x96xf32, #tpu.memory_space<vmem_shared>> -> memref<128x96xf32, #tpu.memory_space<vmem_shared>>
      tpu.enqueue_dma source(%arg15 : memref<128x96xf32, #tpu.memory_space<vmem>>) target(%dma_start3A_578 : memref<128x96xf32, #tpu.memory_space<vmem_shared>>) target_semaphore(%run_scoped3A : memref<!tpu.dma_semaphore, #tpu.memory_space<semaphore_mem>>)
      %dma_wait3A_579 = arith.constant 0 : i32
      %dma_wait3A_580 = tpu.memref_slice %arg25[%add3A_201, %dma_wait3A_579] : memref<10240x96xf32, #tpu.memory_space<vmem_shared>> -> memref<128x96xf32, #tpu.memory_space<vmem_shared>>
      %dma_wait3A_581 = arith.constant 0 : i32
      %dma_wait3A_582 = tpu.memref_slice %arg25[%add3A_201, %dma_wait3A_581] : memref<10240x96xf32, #tpu.memory_space<vmem_shared>> -> memref<128x96xf32, #tpu.memory_space<vmem_shared>>
      tpu.wait_dma2 semaphore(%run_scoped3A : memref<!tpu.dma_semaphore, #tpu.memory_space<semaphore_mem>>) src(%arg15 : memref<128x96xf32, #tpu.memory_space<vmem>>) dst(%dma_wait3A_582 : memref<128x96xf32, #tpu.memory_space<vmem_shared>>)
      tpu.yield
    }) : () -> ()
    %add3A_202 = arith.constant 512 : i32
    %add3A_203 = arith.addi %mul3A_8, %add3A_202 : i32
    "tpu.region"() ({
      %run_scoped3A = tpu.sem_alloc : memref<!tpu.dma_semaphore, #tpu.memory_space<semaphore_mem>>
      %dma_start3A_575 = arith.constant 0 : i32
      %dma_start3A_576 = tpu.memref_slice %arg25[%add3A_203, %dma_start3A_575] : memref<10240x96xf32, #tpu.memory_space<vmem_shared>> -> memref<128x96xf32, #tpu.memory_space<vmem_shared>>
      %dma_start3A_577 = arith.constant 0 : i32
      %dma_start3A_578 = tpu.memref_slice %arg25[%add3A_203, %dma_start3A_577] : memref<10240x96xf32, #tpu.memory_space<vmem_shared>> -> memref<128x96xf32, #tpu.memory_space<vmem_shared>>
      tpu.enqueue_dma source(%arg15 : memref<128x96xf32, #tpu.memory_space<vmem>>) target(%dma_start3A_578 : memref<128x96xf32, #tpu.memory_space<vmem_shared>>) target_semaphore(%run_scoped3A : memref<!tpu.dma_semaphore, #tpu.memory_space<semaphore_mem>>)
      %dma_wait3A_579 = arith.constant 0 : i32
      %dma_wait3A_580 = tpu.memref_slice %arg25[%add3A_203, %dma_wait3A_579] : memref<10240x96xf32, #tpu.memory_space<vmem_shared>> -> memref<128x96xf32, #tpu.memory_space<vmem_shared>>
      %dma_wait3A_581 = arith.constant 0 : i32
      %dma_wait3A_582 = tpu.memref_slice %arg25[%add3A_203, %dma_wait3A_581] : memref<10240x96xf32, #tpu.memory_space<vmem_shared>> -> memref<128x96xf32, #tpu.memory_space<vmem_shared>>
      tpu.wait_dma2 semaphore(%run_scoped3A : memref<!tpu.dma_semaphore, #tpu.memory_space<semaphore_mem>>) src(%arg15 : memref<128x96xf32, #tpu.memory_space<vmem>>) dst(%dma_wait3A_582 : memref<128x96xf32, #tpu.memory_space<vmem_shared>>)
      tpu.yield
    }) : () -> ()
    %barrier3A = arith.constant 0 : index
    tpu.barrier barrier_id(%barrier3A)
    %add3A_204 = arith.constant 0 : i32
    %add3A_205 = arith.addi %mul3A_10, %add3A_204 : i32
    %dma_start3A = tpu.memref_slice %arg2[%add3A_205] : memref<336128xi32, #tpu.memory_space<hbm>> -> memref<128xi32, #tpu.memory_space<hbm>>
    %dma_start3A_206 = tpu.memref_slice %arg2[%add3A_205] : memref<336128xi32, #tpu.memory_space<hbm>> -> memref<128xi32, #tpu.memory_space<hbm>>
    tpu.enqueue_dma source(%dma_start3A_206 : memref<128xi32, #tpu.memory_space<hbm>>) target(%arg9 : memref<128xi32, #tpu.memory_space<vmem>>) target_semaphore(%arg26 : memref<!tpu.dma_semaphore, #tpu.memory_space<semaphore_mem>>)
    %dma_start3A_207 = tpu.memref_slice %arg3[%add3A_205] : memref<336128xi32, #tpu.memory_space<hbm>> -> memref<128xi32, #tpu.memory_space<hbm>>
    %dma_start3A_208 = tpu.memref_slice %arg3[%add3A_205] : memref<336128xi32, #tpu.memory_space<hbm>> -> memref<128xi32, #tpu.memory_space<hbm>>
    tpu.enqueue_dma source(%dma_start3A_208 : memref<128xi32, #tpu.memory_space<hbm>>) target(%arg10 : memref<128xi32, #tpu.memory_space<vmem>>) target_semaphore(%arg26 : memref<!tpu.dma_semaphore, #tpu.memory_space<semaphore_mem>>)
    %add3A_209 = arith.constant 128 : i32
    %add3A_210 = arith.addi %mul3A_10, %add3A_209 : i32
    %dma_start3A_211 = tpu.memref_slice %arg2[%add3A_210] : memref<336128xi32, #tpu.memory_space<hbm>> -> memref<128xi32, #tpu.memory_space<hbm>>
    %dma_start3A_212 = tpu.memref_slice %arg2[%add3A_210] : memref<336128xi32, #tpu.memory_space<hbm>> -> memref<128xi32, #tpu.memory_space<hbm>>
    tpu.enqueue_dma source(%dma_start3A_212 : memref<128xi32, #tpu.memory_space<hbm>>) target(%arg17 : memref<128xi32, #tpu.memory_space<vmem>>) target_semaphore(%arg29 : memref<!tpu.dma_semaphore, #tpu.memory_space<semaphore_mem>>)
    %dma_start3A_213 = tpu.memref_slice %arg3[%add3A_210] : memref<336128xi32, #tpu.memory_space<hbm>> -> memref<128xi32, #tpu.memory_space<hbm>>
    %dma_start3A_214 = tpu.memref_slice %arg3[%add3A_210] : memref<336128xi32, #tpu.memory_space<hbm>> -> memref<128xi32, #tpu.memory_space<hbm>>
    tpu.enqueue_dma source(%dma_start3A_214 : memref<128xi32, #tpu.memory_space<hbm>>) target(%arg18 : memref<128xi32, #tpu.memory_space<vmem>>) target_semaphore(%arg29 : memref<!tpu.dma_semaphore, #tpu.memory_space<semaphore_mem>>)
    %dma_wait3A = arith.constant 0 : i32
    %dma_wait3A_215 = tpu.memref_slice %arg2[%dma_wait3A] : memref<336128xi32, #tpu.memory_space<hbm>> -> memref<128xi32, #tpu.memory_space<hbm>>
    %dma_wait3A_216 = arith.constant 0 : i32
    %dma_wait3A_217 = tpu.memref_slice %arg2[%dma_wait3A_216] : memref<336128xi32, #tpu.memory_space<hbm>> -> memref<128xi32, #tpu.memory_space<hbm>>
    tpu.wait_dma2 semaphore(%arg26 : memref<!tpu.dma_semaphore, #tpu.memory_space<semaphore_mem>>) src(%dma_wait3A_217 : memref<128xi32, #tpu.memory_space<hbm>>) dst(%arg9 : memref<128xi32, #tpu.memory_space<vmem>>)
    %dma_wait3A_218 = arith.constant 0 : i32
    %dma_wait3A_219 = tpu.memref_slice %arg3[%dma_wait3A_218] : memref<336128xi32, #tpu.memory_space<hbm>> -> memref<128xi32, #tpu.memory_space<hbm>>
    %dma_wait3A_220 = arith.constant 0 : i32
    %dma_wait3A_221 = tpu.memref_slice %arg3[%dma_wait3A_220] : memref<336128xi32, #tpu.memory_space<hbm>> -> memref<128xi32, #tpu.memory_space<hbm>>
    tpu.wait_dma2 semaphore(%arg26 : memref<!tpu.dma_semaphore, #tpu.memory_space<semaphore_mem>>) src(%dma_wait3A_221 : memref<128xi32, #tpu.memory_space<hbm>>) dst(%arg10 : memref<128xi32, #tpu.memory_space<vmem>>)
    %dma_start3A_222 = arith.constant 0 : i32
    %dma_start3A_223 = arith.constant 0 : i32
    %dma_start3A_224 = tpu.memref_slice %arg4[%dma_start3A_222, %dma_start3A_223] : memref<10240x16xf32, #tpu.memory_space<hbm>> -> memref<10240x16xf32, #tpu.memory_space<hbm>>
    tpu.enqueue_indirect_dma source(%dma_start3A_224 : memref<10240x16xf32, #tpu.memory_space<hbm>>) target(%arg12 : memref<128x16xf32, #tpu.memory_space<vmem>>) offsets(%arg9 : memref<128xi32, #tpu.memory_space<vmem>>) semaphore(%arg27 : memref<!tpu.dma_semaphore, #tpu.memory_space<semaphore_mem>>)
    %dma_start3A_225 = arith.constant 0 : i32
    %dma_start3A_226 = arith.constant 0 : i32
    %dma_start3A_227 = tpu.memref_slice %arg5[%dma_start3A_225, %dma_start3A_226] : memref<10240x16xf32, #tpu.memory_space<hbm>> -> memref<10240x16xf32, #tpu.memory_space<hbm>>
    tpu.enqueue_indirect_dma source(%dma_start3A_227 : memref<10240x16xf32, #tpu.memory_space<hbm>>) target(%arg13 : memref<128x16xf32, #tpu.memory_space<vmem>>) offsets(%arg10 : memref<128xi32, #tpu.memory_space<vmem>>) semaphore(%arg27 : memref<!tpu.dma_semaphore, #tpu.memory_space<semaphore_mem>>)
    %dma_start3A_228 = arith.constant 0 : i32
    %dma_start3A_229 = arith.constant 0 : i32
    %dma_start3A_230 = tpu.memref_slice %arg6[%dma_start3A_228, %dma_start3A_229] : memref<10240x96xbf16, #tpu.memory_space<hbm>> -> memref<10240x96xbf16, #tpu.memory_space<hbm>>
    tpu.enqueue_indirect_dma source(%dma_start3A_230 : memref<10240x96xbf16, #tpu.memory_space<hbm>>) target(%arg14 : memref<128x96xbf16, #tpu.memory_space<vmem>>) offsets(%arg9 : memref<128xi32, #tpu.memory_space<vmem>>) semaphore(%arg27 : memref<!tpu.dma_semaphore, #tpu.memory_space<semaphore_mem>>)
    %scan3A_231 = arith.constant 0 : i32
    %scan3A_232 = arith.constant 41 : i32
    %scan3A_233 = arith.addi %scan3A_231, %scan3A_232 : i32
    %scan3A_234 = arith.constant 1 : i32
    scf.for %scan3A_575 = %scan3A_231 to %scan3A_233 step %scan3A_234  : i32 {
      %mul3A_576 = arith.constant 1 : i32
      %mul3A_577 = arith.muli %scan3A_575, %mul3A_576 : i32
      %add3A_578 = arith.constant 0 : i32
      %add3A_579 = arith.addi %add3A_578, %mul3A_577 : i32
      %mul3A_580 = arith.constant 2 : i32
      %mul3A_581 = arith.muli %add3A_579, %mul3A_580 : i32
      %gt3A = arith.constant 0 : i32
      %gt3A_582 = arith.cmpi sgt, %add3A_579, %gt3A : i32
      %convert_element_type3A = arith.extui %gt3A_582 : i1 to i32
      %cond3A = arith.constant 0 : i32
      %cond3A_583 = arith.cmpi ne, %convert_element_type3A, %cond3A : i32
      scf.if %cond3A_583 {
        %dma_wait3A_688 = arith.constant 0 : i32
        %dma_wait3A_689 = arith.constant 0 : i32
        %dma_wait3A_690 = tpu.memref_slice %arg25[%dma_wait3A_688, %dma_wait3A_689] : memref<10240x96xf32, #tpu.memory_space<vmem_shared>> -> memref<10240x96xf32, #tpu.memory_space<vmem_shared>>
        tpu.wait_indirect_dma semaphore(%arg28 : memref<!tpu.dma_semaphore, #tpu.memory_space<semaphore_mem>>) src(%arg15 : memref<128x96xf32, #tpu.memory_space<vmem>>) dst(%dma_wait3A_690 : memref<10240x96xf32, #tpu.memory_space<vmem_shared>>)
      } else {
      }
      %dma_wait3A_584 = arith.constant 0 : i32
      %dma_wait3A_585 = arith.constant 0 : i32
      %dma_wait3A_586 = tpu.memref_slice %arg4[%dma_wait3A_584, %dma_wait3A_585] : memref<10240x16xf32, #tpu.memory_space<hbm>> -> memref<10240x16xf32, #tpu.memory_space<hbm>>
      tpu.wait_indirect_dma semaphore(%arg27 : memref<!tpu.dma_semaphore, #tpu.memory_space<semaphore_mem>>) src(%dma_wait3A_586 : memref<10240x16xf32, #tpu.memory_space<hbm>>) dst(%arg12 : memref<128x16xf32, #tpu.memory_space<vmem>>)
      %dma_wait3A_587 = arith.constant 0 : i32
      %dma_wait3A_588 = arith.constant 0 : i32
      %dma_wait3A_589 = tpu.memref_slice %arg5[%dma_wait3A_587, %dma_wait3A_588] : memref<10240x16xf32, #tpu.memory_space<hbm>> -> memref<10240x16xf32, #tpu.memory_space<hbm>>
      tpu.wait_indirect_dma semaphore(%arg27 : memref<!tpu.dma_semaphore, #tpu.memory_space<semaphore_mem>>) src(%dma_wait3A_589 : memref<10240x16xf32, #tpu.memory_space<hbm>>) dst(%arg13 : memref<128x16xf32, #tpu.memory_space<vmem>>)
      %dma_wait3A_590 = arith.constant 0 : i32
      %dma_wait3A_591 = arith.constant 0 : i32
      %dma_wait3A_592 = tpu.memref_slice %arg6[%dma_wait3A_590, %dma_wait3A_591] : memref<10240x96xbf16, #tpu.memory_space<hbm>> -> memref<10240x96xbf16, #tpu.memory_space<hbm>>
      tpu.wait_indirect_dma semaphore(%arg27 : memref<!tpu.dma_semaphore, #tpu.memory_space<semaphore_mem>>) src(%dma_wait3A_592 : memref<10240x96xbf16, #tpu.memory_space<hbm>>) dst(%arg14 : memref<128x96xbf16, #tpu.memory_space<vmem>>)
      %parallel_loop3A = arith.constant 0 : i32
      %parallel_loop3A_593 = arith.constant 8 : i32
      %parallel_loop3A_594 = arith.constant 1 : i32
      scf.for %parallel_loop3A_688 = %parallel_loop3A to %parallel_loop3A_593 step %parallel_loop3A_594  : i32 {
        %parallel_loop3A_689 = arith.constant 16 : i32
        %parallel_loop3A_690 = arith.muli %parallel_loop3A_688, %parallel_loop3A_689 : i32
        %parallel_loop3A_691 = arith.index_cast %parallel_loop3A_690 : i32 to index
        %parallel_loop3A_692 = tpu.vector_load %arg10[%parallel_loop3A_691] {strides = array<i32>} : memref<128xi32, #tpu.memory_space<vmem>>, vector<16xi32>,
        %parallel_loop3A_693 = arith.constant 16 : i32
        %parallel_loop3A_694 = arith.muli %parallel_loop3A_688, %parallel_loop3A_693 : i32
        %parallel_loop3A_695 = arith.index_cast %parallel_loop3A_694 : i32 to index
        %parallel_loop3A_696 = tpu.vector_load %arg11[%parallel_loop3A_695] {strides = array<i32>} : memref<128xi32, #tpu.memory_space<vmem>>, vector<16xi32>,
        tpu.vector_store %arg11[%parallel_loop3A_695], %parallel_loop3A_692 {strides = array<i32>} : memref<128xi32, #tpu.memory_space<vmem>>, vector<16xi32>,
      } {sc.loop_unroll_factor = 1 : i64, sc.parallel_access}
      %add3A_595 = arith.constant 2 : i32
      %add3A_596 = arith.addi %mul3A_581, %add3A_595 : i32
      %mul3A_597 = arith.constant 128 : i32
      %mul3A_598 = arith.muli %add3A_596, %mul3A_597 : i32
      %add3A_599 = arith.addi %mul3A_10, %mul3A_598 : i32
      %dma_start3A_600 = tpu.memref_slice %arg2[%add3A_599] : memref<336128xi32, #tpu.memory_space<hbm>> -> memref<128xi32, #tpu.memory_space<hbm>>
      %dma_start3A_601 = tpu.memref_slice %arg2[%add3A_599] : memref<336128xi32, #tpu.memory_space<hbm>> -> memref<128xi32, #tpu.memory_space<hbm>>
      tpu.enqueue_dma source(%dma_start3A_601 : memref<128xi32, #tpu.memory_space<hbm>>) target(%arg9 : memref<128xi32, #tpu.memory_space<vmem>>) target_semaphore(%arg26 : memref<!tpu.dma_semaphore, #tpu.memory_space<semaphore_mem>>)
      %dma_start3A_602 = tpu.memref_slice %arg3[%add3A_599] : memref<336128xi32, #tpu.memory_space<hbm>> -> memref<128xi32, #tpu.memory_space<hbm>>
      %dma_start3A_603 = tpu.memref_slice %arg3[%add3A_599] : memref<336128xi32, #tpu.memory_space<hbm>> -> memref<128xi32, #tpu.memory_space<hbm>>
      tpu.enqueue_dma source(%dma_start3A_603 : memref<128xi32, #tpu.memory_space<hbm>>) target(%arg10 : memref<128xi32, #tpu.memory_space<vmem>>) target_semaphore(%arg26 : memref<!tpu.dma_semaphore, #tpu.memory_space<semaphore_mem>>)
      %dma_wait3A_604 = arith.constant 0 : i32
      %dma_wait3A_605 = tpu.memref_slice %arg2[%dma_wait3A_604] : memref<336128xi32, #tpu.memory_space<hbm>> -> memref<128xi32, #tpu.memory_space<hbm>>
      %dma_wait3A_606 = arith.constant 0 : i32
      %dma_wait3A_607 = tpu.memref_slice %arg2[%dma_wait3A_606] : memref<336128xi32, #tpu.memory_space<hbm>> -> memref<128xi32, #tpu.memory_space<hbm>>
      tpu.wait_dma2 semaphore(%arg29 : memref<!tpu.dma_semaphore, #tpu.memory_space<semaphore_mem>>) src(%dma_wait3A_607 : memref<128xi32, #tpu.memory_space<hbm>>) dst(%arg17 : memref<128xi32, #tpu.memory_space<vmem>>)
      %dma_wait3A_608 = arith.constant 0 : i32
      %dma_wait3A_609 = tpu.memref_slice %arg3[%dma_wait3A_608] : memref<336128xi32, #tpu.memory_space<hbm>> -> memref<128xi32, #tpu.memory_space<hbm>>
      %dma_wait3A_610 = arith.constant 0 : i32
      %dma_wait3A_611 = tpu.memref_slice %arg3[%dma_wait3A_610] : memref<336128xi32, #tpu.memory_space<hbm>> -> memref<128xi32, #tpu.memory_space<hbm>>
      tpu.wait_dma2 semaphore(%arg29 : memref<!tpu.dma_semaphore, #tpu.memory_space<semaphore_mem>>) src(%dma_wait3A_611 : memref<128xi32, #tpu.memory_space<hbm>>) dst(%arg18 : memref<128xi32, #tpu.memory_space<vmem>>)
      %add3A_612 = arith.constant 1 : i32
      %add3A_613 = arith.addi %mul3A_581, %add3A_612 : i32
      %dma_start3A_614 = arith.constant 0 : i32
      %dma_start3A_615 = arith.constant 0 : i32
      %dma_start3A_616 = tpu.memref_slice %arg4[%dma_start3A_614, %dma_start3A_615] : memref<10240x16xf32, #tpu.memory_space<hbm>> -> memref<10240x16xf32, #tpu.memory_space<hbm>>
      tpu.enqueue_indirect_dma source(%dma_start3A_616 : memref<10240x16xf32, #tpu.memory_space<hbm>>) target(%arg20 : memref<128x16xf32, #tpu.memory_space<vmem>>) offsets(%arg17 : memref<128xi32, #tpu.memory_space<vmem>>) semaphore(%arg30 : memref<!tpu.dma_semaphore, #tpu.memory_space<semaphore_mem>>)
      %dma_start3A_617 = arith.constant 0 : i32
      %dma_start3A_618 = arith.constant 0 : i32
      %dma_start3A_619 = tpu.memref_slice %arg5[%dma_start3A_617, %dma_start3A_618] : memref<10240x16xf32, #tpu.memory_space<hbm>> -> memref<10240x16xf32, #tpu.memory_space<hbm>>
      tpu.enqueue_indirect_dma source(%dma_start3A_619 : memref<10240x16xf32, #tpu.memory_space<hbm>>) target(%arg21 : memref<128x16xf32, #tpu.memory_space<vmem>>) offsets(%arg18 : memref<128xi32, #tpu.memory_space<vmem>>) semaphore(%arg30 : memref<!tpu.dma_semaphore, #tpu.memory_space<semaphore_mem>>)
      %dma_start3A_620 = arith.constant 0 : i32
      %dma_start3A_621 = arith.constant 0 : i32
      %dma_start3A_622 = tpu.memref_slice %arg6[%dma_start3A_620, %dma_start3A_621] : memref<10240x96xbf16, #tpu.memory_space<hbm>> -> memref<10240x96xbf16, #tpu.memory_space<hbm>>
      tpu.enqueue_indirect_dma source(%dma_start3A_622 : memref<10240x96xbf16, #tpu.memory_space<hbm>>) target(%arg22 : memref<128x96xbf16, #tpu.memory_space<vmem>>) offsets(%arg17 : memref<128xi32, #tpu.memory_space<vmem>>) semaphore(%arg30 : memref<!tpu.dma_semaphore, #tpu.memory_space<semaphore_mem>>)
      %parallel_loop3A_623 = arith.constant 0 : i32
      %parallel_loop3A_624 = arith.constant 128 : i32
      %parallel_loop3A_625 = arith.constant 1 : i32
      scf.for %parallel_loop3A_688 = %parallel_loop3A_623 to %parallel_loop3A_624 step %parallel_loop3A_625  : i32 {
        %parallel_loop3A_689 = arith.index_cast %parallel_loop3A_688 : i32 to index
        %parallel_loop3A_690 = arith.constant 0 : index
        %parallel_loop3A_691 = tpu.vector_load %arg12[%parallel_loop3A_689, %parallel_loop3A_690] {strides = array<i32>} : memref<128x16xf32, #tpu.memory_space<vmem>>, vector<16xf32>,
        %parallel_loop3A_692 = arith.index_cast %parallel_loop3A_688 : i32 to index
        %parallel_loop3A_693 = arith.constant 0 : index
        %parallel_loop3A_694 = tpu.vector_load %arg13[%parallel_loop3A_692, %parallel_loop3A_693] {strides = array<i32>} : memref<128x16xf32, #tpu.memory_space<vmem>>, vector<16xf32>,
        %parallel_loop3A_695 = arith.addf %parallel_loop3A_691, %parallel_loop3A_694 : vector<16xf32>
        %parallel_loop3A_696 = arith.constant 2.000000e-01 : f32
        %parallel_loop3A_697 = vector.broadcast %parallel_loop3A_696 : f32 to vector<16xf32>
        %parallel_loop3A_698 = arith.mulf %parallel_loop3A_697, %parallel_loop3A_695 : vector<16xf32>
        %parallel_loop3A_699 = arith.maximumf %parallel_loop3A_695, %parallel_loop3A_698 : vector<16xf32>
        %parallel_loop3A_700 = math.exp %parallel_loop3A_699 : vector<16xf32>
        %parallel_loop3A_701 = arith.constant 16 : i32
        %parallel_loop3A_702 = arith.muli %parallel_loop3A_688, %parallel_loop3A_701 : i32
        %parallel_loop3A_703 = arith.index_cast %parallel_loop3A_702 : i32 to index
        %parallel_loop3A_704 = tpu.vector_load %arg16[%parallel_loop3A_703] {strides = array<i32>} : memref<2048xf32, #tpu.memory_space<vmem>>, vector<16xf32>,
        tpu.vector_store %arg16[%parallel_loop3A_703], %parallel_loop3A_700 {strides = array<i32>} : memref<2048xf32, #tpu.memory_space<vmem>>, vector<16xf32>,
        %parallel_loop3A_705 = arith.mulf %parallel_loop3A_700, %select_n3A : vector<16xf32>
        %parallel_loop3A_706 = arith.index_cast %parallel_loop3A_688 : i32 to index
        %parallel_loop3A_707 = arith.constant 80 : index
        %parallel_loop3A_708 = tpu.vector_load %arg15[%parallel_loop3A_706, %parallel_loop3A_707] {strides = array<i32>} : memref<128x96xf32, #tpu.memory_space<vmem>>, vector<16xf32>,
        tpu.vector_store %arg15[%parallel_loop3A_706, %parallel_loop3A_707], %parallel_loop3A_705 {strides = array<i32>} : memref<128x96xf32, #tpu.memory_space<vmem>>, vector<16xf32>,
      } {sc.loop_unroll_factor = 4 : i64, sc.parallel_access}
      %parallel_loop3A_626 = arith.constant 0 : i32
      %parallel_loop3A_627 = arith.constant 128 : i32
      %parallel_loop3A_628 = arith.constant 1 : i32
      scf.for %parallel_loop3A_688 = %parallel_loop3A_626 to %parallel_loop3A_627 step %parallel_loop3A_628  : i32 {
        %parallel_loop3A_689 = arith.constant 16 : i32
        %parallel_loop3A_690 = arith.muli %parallel_loop3A_688, %parallel_loop3A_689 : i32
        %parallel_loop3A_691 = vector.broadcast %parallel_loop3A_690 : i32 to vector<16xi32>
        %parallel_loop3A_692 = arith.addi %parallel_loop3A_691, %add3A_41 : vector<16xi32>
        %parallel_loop3A_693 = tpu.vector_load_idx %arg16[%parallel_loop3A_692] : memref<2048xf32, #tpu.memory_space<vmem>>[vector<16xi32>], vector<16xf32>,
        %parallel_loop3A_694 = arith.constant 16 : i32
        %parallel_loop3A_695 = arith.muli %parallel_loop3A_688, %parallel_loop3A_694 : i32
        %parallel_loop3A_696 = vector.broadcast %parallel_loop3A_695 : i32 to vector<16xi32>
        %parallel_loop3A_697 = arith.addi %parallel_loop3A_696, %add3A_78 : vector<16xi32>
        %parallel_loop3A_698 = tpu.vector_load_idx %arg16[%parallel_loop3A_697] : memref<2048xf32, #tpu.memory_space<vmem>>[vector<16xi32>], vector<16xf32>,
        %parallel_loop3A_699 = arith.constant 16 : i32
        %parallel_loop3A_700 = arith.muli %parallel_loop3A_688, %parallel_loop3A_699 : i32
        %parallel_loop3A_701 = vector.broadcast %parallel_loop3A_700 : i32 to vector<16xi32>
        %parallel_loop3A_702 = arith.addi %parallel_loop3A_701, %add3A_115 : vector<16xi32>
        %parallel_loop3A_703 = tpu.vector_load_idx %arg16[%parallel_loop3A_702] : memref<2048xf32, #tpu.memory_space<vmem>>[vector<16xi32>], vector<16xf32>,
        %parallel_loop3A_704 = arith.constant 16 : i32
        %parallel_loop3A_705 = arith.muli %parallel_loop3A_688, %parallel_loop3A_704 : i32
        %parallel_loop3A_706 = vector.broadcast %parallel_loop3A_705 : i32 to vector<16xi32>
        %parallel_loop3A_707 = arith.addi %parallel_loop3A_706, %add3A_152 : vector<16xi32>
        %parallel_loop3A_708 = tpu.vector_load_idx %arg16[%parallel_loop3A_707] : memref<2048xf32, #tpu.memory_space<vmem>>[vector<16xi32>], vector<16xf32>,
        %parallel_loop3A_709 = arith.constant 16 : i32
        %parallel_loop3A_710 = arith.muli %parallel_loop3A_688, %parallel_loop3A_709 : i32
        %parallel_loop3A_711 = vector.broadcast %parallel_loop3A_710 : i32 to vector<16xi32>
        %parallel_loop3A_712 = arith.addi %parallel_loop3A_711, %add3A_189 : vector<16xi32>
        %parallel_loop3A_713 = tpu.vector_load_idx %arg16[%parallel_loop3A_712] : memref<2048xf32, #tpu.memory_space<vmem>>[vector<16xi32>], vector<16xf32>,
        %parallel_loop3A_714 = arith.index_cast %parallel_loop3A_688 : i32 to index
        %parallel_loop3A_715 = arith.constant 0 : index
        %parallel_loop3A_716 = tpu.vector_load %arg14[%parallel_loop3A_714, %parallel_loop3A_715] {strides = array<i32>} : memref<128x96xbf16, #tpu.memory_space<vmem>>, vector<32xbf16>,
        %parallel_loop3A_717 = tpu.unpack_subelements %parallel_loop3A_716, 0 {pack_format = #tpu.pack_format<interleaved>} : vector<32xbf16> -> vector<16xf32>
        %parallel_loop3A_718 = tpu.unpack_subelements %parallel_loop3A_716, 1 {pack_format = #tpu.pack_format<interleaved>} : vector<32xbf16> -> vector<16xf32>
        %parallel_loop3A_719 = arith.mulf %parallel_loop3A_717, %parallel_loop3A_693 : vector<16xf32>
        %parallel_loop3A_720 = arith.index_cast %parallel_loop3A_688 : i32 to index
        %parallel_loop3A_721 = arith.constant 0 : index
        %parallel_loop3A_722 = tpu.vector_load %arg15[%parallel_loop3A_720, %parallel_loop3A_721] {strides = array<i32>} : memref<128x96xf32, #tpu.memory_space<vmem>>, vector<16xf32>,
        tpu.vector_store %arg15[%parallel_loop3A_720, %parallel_loop3A_721], %parallel_loop3A_719 {strides = array<i32>} : memref<128x96xf32, #tpu.memory_space<vmem>>, vector<16xf32>,
        %parallel_loop3A_723 = arith.mulf %parallel_loop3A_718, %parallel_loop3A_698 : vector<16xf32>
        %parallel_loop3A_724 = arith.index_cast %parallel_loop3A_688 : i32 to index
        %parallel_loop3A_725 = arith.constant 16 : index
        %parallel_loop3A_726 = tpu.vector_load %arg15[%parallel_loop3A_724, %parallel_loop3A_725] {strides = array<i32>} : memref<128x96xf32, #tpu.memory_space<vmem>>, vector<16xf32>,
        tpu.vector_store %arg15[%parallel_loop3A_724, %parallel_loop3A_725], %parallel_loop3A_723 {strides = array<i32>} : memref<128x96xf32, #tpu.memory_space<vmem>>, vector<16xf32>,
        %parallel_loop3A_727 = arith.index_cast %parallel_loop3A_688 : i32 to index
        %parallel_loop3A_728 = arith.constant 32 : index
        %parallel_loop3A_729 = tpu.vector_load %arg14[%parallel_loop3A_727, %parallel_loop3A_728] {strides = array<i32>} : memref<128x96xbf16, #tpu.memory_space<vmem>>, vector<32xbf16>,
        %parallel_loop3A_730 = tpu.unpack_subelements %parallel_loop3A_729, 0 {pack_format = #tpu.pack_format<interleaved>} : vector<32xbf16> -> vector<16xf32>
        %parallel_loop3A_731 = tpu.unpack_subelements %parallel_loop3A_729, 1 {pack_format = #tpu.pack_format<interleaved>} : vector<32xbf16> -> vector<16xf32>
        %parallel_loop3A_732 = arith.mulf %parallel_loop3A_730, %parallel_loop3A_703 : vector<16xf32>
        %parallel_loop3A_733 = arith.index_cast %parallel_loop3A_688 : i32 to index
        %parallel_loop3A_734 = arith.constant 32 : index
        %parallel_loop3A_735 = tpu.vector_load %arg15[%parallel_loop3A_733, %parallel_loop3A_734] {strides = array<i32>} : memref<128x96xf32, #tpu.memory_space<vmem>>, vector<16xf32>,
        tpu.vector_store %arg15[%parallel_loop3A_733, %parallel_loop3A_734], %parallel_loop3A_732 {strides = array<i32>} : memref<128x96xf32, #tpu.memory_space<vmem>>, vector<16xf32>,
        %parallel_loop3A_736 = arith.mulf %parallel_loop3A_731, %parallel_loop3A_708 : vector<16xf32>
        %parallel_loop3A_737 = arith.index_cast %parallel_loop3A_688 : i32 to index
        %parallel_loop3A_738 = arith.constant 48 : index
        %parallel_loop3A_739 = tpu.vector_load %arg15[%parallel_loop3A_737, %parallel_loop3A_738] {strides = array<i32>} : memref<128x96xf32, #tpu.memory_space<vmem>>, vector<16xf32>,
        tpu.vector_store %arg15[%parallel_loop3A_737, %parallel_loop3A_738], %parallel_loop3A_736 {strides = array<i32>} : memref<128x96xf32, #tpu.memory_space<vmem>>, vector<16xf32>,
        %parallel_loop3A_740 = arith.index_cast %parallel_loop3A_688 : i32 to index
        %parallel_loop3A_741 = arith.constant 64 : index
        %parallel_loop3A_742 = tpu.vector_load %arg14[%parallel_loop3A_740, %parallel_loop3A_741] {strides = array<i32>} : memref<128x96xbf16, #tpu.memory_space<vmem>>, vector<32xbf16>,
        %parallel_loop3A_743 = tpu.unpack_subelements %parallel_loop3A_742, 0 {pack_format = #tpu.pack_format<interleaved>} : vector<32xbf16> -> vector<16xf32>
        %parallel_loop3A_744 = tpu.unpack_subelements %parallel_loop3A_742, 1 {pack_format = #tpu.pack_format<interleaved>} : vector<32xbf16> -> vector<16xf32>
        %parallel_loop3A_745 = arith.mulf %parallel_loop3A_743, %parallel_loop3A_713 : vector<16xf32>
        %parallel_loop3A_746 = arith.index_cast %parallel_loop3A_688 : i32 to index
        %parallel_loop3A_747 = arith.constant 64 : index
        %parallel_loop3A_748 = tpu.vector_load %arg15[%parallel_loop3A_746, %parallel_loop3A_747] {strides = array<i32>} : memref<128x96xf32, #tpu.memory_space<vmem>>, vector<16xf32>,
        tpu.vector_store %arg15[%parallel_loop3A_746, %parallel_loop3A_747], %parallel_loop3A_745 {strides = array<i32>} : memref<128x96xf32, #tpu.memory_space<vmem>>, vector<16xf32>,
      } {sc.loop_unroll_factor = 4 : i64, sc.parallel_access}
      %dma_start3A_629 = arith.constant 0 : i32
      %dma_start3A_630 = arith.constant 0 : i32
      %dma_start3A_631 = tpu.memref_slice %arg25[%dma_start3A_629, %dma_start3A_630] : memref<10240x96xf32, #tpu.memory_space<vmem_shared>> -> memref<10240x96xf32, #tpu.memory_space<vmem_shared>>
      tpu.enqueue_indirect_dma source(%arg15 : memref<128x96xf32, #tpu.memory_space<vmem>>) target(%dma_start3A_631 : memref<10240x96xf32, #tpu.memory_space<vmem_shared>>) offsets(%arg11 : memref<128xi32, #tpu.memory_space<vmem>>) semaphore(%arg28 : memref<!tpu.dma_semaphore, #tpu.memory_space<semaphore_mem>>) {add = true}
      %gt3A_632 = arith.constant 0 : i32
      %gt3A_633 = arith.cmpi sgt, %add3A_579, %gt3A_632 : i32
      %convert_element_type3A_634 = arith.extui %gt3A_633 : i1 to i32
      %cond3A_635 = arith.constant 0 : i32
      %cond3A_636 = arith.cmpi ne, %convert_element_type3A_634, %cond3A_635 : i32
      scf.if %cond3A_636 {
        %dma_wait3A_688 = arith.constant 0 : i32
        %dma_wait3A_689 = arith.constant 0 : i32
        %dma_wait3A_690 = tpu.memref_slice %arg25[%dma_wait3A_688, %dma_wait3A_689] : memref<10240x96xf32, #tpu.memory_space<vmem_shared>> -> memref<10240x96xf32, #tpu.memory_space<vmem_shared>>
        tpu.wait_indirect_dma semaphore(%arg31 : memref<!tpu.dma_semaphore, #tpu.memory_space<semaphore_mem>>) src(%arg23 : memref<128x96xf32, #tpu.memory_space<vmem>>) dst(%dma_wait3A_690 : memref<10240x96xf32, #tpu.memory_space<vmem_shared>>)
      } else {
      }
      %dma_wait3A_637 = arith.constant 0 : i32
      %dma_wait3A_638 = arith.constant 0 : i32
      %dma_wait3A_639 = tpu.memref_slice %arg4[%dma_wait3A_637, %dma_wait3A_638] : memref<10240x16xf32, #tpu.memory_space<hbm>> -> memref<10240x16xf32, #tpu.memory_space<hbm>>
      tpu.wait_indirect_dma semaphore(%arg30 : memref<!tpu.dma_semaphore, #tpu.memory_space<semaphore_mem>>) src(%dma_wait3A_639 : memref<10240x16xf32, #tpu.memory_space<hbm>>) dst(%arg20 : memref<128x16xf32, #tpu.memory_space<vmem>>)
      %dma_wait3A_640 = arith.constant 0 : i32
      %dma_wait3A_641 = arith.constant 0 : i32
      %dma_wait3A_642 = tpu.memref_slice %arg5[%dma_wait3A_640, %dma_wait3A_641] : memref<10240x16xf32, #tpu.memory_space<hbm>> -> memref<10240x16xf32, #tpu.memory_space<hbm>>
      tpu.wait_indirect_dma semaphore(%arg30 : memref<!tpu.dma_semaphore, #tpu.memory_space<semaphore_mem>>) src(%dma_wait3A_642 : memref<10240x16xf32, #tpu.memory_space<hbm>>) dst(%arg21 : memref<128x16xf32, #tpu.memory_space<vmem>>)
      %dma_wait3A_643 = arith.constant 0 : i32
      %dma_wait3A_644 = arith.constant 0 : i32
      %dma_wait3A_645 = tpu.memref_slice %arg6[%dma_wait3A_643, %dma_wait3A_644] : memref<10240x96xbf16, #tpu.memory_space<hbm>> -> memref<10240x96xbf16, #tpu.memory_space<hbm>>
      tpu.wait_indirect_dma semaphore(%arg30 : memref<!tpu.dma_semaphore, #tpu.memory_space<semaphore_mem>>) src(%dma_wait3A_645 : memref<10240x96xbf16, #tpu.memory_space<hbm>>) dst(%arg22 : memref<128x96xbf16, #tpu.memory_space<vmem>>)
      %parallel_loop3A_646 = arith.constant 0 : i32
      %parallel_loop3A_647 = arith.constant 8 : i32
      %parallel_loop3A_648 = arith.constant 1 : i32
      scf.for %parallel_loop3A_688 = %parallel_loop3A_646 to %parallel_loop3A_647 step %parallel_loop3A_648  : i32 {
        %parallel_loop3A_689 = arith.constant 16 : i32
        %parallel_loop3A_690 = arith.muli %parallel_loop3A_688, %parallel_loop3A_689 : i32
        %parallel_loop3A_691 = arith.index_cast %parallel_loop3A_690 : i32 to index
        %parallel_loop3A_692 = tpu.vector_load %arg18[%parallel_loop3A_691] {strides = array<i32>} : memref<128xi32, #tpu.memory_space<vmem>>, vector<16xi32>,
        %parallel_loop3A_693 = arith.constant 16 : i32
        %parallel_loop3A_694 = arith.muli %parallel_loop3A_688, %parallel_loop3A_693 : i32
        %parallel_loop3A_695 = arith.index_cast %parallel_loop3A_694 : i32 to index
        %parallel_loop3A_696 = tpu.vector_load %arg19[%parallel_loop3A_695] {strides = array<i32>} : memref<128xi32, #tpu.memory_space<vmem>>, vector<16xi32>,
        tpu.vector_store %arg19[%parallel_loop3A_695], %parallel_loop3A_692 {strides = array<i32>} : memref<128xi32, #tpu.memory_space<vmem>>, vector<16xi32>,
      } {sc.loop_unroll_factor = 1 : i64, sc.parallel_access}
      %add3A_649 = arith.constant 3 : i32
      %add3A_650 = arith.addi %mul3A_581, %add3A_649 : i32
      %mul3A_651 = arith.constant 128 : i32
      %mul3A_652 = arith.muli %add3A_650, %mul3A_651 : i32
      %add3A_653 = arith.addi %mul3A_10, %mul3A_652 : i32
      %dma_start3A_654 = tpu.memref_slice %arg2[%add3A_653] : memref<336128xi32, #tpu.memory_space<hbm>> -> memref<128xi32, #tpu.memory_space<hbm>>
      %dma_start3A_655 = tpu.memref_slice %arg2[%add3A_653] : memref<336128xi32, #tpu.memory_space<hbm>> -> memref<128xi32, #tpu.memory_space<hbm>>
      tpu.enqueue_dma source(%dma_start3A_655 : memref<128xi32, #tpu.memory_space<hbm>>) target(%arg17 : memref<128xi32, #tpu.memory_space<vmem>>) target_semaphore(%arg29 : memref<!tpu.dma_semaphore, #tpu.memory_space<semaphore_mem>>)
      %dma_start3A_656 = tpu.memref_slice %arg3[%add3A_653] : memref<336128xi32, #tpu.memory_space<hbm>> -> memref<128xi32, #tpu.memory_space<hbm>>
      %dma_start3A_657 = tpu.memref_slice %arg3[%add3A_653] : memref<336128xi32, #tpu.memory_space<hbm>> -> memref<128xi32, #tpu.memory_space<hbm>>
      tpu.enqueue_dma source(%dma_start3A_657 : memref<128xi32, #tpu.memory_space<hbm>>) target(%arg18 : memref<128xi32, #tpu.memory_space<vmem>>) target_semaphore(%arg29 : memref<!tpu.dma_semaphore, #tpu.memory_space<semaphore_mem>>)
      %dma_wait3A_658 = arith.constant 0 : i32
      %dma_wait3A_659 = tpu.memref_slice %arg2[%dma_wait3A_658] : memref<336128xi32, #tpu.memory_space<hbm>> -> memref<128xi32, #tpu.memory_space<hbm>>
      %dma_wait3A_660 = arith.constant 0 : i32
      %dma_wait3A_661 = tpu.memref_slice %arg2[%dma_wait3A_660] : memref<336128xi32, #tpu.memory_space<hbm>> -> memref<128xi32, #tpu.memory_space<hbm>>
      tpu.wait_dma2 semaphore(%arg26 : memref<!tpu.dma_semaphore, #tpu.memory_space<semaphore_mem>>) src(%dma_wait3A_661 : memref<128xi32, #tpu.memory_space<hbm>>) dst(%arg9 : memref<128xi32, #tpu.memory_space<vmem>>)
      %dma_wait3A_662 = arith.constant 0 : i32
      %dma_wait3A_663 = tpu.memref_slice %arg3[%dma_wait3A_662] : memref<336128xi32, #tpu.memory_space<hbm>> -> memref<128xi32, #tpu.memory_space<hbm>>
      %dma_wait3A_664 = arith.constant 0 : i32
      %dma_wait3A_665 = tpu.memref_slice %arg3[%dma_wait3A_664] : memref<336128xi32, #tpu.memory_space<hbm>> -> memref<128xi32, #tpu.memory_space<hbm>>
      tpu.wait_dma2 semaphore(%arg26 : memref<!tpu.dma_semaphore, #tpu.memory_space<semaphore_mem>>) src(%dma_wait3A_665 : memref<128xi32, #tpu.memory_space<hbm>>) dst(%arg10 : memref<128xi32, #tpu.memory_space<vmem>>)
      %add3A_666 = arith.constant 2 : i32
      %add3A_667 = arith.addi %mul3A_581, %add3A_666 : i32
      %dma_start3A_668 = arith.constant 0 : i32
      %dma_start3A_669 = arith.constant 0 : i32
      %dma_start3A_670 = tpu.memref_slice %arg4[%dma_start3A_668, %dma_start3A_669] : memref<10240x16xf32, #tpu.memory_space<hbm>> -> memref<10240x16xf32, #tpu.memory_space<hbm>>
      tpu.enqueue_indirect_dma source(%dma_start3A_670 : memref<10240x16xf32, #tpu.memory_space<hbm>>) target(%arg12 : memref<128x16xf32, #tpu.memory_space<vmem>>) offsets(%arg9 : memref<128xi32, #tpu.memory_space<vmem>>) semaphore(%arg27 : memref<!tpu.dma_semaphore, #tpu.memory_space<semaphore_mem>>)
      %dma_start3A_671 = arith.constant 0 : i32
      %dma_start3A_672 = arith.constant 0 : i32
      %dma_start3A_673 = tpu.memref_slice %arg5[%dma_start3A_671, %dma_start3A_672] : memref<10240x16xf32, #tpu.memory_space<hbm>> -> memref<10240x16xf32, #tpu.memory_space<hbm>>
      tpu.enqueue_indirect_dma source(%dma_start3A_673 : memref<10240x16xf32, #tpu.memory_space<hbm>>) target(%arg13 : memref<128x16xf32, #tpu.memory_space<vmem>>) offsets(%arg10 : memref<128xi32, #tpu.memory_space<vmem>>) semaphore(%arg27 : memref<!tpu.dma_semaphore, #tpu.memory_space<semaphore_mem>>)
      %dma_start3A_674 = arith.constant 0 : i32
      %dma_start3A_675 = arith.constant 0 : i32
      %dma_start3A_676 = tpu.memref_slice %arg6[%dma_start3A_674, %dma_start3A_675] : memref<10240x96xbf16, #tpu.memory_space<hbm>> -> memref<10240x96xbf16, #tpu.memory_space<hbm>>
      tpu.enqueue_indirect_dma source(%dma_start3A_676 : memref<10240x96xbf16, #tpu.memory_space<hbm>>) target(%arg14 : memref<128x96xbf16, #tpu.memory_space<vmem>>) offsets(%arg9 : memref<128xi32, #tpu.memory_space<vmem>>) semaphore(%arg27 : memref<!tpu.dma_semaphore, #tpu.memory_space<semaphore_mem>>)
      %parallel_loop3A_677 = arith.constant 0 : i32
      %parallel_loop3A_678 = arith.constant 128 : i32
      %parallel_loop3A_679 = arith.constant 1 : i32
      scf.for %parallel_loop3A_688 = %parallel_loop3A_677 to %parallel_loop3A_678 step %parallel_loop3A_679  : i32 {
        %parallel_loop3A_689 = arith.index_cast %parallel_loop3A_688 : i32 to index
        %parallel_loop3A_690 = arith.constant 0 : index
        %parallel_loop3A_691 = tpu.vector_load %arg20[%parallel_loop3A_689, %parallel_loop3A_690] {strides = array<i32>} : memref<128x16xf32, #tpu.memory_space<vmem>>, vector<16xf32>,
        %parallel_loop3A_692 = arith.index_cast %parallel_loop3A_688 : i32 to index
        %parallel_loop3A_693 = arith.constant 0 : index
        %parallel_loop3A_694 = tpu.vector_load %arg21[%parallel_loop3A_692, %parallel_loop3A_693] {strides = array<i32>} : memref<128x16xf32, #tpu.memory_space<vmem>>, vector<16xf32>,
        %parallel_loop3A_695 = arith.addf %parallel_loop3A_691, %parallel_loop3A_694 : vector<16xf32>
        %parallel_loop3A_696 = arith.constant 2.000000e-01 : f32
        %parallel_loop3A_697 = vector.broadcast %parallel_loop3A_696 : f32 to vector<16xf32>
        %parallel_loop3A_698 = arith.mulf %parallel_loop3A_697, %parallel_loop3A_695 : vector<16xf32>
        %parallel_loop3A_699 = arith.maximumf %parallel_loop3A_695, %parallel_loop3A_698 : vector<16xf32>
        %parallel_loop3A_700 = math.exp %parallel_loop3A_699 : vector<16xf32>
        %parallel_loop3A_701 = arith.constant 16 : i32
        %parallel_loop3A_702 = arith.muli %parallel_loop3A_688, %parallel_loop3A_701 : i32
        %parallel_loop3A_703 = arith.index_cast %parallel_loop3A_702 : i32 to index
        %parallel_loop3A_704 = tpu.vector_load %arg24[%parallel_loop3A_703] {strides = array<i32>} : memref<2048xf32, #tpu.memory_space<vmem>>, vector<16xf32>,
        tpu.vector_store %arg24[%parallel_loop3A_703], %parallel_loop3A_700 {strides = array<i32>} : memref<2048xf32, #tpu.memory_space<vmem>>, vector<16xf32>,
        %parallel_loop3A_705 = arith.mulf %parallel_loop3A_700, %select_n3A : vector<16xf32>
        %parallel_loop3A_706 = arith.index_cast %parallel_loop3A_688 : i32 to index
        %parallel_loop3A_707 = arith.constant 80 : index
        %parallel_loop3A_708 = tpu.vector_load %arg23[%parallel_loop3A_706, %parallel_loop3A_707] {strides = array<i32>} : memref<128x96xf32, #tpu.memory_space<vmem>>, vector<16xf32>,
        tpu.vector_store %arg23[%parallel_loop3A_706, %parallel_loop3A_707], %parallel_loop3A_705 {strides = array<i32>} : memref<128x96xf32, #tpu.memory_space<vmem>>, vector<16xf32>,
      } {sc.loop_unroll_factor = 4 : i64, sc.parallel_access}
      %parallel_loop3A_680 = arith.constant 0 : i32
      %parallel_loop3A_681 = arith.constant 128 : i32
      %parallel_loop3A_682 = arith.constant 1 : i32
      scf.for %parallel_loop3A_688 = %parallel_loop3A_680 to %parallel_loop3A_681 step %parallel_loop3A_682  : i32 {
        %parallel_loop3A_689 = arith.constant 16 : i32
        %parallel_loop3A_690 = arith.muli %parallel_loop3A_688, %parallel_loop3A_689 : i32
        %parallel_loop3A_691 = vector.broadcast %parallel_loop3A_690 : i32 to vector<16xi32>
        %parallel_loop3A_692 = arith.addi %parallel_loop3A_691, %add3A_41 : vector<16xi32>
        %parallel_loop3A_693 = tpu.vector_load_idx %arg24[%parallel_loop3A_692] : memref<2048xf32, #tpu.memory_space<vmem>>[vector<16xi32>], vector<16xf32>,
        %parallel_loop3A_694 = arith.constant 16 : i32
        %parallel_loop3A_695 = arith.muli %parallel_loop3A_688, %parallel_loop3A_694 : i32
        %parallel_loop3A_696 = vector.broadcast %parallel_loop3A_695 : i32 to vector<16xi32>
        %parallel_loop3A_697 = arith.addi %parallel_loop3A_696, %add3A_78 : vector<16xi32>
        %parallel_loop3A_698 = tpu.vector_load_idx %arg24[%parallel_loop3A_697] : memref<2048xf32, #tpu.memory_space<vmem>>[vector<16xi32>], vector<16xf32>,
        %parallel_loop3A_699 = arith.constant 16 : i32
        %parallel_loop3A_700 = arith.muli %parallel_loop3A_688, %parallel_loop3A_699 : i32
        %parallel_loop3A_701 = vector.broadcast %parallel_loop3A_700 : i32 to vector<16xi32>
        %parallel_loop3A_702 = arith.addi %parallel_loop3A_701, %add3A_115 : vector<16xi32>
        %parallel_loop3A_703 = tpu.vector_load_idx %arg24[%parallel_loop3A_702] : memref<2048xf32, #tpu.memory_space<vmem>>[vector<16xi32>], vector<16xf32>,
        %parallel_loop3A_704 = arith.constant 16 : i32
        %parallel_loop3A_705 = arith.muli %parallel_loop3A_688, %parallel_loop3A_704 : i32
        %parallel_loop3A_706 = vector.broadcast %parallel_loop3A_705 : i32 to vector<16xi32>
        %parallel_loop3A_707 = arith.addi %parallel_loop3A_706, %add3A_152 : vector<16xi32>
        %parallel_loop3A_708 = tpu.vector_load_idx %arg24[%parallel_loop3A_707] : memref<2048xf32, #tpu.memory_space<vmem>>[vector<16xi32>], vector<16xf32>,
        %parallel_loop3A_709 = arith.constant 16 : i32
        %parallel_loop3A_710 = arith.muli %parallel_loop3A_688, %parallel_loop3A_709 : i32
        %parallel_loop3A_711 = vector.broadcast %parallel_loop3A_710 : i32 to vector<16xi32>
        %parallel_loop3A_712 = arith.addi %parallel_loop3A_711, %add3A_189 : vector<16xi32>
        %parallel_loop3A_713 = tpu.vector_load_idx %arg24[%parallel_loop3A_712] : memref<2048xf32, #tpu.memory_space<vmem>>[vector<16xi32>], vector<16xf32>,
        %parallel_loop3A_714 = arith.index_cast %parallel_loop3A_688 : i32 to index
        %parallel_loop3A_715 = arith.constant 0 : index
        %parallel_loop3A_716 = tpu.vector_load %arg22[%parallel_loop3A_714, %parallel_loop3A_715] {strides = array<i32>} : memref<128x96xbf16, #tpu.memory_space<vmem>>, vector<32xbf16>,
        %parallel_loop3A_717 = tpu.unpack_subelements %parallel_loop3A_716, 0 {pack_format = #tpu.pack_format<interleaved>} : vector<32xbf16> -> vector<16xf32>
        %parallel_loop3A_718 = tpu.unpack_subelements %parallel_loop3A_716, 1 {pack_format = #tpu.pack_format<interleaved>} : vector<32xbf16> -> vector<16xf32>
        %parallel_loop3A_719 = arith.mulf %parallel_loop3A_717, %parallel_loop3A_693 : vector<16xf32>
        %parallel_loop3A_720 = arith.index_cast %parallel_loop3A_688 : i32 to index
        %parallel_loop3A_721 = arith.constant 0 : index
        %parallel_loop3A_722 = tpu.vector_load %arg23[%parallel_loop3A_720, %parallel_loop3A_721] {strides = array<i32>} : memref<128x96xf32, #tpu.memory_space<vmem>>, vector<16xf32>,
        tpu.vector_store %arg23[%parallel_loop3A_720, %parallel_loop3A_721], %parallel_loop3A_719 {strides = array<i32>} : memref<128x96xf32, #tpu.memory_space<vmem>>, vector<16xf32>,
        %parallel_loop3A_723 = arith.mulf %parallel_loop3A_718, %parallel_loop3A_698 : vector<16xf32>
        %parallel_loop3A_724 = arith.index_cast %parallel_loop3A_688 : i32 to index
        %parallel_loop3A_725 = arith.constant 16 : index
        %parallel_loop3A_726 = tpu.vector_load %arg23[%parallel_loop3A_724, %parallel_loop3A_725] {strides = array<i32>} : memref<128x96xf32, #tpu.memory_space<vmem>>, vector<16xf32>,
        tpu.vector_store %arg23[%parallel_loop3A_724, %parallel_loop3A_725], %parallel_loop3A_723 {strides = array<i32>} : memref<128x96xf32, #tpu.memory_space<vmem>>, vector<16xf32>,
        %parallel_loop3A_727 = arith.index_cast %parallel_loop3A_688 : i32 to index
        %parallel_loop3A_728 = arith.constant 32 : index
        %parallel_loop3A_729 = tpu.vector_load %arg22[%parallel_loop3A_727, %parallel_loop3A_728] {strides = array<i32>} : memref<128x96xbf16, #tpu.memory_space<vmem>>, vector<32xbf16>,
        %parallel_loop3A_730 = tpu.unpack_subelements %parallel_loop3A_729, 0 {pack_format = #tpu.pack_format<interleaved>} : vector<32xbf16> -> vector<16xf32>
        %parallel_loop3A_731 = tpu.unpack_subelements %parallel_loop3A_729, 1 {pack_format = #tpu.pack_format<interleaved>} : vector<32xbf16> -> vector<16xf32>
        %parallel_loop3A_732 = arith.mulf %parallel_loop3A_730, %parallel_loop3A_703 : vector<16xf32>
        %parallel_loop3A_733 = arith.index_cast %parallel_loop3A_688 : i32 to index
        %parallel_loop3A_734 = arith.constant 32 : index
        %parallel_loop3A_735 = tpu.vector_load %arg23[%parallel_loop3A_733, %parallel_loop3A_734] {strides = array<i32>} : memref<128x96xf32, #tpu.memory_space<vmem>>, vector<16xf32>,
        tpu.vector_store %arg23[%parallel_loop3A_733, %parallel_loop3A_734], %parallel_loop3A_732 {strides = array<i32>} : memref<128x96xf32, #tpu.memory_space<vmem>>, vector<16xf32>,
        %parallel_loop3A_736 = arith.mulf %parallel_loop3A_731, %parallel_loop3A_708 : vector<16xf32>
        %parallel_loop3A_737 = arith.index_cast %parallel_loop3A_688 : i32 to index
        %parallel_loop3A_738 = arith.constant 48 : index
        %parallel_loop3A_739 = tpu.vector_load %arg23[%parallel_loop3A_737, %parallel_loop3A_738] {strides = array<i32>} : memref<128x96xf32, #tpu.memory_space<vmem>>, vector<16xf32>,
        tpu.vector_store %arg23[%parallel_loop3A_737, %parallel_loop3A_738], %parallel_loop3A_736 {strides = array<i32>} : memref<128x96xf32, #tpu.memory_space<vmem>>, vector<16xf32>,
        %parallel_loop3A_740 = arith.index_cast %parallel_loop3A_688 : i32 to index
        %parallel_loop3A_741 = arith.constant 64 : index
        %parallel_loop3A_742 = tpu.vector_load %arg22[%parallel_loop3A_740, %parallel_loop3A_741] {strides = array<i32>} : memref<128x96xbf16, #tpu.memory_space<vmem>>, vector<32xbf16>,
        %parallel_loop3A_743 = tpu.unpack_subelements %parallel_loop3A_742, 0 {pack_format = #tpu.pack_format<interleaved>} : vector<32xbf16> -> vector<16xf32>
        %parallel_loop3A_744 = tpu.unpack_subelements %parallel_loop3A_742, 1 {pack_format = #tpu.pack_format<interleaved>} : vector<32xbf16> -> vector<16xf32>
        %parallel_loop3A_745 = arith.mulf %parallel_loop3A_743, %parallel_loop3A_713 : vector<16xf32>
        %parallel_loop3A_746 = arith.index_cast %parallel_loop3A_688 : i32 to index
        %parallel_loop3A_747 = arith.constant 64 : index
        %parallel_loop3A_748 = tpu.vector_load %arg23[%parallel_loop3A_746, %parallel_loop3A_747] {strides = array<i32>} : memref<128x96xf32, #tpu.memory_space<vmem>>, vector<16xf32>,
        tpu.vector_store %arg23[%parallel_loop3A_746, %parallel_loop3A_747], %parallel_loop3A_745 {strides = array<i32>} : memref<128x96xf32, #tpu.memory_space<vmem>>, vector<16xf32>,
      } {sc.loop_unroll_factor = 4 : i64, sc.parallel_access}
      %add3A_683 = arith.constant 1 : i32
      %add3A_684 = arith.addi %mul3A_581, %add3A_683 : i32
      %dma_start3A_685 = arith.constant 0 : i32
      %dma_start3A_686 = arith.constant 0 : i32
      %dma_start3A_687 = tpu.memref_slice %arg25[%dma_start3A_685, %dma_start3A_686] : memref<10240x96xf32, #tpu.memory_space<vmem_shared>> -> memref<10240x96xf32, #tpu.memory_space<vmem_shared>>
      tpu.enqueue_indirect_dma source(%arg23 : memref<128x96xf32, #tpu.memory_space<vmem>>) target(%dma_start3A_687 : memref<10240x96xf32, #tpu.memory_space<vmem_shared>>) offsets(%arg19 : memref<128xi32, #tpu.memory_space<vmem>>) semaphore(%arg31 : memref<!tpu.dma_semaphore, #tpu.memory_space<semaphore_mem>>) {add = true}
    }
    %scan3A_235 = arith.constant 41 : i32
    %dma_wait3A_236 = arith.constant 0 : i32
    %dma_wait3A_237 = arith.constant 0 : i32
    %dma_wait3A_238 = tpu.memref_slice %arg4[%dma_wait3A_236, %dma_wait3A_237] : memref<10240x16xf32, #tpu.memory_space<hbm>> -> memref<10240x16xf32, #tpu.memory_space<hbm>>
    tpu.wait_indirect_dma semaphore(%arg27 : memref<!tpu.dma_semaphore, #tpu.memory_space<semaphore_mem>>) src(%dma_wait3A_238 : memref<10240x16xf32, #tpu.memory_space<hbm>>) dst(%arg12 : memref<128x16xf32, #tpu.memory_space<vmem>>)
    %dma_wait3A_239 = arith.constant 0 : i32
    %dma_wait3A_240 = arith.constant 0 : i32
    %dma_wait3A_241 = tpu.memref_slice %arg5[%dma_wait3A_239, %dma_wait3A_240] : memref<10240x16xf32, #tpu.memory_space<hbm>> -> memref<10240x16xf32, #tpu.memory_space<hbm>>
    tpu.wait_indirect_dma semaphore(%arg27 : memref<!tpu.dma_semaphore, #tpu.memory_space<semaphore_mem>>) src(%dma_wait3A_241 : memref<10240x16xf32, #tpu.memory_space<hbm>>) dst(%arg13 : memref<128x16xf32, #tpu.memory_space<vmem>>)
    %dma_wait3A_242 = arith.constant 0 : i32
    %dma_wait3A_243 = arith.constant 0 : i32
    %dma_wait3A_244 = tpu.memref_slice %arg6[%dma_wait3A_242, %dma_wait3A_243] : memref<10240x96xbf16, #tpu.memory_space<hbm>> -> memref<10240x96xbf16, #tpu.memory_space<hbm>>
    tpu.wait_indirect_dma semaphore(%arg27 : memref<!tpu.dma_semaphore, #tpu.memory_space<semaphore_mem>>) src(%dma_wait3A_244 : memref<10240x96xbf16, #tpu.memory_space<hbm>>) dst(%arg14 : memref<128x96xbf16, #tpu.memory_space<vmem>>)
    %dma_wait3A_245 = arith.constant 0 : i32
    %dma_wait3A_246 = tpu.memref_slice %arg2[%dma_wait3A_245] : memref<336128xi32, #tpu.memory_space<hbm>> -> memref<128xi32, #tpu.memory_space<hbm>>
    %dma_wait3A_247 = arith.constant 0 : i32
    %dma_wait3A_248 = tpu.memref_slice %arg2[%dma_wait3A_247] : memref<336128xi32, #tpu.memory_space<hbm>> -> memref<128xi32, #tpu.memory_space<hbm>>
    tpu.wait_dma2 semaphore(%arg29 : memref<!tpu.dma_semaphore, #tpu.memory_space<semaphore_mem>>) src(%dma_wait3A_248 : memref<128xi32, #tpu.memory_space<hbm>>) dst(%arg17 : memref<128xi32, #tpu.memory_space<vmem>>)
    %dma_wait3A_249 = arith.constant 0 : i32
    %dma_wait3A_250 = tpu.memref_slice %arg3[%dma_wait3A_249] : memref<336128xi32, #tpu.memory_space<hbm>> -> memref<128xi32, #tpu.memory_space<hbm>>
    %dma_wait3A_251 = arith.constant 0 : i32
    %dma_wait3A_252 = tpu.memref_slice %arg3[%dma_wait3A_251] : memref<336128xi32, #tpu.memory_space<hbm>> -> memref<128xi32, #tpu.memory_space<hbm>>
    tpu.wait_dma2 semaphore(%arg29 : memref<!tpu.dma_semaphore, #tpu.memory_space<semaphore_mem>>) src(%dma_wait3A_252 : memref<128xi32, #tpu.memory_space<hbm>>) dst(%arg18 : memref<128xi32, #tpu.memory_space<vmem>>)
    %dma_wait3A_253 = arith.constant 0 : i32
    %dma_wait3A_254 = arith.constant 0 : i32
    %dma_wait3A_255 = tpu.memref_slice %arg25[%dma_wait3A_253, %dma_wait3A_254] : memref<10240x96xf32, #tpu.memory_space<vmem_shared>> -> memref<10240x96xf32, #tpu.memory_space<vmem_shared>>
    tpu.wait_indirect_dma semaphore(%arg28 : memref<!tpu.dma_semaphore, #tpu.memory_space<semaphore_mem>>) src(%arg15 : memref<128x96xf32, #tpu.memory_space<vmem>>) dst(%dma_wait3A_255 : memref<10240x96xf32, #tpu.memory_space<vmem_shared>>)
    %dma_wait3A_256 = arith.constant 0 : i32
    %dma_wait3A_257 = arith.constant 0 : i32
    %dma_wait3A_258 = tpu.memref_slice %arg25[%dma_wait3A_256, %dma_wait3A_257] : memref<10240x96xf32, #tpu.memory_space<vmem_shared>> -> memref<10240x96xf32, #tpu.memory_space<vmem_shared>>
    tpu.wait_indirect_dma semaphore(%arg31 : memref<!tpu.dma_semaphore, #tpu.memory_space<semaphore_mem>>) src(%arg23 : memref<128x96xf32, #tpu.memory_space<vmem>>) dst(%dma_wait3A_258 : memref<10240x96xf32, #tpu.memory_space<vmem_shared>>)
    %barrier3A_259 = arith.constant 0 : index
    tpu.barrier barrier_id(%barrier3A_259)
    %mul3A_260 = arith.constant 2 : i32
    %mul3A_261 = arith.muli %arg0, %mul3A_260 : i32
    %add3A_262 = arith.constant 0 : i32
    %add3A_263 = arith.addi %mul3A_261, %add3A_262 : i32
    %mul3A_264 = arith.constant 10240 : i32
    %mul3A_265 = arith.muli %add3A_263, %mul3A_264 : i32
    %add3A_266 = arith.addi %mul3A_265, %mul3A_8 : i32
    %add3A_267 = arith.constant 0 : i32
    %add3A_268 = arith.addi %mul3A_8, %add3A_267 : i32
    "tpu.region"() ({
      %run_scoped3A = tpu.sem_alloc : memref<!tpu.dma_semaphore, #tpu.memory_space<semaphore_mem>>
      %dma_start3A_575 = arith.constant 0 : i32
      %dma_start3A_576 = tpu.memref_slice %arg25[%add3A_268, %dma_start3A_575] : memref<10240x96xf32, #tpu.memory_space<vmem_shared>> -> memref<128x96xf32, #tpu.memory_space<vmem_shared>>
      %dma_start3A_577 = arith.constant 0 : i32
      %dma_start3A_578 = tpu.memref_slice %arg25[%add3A_268, %dma_start3A_577] : memref<10240x96xf32, #tpu.memory_space<vmem_shared>> -> memref<128x96xf32, #tpu.memory_space<vmem_shared>>
      tpu.enqueue_dma source(%dma_start3A_578 : memref<128x96xf32, #tpu.memory_space<vmem_shared>>) target(%arg15 : memref<128x96xf32, #tpu.memory_space<vmem>>) target_semaphore(%run_scoped3A : memref<!tpu.dma_semaphore, #tpu.memory_space<semaphore_mem>>)
      %dma_wait3A_579 = arith.constant 0 : i32
      %dma_wait3A_580 = tpu.memref_slice %arg25[%add3A_268, %dma_wait3A_579] : memref<10240x96xf32, #tpu.memory_space<vmem_shared>> -> memref<128x96xf32, #tpu.memory_space<vmem_shared>>
      %dma_wait3A_581 = arith.constant 0 : i32
      %dma_wait3A_582 = tpu.memref_slice %arg25[%add3A_268, %dma_wait3A_581] : memref<10240x96xf32, #tpu.memory_space<vmem_shared>> -> memref<128x96xf32, #tpu.memory_space<vmem_shared>>
      tpu.wait_dma2 semaphore(%run_scoped3A : memref<!tpu.dma_semaphore, #tpu.memory_space<semaphore_mem>>) src(%dma_wait3A_582 : memref<128x96xf32, #tpu.memory_space<vmem_shared>>) dst(%arg15 : memref<128x96xf32, #tpu.memory_space<vmem>>)
      tpu.yield
    }) : () -> ()
    %add3A_269 = arith.constant 0 : i32
    %add3A_270 = arith.addi %add3A_266, %add3A_269 : i32
    "tpu.region"() ({
      %run_scoped3A = tpu.sem_alloc : memref<!tpu.dma_semaphore, #tpu.memory_space<semaphore_mem>>
      %dma_start3A_575 = arith.constant 0 : i32
      %dma_start3A_576 = tpu.memref_slice %arg8[%add3A_270, %dma_start3A_575] : memref<40960x96xf32, #tpu.memory_space<hbm>> -> memref<128x96xf32, #tpu.memory_space<hbm>>
      %dma_start3A_577 = arith.constant 0 : i32
      %dma_start3A_578 = tpu.memref_slice %arg8[%add3A_270, %dma_start3A_577] : memref<40960x96xf32, #tpu.memory_space<hbm>> -> memref<128x96xf32, #tpu.memory_space<hbm>>
      tpu.enqueue_dma source(%arg15 : memref<128x96xf32, #tpu.memory_space<vmem>>) target(%dma_start3A_578 : memref<128x96xf32, #tpu.memory_space<hbm>>) target_semaphore(%run_scoped3A : memref<!tpu.dma_semaphore, #tpu.memory_space<semaphore_mem>>)
      %dma_wait3A_579 = arith.constant 0 : i32
      %dma_wait3A_580 = tpu.memref_slice %arg8[%add3A_270, %dma_wait3A_579] : memref<40960x96xf32, #tpu.memory_space<hbm>> -> memref<128x96xf32, #tpu.memory_space<hbm>>
      %dma_wait3A_581 = arith.constant 0 : i32
      %dma_wait3A_582 = tpu.memref_slice %arg8[%add3A_270, %dma_wait3A_581] : memref<40960x96xf32, #tpu.memory_space<hbm>> -> memref<128x96xf32, #tpu.memory_space<hbm>>
      tpu.wait_dma2 semaphore(%run_scoped3A : memref<!tpu.dma_semaphore, #tpu.memory_space<semaphore_mem>>) src(%arg15 : memref<128x96xf32, #tpu.memory_space<vmem>>) dst(%dma_wait3A_582 : memref<128x96xf32, #tpu.memory_space<hbm>>)
      tpu.yield
    }) : () -> ()
    %add3A_271 = arith.constant 128 : i32
    %add3A_272 = arith.addi %mul3A_8, %add3A_271 : i32
    "tpu.region"() ({
      %run_scoped3A = tpu.sem_alloc : memref<!tpu.dma_semaphore, #tpu.memory_space<semaphore_mem>>
      %dma_start3A_575 = arith.constant 0 : i32
      %dma_start3A_576 = tpu.memref_slice %arg25[%add3A_272, %dma_start3A_575] : memref<10240x96xf32, #tpu.memory_space<vmem_shared>> -> memref<128x96xf32, #tpu.memory_space<vmem_shared>>
      %dma_start3A_577 = arith.constant 0 : i32
      %dma_start3A_578 = tpu.memref_slice %arg25[%add3A_272, %dma_start3A_577] : memref<10240x96xf32, #tpu.memory_space<vmem_shared>> -> memref<128x96xf32, #tpu.memory_space<vmem_shared>>
      tpu.enqueue_dma source(%dma_start3A_578 : memref<128x96xf32, #tpu.memory_space<vmem_shared>>) target(%arg15 : memref<128x96xf32, #tpu.memory_space<vmem>>) target_semaphore(%run_scoped3A : memref<!tpu.dma_semaphore, #tpu.memory_space<semaphore_mem>>)
      %dma_wait3A_579 = arith.constant 0 : i32
      %dma_wait3A_580 = tpu.memref_slice %arg25[%add3A_272, %dma_wait3A_579] : memref<10240x96xf32, #tpu.memory_space<vmem_shared>> -> memref<128x96xf32, #tpu.memory_space<vmem_shared>>
      %dma_wait3A_581 = arith.constant 0 : i32
      %dma_wait3A_582 = tpu.memref_slice %arg25[%add3A_272, %dma_wait3A_581] : memref<10240x96xf32, #tpu.memory_space<vmem_shared>> -> memref<128x96xf32, #tpu.memory_space<vmem_shared>>
      tpu.wait_dma2 semaphore(%run_scoped3A : memref<!tpu.dma_semaphore, #tpu.memory_space<semaphore_mem>>) src(%dma_wait3A_582 : memref<128x96xf32, #tpu.memory_space<vmem_shared>>) dst(%arg15 : memref<128x96xf32, #tpu.memory_space<vmem>>)
      tpu.yield
    }) : () -> ()
    %add3A_273 = arith.constant 128 : i32
    %add3A_274 = arith.addi %add3A_266, %add3A_273 : i32
    "tpu.region"() ({
      %run_scoped3A = tpu.sem_alloc : memref<!tpu.dma_semaphore, #tpu.memory_space<semaphore_mem>>
      %dma_start3A_575 = arith.constant 0 : i32
      %dma_start3A_576 = tpu.memref_slice %arg8[%add3A_274, %dma_start3A_575] : memref<40960x96xf32, #tpu.memory_space<hbm>> -> memref<128x96xf32, #tpu.memory_space<hbm>>
      %dma_start3A_577 = arith.constant 0 : i32
      %dma_start3A_578 = tpu.memref_slice %arg8[%add3A_274, %dma_start3A_577] : memref<40960x96xf32, #tpu.memory_space<hbm>> -> memref<128x96xf32, #tpu.memory_space<hbm>>
      tpu.enqueue_dma source(%arg15 : memref<128x96xf32, #tpu.memory_space<vmem>>) target(%dma_start3A_578 : memref<128x96xf32, #tpu.memory_space<hbm>>) target_semaphore(%run_scoped3A : memref<!tpu.dma_semaphore, #tpu.memory_space<semaphore_mem>>)
      %dma_wait3A_579 = arith.constant 0 : i32
      %dma_wait3A_580 = tpu.memref_slice %arg8[%add3A_274, %dma_wait3A_579] : memref<40960x96xf32, #tpu.memory_space<hbm>> -> memref<128x96xf32, #tpu.memory_space<hbm>>
      %dma_wait3A_581 = arith.constant 0 : i32
      %dma_wait3A_582 = tpu.memref_slice %arg8[%add3A_274, %dma_wait3A_581] : memref<40960x96xf32, #tpu.memory_space<hbm>> -> memref<128x96xf32, #tpu.memory_space<hbm>>
      tpu.wait_dma2 semaphore(%run_scoped3A : memref<!tpu.dma_semaphore, #tpu.memory_space<semaphore_mem>>) src(%arg15 : memref<128x96xf32, #tpu.memory_space<vmem>>) dst(%dma_wait3A_582 : memref<128x96xf32, #tpu.memory_space<hbm>>)
      tpu.yield
    }) : () -> ()
    %add3A_275 = arith.constant 256 : i32
    %add3A_276 = arith.addi %mul3A_8, %add3A_275 : i32
    "tpu.region"() ({
      %run_scoped3A = tpu.sem_alloc : memref<!tpu.dma_semaphore, #tpu.memory_space<semaphore_mem>>
      %dma_start3A_575 = arith.constant 0 : i32
      %dma_start3A_576 = tpu.memref_slice %arg25[%add3A_276, %dma_start3A_575] : memref<10240x96xf32, #tpu.memory_space<vmem_shared>> -> memref<128x96xf32, #tpu.memory_space<vmem_shared>>
      %dma_start3A_577 = arith.constant 0 : i32
      %dma_start3A_578 = tpu.memref_slice %arg25[%add3A_276, %dma_start3A_577] : memref<10240x96xf32, #tpu.memory_space<vmem_shared>> -> memref<128x96xf32, #tpu.memory_space<vmem_shared>>
      tpu.enqueue_dma source(%dma_start3A_578 : memref<128x96xf32, #tpu.memory_space<vmem_shared>>) target(%arg15 : memref<128x96xf32, #tpu.memory_space<vmem>>) target_semaphore(%run_scoped3A : memref<!tpu.dma_semaphore, #tpu.memory_space<semaphore_mem>>)
      %dma_wait3A_579 = arith.constant 0 : i32
      %dma_wait3A_580 = tpu.memref_slice %arg25[%add3A_276, %dma_wait3A_579] : memref<10240x96xf32, #tpu.memory_space<vmem_shared>> -> memref<128x96xf32, #tpu.memory_space<vmem_shared>>
      %dma_wait3A_581 = arith.constant 0 : i32
      %dma_wait3A_582 = tpu.memref_slice %arg25[%add3A_276, %dma_wait3A_581] : memref<10240x96xf32, #tpu.memory_space<vmem_shared>> -> memref<128x96xf32, #tpu.memory_space<vmem_shared>>
      tpu.wait_dma2 semaphore(%run_scoped3A : memref<!tpu.dma_semaphore, #tpu.memory_space<semaphore_mem>>) src(%dma_wait3A_582 : memref<128x96xf32, #tpu.memory_space<vmem_shared>>) dst(%arg15 : memref<128x96xf32, #tpu.memory_space<vmem>>)
      tpu.yield
    }) : () -> ()
    %add3A_277 = arith.constant 256 : i32
    %add3A_278 = arith.addi %add3A_266, %add3A_277 : i32
    "tpu.region"() ({
      %run_scoped3A = tpu.sem_alloc : memref<!tpu.dma_semaphore, #tpu.memory_space<semaphore_mem>>
      %dma_start3A_575 = arith.constant 0 : i32
      %dma_start3A_576 = tpu.memref_slice %arg8[%add3A_278, %dma_start3A_575] : memref<40960x96xf32, #tpu.memory_space<hbm>> -> memref<128x96xf32, #tpu.memory_space<hbm>>
      %dma_start3A_577 = arith.constant 0 : i32
      %dma_start3A_578 = tpu.memref_slice %arg8[%add3A_278, %dma_start3A_577] : memref<40960x96xf32, #tpu.memory_space<hbm>> -> memref<128x96xf32, #tpu.memory_space<hbm>>
      tpu.enqueue_dma source(%arg15 : memref<128x96xf32, #tpu.memory_space<vmem>>) target(%dma_start3A_578 : memref<128x96xf32, #tpu.memory_space<hbm>>) target_semaphore(%run_scoped3A : memref<!tpu.dma_semaphore, #tpu.memory_space<semaphore_mem>>)
      %dma_wait3A_579 = arith.constant 0 : i32
      %dma_wait3A_580 = tpu.memref_slice %arg8[%add3A_278, %dma_wait3A_579] : memref<40960x96xf32, #tpu.memory_space<hbm>> -> memref<128x96xf32, #tpu.memory_space<hbm>>
      %dma_wait3A_581 = arith.constant 0 : i32
      %dma_wait3A_582 = tpu.memref_slice %arg8[%add3A_278, %dma_wait3A_581] : memref<40960x96xf32, #tpu.memory_space<hbm>> -> memref<128x96xf32, #tpu.memory_space<hbm>>
      tpu.wait_dma2 semaphore(%run_scoped3A : memref<!tpu.dma_semaphore, #tpu.memory_space<semaphore_mem>>) src(%arg15 : memref<128x96xf32, #tpu.memory_space<vmem>>) dst(%dma_wait3A_582 : memref<128x96xf32, #tpu.memory_space<hbm>>)
      tpu.yield
    }) : () -> ()
    %add3A_279 = arith.constant 384 : i32
    %add3A_280 = arith.addi %mul3A_8, %add3A_279 : i32
    "tpu.region"() ({
      %run_scoped3A = tpu.sem_alloc : memref<!tpu.dma_semaphore, #tpu.memory_space<semaphore_mem>>
      %dma_start3A_575 = arith.constant 0 : i32
      %dma_start3A_576 = tpu.memref_slice %arg25[%add3A_280, %dma_start3A_575] : memref<10240x96xf32, #tpu.memory_space<vmem_shared>> -> memref<128x96xf32, #tpu.memory_space<vmem_shared>>
      %dma_start3A_577 = arith.constant 0 : i32
      %dma_start3A_578 = tpu.memref_slice %arg25[%add3A_280, %dma_start3A_577] : memref<10240x96xf32, #tpu.memory_space<vmem_shared>> -> memref<128x96xf32, #tpu.memory_space<vmem_shared>>
      tpu.enqueue_dma source(%dma_start3A_578 : memref<128x96xf32, #tpu.memory_space<vmem_shared>>) target(%arg15 : memref<128x96xf32, #tpu.memory_space<vmem>>) target_semaphore(%run_scoped3A : memref<!tpu.dma_semaphore, #tpu.memory_space<semaphore_mem>>)
      %dma_wait3A_579 = arith.constant 0 : i32
      %dma_wait3A_580 = tpu.memref_slice %arg25[%add3A_280, %dma_wait3A_579] : memref<10240x96xf32, #tpu.memory_space<vmem_shared>> -> memref<128x96xf32, #tpu.memory_space<vmem_shared>>
      %dma_wait3A_581 = arith.constant 0 : i32
      %dma_wait3A_582 = tpu.memref_slice %arg25[%add3A_280, %dma_wait3A_581] : memref<10240x96xf32, #tpu.memory_space<vmem_shared>> -> memref<128x96xf32, #tpu.memory_space<vmem_shared>>
      tpu.wait_dma2 semaphore(%run_scoped3A : memref<!tpu.dma_semaphore, #tpu.memory_space<semaphore_mem>>) src(%dma_wait3A_582 : memref<128x96xf32, #tpu.memory_space<vmem_shared>>) dst(%arg15 : memref<128x96xf32, #tpu.memory_space<vmem>>)
      tpu.yield
    }) : () -> ()
    %add3A_281 = arith.constant 384 : i32
    %add3A_282 = arith.addi %add3A_266, %add3A_281 : i32
    "tpu.region"() ({
      %run_scoped3A = tpu.sem_alloc : memref<!tpu.dma_semaphore, #tpu.memory_space<semaphore_mem>>
      %dma_start3A_575 = arith.constant 0 : i32
      %dma_start3A_576 = tpu.memref_slice %arg8[%add3A_282, %dma_start3A_575] : memref<40960x96xf32, #tpu.memory_space<hbm>> -> memref<128x96xf32, #tpu.memory_space<hbm>>
      %dma_start3A_577 = arith.constant 0 : i32
      %dma_start3A_578 = tpu.memref_slice %arg8[%add3A_282, %dma_start3A_577] : memref<40960x96xf32, #tpu.memory_space<hbm>> -> memref<128x96xf32, #tpu.memory_space<hbm>>
      tpu.enqueue_dma source(%arg15 : memref<128x96xf32, #tpu.memory_space<vmem>>) target(%dma_start3A_578 : memref<128x96xf32, #tpu.memory_space<hbm>>) target_semaphore(%run_scoped3A : memref<!tpu.dma_semaphore, #tpu.memory_space<semaphore_mem>>)
      %dma_wait3A_579 = arith.constant 0 : i32
      %dma_wait3A_580 = tpu.memref_slice %arg8[%add3A_282, %dma_wait3A_579] : memref<40960x96xf32, #tpu.memory_space<hbm>> -> memref<128x96xf32, #tpu.memory_space<hbm>>
      %dma_wait3A_581 = arith.constant 0 : i32
      %dma_wait3A_582 = tpu.memref_slice %arg8[%add3A_282, %dma_wait3A_581] : memref<40960x96xf32, #tpu.memory_space<hbm>> -> memref<128x96xf32, #tpu.memory_space<hbm>>
      tpu.wait_dma2 semaphore(%run_scoped3A : memref<!tpu.dma_semaphore, #tpu.memory_space<semaphore_mem>>) src(%arg15 : memref<128x96xf32, #tpu.memory_space<vmem>>) dst(%dma_wait3A_582 : memref<128x96xf32, #tpu.memory_space<hbm>>)
      tpu.yield
    }) : () -> ()
    %add3A_283 = arith.constant 512 : i32
    %add3A_284 = arith.addi %mul3A_8, %add3A_283 : i32
    "tpu.region"() ({
      %run_scoped3A = tpu.sem_alloc : memref<!tpu.dma_semaphore, #tpu.memory_space<semaphore_mem>>
      %dma_start3A_575 = arith.constant 0 : i32
      %dma_start3A_576 = tpu.memref_slice %arg25[%add3A_284, %dma_start3A_575] : memref<10240x96xf32, #tpu.memory_space<vmem_shared>> -> memref<128x96xf32, #tpu.memory_space<vmem_shared>>
      %dma_start3A_577 = arith.constant 0 : i32
      %dma_start3A_578 = tpu.memref_slice %arg25[%add3A_284, %dma_start3A_577] : memref<10240x96xf32, #tpu.memory_space<vmem_shared>> -> memref<128x96xf32, #tpu.memory_space<vmem_shared>>
      tpu.enqueue_dma source(%dma_start3A_578 : memref<128x96xf32, #tpu.memory_space<vmem_shared>>) target(%arg15 : memref<128x96xf32, #tpu.memory_space<vmem>>) target_semaphore(%run_scoped3A : memref<!tpu.dma_semaphore, #tpu.memory_space<semaphore_mem>>)
      %dma_wait3A_579 = arith.constant 0 : i32
      %dma_wait3A_580 = tpu.memref_slice %arg25[%add3A_284, %dma_wait3A_579] : memref<10240x96xf32, #tpu.memory_space<vmem_shared>> -> memref<128x96xf32, #tpu.memory_space<vmem_shared>>
      %dma_wait3A_581 = arith.constant 0 : i32
      %dma_wait3A_582 = tpu.memref_slice %arg25[%add3A_284, %dma_wait3A_581] : memref<10240x96xf32, #tpu.memory_space<vmem_shared>> -> memref<128x96xf32, #tpu.memory_space<vmem_shared>>
      tpu.wait_dma2 semaphore(%run_scoped3A : memref<!tpu.dma_semaphore, #tpu.memory_space<semaphore_mem>>) src(%dma_wait3A_582 : memref<128x96xf32, #tpu.memory_space<vmem_shared>>) dst(%arg15 : memref<128x96xf32, #tpu.memory_space<vmem>>)
      tpu.yield
    }) : () -> ()
    %add3A_285 = arith.constant 512 : i32
    %add3A_286 = arith.addi %add3A_266, %add3A_285 : i32
    "tpu.region"() ({
      %run_scoped3A = tpu.sem_alloc : memref<!tpu.dma_semaphore, #tpu.memory_space<semaphore_mem>>
      %dma_start3A_575 = arith.constant 0 : i32
      %dma_start3A_576 = tpu.memref_slice %arg8[%add3A_286, %dma_start3A_575] : memref<40960x96xf32, #tpu.memory_space<hbm>> -> memref<128x96xf32, #tpu.memory_space<hbm>>
      %dma_start3A_577 = arith.constant 0 : i32
      %dma_start3A_578 = tpu.memref_slice %arg8[%add3A_286, %dma_start3A_577] : memref<40960x96xf32, #tpu.memory_space<hbm>> -> memref<128x96xf32, #tpu.memory_space<hbm>>
      tpu.enqueue_dma source(%arg15 : memref<128x96xf32, #tpu.memory_space<vmem>>) target(%dma_start3A_578 : memref<128x96xf32, #tpu.memory_space<hbm>>) target_semaphore(%run_scoped3A : memref<!tpu.dma_semaphore, #tpu.memory_space<semaphore_mem>>)
      %dma_wait3A_579 = arith.constant 0 : i32
      %dma_wait3A_580 = tpu.memref_slice %arg8[%add3A_286, %dma_wait3A_579] : memref<40960x96xf32, #tpu.memory_space<hbm>> -> memref<128x96xf32, #tpu.memory_space<hbm>>
      %dma_wait3A_581 = arith.constant 0 : i32
      %dma_wait3A_582 = tpu.memref_slice %arg8[%add3A_286, %dma_wait3A_581] : memref<40960x96xf32, #tpu.memory_space<hbm>> -> memref<128x96xf32, #tpu.memory_space<hbm>>
      tpu.wait_dma2 semaphore(%run_scoped3A : memref<!tpu.dma_semaphore, #tpu.memory_space<semaphore_mem>>) src(%arg15 : memref<128x96xf32, #tpu.memory_space<vmem>>) dst(%dma_wait3A_582 : memref<128x96xf32, #tpu.memory_space<hbm>>)
      tpu.yield
    }) : () -> ()
    %barrier3A_287 = arith.constant 0 : index
    tpu.barrier barrier_id(%barrier3A_287)
    %add3A_288 = arith.constant 0 : i32
    %add3A_289 = vector.broadcast %add3A_288 : i32 to vector<16xi32>
    %add3A_290 = arith.addi %iota3A, %add3A_289 : vector<16xi32>
    %jit3A_291 = arith.constant 20 : i32
    %div3A_292 = vector.broadcast %jit3A_291 : i32 to vector<16xi32>
    %div3A_293 = arith.divsi %add3A_290, %div3A_292 : vector<16xi32>
    %sign3A_294 = arith.constant 0 : i32
    %sign3A_295 = vector.broadcast %sign3A_294 : i32 to vector<16xi32>
    %sign3A_296 = arith.cmpi sgt, %add3A_290, %sign3A_295 : vector<16xi32>
    %sign3A_297 = arith.extui %sign3A_296 : vector<16xi1> to vector<16xi32>
    %sign3A_298 = arith.constant 0 : i32
    %sign3A_299 = vector.broadcast %sign3A_298 : i32 to vector<16xi32>
    %sign3A_300 = arith.cmpi slt, %add3A_290, %sign3A_299 : vector<16xi32>
    %sign3A_301 = arith.extui %sign3A_300 : vector<16xi1> to vector<16xi32>
    %sign3A_302 = arith.subi %sign3A_297, %sign3A_301 : vector<16xi32>
    %sign3A_303 = arith.constant 0 : i32
    %sign3A_304 = arith.cmpi sgt, %jit3A_291, %sign3A_303 : i32
    %sign3A_305 = arith.extui %sign3A_304 : i1 to i32
    %sign3A_306 = arith.constant 0 : i32
    %sign3A_307 = arith.cmpi slt, %jit3A_291, %sign3A_306 : i32
    %sign3A_308 = arith.extui %sign3A_307 : i1 to i32
    %sign3A_309 = arith.subi %sign3A_305, %sign3A_308 : i32
    %ne3A_310 = vector.broadcast %sign3A_309 : i32 to vector<16xi32>
    %ne3A_311 = arith.cmpi ne, %sign3A_302, %ne3A_310 : vector<16xi32>
    %rem3A_312 = vector.broadcast %jit3A_291 : i32 to vector<16xi32>
    %rem3A_313 = arith.remsi %add3A_290, %rem3A_312 : vector<16xi32>
    %ne3A_314 = arith.constant 0 : i32
    %ne3A_315 = vector.broadcast %ne3A_314 : i32 to vector<16xi32>
    %ne3A_316 = arith.cmpi ne, %rem3A_313, %ne3A_315 : vector<16xi32>
    %and3A_317 = arith.andi %ne3A_311, %ne3A_316 : vector<16xi1>
    %sub3A_318 = arith.constant 1 : i32
    %sub3A_319 = vector.broadcast %sub3A_318 : i32 to vector<16xi32>
    %sub3A_320 = arith.subi %div3A_293, %sub3A_319 : vector<16xi32>
    %select_n3A_321 = arith.select %and3A_317, %sub3A_320, %div3A_293 : vector<16xi1>, vector<16xi32>
    %add3A_322 = arith.constant 4 : i32
    %add3A_323 = vector.broadcast %add3A_322 : i32 to vector<16xi32>
    %add3A_324 = arith.addi %select_n3A_321, %add3A_323 : vector<16xi32>
    %add3A_325 = arith.constant 16 : i32
    %add3A_326 = vector.broadcast %add3A_325 : i32 to vector<16xi32>
    %add3A_327 = arith.addi %iota3A, %add3A_326 : vector<16xi32>
    %jit3A_328 = arith.constant 20 : i32
    %div3A_329 = vector.broadcast %jit3A_328 : i32 to vector<16xi32>
    %div3A_330 = arith.divsi %add3A_327, %div3A_329 : vector<16xi32>
    %sign3A_331 = arith.constant 0 : i32
    %sign3A_332 = vector.broadcast %sign3A_331 : i32 to vector<16xi32>
    %sign3A_333 = arith.cmpi sgt, %add3A_327, %sign3A_332 : vector<16xi32>
    %sign3A_334 = arith.extui %sign3A_333 : vector<16xi1> to vector<16xi32>
    %sign3A_335 = arith.constant 0 : i32
    %sign3A_336 = vector.broadcast %sign3A_335 : i32 to vector<16xi32>
    %sign3A_337 = arith.cmpi slt, %add3A_327, %sign3A_336 : vector<16xi32>
    %sign3A_338 = arith.extui %sign3A_337 : vector<16xi1> to vector<16xi32>
    %sign3A_339 = arith.subi %sign3A_334, %sign3A_338 : vector<16xi32>
    %sign3A_340 = arith.constant 0 : i32
    %sign3A_341 = arith.cmpi sgt, %jit3A_328, %sign3A_340 : i32
    %sign3A_342 = arith.extui %sign3A_341 : i1 to i32
    %sign3A_343 = arith.constant 0 : i32
    %sign3A_344 = arith.cmpi slt, %jit3A_328, %sign3A_343 : i32
    %sign3A_345 = arith.extui %sign3A_344 : i1 to i32
    %sign3A_346 = arith.subi %sign3A_342, %sign3A_345 : i32
    %ne3A_347 = vector.broadcast %sign3A_346 : i32 to vector<16xi32>
    %ne3A_348 = arith.cmpi ne, %sign3A_339, %ne3A_347 : vector<16xi32>
    %rem3A_349 = vector.broadcast %jit3A_328 : i32 to vector<16xi32>
    %rem3A_350 = arith.remsi %add3A_327, %rem3A_349 : vector<16xi32>
    %ne3A_351 = arith.constant 0 : i32
    %ne3A_352 = vector.broadcast %ne3A_351 : i32 to vector<16xi32>
    %ne3A_353 = arith.cmpi ne, %rem3A_350, %ne3A_352 : vector<16xi32>
    %and3A_354 = arith.andi %ne3A_348, %ne3A_353 : vector<16xi1>
    %sub3A_355 = arith.constant 1 : i32
    %sub3A_356 = vector.broadcast %sub3A_355 : i32 to vector<16xi32>
    %sub3A_357 = arith.subi %div3A_330, %sub3A_356 : vector<16xi32>
    %select_n3A_358 = arith.select %and3A_354, %sub3A_357, %div3A_330 : vector<16xi1>, vector<16xi32>
    %add3A_359 = arith.constant 4 : i32
    %add3A_360 = vector.broadcast %add3A_359 : i32 to vector<16xi32>
    %add3A_361 = arith.addi %select_n3A_358, %add3A_360 : vector<16xi32>
    %add3A_362 = arith.constant 32 : i32
    %add3A_363 = vector.broadcast %add3A_362 : i32 to vector<16xi32>
    %add3A_364 = arith.addi %iota3A, %add3A_363 : vector<16xi32>
    %jit3A_365 = arith.constant 20 : i32
    %div3A_366 = vector.broadcast %jit3A_365 : i32 to vector<16xi32>
    %div3A_367 = arith.divsi %add3A_364, %div3A_366 : vector<16xi32>
    %sign3A_368 = arith.constant 0 : i32
    %sign3A_369 = vector.broadcast %sign3A_368 : i32 to vector<16xi32>
    %sign3A_370 = arith.cmpi sgt, %add3A_364, %sign3A_369 : vector<16xi32>
    %sign3A_371 = arith.extui %sign3A_370 : vector<16xi1> to vector<16xi32>
    %sign3A_372 = arith.constant 0 : i32
    %sign3A_373 = vector.broadcast %sign3A_372 : i32 to vector<16xi32>
    %sign3A_374 = arith.cmpi slt, %add3A_364, %sign3A_373 : vector<16xi32>
    %sign3A_375 = arith.extui %sign3A_374 : vector<16xi1> to vector<16xi32>
    %sign3A_376 = arith.subi %sign3A_371, %sign3A_375 : vector<16xi32>
    %sign3A_377 = arith.constant 0 : i32
    %sign3A_378 = arith.cmpi sgt, %jit3A_365, %sign3A_377 : i32
    %sign3A_379 = arith.extui %sign3A_378 : i1 to i32
    %sign3A_380 = arith.constant 0 : i32
    %sign3A_381 = arith.cmpi slt, %jit3A_365, %sign3A_380 : i32
    %sign3A_382 = arith.extui %sign3A_381 : i1 to i32
    %sign3A_383 = arith.subi %sign3A_379, %sign3A_382 : i32
    %ne3A_384 = vector.broadcast %sign3A_383 : i32 to vector<16xi32>
    %ne3A_385 = arith.cmpi ne, %sign3A_376, %ne3A_384 : vector<16xi32>
    %rem3A_386 = vector.broadcast %jit3A_365 : i32 to vector<16xi32>
    %rem3A_387 = arith.remsi %add3A_364, %rem3A_386 : vector<16xi32>
    %ne3A_388 = arith.constant 0 : i32
    %ne3A_389 = vector.broadcast %ne3A_388 : i32 to vector<16xi32>
    %ne3A_390 = arith.cmpi ne, %rem3A_387, %ne3A_389 : vector<16xi32>
    %and3A_391 = arith.andi %ne3A_385, %ne3A_390 : vector<16xi1>
    %sub3A_392 = arith.constant 1 : i32
    %sub3A_393 = vector.broadcast %sub3A_392 : i32 to vector<16xi32>
    %sub3A_394 = arith.subi %div3A_367, %sub3A_393 : vector<16xi32>
    %select_n3A_395 = arith.select %and3A_391, %sub3A_394, %div3A_367 : vector<16xi1>, vector<16xi32>
    %add3A_396 = arith.constant 4 : i32
    %add3A_397 = vector.broadcast %add3A_396 : i32 to vector<16xi32>
    %add3A_398 = arith.addi %select_n3A_395, %add3A_397 : vector<16xi32>
    %add3A_399 = arith.constant 48 : i32
    %add3A_400 = vector.broadcast %add3A_399 : i32 to vector<16xi32>
    %add3A_401 = arith.addi %iota3A, %add3A_400 : vector<16xi32>
    %jit3A_402 = arith.constant 20 : i32
    %div3A_403 = vector.broadcast %jit3A_402 : i32 to vector<16xi32>
    %div3A_404 = arith.divsi %add3A_401, %div3A_403 : vector<16xi32>
    %sign3A_405 = arith.constant 0 : i32
    %sign3A_406 = vector.broadcast %sign3A_405 : i32 to vector<16xi32>
    %sign3A_407 = arith.cmpi sgt, %add3A_401, %sign3A_406 : vector<16xi32>
    %sign3A_408 = arith.extui %sign3A_407 : vector<16xi1> to vector<16xi32>
    %sign3A_409 = arith.constant 0 : i32
    %sign3A_410 = vector.broadcast %sign3A_409 : i32 to vector<16xi32>
    %sign3A_411 = arith.cmpi slt, %add3A_401, %sign3A_410 : vector<16xi32>
    %sign3A_412 = arith.extui %sign3A_411 : vector<16xi1> to vector<16xi32>
    %sign3A_413 = arith.subi %sign3A_408, %sign3A_412 : vector<16xi32>
    %sign3A_414 = arith.constant 0 : i32
    %sign3A_415 = arith.cmpi sgt, %jit3A_402, %sign3A_414 : i32
    %sign3A_416 = arith.extui %sign3A_415 : i1 to i32
    %sign3A_417 = arith.constant 0 : i32
    %sign3A_418 = arith.cmpi slt, %jit3A_402, %sign3A_417 : i32
    %sign3A_419 = arith.extui %sign3A_418 : i1 to i32
    %sign3A_420 = arith.subi %sign3A_416, %sign3A_419 : i32
    %ne3A_421 = vector.broadcast %sign3A_420 : i32 to vector<16xi32>
    %ne3A_422 = arith.cmpi ne, %sign3A_413, %ne3A_421 : vector<16xi32>
    %rem3A_423 = vector.broadcast %jit3A_402 : i32 to vector<16xi32>
    %rem3A_424 = arith.remsi %add3A_401, %rem3A_423 : vector<16xi32>
    %ne3A_425 = arith.constant 0 : i32
    %ne3A_426 = vector.broadcast %ne3A_425 : i32 to vector<16xi32>
    %ne3A_427 = arith.cmpi ne, %rem3A_424, %ne3A_426 : vector<16xi32>
    %and3A_428 = arith.andi %ne3A_422, %ne3A_427 : vector<16xi1>
    %sub3A_429 = arith.constant 1 : i32
    %sub3A_430 = vector.broadcast %sub3A_429 : i32 to vector<16xi32>
    %sub3A_431 = arith.subi %div3A_404, %sub3A_430 : vector<16xi32>
    %select_n3A_432 = arith.select %and3A_428, %sub3A_431, %div3A_404 : vector<16xi1>, vector<16xi32>
    %add3A_433 = arith.constant 4 : i32
    %add3A_434 = vector.broadcast %add3A_433 : i32 to vector<16xi32>
    %add3A_435 = arith.addi %select_n3A_432, %add3A_434 : vector<16xi32>
    %add3A_436 = arith.constant 64 : i32
    %add3A_437 = vector.broadcast %add3A_436 : i32 to vector<16xi32>
    %add3A_438 = arith.addi %iota3A, %add3A_437 : vector<16xi32>
    %jit3A_439 = arith.constant 20 : i32
    %div3A_440 = vector.broadcast %jit3A_439 : i32 to vector<16xi32>
    %div3A_441 = arith.divsi %add3A_438, %div3A_440 : vector<16xi32>
    %sign3A_442 = arith.constant 0 : i32
    %sign3A_443 = vector.broadcast %sign3A_442 : i32 to vector<16xi32>
    %sign3A_444 = arith.cmpi sgt, %add3A_438, %sign3A_443 : vector<16xi32>
    %sign3A_445 = arith.extui %sign3A_444 : vector<16xi1> to vector<16xi32>
    %sign3A_446 = arith.constant 0 : i32
    %sign3A_447 = vector.broadcast %sign3A_446 : i32 to vector<16xi32>
    %sign3A_448 = arith.cmpi slt, %add3A_438, %sign3A_447 : vector<16xi32>
    %sign3A_449 = arith.extui %sign3A_448 : vector<16xi1> to vector<16xi32>
    %sign3A_450 = arith.subi %sign3A_445, %sign3A_449 : vector<16xi32>
    %sign3A_451 = arith.constant 0 : i32
    %sign3A_452 = arith.cmpi sgt, %jit3A_439, %sign3A_451 : i32
    %sign3A_453 = arith.extui %sign3A_452 : i1 to i32
    %sign3A_454 = arith.constant 0 : i32
    %sign3A_455 = arith.cmpi slt, %jit3A_439, %sign3A_454 : i32
    %sign3A_456 = arith.extui %sign3A_455 : i1 to i32
    %sign3A_457 = arith.subi %sign3A_453, %sign3A_456 : i32
    %ne3A_458 = vector.broadcast %sign3A_457 : i32 to vector<16xi32>
    %ne3A_459 = arith.cmpi ne, %sign3A_450, %ne3A_458 : vector<16xi32>
    %rem3A_460 = vector.broadcast %jit3A_439 : i32 to vector<16xi32>
    %rem3A_461 = arith.remsi %add3A_438, %rem3A_460 : vector<16xi32>
    %ne3A_462 = arith.constant 0 : i32
    %ne3A_463 = vector.broadcast %ne3A_462 : i32 to vector<16xi32>
    %ne3A_464 = arith.cmpi ne, %rem3A_461, %ne3A_463 : vector<16xi32>
    %and3A_465 = arith.andi %ne3A_459, %ne3A_464 : vector<16xi1>
    %sub3A_466 = arith.constant 1 : i32
    %sub3A_467 = vector.broadcast %sub3A_466 : i32 to vector<16xi32>
    %sub3A_468 = arith.subi %div3A_441, %sub3A_467 : vector<16xi32>
    %select_n3A_469 = arith.select %and3A_465, %sub3A_468, %div3A_441 : vector<16xi1>, vector<16xi32>
    %add3A_470 = arith.constant 4 : i32
    %add3A_471 = vector.broadcast %add3A_470 : i32 to vector<16xi32>
    %add3A_472 = arith.addi %select_n3A_469, %add3A_471 : vector<16xi32>
    %scan3A_473 = arith.constant 0 : i32
    %scan3A_474 = arith.constant 128 : i32
    %scan3A_475 = arith.addi %scan3A_473, %scan3A_474 : i32
    %scan3A_476 = arith.constant 1 : i32
    scf.for %scan3A_575 = %scan3A_473 to %scan3A_475 step %scan3A_476  : i32 {
      %mul3A_576 = arith.constant 1 : i32
      %mul3A_577 = arith.muli %scan3A_575, %mul3A_576 : i32
      %add3A_578 = arith.constant 0 : i32
      %add3A_579 = arith.addi %add3A_578, %mul3A_577 : i32
      %swap3A = arith.index_cast %add3A_579 : i32 to index
      %swap3A_580 = arith.constant 0 : index
      %swap3A_581 = tpu.vector_load %arg15[%swap3A, %swap3A_580] {strides = array<i32>} : memref<128x96xf32, #tpu.memory_space<vmem>>, vector<16xf32>,
      tpu.vector_store %arg15[%swap3A, %swap3A_580], %broadcast_in_dim3A_6 {strides = array<i32>} : memref<128x96xf32, #tpu.memory_space<vmem>>, vector<16xf32>,
      %swap3A_582 = arith.index_cast %add3A_579 : i32 to index
      %swap3A_583 = arith.constant 16 : index
      %swap3A_584 = tpu.vector_load %arg15[%swap3A_582, %swap3A_583] {strides = array<i32>} : memref<128x96xf32, #tpu.memory_space<vmem>>, vector<16xf32>,
      tpu.vector_store %arg15[%swap3A_582, %swap3A_583], %broadcast_in_dim3A_6 {strides = array<i32>} : memref<128x96xf32, #tpu.memory_space<vmem>>, vector<16xf32>,
      %swap3A_585 = arith.index_cast %add3A_579 : i32 to index
      %swap3A_586 = arith.constant 32 : index
      %swap3A_587 = tpu.vector_load %arg15[%swap3A_585, %swap3A_586] {strides = array<i32>} : memref<128x96xf32, #tpu.memory_space<vmem>>, vector<16xf32>,
      tpu.vector_store %arg15[%swap3A_585, %swap3A_586], %broadcast_in_dim3A_6 {strides = array<i32>} : memref<128x96xf32, #tpu.memory_space<vmem>>, vector<16xf32>,
      %swap3A_588 = arith.index_cast %add3A_579 : i32 to index
      %swap3A_589 = arith.constant 48 : index
      %swap3A_590 = tpu.vector_load %arg15[%swap3A_588, %swap3A_589] {strides = array<i32>} : memref<128x96xf32, #tpu.memory_space<vmem>>, vector<16xf32>,
      tpu.vector_store %arg15[%swap3A_588, %swap3A_589], %broadcast_in_dim3A_6 {strides = array<i32>} : memref<128x96xf32, #tpu.memory_space<vmem>>, vector<16xf32>,
      %swap3A_591 = arith.index_cast %add3A_579 : i32 to index
      %swap3A_592 = arith.constant 64 : index
      %swap3A_593 = tpu.vector_load %arg15[%swap3A_591, %swap3A_592] {strides = array<i32>} : memref<128x96xf32, #tpu.memory_space<vmem>>, vector<16xf32>,
      tpu.vector_store %arg15[%swap3A_591, %swap3A_592], %broadcast_in_dim3A_6 {strides = array<i32>} : memref<128x96xf32, #tpu.memory_space<vmem>>, vector<16xf32>,
      %swap3A_594 = arith.index_cast %add3A_579 : i32 to index
      %swap3A_595 = arith.constant 80 : index
      %swap3A_596 = tpu.vector_load %arg15[%swap3A_594, %swap3A_595] {strides = array<i32>} : memref<128x96xf32, #tpu.memory_space<vmem>>, vector<16xf32>,
      tpu.vector_store %arg15[%swap3A_594, %swap3A_595], %broadcast_in_dim3A_6 {strides = array<i32>} : memref<128x96xf32, #tpu.memory_space<vmem>>, vector<16xf32>,
    }
    %scan3A_477 = arith.constant 128 : i32
    %add3A_478 = arith.constant 0 : i32
    %add3A_479 = arith.addi %mul3A_8, %add3A_478 : i32
    "tpu.region"() ({
      %run_scoped3A = tpu.sem_alloc : memref<!tpu.dma_semaphore, #tpu.memory_space<semaphore_mem>>
      %dma_start3A_575 = arith.constant 0 : i32
      %dma_start3A_576 = tpu.memref_slice %arg25[%add3A_479, %dma_start3A_575] : memref<10240x96xf32, #tpu.memory_space<vmem_shared>> -> memref<128x96xf32, #tpu.memory_space<vmem_shared>>
      %dma_start3A_577 = arith.constant 0 : i32
      %dma_start3A_578 = tpu.memref_slice %arg25[%add3A_479, %dma_start3A_577] : memref<10240x96xf32, #tpu.memory_space<vmem_shared>> -> memref<128x96xf32, #tpu.memory_space<vmem_shared>>
      tpu.enqueue_dma source(%arg15 : memref<128x96xf32, #tpu.memory_space<vmem>>) target(%dma_start3A_578 : memref<128x96xf32, #tpu.memory_space<vmem_shared>>) target_semaphore(%run_scoped3A : memref<!tpu.dma_semaphore, #tpu.memory_space<semaphore_mem>>)
      %dma_wait3A_579 = arith.constant 0 : i32
      %dma_wait3A_580 = tpu.memref_slice %arg25[%add3A_479, %dma_wait3A_579] : memref<10240x96xf32, #tpu.memory_space<vmem_shared>> -> memref<128x96xf32, #tpu.memory_space<vmem_shared>>
      %dma_wait3A_581 = arith.constant 0 : i32
      %dma_wait3A_582 = tpu.memref_slice %arg25[%add3A_479, %dma_wait3A_581] : memref<10240x96xf32, #tpu.memory_space<vmem_shared>> -> memref<128x96xf32, #tpu.memory_space<vmem_shared>>
      tpu.wait_dma2 semaphore(%run_scoped3A : memref<!tpu.dma_semaphore, #tpu.memory_space<semaphore_mem>>) src(%arg15 : memref<128x96xf32, #tpu.memory_space<vmem>>) dst(%dma_wait3A_582 : memref<128x96xf32, #tpu.memory_space<vmem_shared>>)
      tpu.yield
    }) : () -> ()
    %add3A_480 = arith.constant 128 : i32
    %add3A_481 = arith.addi %mul3A_8, %add3A_480 : i32
    "tpu.region"() ({
      %run_scoped3A = tpu.sem_alloc : memref<!tpu.dma_semaphore, #tpu.memory_space<semaphore_mem>>
      %dma_start3A_575 = arith.constant 0 : i32
      %dma_start3A_576 = tpu.memref_slice %arg25[%add3A_481, %dma_start3A_575] : memref<10240x96xf32, #tpu.memory_space<vmem_shared>> -> memref<128x96xf32, #tpu.memory_space<vmem_shared>>
      %dma_start3A_577 = arith.constant 0 : i32
      %dma_start3A_578 = tpu.memref_slice %arg25[%add3A_481, %dma_start3A_577] : memref<10240x96xf32, #tpu.memory_space<vmem_shared>> -> memref<128x96xf32, #tpu.memory_space<vmem_shared>>
      tpu.enqueue_dma source(%arg15 : memref<128x96xf32, #tpu.memory_space<vmem>>) target(%dma_start3A_578 : memref<128x96xf32, #tpu.memory_space<vmem_shared>>) target_semaphore(%run_scoped3A : memref<!tpu.dma_semaphore, #tpu.memory_space<semaphore_mem>>)
      %dma_wait3A_579 = arith.constant 0 : i32
      %dma_wait3A_580 = tpu.memref_slice %arg25[%add3A_481, %dma_wait3A_579] : memref<10240x96xf32, #tpu.memory_space<vmem_shared>> -> memref<128x96xf32, #tpu.memory_space<vmem_shared>>
      %dma_wait3A_581 = arith.constant 0 : i32
      %dma_wait3A_582 = tpu.memref_slice %arg25[%add3A_481, %dma_wait3A_581] : memref<10240x96xf32, #tpu.memory_space<vmem_shared>> -> memref<128x96xf32, #tpu.memory_space<vmem_shared>>
      tpu.wait_dma2 semaphore(%run_scoped3A : memref<!tpu.dma_semaphore, #tpu.memory_space<semaphore_mem>>) src(%arg15 : memref<128x96xf32, #tpu.memory_space<vmem>>) dst(%dma_wait3A_582 : memref<128x96xf32, #tpu.memory_space<vmem_shared>>)
      tpu.yield
    }) : () -> ()
    %add3A_482 = arith.constant 256 : i32
    %add3A_483 = arith.addi %mul3A_8, %add3A_482 : i32
    "tpu.region"() ({
      %run_scoped3A = tpu.sem_alloc : memref<!tpu.dma_semaphore, #tpu.memory_space<semaphore_mem>>
      %dma_start3A_575 = arith.constant 0 : i32
      %dma_start3A_576 = tpu.memref_slice %arg25[%add3A_483, %dma_start3A_575] : memref<10240x96xf32, #tpu.memory_space<vmem_shared>> -> memref<128x96xf32, #tpu.memory_space<vmem_shared>>
      %dma_start3A_577 = arith.constant 0 : i32
      %dma_start3A_578 = tpu.memref_slice %arg25[%add3A_483, %dma_start3A_577] : memref<10240x96xf32, #tpu.memory_space<vmem_shared>> -> memref<128x96xf32, #tpu.memory_space<vmem_shared>>
      tpu.enqueue_dma source(%arg15 : memref<128x96xf32, #tpu.memory_space<vmem>>) target(%dma_start3A_578 : memref<128x96xf32, #tpu.memory_space<vmem_shared>>) target_semaphore(%run_scoped3A : memref<!tpu.dma_semaphore, #tpu.memory_space<semaphore_mem>>)
      %dma_wait3A_579 = arith.constant 0 : i32
      %dma_wait3A_580 = tpu.memref_slice %arg25[%add3A_483, %dma_wait3A_579] : memref<10240x96xf32, #tpu.memory_space<vmem_shared>> -> memref<128x96xf32, #tpu.memory_space<vmem_shared>>
      %dma_wait3A_581 = arith.constant 0 : i32
      %dma_wait3A_582 = tpu.memref_slice %arg25[%add3A_483, %dma_wait3A_581] : memref<10240x96xf32, #tpu.memory_space<vmem_shared>> -> memref<128x96xf32, #tpu.memory_space<vmem_shared>>
      tpu.wait_dma2 semaphore(%run_scoped3A : memref<!tpu.dma_semaphore, #tpu.memory_space<semaphore_mem>>) src(%arg15 : memref<128x96xf32, #tpu.memory_space<vmem>>) dst(%dma_wait3A_582 : memref<128x96xf32, #tpu.memory_space<vmem_shared>>)
      tpu.yield
    }) : () -> ()
    %add3A_484 = arith.constant 384 : i32
    %add3A_485 = arith.addi %mul3A_8, %add3A_484 : i32
    "tpu.region"() ({
      %run_scoped3A = tpu.sem_alloc : memref<!tpu.dma_semaphore, #tpu.memory_space<semaphore_mem>>
      %dma_start3A_575 = arith.constant 0 : i32
      %dma_start3A_576 = tpu.memref_slice %arg25[%add3A_485, %dma_start3A_575] : memref<10240x96xf32, #tpu.memory_space<vmem_shared>> -> memref<128x96xf32, #tpu.memory_space<vmem_shared>>
      %dma_start3A_577 = arith.constant 0 : i32
      %dma_start3A_578 = tpu.memref_slice %arg25[%add3A_485, %dma_start3A_577] : memref<10240x96xf32, #tpu.memory_space<vmem_shared>> -> memref<128x96xf32, #tpu.memory_space<vmem_shared>>
      tpu.enqueue_dma source(%arg15 : memref<128x96xf32, #tpu.memory_space<vmem>>) target(%dma_start3A_578 : memref<128x96xf32, #tpu.memory_space<vmem_shared>>) target_semaphore(%run_scoped3A : memref<!tpu.dma_semaphore, #tpu.memory_space<semaphore_mem>>)
      %dma_wait3A_579 = arith.constant 0 : i32
      %dma_wait3A_580 = tpu.memref_slice %arg25[%add3A_485, %dma_wait3A_579] : memref<10240x96xf32, #tpu.memory_space<vmem_shared>> -> memref<128x96xf32, #tpu.memory_space<vmem_shared>>
      %dma_wait3A_581 = arith.constant 0 : i32
      %dma_wait3A_582 = tpu.memref_slice %arg25[%add3A_485, %dma_wait3A_581] : memref<10240x96xf32, #tpu.memory_space<vmem_shared>> -> memref<128x96xf32, #tpu.memory_space<vmem_shared>>
      tpu.wait_dma2 semaphore(%run_scoped3A : memref<!tpu.dma_semaphore, #tpu.memory_space<semaphore_mem>>) src(%arg15 : memref<128x96xf32, #tpu.memory_space<vmem>>) dst(%dma_wait3A_582 : memref<128x96xf32, #tpu.memory_space<vmem_shared>>)
      tpu.yield
    }) : () -> ()
    %add3A_486 = arith.constant 512 : i32
    %add3A_487 = arith.addi %mul3A_8, %add3A_486 : i32
    "tpu.region"() ({
      %run_scoped3A = tpu.sem_alloc : memref<!tpu.dma_semaphore, #tpu.memory_space<semaphore_mem>>
      %dma_start3A_575 = arith.constant 0 : i32
      %dma_start3A_576 = tpu.memref_slice %arg25[%add3A_487, %dma_start3A_575] : memref<10240x96xf32, #tpu.memory_space<vmem_shared>> -> memref<128x96xf32, #tpu.memory_space<vmem_shared>>
      %dma_start3A_577 = arith.constant 0 : i32
      %dma_start3A_578 = tpu.memref_slice %arg25[%add3A_487, %dma_start3A_577] : memref<10240x96xf32, #tpu.memory_space<vmem_shared>> -> memref<128x96xf32, #tpu.memory_space<vmem_shared>>
      tpu.enqueue_dma source(%arg15 : memref<128x96xf32, #tpu.memory_space<vmem>>) target(%dma_start3A_578 : memref<128x96xf32, #tpu.memory_space<vmem_shared>>) target_semaphore(%run_scoped3A : memref<!tpu.dma_semaphore, #tpu.memory_space<semaphore_mem>>)
      %dma_wait3A_579 = arith.constant 0 : i32
      %dma_wait3A_580 = tpu.memref_slice %arg25[%add3A_487, %dma_wait3A_579] : memref<10240x96xf32, #tpu.memory_space<vmem_shared>> -> memref<128x96xf32, #tpu.memory_space<vmem_shared>>
      %dma_wait3A_581 = arith.constant 0 : i32
      %dma_wait3A_582 = tpu.memref_slice %arg25[%add3A_487, %dma_wait3A_581] : memref<10240x96xf32, #tpu.memory_space<vmem_shared>> -> memref<128x96xf32, #tpu.memory_space<vmem_shared>>
      tpu.wait_dma2 semaphore(%run_scoped3A : memref<!tpu.dma_semaphore, #tpu.memory_space<semaphore_mem>>) src(%arg15 : memref<128x96xf32, #tpu.memory_space<vmem>>) dst(%dma_wait3A_582 : memref<128x96xf32, #tpu.memory_space<vmem_shared>>)
      tpu.yield
    }) : () -> ()
    %barrier3A_488 = arith.constant 0 : index
    tpu.barrier barrier_id(%barrier3A_488)
    %add3A_489 = arith.constant 0 : i32
    %add3A_490 = arith.addi %mul3A_10, %add3A_489 : i32
    %dma_start3A_491 = tpu.memref_slice %arg2[%add3A_490] : memref<336128xi32, #tpu.memory_space<hbm>> -> memref<128xi32, #tpu.memory_space<hbm>>
    %dma_start3A_492 = tpu.memref_slice %arg2[%add3A_490] : memref<336128xi32, #tpu.memory_space<hbm>> -> memref<128xi32, #tpu.memory_space<hbm>>
    tpu.enqueue_dma source(%dma_start3A_492 : memref<128xi32, #tpu.memory_space<hbm>>) target(%arg9 : memref<128xi32, #tpu.memory_space<vmem>>) target_semaphore(%arg26 : memref<!tpu.dma_semaphore, #tpu.memory_space<semaphore_mem>>)
    %dma_start3A_493 = tpu.memref_slice %arg3[%add3A_490] : memref<336128xi32, #tpu.memory_space<hbm>> -> memref<128xi32, #tpu.memory_space<hbm>>
    %dma_start3A_494 = tpu.memref_slice %arg3[%add3A_490] : memref<336128xi32, #tpu.memory_space<hbm>> -> memref<128xi32, #tpu.memory_space<hbm>>
    tpu.enqueue_dma source(%dma_start3A_494 : memref<128xi32, #tpu.memory_space<hbm>>) target(%arg10 : memref<128xi32, #tpu.memory_space<vmem>>) target_semaphore(%arg26 : memref<!tpu.dma_semaphore, #tpu.memory_space<semaphore_mem>>)
    %add3A_495 = arith.constant 128 : i32
    %add3A_496 = arith.addi %mul3A_10, %add3A_495 : i32
    %dma_start3A_497 = tpu.memref_slice %arg2[%add3A_496] : memref<336128xi32, #tpu.memory_space<hbm>> -> memref<128xi32, #tpu.memory_space<hbm>>
    %dma_start3A_498 = tpu.memref_slice %arg2[%add3A_496] : memref<336128xi32, #tpu.memory_space<hbm>> -> memref<128xi32, #tpu.memory_space<hbm>>
    tpu.enqueue_dma source(%dma_start3A_498 : memref<128xi32, #tpu.memory_space<hbm>>) target(%arg17 : memref<128xi32, #tpu.memory_space<vmem>>) target_semaphore(%arg29 : memref<!tpu.dma_semaphore, #tpu.memory_space<semaphore_mem>>)
    %dma_start3A_499 = tpu.memref_slice %arg3[%add3A_496] : memref<336128xi32, #tpu.memory_space<hbm>> -> memref<128xi32, #tpu.memory_space<hbm>>
    %dma_start3A_500 = tpu.memref_slice %arg3[%add3A_496] : memref<336128xi32, #tpu.memory_space<hbm>> -> memref<128xi32, #tpu.memory_space<hbm>>
    tpu.enqueue_dma source(%dma_start3A_500 : memref<128xi32, #tpu.memory_space<hbm>>) target(%arg18 : memref<128xi32, #tpu.memory_space<vmem>>) target_semaphore(%arg29 : memref<!tpu.dma_semaphore, #tpu.memory_space<semaphore_mem>>)
    %dma_wait3A_501 = arith.constant 0 : i32
    %dma_wait3A_502 = tpu.memref_slice %arg2[%dma_wait3A_501] : memref<336128xi32, #tpu.memory_space<hbm>> -> memref<128xi32, #tpu.memory_space<hbm>>
    %dma_wait3A_503 = arith.constant 0 : i32
    %dma_wait3A_504 = tpu.memref_slice %arg2[%dma_wait3A_503] : memref<336128xi32, #tpu.memory_space<hbm>> -> memref<128xi32, #tpu.memory_space<hbm>>
    tpu.wait_dma2 semaphore(%arg26 : memref<!tpu.dma_semaphore, #tpu.memory_space<semaphore_mem>>) src(%dma_wait3A_504 : memref<128xi32, #tpu.memory_space<hbm>>) dst(%arg9 : memref<128xi32, #tpu.memory_space<vmem>>)
    %dma_wait3A_505 = arith.constant 0 : i32
    %dma_wait3A_506 = tpu.memref_slice %arg3[%dma_wait3A_505] : memref<336128xi32, #tpu.memory_space<hbm>> -> memref<128xi32, #tpu.memory_space<hbm>>
    %dma_wait3A_507 = arith.constant 0 : i32
    %dma_wait3A_508 = tpu.memref_slice %arg3[%dma_wait3A_507] : memref<336128xi32, #tpu.memory_space<hbm>> -> memref<128xi32, #tpu.memory_space<hbm>>
    tpu.wait_dma2 semaphore(%arg26 : memref<!tpu.dma_semaphore, #tpu.memory_space<semaphore_mem>>) src(%dma_wait3A_508 : memref<128xi32, #tpu.memory_space<hbm>>) dst(%arg10 : memref<128xi32, #tpu.memory_space<vmem>>)
    %dma_start3A_509 = arith.constant 0 : i32
    %dma_start3A_510 = arith.constant 0 : i32
    %dma_start3A_511 = tpu.memref_slice %arg4[%dma_start3A_509, %dma_start3A_510] : memref<10240x16xf32, #tpu.memory_space<hbm>> -> memref<10240x16xf32, #tpu.memory_space<hbm>>
    tpu.enqueue_indirect_dma source(%dma_start3A_511 : memref<10240x16xf32, #tpu.memory_space<hbm>>) target(%arg12 : memref<128x16xf32, #tpu.memory_space<vmem>>) offsets(%arg9 : memref<128xi32, #tpu.memory_space<vmem>>) semaphore(%arg27 : memref<!tpu.dma_semaphore, #tpu.memory_space<semaphore_mem>>)
    %dma_start3A_512 = arith.constant 0 : i32
    %dma_start3A_513 = arith.constant 0 : i32
    %dma_start3A_514 = tpu.memref_slice %arg5[%dma_start3A_512, %dma_start3A_513] : memref<10240x16xf32, #tpu.memory_space<hbm>> -> memref<10240x16xf32, #tpu.memory_space<hbm>>
    tpu.enqueue_indirect_dma source(%dma_start3A_514 : memref<10240x16xf32, #tpu.memory_space<hbm>>) target(%arg13 : memref<128x16xf32, #tpu.memory_space<vmem>>) offsets(%arg10 : memref<128xi32, #tpu.memory_space<vmem>>) semaphore(%arg27 : memref<!tpu.dma_semaphore, #tpu.memory_space<semaphore_mem>>)
    %dma_start3A_515 = arith.constant 0 : i32
    %dma_start3A_516 = arith.constant 0 : i32
    %dma_start3A_517 = tpu.memref_slice %arg7[%dma_start3A_515, %dma_start3A_516] : memref<10240x96xbf16, #tpu.memory_space<hbm>> -> memref<10240x96xbf16, #tpu.memory_space<hbm>>
    tpu.enqueue_indirect_dma source(%dma_start3A_517 : memref<10240x96xbf16, #tpu.memory_space<hbm>>) target(%arg14 : memref<128x96xbf16, #tpu.memory_space<vmem>>) offsets(%arg9 : memref<128xi32, #tpu.memory_space<vmem>>) semaphore(%arg27 : memref<!tpu.dma_semaphore, #tpu.memory_space<semaphore_mem>>)
    %scan3A_518 = arith.constant 0 : i32
    %scan3A_519 = arith.constant 41 : i32
    %scan3A_520 = arith.addi %scan3A_518, %scan3A_519 : i32
    %scan3A_521 = arith.constant 1 : i32
    scf.for %scan3A_575 = %scan3A_518 to %scan3A_520 step %scan3A_521  : i32 {
      %mul3A_576 = arith.constant 1 : i32
      %mul3A_577 = arith.muli %scan3A_575, %mul3A_576 : i32
      %add3A_578 = arith.constant 0 : i32
      %add3A_579 = arith.addi %add3A_578, %mul3A_577 : i32
      %mul3A_580 = arith.constant 2 : i32
      %mul3A_581 = arith.muli %add3A_579, %mul3A_580 : i32
      %gt3A = arith.constant 0 : i32
      %gt3A_582 = arith.cmpi sgt, %add3A_579, %gt3A : i32
      %convert_element_type3A = arith.extui %gt3A_582 : i1 to i32
      %cond3A = arith.constant 0 : i32
      %cond3A_583 = arith.cmpi ne, %convert_element_type3A, %cond3A : i32
      scf.if %cond3A_583 {
        %dma_wait3A_688 = arith.constant 0 : i32
        %dma_wait3A_689 = arith.constant 0 : i32
        %dma_wait3A_690 = tpu.memref_slice %arg25[%dma_wait3A_688, %dma_wait3A_689] : memref<10240x96xf32, #tpu.memory_space<vmem_shared>> -> memref<10240x96xf32, #tpu.memory_space<vmem_shared>>
        tpu.wait_indirect_dma semaphore(%arg28 : memref<!tpu.dma_semaphore, #tpu.memory_space<semaphore_mem>>) src(%arg15 : memref<128x96xf32, #tpu.memory_space<vmem>>) dst(%dma_wait3A_690 : memref<10240x96xf32, #tpu.memory_space<vmem_shared>>)
      } else {
      }
      %dma_wait3A_584 = arith.constant 0 : i32
      %dma_wait3A_585 = arith.constant 0 : i32
      %dma_wait3A_586 = tpu.memref_slice %arg4[%dma_wait3A_584, %dma_wait3A_585] : memref<10240x16xf32, #tpu.memory_space<hbm>> -> memref<10240x16xf32, #tpu.memory_space<hbm>>
      tpu.wait_indirect_dma semaphore(%arg27 : memref<!tpu.dma_semaphore, #tpu.memory_space<semaphore_mem>>) src(%dma_wait3A_586 : memref<10240x16xf32, #tpu.memory_space<hbm>>) dst(%arg12 : memref<128x16xf32, #tpu.memory_space<vmem>>)
      %dma_wait3A_587 = arith.constant 0 : i32
      %dma_wait3A_588 = arith.constant 0 : i32
      %dma_wait3A_589 = tpu.memref_slice %arg5[%dma_wait3A_587, %dma_wait3A_588] : memref<10240x16xf32, #tpu.memory_space<hbm>> -> memref<10240x16xf32, #tpu.memory_space<hbm>>
      tpu.wait_indirect_dma semaphore(%arg27 : memref<!tpu.dma_semaphore, #tpu.memory_space<semaphore_mem>>) src(%dma_wait3A_589 : memref<10240x16xf32, #tpu.memory_space<hbm>>) dst(%arg13 : memref<128x16xf32, #tpu.memory_space<vmem>>)
      %dma_wait3A_590 = arith.constant 0 : i32
      %dma_wait3A_591 = arith.constant 0 : i32
      %dma_wait3A_592 = tpu.memref_slice %arg7[%dma_wait3A_590, %dma_wait3A_591] : memref<10240x96xbf16, #tpu.memory_space<hbm>> -> memref<10240x96xbf16, #tpu.memory_space<hbm>>
      tpu.wait_indirect_dma semaphore(%arg27 : memref<!tpu.dma_semaphore, #tpu.memory_space<semaphore_mem>>) src(%dma_wait3A_592 : memref<10240x96xbf16, #tpu.memory_space<hbm>>) dst(%arg14 : memref<128x96xbf16, #tpu.memory_space<vmem>>)
      %parallel_loop3A = arith.constant 0 : i32
      %parallel_loop3A_593 = arith.constant 8 : i32
      %parallel_loop3A_594 = arith.constant 1 : i32
      scf.for %parallel_loop3A_688 = %parallel_loop3A to %parallel_loop3A_593 step %parallel_loop3A_594  : i32 {
        %parallel_loop3A_689 = arith.constant 16 : i32
        %parallel_loop3A_690 = arith.muli %parallel_loop3A_688, %parallel_loop3A_689 : i32
        %parallel_loop3A_691 = arith.index_cast %parallel_loop3A_690 : i32 to index
        %parallel_loop3A_692 = tpu.vector_load %arg10[%parallel_loop3A_691] {strides = array<i32>} : memref<128xi32, #tpu.memory_space<vmem>>, vector<16xi32>,
        %parallel_loop3A_693 = arith.constant 16 : i32
        %parallel_loop3A_694 = arith.muli %parallel_loop3A_688, %parallel_loop3A_693 : i32
        %parallel_loop3A_695 = arith.index_cast %parallel_loop3A_694 : i32 to index
        %parallel_loop3A_696 = tpu.vector_load %arg11[%parallel_loop3A_695] {strides = array<i32>} : memref<128xi32, #tpu.memory_space<vmem>>, vector<16xi32>,
        tpu.vector_store %arg11[%parallel_loop3A_695], %parallel_loop3A_692 {strides = array<i32>} : memref<128xi32, #tpu.memory_space<vmem>>, vector<16xi32>,
      } {sc.loop_unroll_factor = 1 : i64, sc.parallel_access}
      %add3A_595 = arith.constant 2 : i32
      %add3A_596 = arith.addi %mul3A_581, %add3A_595 : i32
      %mul3A_597 = arith.constant 128 : i32
      %mul3A_598 = arith.muli %add3A_596, %mul3A_597 : i32
      %add3A_599 = arith.addi %mul3A_10, %mul3A_598 : i32
      %dma_start3A_600 = tpu.memref_slice %arg2[%add3A_599] : memref<336128xi32, #tpu.memory_space<hbm>> -> memref<128xi32, #tpu.memory_space<hbm>>
      %dma_start3A_601 = tpu.memref_slice %arg2[%add3A_599] : memref<336128xi32, #tpu.memory_space<hbm>> -> memref<128xi32, #tpu.memory_space<hbm>>
      tpu.enqueue_dma source(%dma_start3A_601 : memref<128xi32, #tpu.memory_space<hbm>>) target(%arg9 : memref<128xi32, #tpu.memory_space<vmem>>) target_semaphore(%arg26 : memref<!tpu.dma_semaphore, #tpu.memory_space<semaphore_mem>>)
      %dma_start3A_602 = tpu.memref_slice %arg3[%add3A_599] : memref<336128xi32, #tpu.memory_space<hbm>> -> memref<128xi32, #tpu.memory_space<hbm>>
      %dma_start3A_603 = tpu.memref_slice %arg3[%add3A_599] : memref<336128xi32, #tpu.memory_space<hbm>> -> memref<128xi32, #tpu.memory_space<hbm>>
      tpu.enqueue_dma source(%dma_start3A_603 : memref<128xi32, #tpu.memory_space<hbm>>) target(%arg10 : memref<128xi32, #tpu.memory_space<vmem>>) target_semaphore(%arg26 : memref<!tpu.dma_semaphore, #tpu.memory_space<semaphore_mem>>)
      %dma_wait3A_604 = arith.constant 0 : i32
      %dma_wait3A_605 = tpu.memref_slice %arg2[%dma_wait3A_604] : memref<336128xi32, #tpu.memory_space<hbm>> -> memref<128xi32, #tpu.memory_space<hbm>>
      %dma_wait3A_606 = arith.constant 0 : i32
      %dma_wait3A_607 = tpu.memref_slice %arg2[%dma_wait3A_606] : memref<336128xi32, #tpu.memory_space<hbm>> -> memref<128xi32, #tpu.memory_space<hbm>>
      tpu.wait_dma2 semaphore(%arg29 : memref<!tpu.dma_semaphore, #tpu.memory_space<semaphore_mem>>) src(%dma_wait3A_607 : memref<128xi32, #tpu.memory_space<hbm>>) dst(%arg17 : memref<128xi32, #tpu.memory_space<vmem>>)
      %dma_wait3A_608 = arith.constant 0 : i32
      %dma_wait3A_609 = tpu.memref_slice %arg3[%dma_wait3A_608] : memref<336128xi32, #tpu.memory_space<hbm>> -> memref<128xi32, #tpu.memory_space<hbm>>
      %dma_wait3A_610 = arith.constant 0 : i32
      %dma_wait3A_611 = tpu.memref_slice %arg3[%dma_wait3A_610] : memref<336128xi32, #tpu.memory_space<hbm>> -> memref<128xi32, #tpu.memory_space<hbm>>
      tpu.wait_dma2 semaphore(%arg29 : memref<!tpu.dma_semaphore, #tpu.memory_space<semaphore_mem>>) src(%dma_wait3A_611 : memref<128xi32, #tpu.memory_space<hbm>>) dst(%arg18 : memref<128xi32, #tpu.memory_space<vmem>>)
      %add3A_612 = arith.constant 1 : i32
      %add3A_613 = arith.addi %mul3A_581, %add3A_612 : i32
      %dma_start3A_614 = arith.constant 0 : i32
      %dma_start3A_615 = arith.constant 0 : i32
      %dma_start3A_616 = tpu.memref_slice %arg4[%dma_start3A_614, %dma_start3A_615] : memref<10240x16xf32, #tpu.memory_space<hbm>> -> memref<10240x16xf32, #tpu.memory_space<hbm>>
      tpu.enqueue_indirect_dma source(%dma_start3A_616 : memref<10240x16xf32, #tpu.memory_space<hbm>>) target(%arg20 : memref<128x16xf32, #tpu.memory_space<vmem>>) offsets(%arg17 : memref<128xi32, #tpu.memory_space<vmem>>) semaphore(%arg30 : memref<!tpu.dma_semaphore, #tpu.memory_space<semaphore_mem>>)
      %dma_start3A_617 = arith.constant 0 : i32
      %dma_start3A_618 = arith.constant 0 : i32
      %dma_start3A_619 = tpu.memref_slice %arg5[%dma_start3A_617, %dma_start3A_618] : memref<10240x16xf32, #tpu.memory_space<hbm>> -> memref<10240x16xf32, #tpu.memory_space<hbm>>
      tpu.enqueue_indirect_dma source(%dma_start3A_619 : memref<10240x16xf32, #tpu.memory_space<hbm>>) target(%arg21 : memref<128x16xf32, #tpu.memory_space<vmem>>) offsets(%arg18 : memref<128xi32, #tpu.memory_space<vmem>>) semaphore(%arg30 : memref<!tpu.dma_semaphore, #tpu.memory_space<semaphore_mem>>)
      %dma_start3A_620 = arith.constant 0 : i32
      %dma_start3A_621 = arith.constant 0 : i32
      %dma_start3A_622 = tpu.memref_slice %arg7[%dma_start3A_620, %dma_start3A_621] : memref<10240x96xbf16, #tpu.memory_space<hbm>> -> memref<10240x96xbf16, #tpu.memory_space<hbm>>
      tpu.enqueue_indirect_dma source(%dma_start3A_622 : memref<10240x96xbf16, #tpu.memory_space<hbm>>) target(%arg22 : memref<128x96xbf16, #tpu.memory_space<vmem>>) offsets(%arg17 : memref<128xi32, #tpu.memory_space<vmem>>) semaphore(%arg30 : memref<!tpu.dma_semaphore, #tpu.memory_space<semaphore_mem>>)
      %parallel_loop3A_623 = arith.constant 0 : i32
      %parallel_loop3A_624 = arith.constant 128 : i32
      %parallel_loop3A_625 = arith.constant 1 : i32
      scf.for %parallel_loop3A_688 = %parallel_loop3A_623 to %parallel_loop3A_624 step %parallel_loop3A_625  : i32 {
        %parallel_loop3A_689 = arith.index_cast %parallel_loop3A_688 : i32 to index
        %parallel_loop3A_690 = arith.constant 0 : index
        %parallel_loop3A_691 = tpu.vector_load %arg12[%parallel_loop3A_689, %parallel_loop3A_690] {strides = array<i32>} : memref<128x16xf32, #tpu.memory_space<vmem>>, vector<16xf32>,
        %parallel_loop3A_692 = arith.index_cast %parallel_loop3A_688 : i32 to index
        %parallel_loop3A_693 = arith.constant 0 : index
        %parallel_loop3A_694 = tpu.vector_load %arg13[%parallel_loop3A_692, %parallel_loop3A_693] {strides = array<i32>} : memref<128x16xf32, #tpu.memory_space<vmem>>, vector<16xf32>,
        %parallel_loop3A_695 = arith.addf %parallel_loop3A_691, %parallel_loop3A_694 : vector<16xf32>
        %parallel_loop3A_696 = arith.constant 2.000000e-01 : f32
        %parallel_loop3A_697 = vector.broadcast %parallel_loop3A_696 : f32 to vector<16xf32>
        %parallel_loop3A_698 = arith.mulf %parallel_loop3A_697, %parallel_loop3A_695 : vector<16xf32>
        %parallel_loop3A_699 = arith.maximumf %parallel_loop3A_695, %parallel_loop3A_698 : vector<16xf32>
        %parallel_loop3A_700 = math.exp %parallel_loop3A_699 : vector<16xf32>
        %parallel_loop3A_701 = arith.constant 16 : i32
        %parallel_loop3A_702 = arith.muli %parallel_loop3A_688, %parallel_loop3A_701 : i32
        %parallel_loop3A_703 = arith.index_cast %parallel_loop3A_702 : i32 to index
        %parallel_loop3A_704 = tpu.vector_load %arg16[%parallel_loop3A_703] {strides = array<i32>} : memref<2048xf32, #tpu.memory_space<vmem>>, vector<16xf32>,
        tpu.vector_store %arg16[%parallel_loop3A_703], %parallel_loop3A_700 {strides = array<i32>} : memref<2048xf32, #tpu.memory_space<vmem>>, vector<16xf32>,
        %parallel_loop3A_705 = arith.mulf %parallel_loop3A_700, %select_n3A : vector<16xf32>
        %parallel_loop3A_706 = arith.index_cast %parallel_loop3A_688 : i32 to index
        %parallel_loop3A_707 = arith.constant 80 : index
        %parallel_loop3A_708 = tpu.vector_load %arg15[%parallel_loop3A_706, %parallel_loop3A_707] {strides = array<i32>} : memref<128x96xf32, #tpu.memory_space<vmem>>, vector<16xf32>,
        tpu.vector_store %arg15[%parallel_loop3A_706, %parallel_loop3A_707], %parallel_loop3A_705 {strides = array<i32>} : memref<128x96xf32, #tpu.memory_space<vmem>>, vector<16xf32>,
      } {sc.loop_unroll_factor = 4 : i64, sc.parallel_access}
      %parallel_loop3A_626 = arith.constant 0 : i32
      %parallel_loop3A_627 = arith.constant 128 : i32
      %parallel_loop3A_628 = arith.constant 1 : i32
      scf.for %parallel_loop3A_688 = %parallel_loop3A_626 to %parallel_loop3A_627 step %parallel_loop3A_628  : i32 {
        %parallel_loop3A_689 = arith.constant 16 : i32
        %parallel_loop3A_690 = arith.muli %parallel_loop3A_688, %parallel_loop3A_689 : i32
        %parallel_loop3A_691 = vector.broadcast %parallel_loop3A_690 : i32 to vector<16xi32>
        %parallel_loop3A_692 = arith.addi %parallel_loop3A_691, %add3A_324 : vector<16xi32>
        %parallel_loop3A_693 = tpu.vector_load_idx %arg16[%parallel_loop3A_692] : memref<2048xf32, #tpu.memory_space<vmem>>[vector<16xi32>], vector<16xf32>,
        %parallel_loop3A_694 = arith.constant 16 : i32
        %parallel_loop3A_695 = arith.muli %parallel_loop3A_688, %parallel_loop3A_694 : i32
        %parallel_loop3A_696 = vector.broadcast %parallel_loop3A_695 : i32 to vector<16xi32>
        %parallel_loop3A_697 = arith.addi %parallel_loop3A_696, %add3A_361 : vector<16xi32>
        %parallel_loop3A_698 = tpu.vector_load_idx %arg16[%parallel_loop3A_697] : memref<2048xf32, #tpu.memory_space<vmem>>[vector<16xi32>], vector<16xf32>,
        %parallel_loop3A_699 = arith.constant 16 : i32
        %parallel_loop3A_700 = arith.muli %parallel_loop3A_688, %parallel_loop3A_699 : i32
        %parallel_loop3A_701 = vector.broadcast %parallel_loop3A_700 : i32 to vector<16xi32>
        %parallel_loop3A_702 = arith.addi %parallel_loop3A_701, %add3A_398 : vector<16xi32>
        %parallel_loop3A_703 = tpu.vector_load_idx %arg16[%parallel_loop3A_702] : memref<2048xf32, #tpu.memory_space<vmem>>[vector<16xi32>], vector<16xf32>,
        %parallel_loop3A_704 = arith.constant 16 : i32
        %parallel_loop3A_705 = arith.muli %parallel_loop3A_688, %parallel_loop3A_704 : i32
        %parallel_loop3A_706 = vector.broadcast %parallel_loop3A_705 : i32 to vector<16xi32>
        %parallel_loop3A_707 = arith.addi %parallel_loop3A_706, %add3A_435 : vector<16xi32>
        %parallel_loop3A_708 = tpu.vector_load_idx %arg16[%parallel_loop3A_707] : memref<2048xf32, #tpu.memory_space<vmem>>[vector<16xi32>], vector<16xf32>,
        %parallel_loop3A_709 = arith.constant 16 : i32
        %parallel_loop3A_710 = arith.muli %parallel_loop3A_688, %parallel_loop3A_709 : i32
        %parallel_loop3A_711 = vector.broadcast %parallel_loop3A_710 : i32 to vector<16xi32>
        %parallel_loop3A_712 = arith.addi %parallel_loop3A_711, %add3A_472 : vector<16xi32>
        %parallel_loop3A_713 = tpu.vector_load_idx %arg16[%parallel_loop3A_712] : memref<2048xf32, #tpu.memory_space<vmem>>[vector<16xi32>], vector<16xf32>,
        %parallel_loop3A_714 = arith.index_cast %parallel_loop3A_688 : i32 to index
        %parallel_loop3A_715 = arith.constant 0 : index
        %parallel_loop3A_716 = tpu.vector_load %arg14[%parallel_loop3A_714, %parallel_loop3A_715] {strides = array<i32>} : memref<128x96xbf16, #tpu.memory_space<vmem>>, vector<32xbf16>,
        %parallel_loop3A_717 = tpu.unpack_subelements %parallel_loop3A_716, 0 {pack_format = #tpu.pack_format<interleaved>} : vector<32xbf16> -> vector<16xf32>
        %parallel_loop3A_718 = tpu.unpack_subelements %parallel_loop3A_716, 1 {pack_format = #tpu.pack_format<interleaved>} : vector<32xbf16> -> vector<16xf32>
        %parallel_loop3A_719 = arith.mulf %parallel_loop3A_717, %parallel_loop3A_693 : vector<16xf32>
        %parallel_loop3A_720 = arith.index_cast %parallel_loop3A_688 : i32 to index
        %parallel_loop3A_721 = arith.constant 0 : index
        %parallel_loop3A_722 = tpu.vector_load %arg15[%parallel_loop3A_720, %parallel_loop3A_721] {strides = array<i32>} : memref<128x96xf32, #tpu.memory_space<vmem>>, vector<16xf32>,
        tpu.vector_store %arg15[%parallel_loop3A_720, %parallel_loop3A_721], %parallel_loop3A_719 {strides = array<i32>} : memref<128x96xf32, #tpu.memory_space<vmem>>, vector<16xf32>,
        %parallel_loop3A_723 = arith.mulf %parallel_loop3A_718, %parallel_loop3A_698 : vector<16xf32>
        %parallel_loop3A_724 = arith.index_cast %parallel_loop3A_688 : i32 to index
        %parallel_loop3A_725 = arith.constant 16 : index
        %parallel_loop3A_726 = tpu.vector_load %arg15[%parallel_loop3A_724, %parallel_loop3A_725] {strides = array<i32>} : memref<128x96xf32, #tpu.memory_space<vmem>>, vector<16xf32>,
        tpu.vector_store %arg15[%parallel_loop3A_724, %parallel_loop3A_725], %parallel_loop3A_723 {strides = array<i32>} : memref<128x96xf32, #tpu.memory_space<vmem>>, vector<16xf32>,
        %parallel_loop3A_727 = arith.index_cast %parallel_loop3A_688 : i32 to index
        %parallel_loop3A_728 = arith.constant 32 : index
        %parallel_loop3A_729 = tpu.vector_load %arg14[%parallel_loop3A_727, %parallel_loop3A_728] {strides = array<i32>} : memref<128x96xbf16, #tpu.memory_space<vmem>>, vector<32xbf16>,
        %parallel_loop3A_730 = tpu.unpack_subelements %parallel_loop3A_729, 0 {pack_format = #tpu.pack_format<interleaved>} : vector<32xbf16> -> vector<16xf32>
        %parallel_loop3A_731 = tpu.unpack_subelements %parallel_loop3A_729, 1 {pack_format = #tpu.pack_format<interleaved>} : vector<32xbf16> -> vector<16xf32>
        %parallel_loop3A_732 = arith.mulf %parallel_loop3A_730, %parallel_loop3A_703 : vector<16xf32>
        %parallel_loop3A_733 = arith.index_cast %parallel_loop3A_688 : i32 to index
        %parallel_loop3A_734 = arith.constant 32 : index
        %parallel_loop3A_735 = tpu.vector_load %arg15[%parallel_loop3A_733, %parallel_loop3A_734] {strides = array<i32>} : memref<128x96xf32, #tpu.memory_space<vmem>>, vector<16xf32>,
        tpu.vector_store %arg15[%parallel_loop3A_733, %parallel_loop3A_734], %parallel_loop3A_732 {strides = array<i32>} : memref<128x96xf32, #tpu.memory_space<vmem>>, vector<16xf32>,
        %parallel_loop3A_736 = arith.mulf %parallel_loop3A_731, %parallel_loop3A_708 : vector<16xf32>
        %parallel_loop3A_737 = arith.index_cast %parallel_loop3A_688 : i32 to index
        %parallel_loop3A_738 = arith.constant 48 : index
        %parallel_loop3A_739 = tpu.vector_load %arg15[%parallel_loop3A_737, %parallel_loop3A_738] {strides = array<i32>} : memref<128x96xf32, #tpu.memory_space<vmem>>, vector<16xf32>,
        tpu.vector_store %arg15[%parallel_loop3A_737, %parallel_loop3A_738], %parallel_loop3A_736 {strides = array<i32>} : memref<128x96xf32, #tpu.memory_space<vmem>>, vector<16xf32>,
        %parallel_loop3A_740 = arith.index_cast %parallel_loop3A_688 : i32 to index
        %parallel_loop3A_741 = arith.constant 64 : index
        %parallel_loop3A_742 = tpu.vector_load %arg14[%parallel_loop3A_740, %parallel_loop3A_741] {strides = array<i32>} : memref<128x96xbf16, #tpu.memory_space<vmem>>, vector<32xbf16>,
        %parallel_loop3A_743 = tpu.unpack_subelements %parallel_loop3A_742, 0 {pack_format = #tpu.pack_format<interleaved>} : vector<32xbf16> -> vector<16xf32>
        %parallel_loop3A_744 = tpu.unpack_subelements %parallel_loop3A_742, 1 {pack_format = #tpu.pack_format<interleaved>} : vector<32xbf16> -> vector<16xf32>
        %parallel_loop3A_745 = arith.mulf %parallel_loop3A_743, %parallel_loop3A_713 : vector<16xf32>
        %parallel_loop3A_746 = arith.index_cast %parallel_loop3A_688 : i32 to index
        %parallel_loop3A_747 = arith.constant 64 : index
        %parallel_loop3A_748 = tpu.vector_load %arg15[%parallel_loop3A_746, %parallel_loop3A_747] {strides = array<i32>} : memref<128x96xf32, #tpu.memory_space<vmem>>, vector<16xf32>,
        tpu.vector_store %arg15[%parallel_loop3A_746, %parallel_loop3A_747], %parallel_loop3A_745 {strides = array<i32>} : memref<128x96xf32, #tpu.memory_space<vmem>>, vector<16xf32>,
      } {sc.loop_unroll_factor = 4 : i64, sc.parallel_access}
      %dma_start3A_629 = arith.constant 0 : i32
      %dma_start3A_630 = arith.constant 0 : i32
      %dma_start3A_631 = tpu.memref_slice %arg25[%dma_start3A_629, %dma_start3A_630] : memref<10240x96xf32, #tpu.memory_space<vmem_shared>> -> memref<10240x96xf32, #tpu.memory_space<vmem_shared>>
      tpu.enqueue_indirect_dma source(%arg15 : memref<128x96xf32, #tpu.memory_space<vmem>>) target(%dma_start3A_631 : memref<10240x96xf32, #tpu.memory_space<vmem_shared>>) offsets(%arg11 : memref<128xi32, #tpu.memory_space<vmem>>) semaphore(%arg28 : memref<!tpu.dma_semaphore, #tpu.memory_space<semaphore_mem>>) {add = true}
      %gt3A_632 = arith.constant 0 : i32
      %gt3A_633 = arith.cmpi sgt, %add3A_579, %gt3A_632 : i32
      %convert_element_type3A_634 = arith.extui %gt3A_633 : i1 to i32
      %cond3A_635 = arith.constant 0 : i32
      %cond3A_636 = arith.cmpi ne, %convert_element_type3A_634, %cond3A_635 : i32
      scf.if %cond3A_636 {
        %dma_wait3A_688 = arith.constant 0 : i32
        %dma_wait3A_689 = arith.constant 0 : i32
        %dma_wait3A_690 = tpu.memref_slice %arg25[%dma_wait3A_688, %dma_wait3A_689] : memref<10240x96xf32, #tpu.memory_space<vmem_shared>> -> memref<10240x96xf32, #tpu.memory_space<vmem_shared>>
        tpu.wait_indirect_dma semaphore(%arg31 : memref<!tpu.dma_semaphore, #tpu.memory_space<semaphore_mem>>) src(%arg23 : memref<128x96xf32, #tpu.memory_space<vmem>>) dst(%dma_wait3A_690 : memref<10240x96xf32, #tpu.memory_space<vmem_shared>>)
      } else {
      }
      %dma_wait3A_637 = arith.constant 0 : i32
      %dma_wait3A_638 = arith.constant 0 : i32
      %dma_wait3A_639 = tpu.memref_slice %arg4[%dma_wait3A_637, %dma_wait3A_638] : memref<10240x16xf32, #tpu.memory_space<hbm>> -> memref<10240x16xf32, #tpu.memory_space<hbm>>
      tpu.wait_indirect_dma semaphore(%arg30 : memref<!tpu.dma_semaphore, #tpu.memory_space<semaphore_mem>>) src(%dma_wait3A_639 : memref<10240x16xf32, #tpu.memory_space<hbm>>) dst(%arg20 : memref<128x16xf32, #tpu.memory_space<vmem>>)
      %dma_wait3A_640 = arith.constant 0 : i32
      %dma_wait3A_641 = arith.constant 0 : i32
      %dma_wait3A_642 = tpu.memref_slice %arg5[%dma_wait3A_640, %dma_wait3A_641] : memref<10240x16xf32, #tpu.memory_space<hbm>> -> memref<10240x16xf32, #tpu.memory_space<hbm>>
      tpu.wait_indirect_dma semaphore(%arg30 : memref<!tpu.dma_semaphore, #tpu.memory_space<semaphore_mem>>) src(%dma_wait3A_642 : memref<10240x16xf32, #tpu.memory_space<hbm>>) dst(%arg21 : memref<128x16xf32, #tpu.memory_space<vmem>>)
      %dma_wait3A_643 = arith.constant 0 : i32
      %dma_wait3A_644 = arith.constant 0 : i32
      %dma_wait3A_645 = tpu.memref_slice %arg7[%dma_wait3A_643, %dma_wait3A_644] : memref<10240x96xbf16, #tpu.memory_space<hbm>> -> memref<10240x96xbf16, #tpu.memory_space<hbm>>
      tpu.wait_indirect_dma semaphore(%arg30 : memref<!tpu.dma_semaphore, #tpu.memory_space<semaphore_mem>>) src(%dma_wait3A_645 : memref<10240x96xbf16, #tpu.memory_space<hbm>>) dst(%arg22 : memref<128x96xbf16, #tpu.memory_space<vmem>>)
      %parallel_loop3A_646 = arith.constant 0 : i32
      %parallel_loop3A_647 = arith.constant 8 : i32
      %parallel_loop3A_648 = arith.constant 1 : i32
      scf.for %parallel_loop3A_688 = %parallel_loop3A_646 to %parallel_loop3A_647 step %parallel_loop3A_648  : i32 {
        %parallel_loop3A_689 = arith.constant 16 : i32
        %parallel_loop3A_690 = arith.muli %parallel_loop3A_688, %parallel_loop3A_689 : i32
        %parallel_loop3A_691 = arith.index_cast %parallel_loop3A_690 : i32 to index
        %parallel_loop3A_692 = tpu.vector_load %arg18[%parallel_loop3A_691] {strides = array<i32>} : memref<128xi32, #tpu.memory_space<vmem>>, vector<16xi32>,
        %parallel_loop3A_693 = arith.constant 16 : i32
        %parallel_loop3A_694 = arith.muli %parallel_loop3A_688, %parallel_loop3A_693 : i32
        %parallel_loop3A_695 = arith.index_cast %parallel_loop3A_694 : i32 to index
        %parallel_loop3A_696 = tpu.vector_load %arg19[%parallel_loop3A_695] {strides = array<i32>} : memref<128xi32, #tpu.memory_space<vmem>>, vector<16xi32>,
        tpu.vector_store %arg19[%parallel_loop3A_695], %parallel_loop3A_692 {strides = array<i32>} : memref<128xi32, #tpu.memory_space<vmem>>, vector<16xi32>,
      } {sc.loop_unroll_factor = 1 : i64, sc.parallel_access}
      %add3A_649 = arith.constant 3 : i32
      %add3A_650 = arith.addi %mul3A_581, %add3A_649 : i32
      %mul3A_651 = arith.constant 128 : i32
      %mul3A_652 = arith.muli %add3A_650, %mul3A_651 : i32
      %add3A_653 = arith.addi %mul3A_10, %mul3A_652 : i32
      %dma_start3A_654 = tpu.memref_slice %arg2[%add3A_653] : memref<336128xi32, #tpu.memory_space<hbm>> -> memref<128xi32, #tpu.memory_space<hbm>>
      %dma_start3A_655 = tpu.memref_slice %arg2[%add3A_653] : memref<336128xi32, #tpu.memory_space<hbm>> -> memref<128xi32, #tpu.memory_space<hbm>>
      tpu.enqueue_dma source(%dma_start3A_655 : memref<128xi32, #tpu.memory_space<hbm>>) target(%arg17 : memref<128xi32, #tpu.memory_space<vmem>>) target_semaphore(%arg29 : memref<!tpu.dma_semaphore, #tpu.memory_space<semaphore_mem>>)
      %dma_start3A_656 = tpu.memref_slice %arg3[%add3A_653] : memref<336128xi32, #tpu.memory_space<hbm>> -> memref<128xi32, #tpu.memory_space<hbm>>
      %dma_start3A_657 = tpu.memref_slice %arg3[%add3A_653] : memref<336128xi32, #tpu.memory_space<hbm>> -> memref<128xi32, #tpu.memory_space<hbm>>
      tpu.enqueue_dma source(%dma_start3A_657 : memref<128xi32, #tpu.memory_space<hbm>>) target(%arg18 : memref<128xi32, #tpu.memory_space<vmem>>) target_semaphore(%arg29 : memref<!tpu.dma_semaphore, #tpu.memory_space<semaphore_mem>>)
      %dma_wait3A_658 = arith.constant 0 : i32
      %dma_wait3A_659 = tpu.memref_slice %arg2[%dma_wait3A_658] : memref<336128xi32, #tpu.memory_space<hbm>> -> memref<128xi32, #tpu.memory_space<hbm>>
      %dma_wait3A_660 = arith.constant 0 : i32
      %dma_wait3A_661 = tpu.memref_slice %arg2[%dma_wait3A_660] : memref<336128xi32, #tpu.memory_space<hbm>> -> memref<128xi32, #tpu.memory_space<hbm>>
      tpu.wait_dma2 semaphore(%arg26 : memref<!tpu.dma_semaphore, #tpu.memory_space<semaphore_mem>>) src(%dma_wait3A_661 : memref<128xi32, #tpu.memory_space<hbm>>) dst(%arg9 : memref<128xi32, #tpu.memory_space<vmem>>)
      %dma_wait3A_662 = arith.constant 0 : i32
      %dma_wait3A_663 = tpu.memref_slice %arg3[%dma_wait3A_662] : memref<336128xi32, #tpu.memory_space<hbm>> -> memref<128xi32, #tpu.memory_space<hbm>>
      %dma_wait3A_664 = arith.constant 0 : i32
      %dma_wait3A_665 = tpu.memref_slice %arg3[%dma_wait3A_664] : memref<336128xi32, #tpu.memory_space<hbm>> -> memref<128xi32, #tpu.memory_space<hbm>>
      tpu.wait_dma2 semaphore(%arg26 : memref<!tpu.dma_semaphore, #tpu.memory_space<semaphore_mem>>) src(%dma_wait3A_665 : memref<128xi32, #tpu.memory_space<hbm>>) dst(%arg10 : memref<128xi32, #tpu.memory_space<vmem>>)
      %add3A_666 = arith.constant 2 : i32
      %add3A_667 = arith.addi %mul3A_581, %add3A_666 : i32
      %dma_start3A_668 = arith.constant 0 : i32
      %dma_start3A_669 = arith.constant 0 : i32
      %dma_start3A_670 = tpu.memref_slice %arg4[%dma_start3A_668, %dma_start3A_669] : memref<10240x16xf32, #tpu.memory_space<hbm>> -> memref<10240x16xf32, #tpu.memory_space<hbm>>
      tpu.enqueue_indirect_dma source(%dma_start3A_670 : memref<10240x16xf32, #tpu.memory_space<hbm>>) target(%arg12 : memref<128x16xf32, #tpu.memory_space<vmem>>) offsets(%arg9 : memref<128xi32, #tpu.memory_space<vmem>>) semaphore(%arg27 : memref<!tpu.dma_semaphore, #tpu.memory_space<semaphore_mem>>)
      %dma_start3A_671 = arith.constant 0 : i32
      %dma_start3A_672 = arith.constant 0 : i32
      %dma_start3A_673 = tpu.memref_slice %arg5[%dma_start3A_671, %dma_start3A_672] : memref<10240x16xf32, #tpu.memory_space<hbm>> -> memref<10240x16xf32, #tpu.memory_space<hbm>>
      tpu.enqueue_indirect_dma source(%dma_start3A_673 : memref<10240x16xf32, #tpu.memory_space<hbm>>) target(%arg13 : memref<128x16xf32, #tpu.memory_space<vmem>>) offsets(%arg10 : memref<128xi32, #tpu.memory_space<vmem>>) semaphore(%arg27 : memref<!tpu.dma_semaphore, #tpu.memory_space<semaphore_mem>>)
      %dma_start3A_674 = arith.constant 0 : i32
      %dma_start3A_675 = arith.constant 0 : i32
      %dma_start3A_676 = tpu.memref_slice %arg7[%dma_start3A_674, %dma_start3A_675] : memref<10240x96xbf16, #tpu.memory_space<hbm>> -> memref<10240x96xbf16, #tpu.memory_space<hbm>>
      tpu.enqueue_indirect_dma source(%dma_start3A_676 : memref<10240x96xbf16, #tpu.memory_space<hbm>>) target(%arg14 : memref<128x96xbf16, #tpu.memory_space<vmem>>) offsets(%arg9 : memref<128xi32, #tpu.memory_space<vmem>>) semaphore(%arg27 : memref<!tpu.dma_semaphore, #tpu.memory_space<semaphore_mem>>)
      %parallel_loop3A_677 = arith.constant 0 : i32
      %parallel_loop3A_678 = arith.constant 128 : i32
      %parallel_loop3A_679 = arith.constant 1 : i32
      scf.for %parallel_loop3A_688 = %parallel_loop3A_677 to %parallel_loop3A_678 step %parallel_loop3A_679  : i32 {
        %parallel_loop3A_689 = arith.index_cast %parallel_loop3A_688 : i32 to index
        %parallel_loop3A_690 = arith.constant 0 : index
        %parallel_loop3A_691 = tpu.vector_load %arg20[%parallel_loop3A_689, %parallel_loop3A_690] {strides = array<i32>} : memref<128x16xf32, #tpu.memory_space<vmem>>, vector<16xf32>,
        %parallel_loop3A_692 = arith.index_cast %parallel_loop3A_688 : i32 to index
        %parallel_loop3A_693 = arith.constant 0 : index
        %parallel_loop3A_694 = tpu.vector_load %arg21[%parallel_loop3A_692, %parallel_loop3A_693] {strides = array<i32>} : memref<128x16xf32, #tpu.memory_space<vmem>>, vector<16xf32>,
        %parallel_loop3A_695 = arith.addf %parallel_loop3A_691, %parallel_loop3A_694 : vector<16xf32>
        %parallel_loop3A_696 = arith.constant 2.000000e-01 : f32
        %parallel_loop3A_697 = vector.broadcast %parallel_loop3A_696 : f32 to vector<16xf32>
        %parallel_loop3A_698 = arith.mulf %parallel_loop3A_697, %parallel_loop3A_695 : vector<16xf32>
        %parallel_loop3A_699 = arith.maximumf %parallel_loop3A_695, %parallel_loop3A_698 : vector<16xf32>
        %parallel_loop3A_700 = math.exp %parallel_loop3A_699 : vector<16xf32>
        %parallel_loop3A_701 = arith.constant 16 : i32
        %parallel_loop3A_702 = arith.muli %parallel_loop3A_688, %parallel_loop3A_701 : i32
        %parallel_loop3A_703 = arith.index_cast %parallel_loop3A_702 : i32 to index
        %parallel_loop3A_704 = tpu.vector_load %arg24[%parallel_loop3A_703] {strides = array<i32>} : memref<2048xf32, #tpu.memory_space<vmem>>, vector<16xf32>,
        tpu.vector_store %arg24[%parallel_loop3A_703], %parallel_loop3A_700 {strides = array<i32>} : memref<2048xf32, #tpu.memory_space<vmem>>, vector<16xf32>,
        %parallel_loop3A_705 = arith.mulf %parallel_loop3A_700, %select_n3A : vector<16xf32>
        %parallel_loop3A_706 = arith.index_cast %parallel_loop3A_688 : i32 to index
        %parallel_loop3A_707 = arith.constant 80 : index
        %parallel_loop3A_708 = tpu.vector_load %arg23[%parallel_loop3A_706, %parallel_loop3A_707] {strides = array<i32>} : memref<128x96xf32, #tpu.memory_space<vmem>>, vector<16xf32>,
        tpu.vector_store %arg23[%parallel_loop3A_706, %parallel_loop3A_707], %parallel_loop3A_705 {strides = array<i32>} : memref<128x96xf32, #tpu.memory_space<vmem>>, vector<16xf32>,
      } {sc.loop_unroll_factor = 4 : i64, sc.parallel_access}
      %parallel_loop3A_680 = arith.constant 0 : i32
      %parallel_loop3A_681 = arith.constant 128 : i32
      %parallel_loop3A_682 = arith.constant 1 : i32
      scf.for %parallel_loop3A_688 = %parallel_loop3A_680 to %parallel_loop3A_681 step %parallel_loop3A_682  : i32 {
        %parallel_loop3A_689 = arith.constant 16 : i32
        %parallel_loop3A_690 = arith.muli %parallel_loop3A_688, %parallel_loop3A_689 : i32
        %parallel_loop3A_691 = vector.broadcast %parallel_loop3A_690 : i32 to vector<16xi32>
        %parallel_loop3A_692 = arith.addi %parallel_loop3A_691, %add3A_324 : vector<16xi32>
        %parallel_loop3A_693 = tpu.vector_load_idx %arg24[%parallel_loop3A_692] : memref<2048xf32, #tpu.memory_space<vmem>>[vector<16xi32>], vector<16xf32>,
        %parallel_loop3A_694 = arith.constant 16 : i32
        %parallel_loop3A_695 = arith.muli %parallel_loop3A_688, %parallel_loop3A_694 : i32
        %parallel_loop3A_696 = vector.broadcast %parallel_loop3A_695 : i32 to vector<16xi32>
        %parallel_loop3A_697 = arith.addi %parallel_loop3A_696, %add3A_361 : vector<16xi32>
        %parallel_loop3A_698 = tpu.vector_load_idx %arg24[%parallel_loop3A_697] : memref<2048xf32, #tpu.memory_space<vmem>>[vector<16xi32>], vector<16xf32>,
        %parallel_loop3A_699 = arith.constant 16 : i32
        %parallel_loop3A_700 = arith.muli %parallel_loop3A_688, %parallel_loop3A_699 : i32
        %parallel_loop3A_701 = vector.broadcast %parallel_loop3A_700 : i32 to vector<16xi32>
        %parallel_loop3A_702 = arith.addi %parallel_loop3A_701, %add3A_398 : vector<16xi32>
        %parallel_loop3A_703 = tpu.vector_load_idx %arg24[%parallel_loop3A_702] : memref<2048xf32, #tpu.memory_space<vmem>>[vector<16xi32>], vector<16xf32>,
        %parallel_loop3A_704 = arith.constant 16 : i32
        %parallel_loop3A_705 = arith.muli %parallel_loop3A_688, %parallel_loop3A_704 : i32
        %parallel_loop3A_706 = vector.broadcast %parallel_loop3A_705 : i32 to vector<16xi32>
        %parallel_loop3A_707 = arith.addi %parallel_loop3A_706, %add3A_435 : vector<16xi32>
        %parallel_loop3A_708 = tpu.vector_load_idx %arg24[%parallel_loop3A_707] : memref<2048xf32, #tpu.memory_space<vmem>>[vector<16xi32>], vector<16xf32>,
        %parallel_loop3A_709 = arith.constant 16 : i32
        %parallel_loop3A_710 = arith.muli %parallel_loop3A_688, %parallel_loop3A_709 : i32
        %parallel_loop3A_711 = vector.broadcast %parallel_loop3A_710 : i32 to vector<16xi32>
        %parallel_loop3A_712 = arith.addi %parallel_loop3A_711, %add3A_472 : vector<16xi32>
        %parallel_loop3A_713 = tpu.vector_load_idx %arg24[%parallel_loop3A_712] : memref<2048xf32, #tpu.memory_space<vmem>>[vector<16xi32>], vector<16xf32>,
        %parallel_loop3A_714 = arith.index_cast %parallel_loop3A_688 : i32 to index
        %parallel_loop3A_715 = arith.constant 0 : index
        %parallel_loop3A_716 = tpu.vector_load %arg22[%parallel_loop3A_714, %parallel_loop3A_715] {strides = array<i32>} : memref<128x96xbf16, #tpu.memory_space<vmem>>, vector<32xbf16>,
        %parallel_loop3A_717 = tpu.unpack_subelements %parallel_loop3A_716, 0 {pack_format = #tpu.pack_format<interleaved>} : vector<32xbf16> -> vector<16xf32>
        %parallel_loop3A_718 = tpu.unpack_subelements %parallel_loop3A_716, 1 {pack_format = #tpu.pack_format<interleaved>} : vector<32xbf16> -> vector<16xf32>
        %parallel_loop3A_719 = arith.mulf %parallel_loop3A_717, %parallel_loop3A_693 : vector<16xf32>
        %parallel_loop3A_720 = arith.index_cast %parallel_loop3A_688 : i32 to index
        %parallel_loop3A_721 = arith.constant 0 : index
        %parallel_loop3A_722 = tpu.vector_load %arg23[%parallel_loop3A_720, %parallel_loop3A_721] {strides = array<i32>} : memref<128x96xf32, #tpu.memory_space<vmem>>, vector<16xf32>,
        tpu.vector_store %arg23[%parallel_loop3A_720, %parallel_loop3A_721], %parallel_loop3A_719 {strides = array<i32>} : memref<128x96xf32, #tpu.memory_space<vmem>>, vector<16xf32>,
        %parallel_loop3A_723 = arith.mulf %parallel_loop3A_718, %parallel_loop3A_698 : vector<16xf32>
        %parallel_loop3A_724 = arith.index_cast %parallel_loop3A_688 : i32 to index
        %parallel_loop3A_725 = arith.constant 16 : index
        %parallel_loop3A_726 = tpu.vector_load %arg23[%parallel_loop3A_724, %parallel_loop3A_725] {strides = array<i32>} : memref<128x96xf32, #tpu.memory_space<vmem>>, vector<16xf32>,
        tpu.vector_store %arg23[%parallel_loop3A_724, %parallel_loop3A_725], %parallel_loop3A_723 {strides = array<i32>} : memref<128x96xf32, #tpu.memory_space<vmem>>, vector<16xf32>,
        %parallel_loop3A_727 = arith.index_cast %parallel_loop3A_688 : i32 to index
        %parallel_loop3A_728 = arith.constant 32 : index
        %parallel_loop3A_729 = tpu.vector_load %arg22[%parallel_loop3A_727, %parallel_loop3A_728] {strides = array<i32>} : memref<128x96xbf16, #tpu.memory_space<vmem>>, vector<32xbf16>,
        %parallel_loop3A_730 = tpu.unpack_subelements %parallel_loop3A_729, 0 {pack_format = #tpu.pack_format<interleaved>} : vector<32xbf16> -> vector<16xf32>
        %parallel_loop3A_731 = tpu.unpack_subelements %parallel_loop3A_729, 1 {pack_format = #tpu.pack_format<interleaved>} : vector<32xbf16> -> vector<16xf32>
        %parallel_loop3A_732 = arith.mulf %parallel_loop3A_730, %parallel_loop3A_703 : vector<16xf32>
        %parallel_loop3A_733 = arith.index_cast %parallel_loop3A_688 : i32 to index
        %parallel_loop3A_734 = arith.constant 32 : index
        %parallel_loop3A_735 = tpu.vector_load %arg23[%parallel_loop3A_733, %parallel_loop3A_734] {strides = array<i32>} : memref<128x96xf32, #tpu.memory_space<vmem>>, vector<16xf32>,
        tpu.vector_store %arg23[%parallel_loop3A_733, %parallel_loop3A_734], %parallel_loop3A_732 {strides = array<i32>} : memref<128x96xf32, #tpu.memory_space<vmem>>, vector<16xf32>,
        %parallel_loop3A_736 = arith.mulf %parallel_loop3A_731, %parallel_loop3A_708 : vector<16xf32>
        %parallel_loop3A_737 = arith.index_cast %parallel_loop3A_688 : i32 to index
        %parallel_loop3A_738 = arith.constant 48 : index
        %parallel_loop3A_739 = tpu.vector_load %arg23[%parallel_loop3A_737, %parallel_loop3A_738] {strides = array<i32>} : memref<128x96xf32, #tpu.memory_space<vmem>>, vector<16xf32>,
        tpu.vector_store %arg23[%parallel_loop3A_737, %parallel_loop3A_738], %parallel_loop3A_736 {strides = array<i32>} : memref<128x96xf32, #tpu.memory_space<vmem>>, vector<16xf32>,
        %parallel_loop3A_740 = arith.index_cast %parallel_loop3A_688 : i32 to index
        %parallel_loop3A_741 = arith.constant 64 : index
        %parallel_loop3A_742 = tpu.vector_load %arg22[%parallel_loop3A_740, %parallel_loop3A_741] {strides = array<i32>} : memref<128x96xbf16, #tpu.memory_space<vmem>>, vector<32xbf16>,
        %parallel_loop3A_743 = tpu.unpack_subelements %parallel_loop3A_742, 0 {pack_format = #tpu.pack_format<interleaved>} : vector<32xbf16> -> vector<16xf32>
        %parallel_loop3A_744 = tpu.unpack_subelements %parallel_loop3A_742, 1 {pack_format = #tpu.pack_format<interleaved>} : vector<32xbf16> -> vector<16xf32>
        %parallel_loop3A_745 = arith.mulf %parallel_loop3A_743, %parallel_loop3A_713 : vector<16xf32>
        %parallel_loop3A_746 = arith.index_cast %parallel_loop3A_688 : i32 to index
        %parallel_loop3A_747 = arith.constant 64 : index
        %parallel_loop3A_748 = tpu.vector_load %arg23[%parallel_loop3A_746, %parallel_loop3A_747] {strides = array<i32>} : memref<128x96xf32, #tpu.memory_space<vmem>>, vector<16xf32>,
        tpu.vector_store %arg23[%parallel_loop3A_746, %parallel_loop3A_747], %parallel_loop3A_745 {strides = array<i32>} : memref<128x96xf32, #tpu.memory_space<vmem>>, vector<16xf32>,
      } {sc.loop_unroll_factor = 4 : i64, sc.parallel_access}
      %add3A_683 = arith.constant 1 : i32
      %add3A_684 = arith.addi %mul3A_581, %add3A_683 : i32
      %dma_start3A_685 = arith.constant 0 : i32
      %dma_start3A_686 = arith.constant 0 : i32
      %dma_start3A_687 = tpu.memref_slice %arg25[%dma_start3A_685, %dma_start3A_686] : memref<10240x96xf32, #tpu.memory_space<vmem_shared>> -> memref<10240x96xf32, #tpu.memory_space<vmem_shared>>
      tpu.enqueue_indirect_dma source(%arg23 : memref<128x96xf32, #tpu.memory_space<vmem>>) target(%dma_start3A_687 : memref<10240x96xf32, #tpu.memory_space<vmem_shared>>) offsets(%arg19 : memref<128xi32, #tpu.memory_space<vmem>>) semaphore(%arg31 : memref<!tpu.dma_semaphore, #tpu.memory_space<semaphore_mem>>) {add = true}
    }
    %scan3A_522 = arith.constant 41 : i32
    %dma_wait3A_523 = arith.constant 0 : i32
    %dma_wait3A_524 = arith.constant 0 : i32
    %dma_wait3A_525 = tpu.memref_slice %arg4[%dma_wait3A_523, %dma_wait3A_524] : memref<10240x16xf32, #tpu.memory_space<hbm>> -> memref<10240x16xf32, #tpu.memory_space<hbm>>
    tpu.wait_indirect_dma semaphore(%arg27 : memref<!tpu.dma_semaphore, #tpu.memory_space<semaphore_mem>>) src(%dma_wait3A_525 : memref<10240x16xf32, #tpu.memory_space<hbm>>) dst(%arg12 : memref<128x16xf32, #tpu.memory_space<vmem>>)
    %dma_wait3A_526 = arith.constant 0 : i32
    %dma_wait3A_527 = arith.constant 0 : i32
    %dma_wait3A_528 = tpu.memref_slice %arg5[%dma_wait3A_526, %dma_wait3A_527] : memref<10240x16xf32, #tpu.memory_space<hbm>> -> memref<10240x16xf32, #tpu.memory_space<hbm>>
    tpu.wait_indirect_dma semaphore(%arg27 : memref<!tpu.dma_semaphore, #tpu.memory_space<semaphore_mem>>) src(%dma_wait3A_528 : memref<10240x16xf32, #tpu.memory_space<hbm>>) dst(%arg13 : memref<128x16xf32, #tpu.memory_space<vmem>>)
    %dma_wait3A_529 = arith.constant 0 : i32
    %dma_wait3A_530 = arith.constant 0 : i32
    %dma_wait3A_531 = tpu.memref_slice %arg7[%dma_wait3A_529, %dma_wait3A_530] : memref<10240x96xbf16, #tpu.memory_space<hbm>> -> memref<10240x96xbf16, #tpu.memory_space<hbm>>
    tpu.wait_indirect_dma semaphore(%arg27 : memref<!tpu.dma_semaphore, #tpu.memory_space<semaphore_mem>>) src(%dma_wait3A_531 : memref<10240x96xbf16, #tpu.memory_space<hbm>>) dst(%arg14 : memref<128x96xbf16, #tpu.memory_space<vmem>>)
    %dma_wait3A_532 = arith.constant 0 : i32
    %dma_wait3A_533 = tpu.memref_slice %arg2[%dma_wait3A_532] : memref<336128xi32, #tpu.memory_space<hbm>> -> memref<128xi32, #tpu.memory_space<hbm>>
    %dma_wait3A_534 = arith.constant 0 : i32
    %dma_wait3A_535 = tpu.memref_slice %arg2[%dma_wait3A_534] : memref<336128xi32, #tpu.memory_space<hbm>> -> memref<128xi32, #tpu.memory_space<hbm>>
    tpu.wait_dma2 semaphore(%arg29 : memref<!tpu.dma_semaphore, #tpu.memory_space<semaphore_mem>>) src(%dma_wait3A_535 : memref<128xi32, #tpu.memory_space<hbm>>) dst(%arg17 : memref<128xi32, #tpu.memory_space<vmem>>)
    %dma_wait3A_536 = arith.constant 0 : i32
    %dma_wait3A_537 = tpu.memref_slice %arg3[%dma_wait3A_536] : memref<336128xi32, #tpu.memory_space<hbm>> -> memref<128xi32, #tpu.memory_space<hbm>>
    %dma_wait3A_538 = arith.constant 0 : i32
    %dma_wait3A_539 = tpu.memref_slice %arg3[%dma_wait3A_538] : memref<336128xi32, #tpu.memory_space<hbm>> -> memref<128xi32, #tpu.memory_space<hbm>>
    tpu.wait_dma2 semaphore(%arg29 : memref<!tpu.dma_semaphore, #tpu.memory_space<semaphore_mem>>) src(%dma_wait3A_539 : memref<128xi32, #tpu.memory_space<hbm>>) dst(%arg18 : memref<128xi32, #tpu.memory_space<vmem>>)
    %dma_wait3A_540 = arith.constant 0 : i32
    %dma_wait3A_541 = arith.constant 0 : i32
    %dma_wait3A_542 = tpu.memref_slice %arg25[%dma_wait3A_540, %dma_wait3A_541] : memref<10240x96xf32, #tpu.memory_space<vmem_shared>> -> memref<10240x96xf32, #tpu.memory_space<vmem_shared>>
    tpu.wait_indirect_dma semaphore(%arg28 : memref<!tpu.dma_semaphore, #tpu.memory_space<semaphore_mem>>) src(%arg15 : memref<128x96xf32, #tpu.memory_space<vmem>>) dst(%dma_wait3A_542 : memref<10240x96xf32, #tpu.memory_space<vmem_shared>>)
    %dma_wait3A_543 = arith.constant 0 : i32
    %dma_wait3A_544 = arith.constant 0 : i32
    %dma_wait3A_545 = tpu.memref_slice %arg25[%dma_wait3A_543, %dma_wait3A_544] : memref<10240x96xf32, #tpu.memory_space<vmem_shared>> -> memref<10240x96xf32, #tpu.memory_space<vmem_shared>>
    tpu.wait_indirect_dma semaphore(%arg31 : memref<!tpu.dma_semaphore, #tpu.memory_space<semaphore_mem>>) src(%arg23 : memref<128x96xf32, #tpu.memory_space<vmem>>) dst(%dma_wait3A_545 : memref<10240x96xf32, #tpu.memory_space<vmem_shared>>)
    %barrier3A_546 = arith.constant 0 : index
    tpu.barrier barrier_id(%barrier3A_546)
    %mul3A_547 = arith.constant 2 : i32
    %mul3A_548 = arith.muli %arg0, %mul3A_547 : i32
    %add3A_549 = arith.constant 1 : i32
    %add3A_550 = arith.addi %mul3A_548, %add3A_549 : i32
    %mul3A_551 = arith.constant 10240 : i32
    %mul3A_552 = arith.muli %add3A_550, %mul3A_551 : i32
    %add3A_553 = arith.addi %mul3A_552, %mul3A_8 : i32
    %add3A_554 = arith.constant 0 : i32
    %add3A_555 = arith.addi %mul3A_8, %add3A_554 : i32
    "tpu.region"() ({
      %run_scoped3A = tpu.sem_alloc : memref<!tpu.dma_semaphore, #tpu.memory_space<semaphore_mem>>
      %dma_start3A_575 = arith.constant 0 : i32
      %dma_start3A_576 = tpu.memref_slice %arg25[%add3A_555, %dma_start3A_575] : memref<10240x96xf32, #tpu.memory_space<vmem_shared>> -> memref<128x96xf32, #tpu.memory_space<vmem_shared>>
      %dma_start3A_577 = arith.constant 0 : i32
      %dma_start3A_578 = tpu.memref_slice %arg25[%add3A_555, %dma_start3A_577] : memref<10240x96xf32, #tpu.memory_space<vmem_shared>> -> memref<128x96xf32, #tpu.memory_space<vmem_shared>>
      tpu.enqueue_dma source(%dma_start3A_578 : memref<128x96xf32, #tpu.memory_space<vmem_shared>>) target(%arg15 : memref<128x96xf32, #tpu.memory_space<vmem>>) target_semaphore(%run_scoped3A : memref<!tpu.dma_semaphore, #tpu.memory_space<semaphore_mem>>)
      %dma_wait3A_579 = arith.constant 0 : i32
      %dma_wait3A_580 = tpu.memref_slice %arg25[%add3A_555, %dma_wait3A_579] : memref<10240x96xf32, #tpu.memory_space<vmem_shared>> -> memref<128x96xf32, #tpu.memory_space<vmem_shared>>
      %dma_wait3A_581 = arith.constant 0 : i32
      %dma_wait3A_582 = tpu.memref_slice %arg25[%add3A_555, %dma_wait3A_581] : memref<10240x96xf32, #tpu.memory_space<vmem_shared>> -> memref<128x96xf32, #tpu.memory_space<vmem_shared>>
      tpu.wait_dma2 semaphore(%run_scoped3A : memref<!tpu.dma_semaphore, #tpu.memory_space<semaphore_mem>>) src(%dma_wait3A_582 : memref<128x96xf32, #tpu.memory_space<vmem_shared>>) dst(%arg15 : memref<128x96xf32, #tpu.memory_space<vmem>>)
      tpu.yield
    }) : () -> ()
    %add3A_556 = arith.constant 0 : i32
    %add3A_557 = arith.addi %add3A_553, %add3A_556 : i32
    "tpu.region"() ({
      %run_scoped3A = tpu.sem_alloc : memref<!tpu.dma_semaphore, #tpu.memory_space<semaphore_mem>>
      %dma_start3A_575 = arith.constant 0 : i32
      %dma_start3A_576 = tpu.memref_slice %arg8[%add3A_557, %dma_start3A_575] : memref<40960x96xf32, #tpu.memory_space<hbm>> -> memref<128x96xf32, #tpu.memory_space<hbm>>
      %dma_start3A_577 = arith.constant 0 : i32
      %dma_start3A_578 = tpu.memref_slice %arg8[%add3A_557, %dma_start3A_577] : memref<40960x96xf32, #tpu.memory_space<hbm>> -> memref<128x96xf32, #tpu.memory_space<hbm>>
      tpu.enqueue_dma source(%arg15 : memref<128x96xf32, #tpu.memory_space<vmem>>) target(%dma_start3A_578 : memref<128x96xf32, #tpu.memory_space<hbm>>) target_semaphore(%run_scoped3A : memref<!tpu.dma_semaphore, #tpu.memory_space<semaphore_mem>>)
      %dma_wait3A_579 = arith.constant 0 : i32
      %dma_wait3A_580 = tpu.memref_slice %arg8[%add3A_557, %dma_wait3A_579] : memref<40960x96xf32, #tpu.memory_space<hbm>> -> memref<128x96xf32, #tpu.memory_space<hbm>>
      %dma_wait3A_581 = arith.constant 0 : i32
      %dma_wait3A_582 = tpu.memref_slice %arg8[%add3A_557, %dma_wait3A_581] : memref<40960x96xf32, #tpu.memory_space<hbm>> -> memref<128x96xf32, #tpu.memory_space<hbm>>
      tpu.wait_dma2 semaphore(%run_scoped3A : memref<!tpu.dma_semaphore, #tpu.memory_space<semaphore_mem>>) src(%arg15 : memref<128x96xf32, #tpu.memory_space<vmem>>) dst(%dma_wait3A_582 : memref<128x96xf32, #tpu.memory_space<hbm>>)
      tpu.yield
    }) : () -> ()
    %add3A_558 = arith.constant 128 : i32
    %add3A_559 = arith.addi %mul3A_8, %add3A_558 : i32
    "tpu.region"() ({
      %run_scoped3A = tpu.sem_alloc : memref<!tpu.dma_semaphore, #tpu.memory_space<semaphore_mem>>
      %dma_start3A_575 = arith.constant 0 : i32
      %dma_start3A_576 = tpu.memref_slice %arg25[%add3A_559, %dma_start3A_575] : memref<10240x96xf32, #tpu.memory_space<vmem_shared>> -> memref<128x96xf32, #tpu.memory_space<vmem_shared>>
      %dma_start3A_577 = arith.constant 0 : i32
      %dma_start3A_578 = tpu.memref_slice %arg25[%add3A_559, %dma_start3A_577] : memref<10240x96xf32, #tpu.memory_space<vmem_shared>> -> memref<128x96xf32, #tpu.memory_space<vmem_shared>>
      tpu.enqueue_dma source(%dma_start3A_578 : memref<128x96xf32, #tpu.memory_space<vmem_shared>>) target(%arg15 : memref<128x96xf32, #tpu.memory_space<vmem>>) target_semaphore(%run_scoped3A : memref<!tpu.dma_semaphore, #tpu.memory_space<semaphore_mem>>)
      %dma_wait3A_579 = arith.constant 0 : i32
      %dma_wait3A_580 = tpu.memref_slice %arg25[%add3A_559, %dma_wait3A_579] : memref<10240x96xf32, #tpu.memory_space<vmem_shared>> -> memref<128x96xf32, #tpu.memory_space<vmem_shared>>
      %dma_wait3A_581 = arith.constant 0 : i32
      %dma_wait3A_582 = tpu.memref_slice %arg25[%add3A_559, %dma_wait3A_581] : memref<10240x96xf32, #tpu.memory_space<vmem_shared>> -> memref<128x96xf32, #tpu.memory_space<vmem_shared>>
      tpu.wait_dma2 semaphore(%run_scoped3A : memref<!tpu.dma_semaphore, #tpu.memory_space<semaphore_mem>>) src(%dma_wait3A_582 : memref<128x96xf32, #tpu.memory_space<vmem_shared>>) dst(%arg15 : memref<128x96xf32, #tpu.memory_space<vmem>>)
      tpu.yield
    }) : () -> ()
    %add3A_560 = arith.constant 128 : i32
    %add3A_561 = arith.addi %add3A_553, %add3A_560 : i32
    "tpu.region"() ({
      %run_scoped3A = tpu.sem_alloc : memref<!tpu.dma_semaphore, #tpu.memory_space<semaphore_mem>>
      %dma_start3A_575 = arith.constant 0 : i32
      %dma_start3A_576 = tpu.memref_slice %arg8[%add3A_561, %dma_start3A_575] : memref<40960x96xf32, #tpu.memory_space<hbm>> -> memref<128x96xf32, #tpu.memory_space<hbm>>
      %dma_start3A_577 = arith.constant 0 : i32
      %dma_start3A_578 = tpu.memref_slice %arg8[%add3A_561, %dma_start3A_577] : memref<40960x96xf32, #tpu.memory_space<hbm>> -> memref<128x96xf32, #tpu.memory_space<hbm>>
      tpu.enqueue_dma source(%arg15 : memref<128x96xf32, #tpu.memory_space<vmem>>) target(%dma_start3A_578 : memref<128x96xf32, #tpu.memory_space<hbm>>) target_semaphore(%run_scoped3A : memref<!tpu.dma_semaphore, #tpu.memory_space<semaphore_mem>>)
      %dma_wait3A_579 = arith.constant 0 : i32
      %dma_wait3A_580 = tpu.memref_slice %arg8[%add3A_561, %dma_wait3A_579] : memref<40960x96xf32, #tpu.memory_space<hbm>> -> memref<128x96xf32, #tpu.memory_space<hbm>>
      %dma_wait3A_581 = arith.constant 0 : i32
      %dma_wait3A_582 = tpu.memref_slice %arg8[%add3A_561, %dma_wait3A_581] : memref<40960x96xf32, #tpu.memory_space<hbm>> -> memref<128x96xf32, #tpu.memory_space<hbm>>
      tpu.wait_dma2 semaphore(%run_scoped3A : memref<!tpu.dma_semaphore, #tpu.memory_space<semaphore_mem>>) src(%arg15 : memref<128x96xf32, #tpu.memory_space<vmem>>) dst(%dma_wait3A_582 : memref<128x96xf32, #tpu.memory_space<hbm>>)
      tpu.yield
    }) : () -> ()
    %add3A_562 = arith.constant 256 : i32
    %add3A_563 = arith.addi %mul3A_8, %add3A_562 : i32
    "tpu.region"() ({
      %run_scoped3A = tpu.sem_alloc : memref<!tpu.dma_semaphore, #tpu.memory_space<semaphore_mem>>
      %dma_start3A_575 = arith.constant 0 : i32
      %dma_start3A_576 = tpu.memref_slice %arg25[%add3A_563, %dma_start3A_575] : memref<10240x96xf32, #tpu.memory_space<vmem_shared>> -> memref<128x96xf32, #tpu.memory_space<vmem_shared>>
      %dma_start3A_577 = arith.constant 0 : i32
      %dma_start3A_578 = tpu.memref_slice %arg25[%add3A_563, %dma_start3A_577] : memref<10240x96xf32, #tpu.memory_space<vmem_shared>> -> memref<128x96xf32, #tpu.memory_space<vmem_shared>>
      tpu.enqueue_dma source(%dma_start3A_578 : memref<128x96xf32, #tpu.memory_space<vmem_shared>>) target(%arg15 : memref<128x96xf32, #tpu.memory_space<vmem>>) target_semaphore(%run_scoped3A : memref<!tpu.dma_semaphore, #tpu.memory_space<semaphore_mem>>)
      %dma_wait3A_579 = arith.constant 0 : i32
      %dma_wait3A_580 = tpu.memref_slice %arg25[%add3A_563, %dma_wait3A_579] : memref<10240x96xf32, #tpu.memory_space<vmem_shared>> -> memref<128x96xf32, #tpu.memory_space<vmem_shared>>
      %dma_wait3A_581 = arith.constant 0 : i32
      %dma_wait3A_582 = tpu.memref_slice %arg25[%add3A_563, %dma_wait3A_581] : memref<10240x96xf32, #tpu.memory_space<vmem_shared>> -> memref<128x96xf32, #tpu.memory_space<vmem_shared>>
      tpu.wait_dma2 semaphore(%run_scoped3A : memref<!tpu.dma_semaphore, #tpu.memory_space<semaphore_mem>>) src(%dma_wait3A_582 : memref<128x96xf32, #tpu.memory_space<vmem_shared>>) dst(%arg15 : memref<128x96xf32, #tpu.memory_space<vmem>>)
      tpu.yield
    }) : () -> ()
    %add3A_564 = arith.constant 256 : i32
    %add3A_565 = arith.addi %add3A_553, %add3A_564 : i32
    "tpu.region"() ({
      %run_scoped3A = tpu.sem_alloc : memref<!tpu.dma_semaphore, #tpu.memory_space<semaphore_mem>>
      %dma_start3A_575 = arith.constant 0 : i32
      %dma_start3A_576 = tpu.memref_slice %arg8[%add3A_565, %dma_start3A_575] : memref<40960x96xf32, #tpu.memory_space<hbm>> -> memref<128x96xf32, #tpu.memory_space<hbm>>
      %dma_start3A_577 = arith.constant 0 : i32
      %dma_start3A_578 = tpu.memref_slice %arg8[%add3A_565, %dma_start3A_577] : memref<40960x96xf32, #tpu.memory_space<hbm>> -> memref<128x96xf32, #tpu.memory_space<hbm>>
      tpu.enqueue_dma source(%arg15 : memref<128x96xf32, #tpu.memory_space<vmem>>) target(%dma_start3A_578 : memref<128x96xf32, #tpu.memory_space<hbm>>) target_semaphore(%run_scoped3A : memref<!tpu.dma_semaphore, #tpu.memory_space<semaphore_mem>>)
      %dma_wait3A_579 = arith.constant 0 : i32
      %dma_wait3A_580 = tpu.memref_slice %arg8[%add3A_565, %dma_wait3A_579] : memref<40960x96xf32, #tpu.memory_space<hbm>> -> memref<128x96xf32, #tpu.memory_space<hbm>>
      %dma_wait3A_581 = arith.constant 0 : i32
      %dma_wait3A_582 = tpu.memref_slice %arg8[%add3A_565, %dma_wait3A_581] : memref<40960x96xf32, #tpu.memory_space<hbm>> -> memref<128x96xf32, #tpu.memory_space<hbm>>
      tpu.wait_dma2 semaphore(%run_scoped3A : memref<!tpu.dma_semaphore, #tpu.memory_space<semaphore_mem>>) src(%arg15 : memref<128x96xf32, #tpu.memory_space<vmem>>) dst(%dma_wait3A_582 : memref<128x96xf32, #tpu.memory_space<hbm>>)
      tpu.yield
    }) : () -> ()
    %add3A_566 = arith.constant 384 : i32
    %add3A_567 = arith.addi %mul3A_8, %add3A_566 : i32
    "tpu.region"() ({
      %run_scoped3A = tpu.sem_alloc : memref<!tpu.dma_semaphore, #tpu.memory_space<semaphore_mem>>
      %dma_start3A_575 = arith.constant 0 : i32
      %dma_start3A_576 = tpu.memref_slice %arg25[%add3A_567, %dma_start3A_575] : memref<10240x96xf32, #tpu.memory_space<vmem_shared>> -> memref<128x96xf32, #tpu.memory_space<vmem_shared>>
      %dma_start3A_577 = arith.constant 0 : i32
      %dma_start3A_578 = tpu.memref_slice %arg25[%add3A_567, %dma_start3A_577] : memref<10240x96xf32, #tpu.memory_space<vmem_shared>> -> memref<128x96xf32, #tpu.memory_space<vmem_shared>>
      tpu.enqueue_dma source(%dma_start3A_578 : memref<128x96xf32, #tpu.memory_space<vmem_shared>>) target(%arg15 : memref<128x96xf32, #tpu.memory_space<vmem>>) target_semaphore(%run_scoped3A : memref<!tpu.dma_semaphore, #tpu.memory_space<semaphore_mem>>)
      %dma_wait3A_579 = arith.constant 0 : i32
      %dma_wait3A_580 = tpu.memref_slice %arg25[%add3A_567, %dma_wait3A_579] : memref<10240x96xf32, #tpu.memory_space<vmem_shared>> -> memref<128x96xf32, #tpu.memory_space<vmem_shared>>
      %dma_wait3A_581 = arith.constant 0 : i32
      %dma_wait3A_582 = tpu.memref_slice %arg25[%add3A_567, %dma_wait3A_581] : memref<10240x96xf32, #tpu.memory_space<vmem_shared>> -> memref<128x96xf32, #tpu.memory_space<vmem_shared>>
      tpu.wait_dma2 semaphore(%run_scoped3A : memref<!tpu.dma_semaphore, #tpu.memory_space<semaphore_mem>>) src(%dma_wait3A_582 : memref<128x96xf32, #tpu.memory_space<vmem_shared>>) dst(%arg15 : memref<128x96xf32, #tpu.memory_space<vmem>>)
      tpu.yield
    }) : () -> ()
    %add3A_568 = arith.constant 384 : i32
    %add3A_569 = arith.addi %add3A_553, %add3A_568 : i32
    "tpu.region"() ({
      %run_scoped3A = tpu.sem_alloc : memref<!tpu.dma_semaphore, #tpu.memory_space<semaphore_mem>>
      %dma_start3A_575 = arith.constant 0 : i32
      %dma_start3A_576 = tpu.memref_slice %arg8[%add3A_569, %dma_start3A_575] : memref<40960x96xf32, #tpu.memory_space<hbm>> -> memref<128x96xf32, #tpu.memory_space<hbm>>
      %dma_start3A_577 = arith.constant 0 : i32
      %dma_start3A_578 = tpu.memref_slice %arg8[%add3A_569, %dma_start3A_577] : memref<40960x96xf32, #tpu.memory_space<hbm>> -> memref<128x96xf32, #tpu.memory_space<hbm>>
      tpu.enqueue_dma source(%arg15 : memref<128x96xf32, #tpu.memory_space<vmem>>) target(%dma_start3A_578 : memref<128x96xf32, #tpu.memory_space<hbm>>) target_semaphore(%run_scoped3A : memref<!tpu.dma_semaphore, #tpu.memory_space<semaphore_mem>>)
      %dma_wait3A_579 = arith.constant 0 : i32
      %dma_wait3A_580 = tpu.memref_slice %arg8[%add3A_569, %dma_wait3A_579] : memref<40960x96xf32, #tpu.memory_space<hbm>> -> memref<128x96xf32, #tpu.memory_space<hbm>>
      %dma_wait3A_581 = arith.constant 0 : i32
      %dma_wait3A_582 = tpu.memref_slice %arg8[%add3A_569, %dma_wait3A_581] : memref<40960x96xf32, #tpu.memory_space<hbm>> -> memref<128x96xf32, #tpu.memory_space<hbm>>
      tpu.wait_dma2 semaphore(%run_scoped3A : memref<!tpu.dma_semaphore, #tpu.memory_space<semaphore_mem>>) src(%arg15 : memref<128x96xf32, #tpu.memory_space<vmem>>) dst(%dma_wait3A_582 : memref<128x96xf32, #tpu.memory_space<hbm>>)
      tpu.yield
    }) : () -> ()
    %add3A_570 = arith.constant 512 : i32
    %add3A_571 = arith.addi %mul3A_8, %add3A_570 : i32
    "tpu.region"() ({
      %run_scoped3A = tpu.sem_alloc : memref<!tpu.dma_semaphore, #tpu.memory_space<semaphore_mem>>
      %dma_start3A_575 = arith.constant 0 : i32
      %dma_start3A_576 = tpu.memref_slice %arg25[%add3A_571, %dma_start3A_575] : memref<10240x96xf32, #tpu.memory_space<vmem_shared>> -> memref<128x96xf32, #tpu.memory_space<vmem_shared>>
      %dma_start3A_577 = arith.constant 0 : i32
      %dma_start3A_578 = tpu.memref_slice %arg25[%add3A_571, %dma_start3A_577] : memref<10240x96xf32, #tpu.memory_space<vmem_shared>> -> memref<128x96xf32, #tpu.memory_space<vmem_shared>>
      tpu.enqueue_dma source(%dma_start3A_578 : memref<128x96xf32, #tpu.memory_space<vmem_shared>>) target(%arg15 : memref<128x96xf32, #tpu.memory_space<vmem>>) target_semaphore(%run_scoped3A : memref<!tpu.dma_semaphore, #tpu.memory_space<semaphore_mem>>)
      %dma_wait3A_579 = arith.constant 0 : i32
      %dma_wait3A_580 = tpu.memref_slice %arg25[%add3A_571, %dma_wait3A_579] : memref<10240x96xf32, #tpu.memory_space<vmem_shared>> -> memref<128x96xf32, #tpu.memory_space<vmem_shared>>
      %dma_wait3A_581 = arith.constant 0 : i32
      %dma_wait3A_582 = tpu.memref_slice %arg25[%add3A_571, %dma_wait3A_581] : memref<10240x96xf32, #tpu.memory_space<vmem_shared>> -> memref<128x96xf32, #tpu.memory_space<vmem_shared>>
      tpu.wait_dma2 semaphore(%run_scoped3A : memref<!tpu.dma_semaphore, #tpu.memory_space<semaphore_mem>>) src(%dma_wait3A_582 : memref<128x96xf32, #tpu.memory_space<vmem_shared>>) dst(%arg15 : memref<128x96xf32, #tpu.memory_space<vmem>>)
      tpu.yield
    }) : () -> ()
    %add3A_572 = arith.constant 512 : i32
    %add3A_573 = arith.addi %add3A_553, %add3A_572 : i32
    "tpu.region"() ({
      %run_scoped3A = tpu.sem_alloc : memref<!tpu.dma_semaphore, #tpu.memory_space<semaphore_mem>>
      %dma_start3A_575 = arith.constant 0 : i32
      %dma_start3A_576 = tpu.memref_slice %arg8[%add3A_573, %dma_start3A_575] : memref<40960x96xf32, #tpu.memory_space<hbm>> -> memref<128x96xf32, #tpu.memory_space<hbm>>
      %dma_start3A_577 = arith.constant 0 : i32
      %dma_start3A_578 = tpu.memref_slice %arg8[%add3A_573, %dma_start3A_577] : memref<40960x96xf32, #tpu.memory_space<hbm>> -> memref<128x96xf32, #tpu.memory_space<hbm>>
      tpu.enqueue_dma source(%arg15 : memref<128x96xf32, #tpu.memory_space<vmem>>) target(%dma_start3A_578 : memref<128x96xf32, #tpu.memory_space<hbm>>) target_semaphore(%run_scoped3A : memref<!tpu.dma_semaphore, #tpu.memory_space<semaphore_mem>>)
      %dma_wait3A_579 = arith.constant 0 : i32
      %dma_wait3A_580 = tpu.memref_slice %arg8[%add3A_573, %dma_wait3A_579] : memref<40960x96xf32, #tpu.memory_space<hbm>> -> memref<128x96xf32, #tpu.memory_space<hbm>>
      %dma_wait3A_581 = arith.constant 0 : i32
      %dma_wait3A_582 = tpu.memref_slice %arg8[%add3A_573, %dma_wait3A_581] : memref<40960x96xf32, #tpu.memory_space<hbm>> -> memref<128x96xf32, #tpu.memory_space<hbm>>
      tpu.wait_dma2 semaphore(%run_scoped3A : memref<!tpu.dma_semaphore, #tpu.memory_space<semaphore_mem>>) src(%arg15 : memref<128x96xf32, #tpu.memory_space<vmem>>) dst(%dma_wait3A_582 : memref<128x96xf32, #tpu.memory_space<hbm>>)
      tpu.yield
    }) : () -> ()
    %barrier3A_574 = arith.constant 0 : index
    tpu.barrier barrier_id(%barrier3A_574)
    return
  }
}

#map = affine_map<(d0, d1) -> (0)>
#map1 = affine_map<(d0, d1) -> (0, 0)>
module attributes {stable_mosaic.version = 14 : i64} {
  func.func @_sc2_body(%arg0: i32, %arg1: i32, %arg2: memref<336128xi32, #tpu.memory_space<hbm>>, %arg3: memref<336128xi32, #tpu.memory_space<hbm>>, %arg4: memref<10240xf32, #tpu.memory_space<hbm>>, %arg5: memref<10240xf32, #tpu.memory_space<hbm>>, %arg6: memref<10240x16xf32, #tpu.memory_space<hbm>>, %arg7: memref<20480x32xf32, #tpu.memory_space<hbm>>, %arg8: memref<128xi32, #tpu.memory_space<vmem>>, %arg9: memref<128xi32, #tpu.memory_space<vmem>>, %arg10: memref<128xi32, #tpu.memory_space<vmem>>, %arg11: memref<128xf32, #tpu.memory_space<vmem>>, %arg12: memref<128x16xf32, #tpu.memory_space<vmem>>, %arg13: memref<128x32xf32, #tpu.memory_space<vmem>>, %arg14: memref<128xi32, #tpu.memory_space<vmem>>, %arg15: memref<128xi32, #tpu.memory_space<vmem>>, %arg16: memref<128xi32, #tpu.memory_space<vmem>>, %arg17: memref<128xf32, #tpu.memory_space<vmem>>, %arg18: memref<128x16xf32, #tpu.memory_space<vmem>>, %arg19: memref<128x32xf32, #tpu.memory_space<vmem>>, %arg20: memref<10240xf32, #tpu.memory_space<vmem>>, %arg21: memref<10240xf32, #tpu.memory_space<vmem>>, %arg22: memref<10240x32xf32, #tpu.memory_space<vmem_shared>>, %arg23: memref<!tpu.dma_semaphore, #tpu.memory_space<semaphore_mem>>, %arg24: memref<!tpu.dma_semaphore, #tpu.memory_space<semaphore_mem>>, %arg25: memref<!tpu.dma_semaphore, #tpu.memory_space<semaphore_mem>>, %arg26: memref<!tpu.dma_semaphore, #tpu.memory_space<semaphore_mem>>, %arg27: memref<!tpu.dma_semaphore, #tpu.memory_space<semaphore_mem>>, %arg28: memref<!tpu.dma_semaphore, #tpu.memory_space<semaphore_mem>>) attributes {dimension_semantics = [#tpu.dimension_semantics<core_parallel>, #tpu.dimension_semantics<subcore_parallel>], iteration_bounds = array<i64: 2, 16>, scalar_prefetch = 0 : i64, scratch_operands = 21 : i64, tpu.core_type = #tpu.core_type<sc_vector_subcore>, window_params = [{transform_indices = #map}, {transform_indices = #map}, {transform_indices = #map}, {transform_indices = #map}, {transform_indices = #map1}, {transform_indices = #map1}]} {
    %mul3A = arith.constant 2 : i32
    %mul3A_0 = arith.muli %arg1, %mul3A : i32
    %add3A = arith.addi %mul3A_0, %arg0 : i32
    %iota3A = tpu.iota {dimensions = array<i32: 0>} : vector<16xi32>
    %eq3A = arith.constant 0 : i32
    %eq3A_1 = vector.broadcast %eq3A : i32 to vector<16xi32>
    %eq3A_2 = arith.cmpi eq, %iota3A, %eq3A_1 : vector<16xi32>
    %jit3A = arith.constant 1.000000e+00 : f32
    %jit3A_3 = arith.constant 0.000000e+00 : f32
    %broadcast_in_dim3A = vector.broadcast %jit3A : f32 to vector<16xf32>
    %broadcast_in_dim3A_4 = vector.broadcast %jit3A_3 : f32 to vector<16xf32>
    %select_n3A = arith.select %eq3A_2, %broadcast_in_dim3A, %broadcast_in_dim3A_4 : vector<16xi1>, vector<16xf32>
    %broadcast_in_dim3A_5 = arith.constant 0.000000e+00 : f32
    %broadcast_in_dim3A_6 = vector.broadcast %broadcast_in_dim3A_5 : f32 to vector<16xf32>
    %mul3A_7 = arith.constant 640 : i32
    %mul3A_8 = arith.muli %arg1, %mul3A_7 : i32
    %mul3A_9 = arith.constant 10496 : i32
    %mul3A_10 = arith.muli %add3A, %mul3A_9 : i32
    "tpu.region"() ({
      %run_scoped3A = tpu.sem_alloc : memref<!tpu.dma_semaphore, #tpu.memory_space<semaphore_mem>>
      tpu.enqueue_dma source(%arg4 : memref<10240xf32, #tpu.memory_space<hbm>>) target(%arg20 : memref<10240xf32, #tpu.memory_space<vmem>>) target_semaphore(%run_scoped3A : memref<!tpu.dma_semaphore, #tpu.memory_space<semaphore_mem>>)
      tpu.wait_dma2 semaphore(%run_scoped3A : memref<!tpu.dma_semaphore, #tpu.memory_space<semaphore_mem>>) src(%arg4 : memref<10240xf32, #tpu.memory_space<hbm>>) dst(%arg20 : memref<10240xf32, #tpu.memory_space<vmem>>)
      tpu.yield
    }) : () -> ()
    "tpu.region"() ({
      %run_scoped3A = tpu.sem_alloc : memref<!tpu.dma_semaphore, #tpu.memory_space<semaphore_mem>>
      tpu.enqueue_dma source(%arg5 : memref<10240xf32, #tpu.memory_space<hbm>>) target(%arg21 : memref<10240xf32, #tpu.memory_space<vmem>>) target_semaphore(%run_scoped3A : memref<!tpu.dma_semaphore, #tpu.memory_space<semaphore_mem>>)
      tpu.wait_dma2 semaphore(%run_scoped3A : memref<!tpu.dma_semaphore, #tpu.memory_space<semaphore_mem>>) src(%arg5 : memref<10240xf32, #tpu.memory_space<hbm>>) dst(%arg21 : memref<10240xf32, #tpu.memory_space<vmem>>)
      tpu.yield
    }) : () -> ()
    %scan3A = arith.constant 0 : i32
    %scan3A_11 = arith.constant 128 : i32
    %scan3A_12 = arith.addi %scan3A, %scan3A_11 : i32
    %scan3A_13 = arith.constant 1 : i32
    scf.for %scan3A_92 = %scan3A to %scan3A_12 step %scan3A_13  : i32 {
      %mul3A_93 = arith.constant 1 : i32
      %mul3A_94 = arith.muli %scan3A_92, %mul3A_93 : i32
      %add3A_95 = arith.constant 0 : i32
      %add3A_96 = arith.addi %add3A_95, %mul3A_94 : i32
      %swap3A = arith.index_cast %add3A_96 : i32 to index
      %swap3A_97 = arith.constant 0 : index
      %swap3A_98 = tpu.vector_load %arg13[%swap3A, %swap3A_97] {strides = array<i32>} : memref<128x32xf32, #tpu.memory_space<vmem>>, vector<16xf32>,
      tpu.vector_store %arg13[%swap3A, %swap3A_97], %broadcast_in_dim3A_6 {strides = array<i32>} : memref<128x32xf32, #tpu.memory_space<vmem>>, vector<16xf32>,
      %swap3A_99 = arith.index_cast %add3A_96 : i32 to index
      %swap3A_100 = arith.constant 16 : index
      %swap3A_101 = tpu.vector_load %arg13[%swap3A_99, %swap3A_100] {strides = array<i32>} : memref<128x32xf32, #tpu.memory_space<vmem>>, vector<16xf32>,
      tpu.vector_store %arg13[%swap3A_99, %swap3A_100], %broadcast_in_dim3A_6 {strides = array<i32>} : memref<128x32xf32, #tpu.memory_space<vmem>>, vector<16xf32>,
    }
    %scan3A_14 = arith.constant 128 : i32
    %add3A_15 = arith.constant 0 : i32
    %add3A_16 = arith.addi %mul3A_8, %add3A_15 : i32
    "tpu.region"() ({
      %run_scoped3A = tpu.sem_alloc : memref<!tpu.dma_semaphore, #tpu.memory_space<semaphore_mem>>
      %dma_start3A_92 = arith.constant 0 : i32
      %dma_start3A_93 = tpu.memref_slice %arg22[%add3A_16, %dma_start3A_92] : memref<10240x32xf32, #tpu.memory_space<vmem_shared>> -> memref<128x32xf32, #tpu.memory_space<vmem_shared>>
      %dma_start3A_94 = arith.constant 0 : i32
      %dma_start3A_95 = tpu.memref_slice %arg22[%add3A_16, %dma_start3A_94] : memref<10240x32xf32, #tpu.memory_space<vmem_shared>> -> memref<128x32xf32, #tpu.memory_space<vmem_shared>>
      tpu.enqueue_dma source(%arg13 : memref<128x32xf32, #tpu.memory_space<vmem>>) target(%dma_start3A_95 : memref<128x32xf32, #tpu.memory_space<vmem_shared>>) target_semaphore(%run_scoped3A : memref<!tpu.dma_semaphore, #tpu.memory_space<semaphore_mem>>)
      %dma_wait3A_96 = arith.constant 0 : i32
      %dma_wait3A_97 = tpu.memref_slice %arg22[%add3A_16, %dma_wait3A_96] : memref<10240x32xf32, #tpu.memory_space<vmem_shared>> -> memref<128x32xf32, #tpu.memory_space<vmem_shared>>
      %dma_wait3A_98 = arith.constant 0 : i32
      %dma_wait3A_99 = tpu.memref_slice %arg22[%add3A_16, %dma_wait3A_98] : memref<10240x32xf32, #tpu.memory_space<vmem_shared>> -> memref<128x32xf32, #tpu.memory_space<vmem_shared>>
      tpu.wait_dma2 semaphore(%run_scoped3A : memref<!tpu.dma_semaphore, #tpu.memory_space<semaphore_mem>>) src(%arg13 : memref<128x32xf32, #tpu.memory_space<vmem>>) dst(%dma_wait3A_99 : memref<128x32xf32, #tpu.memory_space<vmem_shared>>)
      tpu.yield
    }) : () -> ()
    %add3A_17 = arith.constant 128 : i32
    %add3A_18 = arith.addi %mul3A_8, %add3A_17 : i32
    "tpu.region"() ({
      %run_scoped3A = tpu.sem_alloc : memref<!tpu.dma_semaphore, #tpu.memory_space<semaphore_mem>>
      %dma_start3A_92 = arith.constant 0 : i32
      %dma_start3A_93 = tpu.memref_slice %arg22[%add3A_18, %dma_start3A_92] : memref<10240x32xf32, #tpu.memory_space<vmem_shared>> -> memref<128x32xf32, #tpu.memory_space<vmem_shared>>
      %dma_start3A_94 = arith.constant 0 : i32
      %dma_start3A_95 = tpu.memref_slice %arg22[%add3A_18, %dma_start3A_94] : memref<10240x32xf32, #tpu.memory_space<vmem_shared>> -> memref<128x32xf32, #tpu.memory_space<vmem_shared>>
      tpu.enqueue_dma source(%arg13 : memref<128x32xf32, #tpu.memory_space<vmem>>) target(%dma_start3A_95 : memref<128x32xf32, #tpu.memory_space<vmem_shared>>) target_semaphore(%run_scoped3A : memref<!tpu.dma_semaphore, #tpu.memory_space<semaphore_mem>>)
      %dma_wait3A_96 = arith.constant 0 : i32
      %dma_wait3A_97 = tpu.memref_slice %arg22[%add3A_18, %dma_wait3A_96] : memref<10240x32xf32, #tpu.memory_space<vmem_shared>> -> memref<128x32xf32, #tpu.memory_space<vmem_shared>>
      %dma_wait3A_98 = arith.constant 0 : i32
      %dma_wait3A_99 = tpu.memref_slice %arg22[%add3A_18, %dma_wait3A_98] : memref<10240x32xf32, #tpu.memory_space<vmem_shared>> -> memref<128x32xf32, #tpu.memory_space<vmem_shared>>
      tpu.wait_dma2 semaphore(%run_scoped3A : memref<!tpu.dma_semaphore, #tpu.memory_space<semaphore_mem>>) src(%arg13 : memref<128x32xf32, #tpu.memory_space<vmem>>) dst(%dma_wait3A_99 : memref<128x32xf32, #tpu.memory_space<vmem_shared>>)
      tpu.yield
    }) : () -> ()
    %add3A_19 = arith.constant 256 : i32
    %add3A_20 = arith.addi %mul3A_8, %add3A_19 : i32
    "tpu.region"() ({
      %run_scoped3A = tpu.sem_alloc : memref<!tpu.dma_semaphore, #tpu.memory_space<semaphore_mem>>
      %dma_start3A_92 = arith.constant 0 : i32
      %dma_start3A_93 = tpu.memref_slice %arg22[%add3A_20, %dma_start3A_92] : memref<10240x32xf32, #tpu.memory_space<vmem_shared>> -> memref<128x32xf32, #tpu.memory_space<vmem_shared>>
      %dma_start3A_94 = arith.constant 0 : i32
      %dma_start3A_95 = tpu.memref_slice %arg22[%add3A_20, %dma_start3A_94] : memref<10240x32xf32, #tpu.memory_space<vmem_shared>> -> memref<128x32xf32, #tpu.memory_space<vmem_shared>>
      tpu.enqueue_dma source(%arg13 : memref<128x32xf32, #tpu.memory_space<vmem>>) target(%dma_start3A_95 : memref<128x32xf32, #tpu.memory_space<vmem_shared>>) target_semaphore(%run_scoped3A : memref<!tpu.dma_semaphore, #tpu.memory_space<semaphore_mem>>)
      %dma_wait3A_96 = arith.constant 0 : i32
      %dma_wait3A_97 = tpu.memref_slice %arg22[%add3A_20, %dma_wait3A_96] : memref<10240x32xf32, #tpu.memory_space<vmem_shared>> -> memref<128x32xf32, #tpu.memory_space<vmem_shared>>
      %dma_wait3A_98 = arith.constant 0 : i32
      %dma_wait3A_99 = tpu.memref_slice %arg22[%add3A_20, %dma_wait3A_98] : memref<10240x32xf32, #tpu.memory_space<vmem_shared>> -> memref<128x32xf32, #tpu.memory_space<vmem_shared>>
      tpu.wait_dma2 semaphore(%run_scoped3A : memref<!tpu.dma_semaphore, #tpu.memory_space<semaphore_mem>>) src(%arg13 : memref<128x32xf32, #tpu.memory_space<vmem>>) dst(%dma_wait3A_99 : memref<128x32xf32, #tpu.memory_space<vmem_shared>>)
      tpu.yield
    }) : () -> ()
    %add3A_21 = arith.constant 384 : i32
    %add3A_22 = arith.addi %mul3A_8, %add3A_21 : i32
    "tpu.region"() ({
      %run_scoped3A = tpu.sem_alloc : memref<!tpu.dma_semaphore, #tpu.memory_space<semaphore_mem>>
      %dma_start3A_92 = arith.constant 0 : i32
      %dma_start3A_93 = tpu.memref_slice %arg22[%add3A_22, %dma_start3A_92] : memref<10240x32xf32, #tpu.memory_space<vmem_shared>> -> memref<128x32xf32, #tpu.memory_space<vmem_shared>>
      %dma_start3A_94 = arith.constant 0 : i32
      %dma_start3A_95 = tpu.memref_slice %arg22[%add3A_22, %dma_start3A_94] : memref<10240x32xf32, #tpu.memory_space<vmem_shared>> -> memref<128x32xf32, #tpu.memory_space<vmem_shared>>
      tpu.enqueue_dma source(%arg13 : memref<128x32xf32, #tpu.memory_space<vmem>>) target(%dma_start3A_95 : memref<128x32xf32, #tpu.memory_space<vmem_shared>>) target_semaphore(%run_scoped3A : memref<!tpu.dma_semaphore, #tpu.memory_space<semaphore_mem>>)
      %dma_wait3A_96 = arith.constant 0 : i32
      %dma_wait3A_97 = tpu.memref_slice %arg22[%add3A_22, %dma_wait3A_96] : memref<10240x32xf32, #tpu.memory_space<vmem_shared>> -> memref<128x32xf32, #tpu.memory_space<vmem_shared>>
      %dma_wait3A_98 = arith.constant 0 : i32
      %dma_wait3A_99 = tpu.memref_slice %arg22[%add3A_22, %dma_wait3A_98] : memref<10240x32xf32, #tpu.memory_space<vmem_shared>> -> memref<128x32xf32, #tpu.memory_space<vmem_shared>>
      tpu.wait_dma2 semaphore(%run_scoped3A : memref<!tpu.dma_semaphore, #tpu.memory_space<semaphore_mem>>) src(%arg13 : memref<128x32xf32, #tpu.memory_space<vmem>>) dst(%dma_wait3A_99 : memref<128x32xf32, #tpu.memory_space<vmem_shared>>)
      tpu.yield
    }) : () -> ()
    %add3A_23 = arith.constant 512 : i32
    %add3A_24 = arith.addi %mul3A_8, %add3A_23 : i32
    "tpu.region"() ({
      %run_scoped3A = tpu.sem_alloc : memref<!tpu.dma_semaphore, #tpu.memory_space<semaphore_mem>>
      %dma_start3A_92 = arith.constant 0 : i32
      %dma_start3A_93 = tpu.memref_slice %arg22[%add3A_24, %dma_start3A_92] : memref<10240x32xf32, #tpu.memory_space<vmem_shared>> -> memref<128x32xf32, #tpu.memory_space<vmem_shared>>
      %dma_start3A_94 = arith.constant 0 : i32
      %dma_start3A_95 = tpu.memref_slice %arg22[%add3A_24, %dma_start3A_94] : memref<10240x32xf32, #tpu.memory_space<vmem_shared>> -> memref<128x32xf32, #tpu.memory_space<vmem_shared>>
      tpu.enqueue_dma source(%arg13 : memref<128x32xf32, #tpu.memory_space<vmem>>) target(%dma_start3A_95 : memref<128x32xf32, #tpu.memory_space<vmem_shared>>) target_semaphore(%run_scoped3A : memref<!tpu.dma_semaphore, #tpu.memory_space<semaphore_mem>>)
      %dma_wait3A_96 = arith.constant 0 : i32
      %dma_wait3A_97 = tpu.memref_slice %arg22[%add3A_24, %dma_wait3A_96] : memref<10240x32xf32, #tpu.memory_space<vmem_shared>> -> memref<128x32xf32, #tpu.memory_space<vmem_shared>>
      %dma_wait3A_98 = arith.constant 0 : i32
      %dma_wait3A_99 = tpu.memref_slice %arg22[%add3A_24, %dma_wait3A_98] : memref<10240x32xf32, #tpu.memory_space<vmem_shared>> -> memref<128x32xf32, #tpu.memory_space<vmem_shared>>
      tpu.wait_dma2 semaphore(%run_scoped3A : memref<!tpu.dma_semaphore, #tpu.memory_space<semaphore_mem>>) src(%arg13 : memref<128x32xf32, #tpu.memory_space<vmem>>) dst(%dma_wait3A_99 : memref<128x32xf32, #tpu.memory_space<vmem_shared>>)
      tpu.yield
    }) : () -> ()
    %barrier3A = arith.constant 0 : index
    tpu.barrier barrier_id(%barrier3A)
    %add3A_25 = arith.constant 0 : i32
    %add3A_26 = arith.addi %mul3A_10, %add3A_25 : i32
    %dma_start3A = tpu.memref_slice %arg2[%add3A_26] : memref<336128xi32, #tpu.memory_space<hbm>> -> memref<128xi32, #tpu.memory_space<hbm>>
    %dma_start3A_27 = tpu.memref_slice %arg2[%add3A_26] : memref<336128xi32, #tpu.memory_space<hbm>> -> memref<128xi32, #tpu.memory_space<hbm>>
    tpu.enqueue_dma source(%dma_start3A_27 : memref<128xi32, #tpu.memory_space<hbm>>) target(%arg8 : memref<128xi32, #tpu.memory_space<vmem>>) target_semaphore(%arg23 : memref<!tpu.dma_semaphore, #tpu.memory_space<semaphore_mem>>)
    %dma_start3A_28 = tpu.memref_slice %arg3[%add3A_26] : memref<336128xi32, #tpu.memory_space<hbm>> -> memref<128xi32, #tpu.memory_space<hbm>>
    %dma_start3A_29 = tpu.memref_slice %arg3[%add3A_26] : memref<336128xi32, #tpu.memory_space<hbm>> -> memref<128xi32, #tpu.memory_space<hbm>>
    tpu.enqueue_dma source(%dma_start3A_29 : memref<128xi32, #tpu.memory_space<hbm>>) target(%arg9 : memref<128xi32, #tpu.memory_space<vmem>>) target_semaphore(%arg23 : memref<!tpu.dma_semaphore, #tpu.memory_space<semaphore_mem>>)
    %add3A_30 = arith.constant 128 : i32
    %add3A_31 = arith.addi %mul3A_10, %add3A_30 : i32
    %dma_start3A_32 = tpu.memref_slice %arg2[%add3A_31] : memref<336128xi32, #tpu.memory_space<hbm>> -> memref<128xi32, #tpu.memory_space<hbm>>
    %dma_start3A_33 = tpu.memref_slice %arg2[%add3A_31] : memref<336128xi32, #tpu.memory_space<hbm>> -> memref<128xi32, #tpu.memory_space<hbm>>
    tpu.enqueue_dma source(%dma_start3A_33 : memref<128xi32, #tpu.memory_space<hbm>>) target(%arg14 : memref<128xi32, #tpu.memory_space<vmem>>) target_semaphore(%arg26 : memref<!tpu.dma_semaphore, #tpu.memory_space<semaphore_mem>>)
    %dma_start3A_34 = tpu.memref_slice %arg3[%add3A_31] : memref<336128xi32, #tpu.memory_space<hbm>> -> memref<128xi32, #tpu.memory_space<hbm>>
    %dma_start3A_35 = tpu.memref_slice %arg3[%add3A_31] : memref<336128xi32, #tpu.memory_space<hbm>> -> memref<128xi32, #tpu.memory_space<hbm>>
    tpu.enqueue_dma source(%dma_start3A_35 : memref<128xi32, #tpu.memory_space<hbm>>) target(%arg15 : memref<128xi32, #tpu.memory_space<vmem>>) target_semaphore(%arg26 : memref<!tpu.dma_semaphore, #tpu.memory_space<semaphore_mem>>)
    %dma_wait3A = arith.constant 0 : i32
    %dma_wait3A_36 = tpu.memref_slice %arg2[%dma_wait3A] : memref<336128xi32, #tpu.memory_space<hbm>> -> memref<128xi32, #tpu.memory_space<hbm>>
    %dma_wait3A_37 = arith.constant 0 : i32
    %dma_wait3A_38 = tpu.memref_slice %arg2[%dma_wait3A_37] : memref<336128xi32, #tpu.memory_space<hbm>> -> memref<128xi32, #tpu.memory_space<hbm>>
    tpu.wait_dma2 semaphore(%arg23 : memref<!tpu.dma_semaphore, #tpu.memory_space<semaphore_mem>>) src(%dma_wait3A_38 : memref<128xi32, #tpu.memory_space<hbm>>) dst(%arg8 : memref<128xi32, #tpu.memory_space<vmem>>)
    %dma_wait3A_39 = arith.constant 0 : i32
    %dma_wait3A_40 = tpu.memref_slice %arg3[%dma_wait3A_39] : memref<336128xi32, #tpu.memory_space<hbm>> -> memref<128xi32, #tpu.memory_space<hbm>>
    %dma_wait3A_41 = arith.constant 0 : i32
    %dma_wait3A_42 = tpu.memref_slice %arg3[%dma_wait3A_41] : memref<336128xi32, #tpu.memory_space<hbm>> -> memref<128xi32, #tpu.memory_space<hbm>>
    tpu.wait_dma2 semaphore(%arg23 : memref<!tpu.dma_semaphore, #tpu.memory_space<semaphore_mem>>) src(%dma_wait3A_42 : memref<128xi32, #tpu.memory_space<hbm>>) dst(%arg9 : memref<128xi32, #tpu.memory_space<vmem>>)
    %dma_start3A_43 = arith.constant 0 : i32
    %dma_start3A_44 = arith.constant 0 : i32
    %dma_start3A_45 = tpu.memref_slice %arg6[%dma_start3A_43, %dma_start3A_44] : memref<10240x16xf32, #tpu.memory_space<hbm>> -> memref<10240x16xf32, #tpu.memory_space<hbm>>
    tpu.enqueue_indirect_dma source(%dma_start3A_45 : memref<10240x16xf32, #tpu.memory_space<hbm>>) target(%arg12 : memref<128x16xf32, #tpu.memory_space<vmem>>) offsets(%arg8 : memref<128xi32, #tpu.memory_space<vmem>>) semaphore(%arg24 : memref<!tpu.dma_semaphore, #tpu.memory_space<semaphore_mem>>)
    %scan3A_46 = arith.constant 0 : i32
    %scan3A_47 = arith.constant 41 : i32
    %scan3A_48 = arith.addi %scan3A_46, %scan3A_47 : i32
    %scan3A_49 = arith.constant 1 : i32
    scf.for %scan3A_92 = %scan3A_46 to %scan3A_48 step %scan3A_49  : i32 {
      %mul3A_93 = arith.constant 1 : i32
      %mul3A_94 = arith.muli %scan3A_92, %mul3A_93 : i32
      %add3A_95 = arith.constant 0 : i32
      %add3A_96 = arith.addi %add3A_95, %mul3A_94 : i32
      %mul3A_97 = arith.constant 2 : i32
      %mul3A_98 = arith.muli %add3A_96, %mul3A_97 : i32
      %gt3A = arith.constant 0 : i32
      %gt3A_99 = arith.cmpi sgt, %add3A_96, %gt3A : i32
      %convert_element_type3A = arith.extui %gt3A_99 : i1 to i32
      %cond3A = arith.constant 0 : i32
      %cond3A_100 = arith.cmpi ne, %convert_element_type3A, %cond3A : i32
      scf.if %cond3A_100 {
        %dma_wait3A_175 = arith.constant 0 : i32
        %dma_wait3A_176 = arith.constant 0 : i32
        %dma_wait3A_177 = tpu.memref_slice %arg22[%dma_wait3A_175, %dma_wait3A_176] : memref<10240x32xf32, #tpu.memory_space<vmem_shared>> -> memref<10240x32xf32, #tpu.memory_space<vmem_shared>>
        tpu.wait_indirect_dma semaphore(%arg25 : memref<!tpu.dma_semaphore, #tpu.memory_space<semaphore_mem>>) src(%arg13 : memref<128x32xf32, #tpu.memory_space<vmem>>) dst(%dma_wait3A_177 : memref<10240x32xf32, #tpu.memory_space<vmem_shared>>)
      } else {
      }
      %dma_wait3A_101 = arith.constant 0 : i32
      %dma_wait3A_102 = arith.constant 0 : i32
      %dma_wait3A_103 = tpu.memref_slice %arg6[%dma_wait3A_101, %dma_wait3A_102] : memref<10240x16xf32, #tpu.memory_space<hbm>> -> memref<10240x16xf32, #tpu.memory_space<hbm>>
      tpu.wait_indirect_dma semaphore(%arg24 : memref<!tpu.dma_semaphore, #tpu.memory_space<semaphore_mem>>) src(%dma_wait3A_103 : memref<10240x16xf32, #tpu.memory_space<hbm>>) dst(%arg12 : memref<128x16xf32, #tpu.memory_space<vmem>>)
      %parallel_loop3A = arith.constant 0 : i32
      %parallel_loop3A_104 = arith.constant 8 : i32
      %parallel_loop3A_105 = arith.constant 1 : i32
      scf.for %parallel_loop3A_175 = %parallel_loop3A to %parallel_loop3A_104 step %parallel_loop3A_105  : i32 {
        %parallel_loop3A_176 = arith.constant 16 : i32
        %parallel_loop3A_177 = arith.muli %parallel_loop3A_175, %parallel_loop3A_176 : i32
        %parallel_loop3A_178 = arith.index_cast %parallel_loop3A_177 : i32 to index
        %parallel_loop3A_179 = tpu.vector_load %arg9[%parallel_loop3A_178] {strides = array<i32>} : memref<128xi32, #tpu.memory_space<vmem>>, vector<16xi32>,
        %parallel_loop3A_180 = arith.constant 16 : i32
        %parallel_loop3A_181 = arith.muli %parallel_loop3A_175, %parallel_loop3A_180 : i32
        %parallel_loop3A_182 = arith.index_cast %parallel_loop3A_181 : i32 to index
        %parallel_loop3A_183 = tpu.vector_load %arg10[%parallel_loop3A_182] {strides = array<i32>} : memref<128xi32, #tpu.memory_space<vmem>>, vector<16xi32>,
        tpu.vector_store %arg10[%parallel_loop3A_182], %parallel_loop3A_179 {strides = array<i32>} : memref<128xi32, #tpu.memory_space<vmem>>, vector<16xi32>,
      } {sc.loop_unroll_factor = 1 : i64, sc.parallel_access}
      %add3A_106 = arith.constant 2 : i32
      %add3A_107 = arith.addi %mul3A_98, %add3A_106 : i32
      %mul3A_108 = arith.constant 128 : i32
      %mul3A_109 = arith.muli %add3A_107, %mul3A_108 : i32
      %add3A_110 = arith.addi %mul3A_10, %mul3A_109 : i32
      %dma_start3A_111 = tpu.memref_slice %arg2[%add3A_110] : memref<336128xi32, #tpu.memory_space<hbm>> -> memref<128xi32, #tpu.memory_space<hbm>>
      %dma_start3A_112 = tpu.memref_slice %arg2[%add3A_110] : memref<336128xi32, #tpu.memory_space<hbm>> -> memref<128xi32, #tpu.memory_space<hbm>>
      tpu.enqueue_dma source(%dma_start3A_112 : memref<128xi32, #tpu.memory_space<hbm>>) target(%arg8 : memref<128xi32, #tpu.memory_space<vmem>>) target_semaphore(%arg23 : memref<!tpu.dma_semaphore, #tpu.memory_space<semaphore_mem>>)
      %dma_start3A_113 = tpu.memref_slice %arg3[%add3A_110] : memref<336128xi32, #tpu.memory_space<hbm>> -> memref<128xi32, #tpu.memory_space<hbm>>
      %dma_start3A_114 = tpu.memref_slice %arg3[%add3A_110] : memref<336128xi32, #tpu.memory_space<hbm>> -> memref<128xi32, #tpu.memory_space<hbm>>
      tpu.enqueue_dma source(%dma_start3A_114 : memref<128xi32, #tpu.memory_space<hbm>>) target(%arg9 : memref<128xi32, #tpu.memory_space<vmem>>) target_semaphore(%arg23 : memref<!tpu.dma_semaphore, #tpu.memory_space<semaphore_mem>>)
      %dma_wait3A_115 = arith.constant 0 : i32
      %dma_wait3A_116 = tpu.memref_slice %arg2[%dma_wait3A_115] : memref<336128xi32, #tpu.memory_space<hbm>> -> memref<128xi32, #tpu.memory_space<hbm>>
      %dma_wait3A_117 = arith.constant 0 : i32
      %dma_wait3A_118 = tpu.memref_slice %arg2[%dma_wait3A_117] : memref<336128xi32, #tpu.memory_space<hbm>> -> memref<128xi32, #tpu.memory_space<hbm>>
      tpu.wait_dma2 semaphore(%arg26 : memref<!tpu.dma_semaphore, #tpu.memory_space<semaphore_mem>>) src(%dma_wait3A_118 : memref<128xi32, #tpu.memory_space<hbm>>) dst(%arg14 : memref<128xi32, #tpu.memory_space<vmem>>)
      %dma_wait3A_119 = arith.constant 0 : i32
      %dma_wait3A_120 = tpu.memref_slice %arg3[%dma_wait3A_119] : memref<336128xi32, #tpu.memory_space<hbm>> -> memref<128xi32, #tpu.memory_space<hbm>>
      %dma_wait3A_121 = arith.constant 0 : i32
      %dma_wait3A_122 = tpu.memref_slice %arg3[%dma_wait3A_121] : memref<336128xi32, #tpu.memory_space<hbm>> -> memref<128xi32, #tpu.memory_space<hbm>>
      tpu.wait_dma2 semaphore(%arg26 : memref<!tpu.dma_semaphore, #tpu.memory_space<semaphore_mem>>) src(%dma_wait3A_122 : memref<128xi32, #tpu.memory_space<hbm>>) dst(%arg15 : memref<128xi32, #tpu.memory_space<vmem>>)
      %dma_start3A_123 = arith.constant 0 : i32
      %dma_start3A_124 = arith.constant 0 : i32
      %dma_start3A_125 = tpu.memref_slice %arg6[%dma_start3A_123, %dma_start3A_124] : memref<10240x16xf32, #tpu.memory_space<hbm>> -> memref<10240x16xf32, #tpu.memory_space<hbm>>
      tpu.enqueue_indirect_dma source(%dma_start3A_125 : memref<10240x16xf32, #tpu.memory_space<hbm>>) target(%arg18 : memref<128x16xf32, #tpu.memory_space<vmem>>) offsets(%arg14 : memref<128xi32, #tpu.memory_space<vmem>>) semaphore(%arg27 : memref<!tpu.dma_semaphore, #tpu.memory_space<semaphore_mem>>)
      %parallel_loop3A_126 = arith.constant 0 : i32
      %parallel_loop3A_127 = arith.constant 8 : i32
      %parallel_loop3A_128 = arith.constant 1 : i32
      scf.for %parallel_loop3A_175 = %parallel_loop3A_126 to %parallel_loop3A_127 step %parallel_loop3A_128  : i32 {
        %parallel_loop3A_176 = arith.constant 16 : i32
        %parallel_loop3A_177 = arith.muli %parallel_loop3A_175, %parallel_loop3A_176 : i32
        %parallel_loop3A_178 = arith.index_cast %parallel_loop3A_177 : i32 to index
        %parallel_loop3A_179 = tpu.vector_load %arg8[%parallel_loop3A_178] {strides = array<i32>} : memref<128xi32, #tpu.memory_space<vmem>>, vector<16xi32>,
        %parallel_loop3A_180 = arith.constant 16 : i32
        %parallel_loop3A_181 = arith.muli %parallel_loop3A_175, %parallel_loop3A_180 : i32
        %parallel_loop3A_182 = arith.index_cast %parallel_loop3A_181 : i32 to index
        %parallel_loop3A_183 = tpu.vector_load %arg9[%parallel_loop3A_182] {strides = array<i32>} : memref<128xi32, #tpu.memory_space<vmem>>, vector<16xi32>,
        %parallel_loop3A_184 = tpu.vector_load_idx %arg20[%parallel_loop3A_179] : memref<10240xf32, #tpu.memory_space<vmem>>[vector<16xi32>], vector<16xf32>,
        %parallel_loop3A_185 = tpu.vector_load_idx %arg21[%parallel_loop3A_183] : memref<10240xf32, #tpu.memory_space<vmem>>[vector<16xi32>], vector<16xf32>,
        %parallel_loop3A_186 = arith.addf %parallel_loop3A_184, %parallel_loop3A_185 : vector<16xf32>
        %parallel_loop3A_187 = arith.constant 2.000000e-01 : f32
        %parallel_loop3A_188 = vector.broadcast %parallel_loop3A_187 : f32 to vector<16xf32>
        %parallel_loop3A_189 = arith.mulf %parallel_loop3A_188, %parallel_loop3A_186 : vector<16xf32>
        %parallel_loop3A_190 = arith.maximumf %parallel_loop3A_186, %parallel_loop3A_189 : vector<16xf32>
        %parallel_loop3A_191 = math.exp %parallel_loop3A_190 : vector<16xf32>
        %parallel_loop3A_192 = arith.constant 16 : i32
        %parallel_loop3A_193 = arith.muli %parallel_loop3A_175, %parallel_loop3A_192 : i32
        %parallel_loop3A_194 = arith.index_cast %parallel_loop3A_193 : i32 to index
        %parallel_loop3A_195 = tpu.vector_load %arg11[%parallel_loop3A_194] {strides = array<i32>} : memref<128xf32, #tpu.memory_space<vmem>>, vector<16xf32>,
        tpu.vector_store %arg11[%parallel_loop3A_194], %parallel_loop3A_191 {strides = array<i32>} : memref<128xf32, #tpu.memory_space<vmem>>, vector<16xf32>,
      } {sc.loop_unroll_factor = 1 : i64, sc.parallel_access}
      %parallel_loop3A_129 = arith.constant 0 : i32
      %parallel_loop3A_130 = arith.constant 128 : i32
      %parallel_loop3A_131 = arith.constant 1 : i32
      scf.for %parallel_loop3A_175 = %parallel_loop3A_129 to %parallel_loop3A_130 step %parallel_loop3A_131  : i32 {
        %parallel_loop3A_176 = arith.constant 0 : i32
        %parallel_loop3A_177 = vector.broadcast %parallel_loop3A_176 : i32 to vector<16xi32>
        %parallel_loop3A_178 = arith.muli %iota3A, %parallel_loop3A_177 : vector<16xi32>
        %parallel_loop3A_179 = vector.broadcast %parallel_loop3A_175 : i32 to vector<16xi32>
        %parallel_loop3A_180 = arith.addi %parallel_loop3A_178, %parallel_loop3A_179 : vector<16xi32>
        %parallel_loop3A_181 = tpu.vector_load_idx %arg11[%parallel_loop3A_180] : memref<128xf32, #tpu.memory_space<vmem>>[vector<16xi32>], vector<16xf32>,
        %parallel_loop3A_182 = arith.index_cast %parallel_loop3A_175 : i32 to index
        %parallel_loop3A_183 = arith.constant 0 : index
        %parallel_loop3A_184 = tpu.vector_load %arg12[%parallel_loop3A_182, %parallel_loop3A_183] {strides = array<i32>} : memref<128x16xf32, #tpu.memory_space<vmem>>, vector<16xf32>,
        %parallel_loop3A_185 = arith.mulf %parallel_loop3A_184, %parallel_loop3A_181 : vector<16xf32>
        %parallel_loop3A_186 = arith.index_cast %parallel_loop3A_175 : i32 to index
        %parallel_loop3A_187 = arith.constant 0 : index
        %parallel_loop3A_188 = tpu.vector_load %arg13[%parallel_loop3A_186, %parallel_loop3A_187] {strides = array<i32>} : memref<128x32xf32, #tpu.memory_space<vmem>>, vector<16xf32>,
        tpu.vector_store %arg13[%parallel_loop3A_186, %parallel_loop3A_187], %parallel_loop3A_185 {strides = array<i32>} : memref<128x32xf32, #tpu.memory_space<vmem>>, vector<16xf32>,
        %parallel_loop3A_189 = arith.mulf %parallel_loop3A_181, %select_n3A : vector<16xf32>
        %parallel_loop3A_190 = arith.index_cast %parallel_loop3A_175 : i32 to index
        %parallel_loop3A_191 = arith.constant 16 : index
        %parallel_loop3A_192 = tpu.vector_load %arg13[%parallel_loop3A_190, %parallel_loop3A_191] {strides = array<i32>} : memref<128x32xf32, #tpu.memory_space<vmem>>, vector<16xf32>,
        tpu.vector_store %arg13[%parallel_loop3A_190, %parallel_loop3A_191], %parallel_loop3A_189 {strides = array<i32>} : memref<128x32xf32, #tpu.memory_space<vmem>>, vector<16xf32>,
      } {sc.loop_unroll_factor = 4 : i64, sc.parallel_access}
      %dma_start3A_132 = arith.constant 0 : i32
      %dma_start3A_133 = arith.constant 0 : i32
      %dma_start3A_134 = tpu.memref_slice %arg22[%dma_start3A_132, %dma_start3A_133] : memref<10240x32xf32, #tpu.memory_space<vmem_shared>> -> memref<10240x32xf32, #tpu.memory_space<vmem_shared>>
      tpu.enqueue_indirect_dma source(%arg13 : memref<128x32xf32, #tpu.memory_space<vmem>>) target(%dma_start3A_134 : memref<10240x32xf32, #tpu.memory_space<vmem_shared>>) offsets(%arg10 : memref<128xi32, #tpu.memory_space<vmem>>) semaphore(%arg25 : memref<!tpu.dma_semaphore, #tpu.memory_space<semaphore_mem>>) {add = true}
      %gt3A_135 = arith.constant 0 : i32
      %gt3A_136 = arith.cmpi sgt, %add3A_96, %gt3A_135 : i32
      %convert_element_type3A_137 = arith.extui %gt3A_136 : i1 to i32
      %cond3A_138 = arith.constant 0 : i32
      %cond3A_139 = arith.cmpi ne, %convert_element_type3A_137, %cond3A_138 : i32
      scf.if %cond3A_139 {
        %dma_wait3A_175 = arith.constant 0 : i32
        %dma_wait3A_176 = arith.constant 0 : i32
        %dma_wait3A_177 = tpu.memref_slice %arg22[%dma_wait3A_175, %dma_wait3A_176] : memref<10240x32xf32, #tpu.memory_space<vmem_shared>> -> memref<10240x32xf32, #tpu.memory_space<vmem_shared>>
        tpu.wait_indirect_dma semaphore(%arg28 : memref<!tpu.dma_semaphore, #tpu.memory_space<semaphore_mem>>) src(%arg19 : memref<128x32xf32, #tpu.memory_space<vmem>>) dst(%dma_wait3A_177 : memref<10240x32xf32, #tpu.memory_space<vmem_shared>>)
      } else {
      }
      %dma_wait3A_140 = arith.constant 0 : i32
      %dma_wait3A_141 = arith.constant 0 : i32
      %dma_wait3A_142 = tpu.memref_slice %arg6[%dma_wait3A_140, %dma_wait3A_141] : memref<10240x16xf32, #tpu.memory_space<hbm>> -> memref<10240x16xf32, #tpu.memory_space<hbm>>
      tpu.wait_indirect_dma semaphore(%arg27 : memref<!tpu.dma_semaphore, #tpu.memory_space<semaphore_mem>>) src(%dma_wait3A_142 : memref<10240x16xf32, #tpu.memory_space<hbm>>) dst(%arg18 : memref<128x16xf32, #tpu.memory_space<vmem>>)
      %parallel_loop3A_143 = arith.constant 0 : i32
      %parallel_loop3A_144 = arith.constant 8 : i32
      %parallel_loop3A_145 = arith.constant 1 : i32
      scf.for %parallel_loop3A_175 = %parallel_loop3A_143 to %parallel_loop3A_144 step %parallel_loop3A_145  : i32 {
        %parallel_loop3A_176 = arith.constant 16 : i32
        %parallel_loop3A_177 = arith.muli %parallel_loop3A_175, %parallel_loop3A_176 : i32
        %parallel_loop3A_178 = arith.index_cast %parallel_loop3A_177 : i32 to index
        %parallel_loop3A_179 = tpu.vector_load %arg15[%parallel_loop3A_178] {strides = array<i32>} : memref<128xi32, #tpu.memory_space<vmem>>, vector<16xi32>,
        %parallel_loop3A_180 = arith.constant 16 : i32
        %parallel_loop3A_181 = arith.muli %parallel_loop3A_175, %parallel_loop3A_180 : i32
        %parallel_loop3A_182 = arith.index_cast %parallel_loop3A_181 : i32 to index
        %parallel_loop3A_183 = tpu.vector_load %arg16[%parallel_loop3A_182] {strides = array<i32>} : memref<128xi32, #tpu.memory_space<vmem>>, vector<16xi32>,
        tpu.vector_store %arg16[%parallel_loop3A_182], %parallel_loop3A_179 {strides = array<i32>} : memref<128xi32, #tpu.memory_space<vmem>>, vector<16xi32>,
      } {sc.loop_unroll_factor = 1 : i64, sc.parallel_access}
      %add3A_146 = arith.constant 3 : i32
      %add3A_147 = arith.addi %mul3A_98, %add3A_146 : i32
      %mul3A_148 = arith.constant 128 : i32
      %mul3A_149 = arith.muli %add3A_147, %mul3A_148 : i32
      %add3A_150 = arith.addi %mul3A_10, %mul3A_149 : i32
      %dma_start3A_151 = tpu.memref_slice %arg2[%add3A_150] : memref<336128xi32, #tpu.memory_space<hbm>> -> memref<128xi32, #tpu.memory_space<hbm>>
      %dma_start3A_152 = tpu.memref_slice %arg2[%add3A_150] : memref<336128xi32, #tpu.memory_space<hbm>> -> memref<128xi32, #tpu.memory_space<hbm>>
      tpu.enqueue_dma source(%dma_start3A_152 : memref<128xi32, #tpu.memory_space<hbm>>) target(%arg14 : memref<128xi32, #tpu.memory_space<vmem>>) target_semaphore(%arg26 : memref<!tpu.dma_semaphore, #tpu.memory_space<semaphore_mem>>)
      %dma_start3A_153 = tpu.memref_slice %arg3[%add3A_150] : memref<336128xi32, #tpu.memory_space<hbm>> -> memref<128xi32, #tpu.memory_space<hbm>>
      %dma_start3A_154 = tpu.memref_slice %arg3[%add3A_150] : memref<336128xi32, #tpu.memory_space<hbm>> -> memref<128xi32, #tpu.memory_space<hbm>>
      tpu.enqueue_dma source(%dma_start3A_154 : memref<128xi32, #tpu.memory_space<hbm>>) target(%arg15 : memref<128xi32, #tpu.memory_space<vmem>>) target_semaphore(%arg26 : memref<!tpu.dma_semaphore, #tpu.memory_space<semaphore_mem>>)
      %dma_wait3A_155 = arith.constant 0 : i32
      %dma_wait3A_156 = tpu.memref_slice %arg2[%dma_wait3A_155] : memref<336128xi32, #tpu.memory_space<hbm>> -> memref<128xi32, #tpu.memory_space<hbm>>
      %dma_wait3A_157 = arith.constant 0 : i32
      %dma_wait3A_158 = tpu.memref_slice %arg2[%dma_wait3A_157] : memref<336128xi32, #tpu.memory_space<hbm>> -> memref<128xi32, #tpu.memory_space<hbm>>
      tpu.wait_dma2 semaphore(%arg23 : memref<!tpu.dma_semaphore, #tpu.memory_space<semaphore_mem>>) src(%dma_wait3A_158 : memref<128xi32, #tpu.memory_space<hbm>>) dst(%arg8 : memref<128xi32, #tpu.memory_space<vmem>>)
      %dma_wait3A_159 = arith.constant 0 : i32
      %dma_wait3A_160 = tpu.memref_slice %arg3[%dma_wait3A_159] : memref<336128xi32, #tpu.memory_space<hbm>> -> memref<128xi32, #tpu.memory_space<hbm>>
      %dma_wait3A_161 = arith.constant 0 : i32
      %dma_wait3A_162 = tpu.memref_slice %arg3[%dma_wait3A_161] : memref<336128xi32, #tpu.memory_space<hbm>> -> memref<128xi32, #tpu.memory_space<hbm>>
      tpu.wait_dma2 semaphore(%arg23 : memref<!tpu.dma_semaphore, #tpu.memory_space<semaphore_mem>>) src(%dma_wait3A_162 : memref<128xi32, #tpu.memory_space<hbm>>) dst(%arg9 : memref<128xi32, #tpu.memory_space<vmem>>)
      %dma_start3A_163 = arith.constant 0 : i32
      %dma_start3A_164 = arith.constant 0 : i32
      %dma_start3A_165 = tpu.memref_slice %arg6[%dma_start3A_163, %dma_start3A_164] : memref<10240x16xf32, #tpu.memory_space<hbm>> -> memref<10240x16xf32, #tpu.memory_space<hbm>>
      tpu.enqueue_indirect_dma source(%dma_start3A_165 : memref<10240x16xf32, #tpu.memory_space<hbm>>) target(%arg12 : memref<128x16xf32, #tpu.memory_space<vmem>>) offsets(%arg8 : memref<128xi32, #tpu.memory_space<vmem>>) semaphore(%arg24 : memref<!tpu.dma_semaphore, #tpu.memory_space<semaphore_mem>>)
      %parallel_loop3A_166 = arith.constant 0 : i32
      %parallel_loop3A_167 = arith.constant 8 : i32
      %parallel_loop3A_168 = arith.constant 1 : i32
      scf.for %parallel_loop3A_175 = %parallel_loop3A_166 to %parallel_loop3A_167 step %parallel_loop3A_168  : i32 {
        %parallel_loop3A_176 = arith.constant 16 : i32
        %parallel_loop3A_177 = arith.muli %parallel_loop3A_175, %parallel_loop3A_176 : i32
        %parallel_loop3A_178 = arith.index_cast %parallel_loop3A_177 : i32 to index
        %parallel_loop3A_179 = tpu.vector_load %arg14[%parallel_loop3A_178] {strides = array<i32>} : memref<128xi32, #tpu.memory_space<vmem>>, vector<16xi32>,
        %parallel_loop3A_180 = arith.constant 16 : i32
        %parallel_loop3A_181 = arith.muli %parallel_loop3A_175, %parallel_loop3A_180 : i32
        %parallel_loop3A_182 = arith.index_cast %parallel_loop3A_181 : i32 to index
        %parallel_loop3A_183 = tpu.vector_load %arg15[%parallel_loop3A_182] {strides = array<i32>} : memref<128xi32, #tpu.memory_space<vmem>>, vector<16xi32>,
        %parallel_loop3A_184 = tpu.vector_load_idx %arg20[%parallel_loop3A_179] : memref<10240xf32, #tpu.memory_space<vmem>>[vector<16xi32>], vector<16xf32>,
        %parallel_loop3A_185 = tpu.vector_load_idx %arg21[%parallel_loop3A_183] : memref<10240xf32, #tpu.memory_space<vmem>>[vector<16xi32>], vector<16xf32>,
        %parallel_loop3A_186 = arith.addf %parallel_loop3A_184, %parallel_loop3A_185 : vector<16xf32>
        %parallel_loop3A_187 = arith.constant 2.000000e-01 : f32
        %parallel_loop3A_188 = vector.broadcast %parallel_loop3A_187 : f32 to vector<16xf32>
        %parallel_loop3A_189 = arith.mulf %parallel_loop3A_188, %parallel_loop3A_186 : vector<16xf32>
        %parallel_loop3A_190 = arith.maximumf %parallel_loop3A_186, %parallel_loop3A_189 : vector<16xf32>
        %parallel_loop3A_191 = math.exp %parallel_loop3A_190 : vector<16xf32>
        %parallel_loop3A_192 = arith.constant 16 : i32
        %parallel_loop3A_193 = arith.muli %parallel_loop3A_175, %parallel_loop3A_192 : i32
        %parallel_loop3A_194 = arith.index_cast %parallel_loop3A_193 : i32 to index
        %parallel_loop3A_195 = tpu.vector_load %arg17[%parallel_loop3A_194] {strides = array<i32>} : memref<128xf32, #tpu.memory_space<vmem>>, vector<16xf32>,
        tpu.vector_store %arg17[%parallel_loop3A_194], %parallel_loop3A_191 {strides = array<i32>} : memref<128xf32, #tpu.memory_space<vmem>>, vector<16xf32>,
      } {sc.loop_unroll_factor = 1 : i64, sc.parallel_access}
      %parallel_loop3A_169 = arith.constant 0 : i32
      %parallel_loop3A_170 = arith.constant 128 : i32
      %parallel_loop3A_171 = arith.constant 1 : i32
      scf.for %parallel_loop3A_175 = %parallel_loop3A_169 to %parallel_loop3A_170 step %parallel_loop3A_171  : i32 {
        %parallel_loop3A_176 = arith.constant 0 : i32
        %parallel_loop3A_177 = vector.broadcast %parallel_loop3A_176 : i32 to vector<16xi32>
        %parallel_loop3A_178 = arith.muli %iota3A, %parallel_loop3A_177 : vector<16xi32>
        %parallel_loop3A_179 = vector.broadcast %parallel_loop3A_175 : i32 to vector<16xi32>
        %parallel_loop3A_180 = arith.addi %parallel_loop3A_178, %parallel_loop3A_179 : vector<16xi32>
        %parallel_loop3A_181 = tpu.vector_load_idx %arg17[%parallel_loop3A_180] : memref<128xf32, #tpu.memory_space<vmem>>[vector<16xi32>], vector<16xf32>,
        %parallel_loop3A_182 = arith.index_cast %parallel_loop3A_175 : i32 to index
        %parallel_loop3A_183 = arith.constant 0 : index
        %parallel_loop3A_184 = tpu.vector_load %arg18[%parallel_loop3A_182, %parallel_loop3A_183] {strides = array<i32>} : memref<128x16xf32, #tpu.memory_space<vmem>>, vector<16xf32>,
        %parallel_loop3A_185 = arith.mulf %parallel_loop3A_184, %parallel_loop3A_181 : vector<16xf32>
        %parallel_loop3A_186 = arith.index_cast %parallel_loop3A_175 : i32 to index
        %parallel_loop3A_187 = arith.constant 0 : index
        %parallel_loop3A_188 = tpu.vector_load %arg19[%parallel_loop3A_186, %parallel_loop3A_187] {strides = array<i32>} : memref<128x32xf32, #tpu.memory_space<vmem>>, vector<16xf32>,
        tpu.vector_store %arg19[%parallel_loop3A_186, %parallel_loop3A_187], %parallel_loop3A_185 {strides = array<i32>} : memref<128x32xf32, #tpu.memory_space<vmem>>, vector<16xf32>,
        %parallel_loop3A_189 = arith.mulf %parallel_loop3A_181, %select_n3A : vector<16xf32>
        %parallel_loop3A_190 = arith.index_cast %parallel_loop3A_175 : i32 to index
        %parallel_loop3A_191 = arith.constant 16 : index
        %parallel_loop3A_192 = tpu.vector_load %arg19[%parallel_loop3A_190, %parallel_loop3A_191] {strides = array<i32>} : memref<128x32xf32, #tpu.memory_space<vmem>>, vector<16xf32>,
        tpu.vector_store %arg19[%parallel_loop3A_190, %parallel_loop3A_191], %parallel_loop3A_189 {strides = array<i32>} : memref<128x32xf32, #tpu.memory_space<vmem>>, vector<16xf32>,
      } {sc.loop_unroll_factor = 4 : i64, sc.parallel_access}
      %dma_start3A_172 = arith.constant 0 : i32
      %dma_start3A_173 = arith.constant 0 : i32
      %dma_start3A_174 = tpu.memref_slice %arg22[%dma_start3A_172, %dma_start3A_173] : memref<10240x32xf32, #tpu.memory_space<vmem_shared>> -> memref<10240x32xf32, #tpu.memory_space<vmem_shared>>
      tpu.enqueue_indirect_dma source(%arg19 : memref<128x32xf32, #tpu.memory_space<vmem>>) target(%dma_start3A_174 : memref<10240x32xf32, #tpu.memory_space<vmem_shared>>) offsets(%arg16 : memref<128xi32, #tpu.memory_space<vmem>>) semaphore(%arg28 : memref<!tpu.dma_semaphore, #tpu.memory_space<semaphore_mem>>) {add = true}
    }
    %scan3A_50 = arith.constant 41 : i32
    %dma_wait3A_51 = arith.constant 0 : i32
    %dma_wait3A_52 = arith.constant 0 : i32
    %dma_wait3A_53 = tpu.memref_slice %arg6[%dma_wait3A_51, %dma_wait3A_52] : memref<10240x16xf32, #tpu.memory_space<hbm>> -> memref<10240x16xf32, #tpu.memory_space<hbm>>
    tpu.wait_indirect_dma semaphore(%arg24 : memref<!tpu.dma_semaphore, #tpu.memory_space<semaphore_mem>>) src(%dma_wait3A_53 : memref<10240x16xf32, #tpu.memory_space<hbm>>) dst(%arg12 : memref<128x16xf32, #tpu.memory_space<vmem>>)
    %dma_wait3A_54 = arith.constant 0 : i32
    %dma_wait3A_55 = tpu.memref_slice %arg2[%dma_wait3A_54] : memref<336128xi32, #tpu.memory_space<hbm>> -> memref<128xi32, #tpu.memory_space<hbm>>
    %dma_wait3A_56 = arith.constant 0 : i32
    %dma_wait3A_57 = tpu.memref_slice %arg2[%dma_wait3A_56] : memref<336128xi32, #tpu.memory_space<hbm>> -> memref<128xi32, #tpu.memory_space<hbm>>
    tpu.wait_dma2 semaphore(%arg26 : memref<!tpu.dma_semaphore, #tpu.memory_space<semaphore_mem>>) src(%dma_wait3A_57 : memref<128xi32, #tpu.memory_space<hbm>>) dst(%arg14 : memref<128xi32, #tpu.memory_space<vmem>>)
    %dma_wait3A_58 = arith.constant 0 : i32
    %dma_wait3A_59 = tpu.memref_slice %arg3[%dma_wait3A_58] : memref<336128xi32, #tpu.memory_space<hbm>> -> memref<128xi32, #tpu.memory_space<hbm>>
    %dma_wait3A_60 = arith.constant 0 : i32
    %dma_wait3A_61 = tpu.memref_slice %arg3[%dma_wait3A_60] : memref<336128xi32, #tpu.memory_space<hbm>> -> memref<128xi32, #tpu.memory_space<hbm>>
    tpu.wait_dma2 semaphore(%arg26 : memref<!tpu.dma_semaphore, #tpu.memory_space<semaphore_mem>>) src(%dma_wait3A_61 : memref<128xi32, #tpu.memory_space<hbm>>) dst(%arg15 : memref<128xi32, #tpu.memory_space<vmem>>)
    %dma_wait3A_62 = arith.constant 0 : i32
    %dma_wait3A_63 = arith.constant 0 : i32
    %dma_wait3A_64 = tpu.memref_slice %arg22[%dma_wait3A_62, %dma_wait3A_63] : memref<10240x32xf32, #tpu.memory_space<vmem_shared>> -> memref<10240x32xf32, #tpu.memory_space<vmem_shared>>
    tpu.wait_indirect_dma semaphore(%arg25 : memref<!tpu.dma_semaphore, #tpu.memory_space<semaphore_mem>>) src(%arg13 : memref<128x32xf32, #tpu.memory_space<vmem>>) dst(%dma_wait3A_64 : memref<10240x32xf32, #tpu.memory_space<vmem_shared>>)
    %dma_wait3A_65 = arith.constant 0 : i32
    %dma_wait3A_66 = arith.constant 0 : i32
    %dma_wait3A_67 = tpu.memref_slice %arg22[%dma_wait3A_65, %dma_wait3A_66] : memref<10240x32xf32, #tpu.memory_space<vmem_shared>> -> memref<10240x32xf32, #tpu.memory_space<vmem_shared>>
    tpu.wait_indirect_dma semaphore(%arg28 : memref<!tpu.dma_semaphore, #tpu.memory_space<semaphore_mem>>) src(%arg19 : memref<128x32xf32, #tpu.memory_space<vmem>>) dst(%dma_wait3A_67 : memref<10240x32xf32, #tpu.memory_space<vmem_shared>>)
    %barrier3A_68 = arith.constant 0 : index
    tpu.barrier barrier_id(%barrier3A_68)
    %mul3A_69 = arith.constant 10240 : i32
    %mul3A_70 = arith.muli %arg0, %mul3A_69 : i32
    %add3A_71 = arith.addi %mul3A_70, %mul3A_8 : i32
    %add3A_72 = arith.constant 0 : i32
    %add3A_73 = arith.addi %mul3A_8, %add3A_72 : i32
    "tpu.region"() ({
      %run_scoped3A = tpu.sem_alloc : memref<!tpu.dma_semaphore, #tpu.memory_space<semaphore_mem>>
      %dma_start3A_92 = arith.constant 0 : i32
      %dma_start3A_93 = tpu.memref_slice %arg22[%add3A_73, %dma_start3A_92] : memref<10240x32xf32, #tpu.memory_space<vmem_shared>> -> memref<128x32xf32, #tpu.memory_space<vmem_shared>>
      %dma_start3A_94 = arith.constant 0 : i32
      %dma_start3A_95 = tpu.memref_slice %arg22[%add3A_73, %dma_start3A_94] : memref<10240x32xf32, #tpu.memory_space<vmem_shared>> -> memref<128x32xf32, #tpu.memory_space<vmem_shared>>
      tpu.enqueue_dma source(%dma_start3A_95 : memref<128x32xf32, #tpu.memory_space<vmem_shared>>) target(%arg13 : memref<128x32xf32, #tpu.memory_space<vmem>>) target_semaphore(%run_scoped3A : memref<!tpu.dma_semaphore, #tpu.memory_space<semaphore_mem>>)
      %dma_wait3A_96 = arith.constant 0 : i32
      %dma_wait3A_97 = tpu.memref_slice %arg22[%add3A_73, %dma_wait3A_96] : memref<10240x32xf32, #tpu.memory_space<vmem_shared>> -> memref<128x32xf32, #tpu.memory_space<vmem_shared>>
      %dma_wait3A_98 = arith.constant 0 : i32
      %dma_wait3A_99 = tpu.memref_slice %arg22[%add3A_73, %dma_wait3A_98] : memref<10240x32xf32, #tpu.memory_space<vmem_shared>> -> memref<128x32xf32, #tpu.memory_space<vmem_shared>>
      tpu.wait_dma2 semaphore(%run_scoped3A : memref<!tpu.dma_semaphore, #tpu.memory_space<semaphore_mem>>) src(%dma_wait3A_99 : memref<128x32xf32, #tpu.memory_space<vmem_shared>>) dst(%arg13 : memref<128x32xf32, #tpu.memory_space<vmem>>)
      tpu.yield
    }) : () -> ()
    %add3A_74 = arith.constant 0 : i32
    %add3A_75 = arith.addi %add3A_71, %add3A_74 : i32
    "tpu.region"() ({
      %run_scoped3A = tpu.sem_alloc : memref<!tpu.dma_semaphore, #tpu.memory_space<semaphore_mem>>
      %dma_start3A_92 = arith.constant 0 : i32
      %dma_start3A_93 = tpu.memref_slice %arg7[%add3A_75, %dma_start3A_92] : memref<20480x32xf32, #tpu.memory_space<hbm>> -> memref<128x32xf32, #tpu.memory_space<hbm>>
      %dma_start3A_94 = arith.constant 0 : i32
      %dma_start3A_95 = tpu.memref_slice %arg7[%add3A_75, %dma_start3A_94] : memref<20480x32xf32, #tpu.memory_space<hbm>> -> memref<128x32xf32, #tpu.memory_space<hbm>>
      tpu.enqueue_dma source(%arg13 : memref<128x32xf32, #tpu.memory_space<vmem>>) target(%dma_start3A_95 : memref<128x32xf32, #tpu.memory_space<hbm>>) target_semaphore(%run_scoped3A : memref<!tpu.dma_semaphore, #tpu.memory_space<semaphore_mem>>)
      %dma_wait3A_96 = arith.constant 0 : i32
      %dma_wait3A_97 = tpu.memref_slice %arg7[%add3A_75, %dma_wait3A_96] : memref<20480x32xf32, #tpu.memory_space<hbm>> -> memref<128x32xf32, #tpu.memory_space<hbm>>
      %dma_wait3A_98 = arith.constant 0 : i32
      %dma_wait3A_99 = tpu.memref_slice %arg7[%add3A_75, %dma_wait3A_98] : memref<20480x32xf32, #tpu.memory_space<hbm>> -> memref<128x32xf32, #tpu.memory_space<hbm>>
      tpu.wait_dma2 semaphore(%run_scoped3A : memref<!tpu.dma_semaphore, #tpu.memory_space<semaphore_mem>>) src(%arg13 : memref<128x32xf32, #tpu.memory_space<vmem>>) dst(%dma_wait3A_99 : memref<128x32xf32, #tpu.memory_space<hbm>>)
      tpu.yield
    }) : () -> ()
    %add3A_76 = arith.constant 128 : i32
    %add3A_77 = arith.addi %mul3A_8, %add3A_76 : i32
    "tpu.region"() ({
      %run_scoped3A = tpu.sem_alloc : memref<!tpu.dma_semaphore, #tpu.memory_space<semaphore_mem>>
      %dma_start3A_92 = arith.constant 0 : i32
      %dma_start3A_93 = tpu.memref_slice %arg22[%add3A_77, %dma_start3A_92] : memref<10240x32xf32, #tpu.memory_space<vmem_shared>> -> memref<128x32xf32, #tpu.memory_space<vmem_shared>>
      %dma_start3A_94 = arith.constant 0 : i32
      %dma_start3A_95 = tpu.memref_slice %arg22[%add3A_77, %dma_start3A_94] : memref<10240x32xf32, #tpu.memory_space<vmem_shared>> -> memref<128x32xf32, #tpu.memory_space<vmem_shared>>
      tpu.enqueue_dma source(%dma_start3A_95 : memref<128x32xf32, #tpu.memory_space<vmem_shared>>) target(%arg13 : memref<128x32xf32, #tpu.memory_space<vmem>>) target_semaphore(%run_scoped3A : memref<!tpu.dma_semaphore, #tpu.memory_space<semaphore_mem>>)
      %dma_wait3A_96 = arith.constant 0 : i32
      %dma_wait3A_97 = tpu.memref_slice %arg22[%add3A_77, %dma_wait3A_96] : memref<10240x32xf32, #tpu.memory_space<vmem_shared>> -> memref<128x32xf32, #tpu.memory_space<vmem_shared>>
      %dma_wait3A_98 = arith.constant 0 : i32
      %dma_wait3A_99 = tpu.memref_slice %arg22[%add3A_77, %dma_wait3A_98] : memref<10240x32xf32, #tpu.memory_space<vmem_shared>> -> memref<128x32xf32, #tpu.memory_space<vmem_shared>>
      tpu.wait_dma2 semaphore(%run_scoped3A : memref<!tpu.dma_semaphore, #tpu.memory_space<semaphore_mem>>) src(%dma_wait3A_99 : memref<128x32xf32, #tpu.memory_space<vmem_shared>>) dst(%arg13 : memref<128x32xf32, #tpu.memory_space<vmem>>)
      tpu.yield
    }) : () -> ()
    %add3A_78 = arith.constant 128 : i32
    %add3A_79 = arith.addi %add3A_71, %add3A_78 : i32
    "tpu.region"() ({
      %run_scoped3A = tpu.sem_alloc : memref<!tpu.dma_semaphore, #tpu.memory_space<semaphore_mem>>
      %dma_start3A_92 = arith.constant 0 : i32
      %dma_start3A_93 = tpu.memref_slice %arg7[%add3A_79, %dma_start3A_92] : memref<20480x32xf32, #tpu.memory_space<hbm>> -> memref<128x32xf32, #tpu.memory_space<hbm>>
      %dma_start3A_94 = arith.constant 0 : i32
      %dma_start3A_95 = tpu.memref_slice %arg7[%add3A_79, %dma_start3A_94] : memref<20480x32xf32, #tpu.memory_space<hbm>> -> memref<128x32xf32, #tpu.memory_space<hbm>>
      tpu.enqueue_dma source(%arg13 : memref<128x32xf32, #tpu.memory_space<vmem>>) target(%dma_start3A_95 : memref<128x32xf32, #tpu.memory_space<hbm>>) target_semaphore(%run_scoped3A : memref<!tpu.dma_semaphore, #tpu.memory_space<semaphore_mem>>)
      %dma_wait3A_96 = arith.constant 0 : i32
      %dma_wait3A_97 = tpu.memref_slice %arg7[%add3A_79, %dma_wait3A_96] : memref<20480x32xf32, #tpu.memory_space<hbm>> -> memref<128x32xf32, #tpu.memory_space<hbm>>
      %dma_wait3A_98 = arith.constant 0 : i32
      %dma_wait3A_99 = tpu.memref_slice %arg7[%add3A_79, %dma_wait3A_98] : memref<20480x32xf32, #tpu.memory_space<hbm>> -> memref<128x32xf32, #tpu.memory_space<hbm>>
      tpu.wait_dma2 semaphore(%run_scoped3A : memref<!tpu.dma_semaphore, #tpu.memory_space<semaphore_mem>>) src(%arg13 : memref<128x32xf32, #tpu.memory_space<vmem>>) dst(%dma_wait3A_99 : memref<128x32xf32, #tpu.memory_space<hbm>>)
      tpu.yield
    }) : () -> ()
    %add3A_80 = arith.constant 256 : i32
    %add3A_81 = arith.addi %mul3A_8, %add3A_80 : i32
    "tpu.region"() ({
      %run_scoped3A = tpu.sem_alloc : memref<!tpu.dma_semaphore, #tpu.memory_space<semaphore_mem>>
      %dma_start3A_92 = arith.constant 0 : i32
      %dma_start3A_93 = tpu.memref_slice %arg22[%add3A_81, %dma_start3A_92] : memref<10240x32xf32, #tpu.memory_space<vmem_shared>> -> memref<128x32xf32, #tpu.memory_space<vmem_shared>>
      %dma_start3A_94 = arith.constant 0 : i32
      %dma_start3A_95 = tpu.memref_slice %arg22[%add3A_81, %dma_start3A_94] : memref<10240x32xf32, #tpu.memory_space<vmem_shared>> -> memref<128x32xf32, #tpu.memory_space<vmem_shared>>
      tpu.enqueue_dma source(%dma_start3A_95 : memref<128x32xf32, #tpu.memory_space<vmem_shared>>) target(%arg13 : memref<128x32xf32, #tpu.memory_space<vmem>>) target_semaphore(%run_scoped3A : memref<!tpu.dma_semaphore, #tpu.memory_space<semaphore_mem>>)
      %dma_wait3A_96 = arith.constant 0 : i32
      %dma_wait3A_97 = tpu.memref_slice %arg22[%add3A_81, %dma_wait3A_96] : memref<10240x32xf32, #tpu.memory_space<vmem_shared>> -> memref<128x32xf32, #tpu.memory_space<vmem_shared>>
      %dma_wait3A_98 = arith.constant 0 : i32
      %dma_wait3A_99 = tpu.memref_slice %arg22[%add3A_81, %dma_wait3A_98] : memref<10240x32xf32, #tpu.memory_space<vmem_shared>> -> memref<128x32xf32, #tpu.memory_space<vmem_shared>>
      tpu.wait_dma2 semaphore(%run_scoped3A : memref<!tpu.dma_semaphore, #tpu.memory_space<semaphore_mem>>) src(%dma_wait3A_99 : memref<128x32xf32, #tpu.memory_space<vmem_shared>>) dst(%arg13 : memref<128x32xf32, #tpu.memory_space<vmem>>)
      tpu.yield
    }) : () -> ()
    %add3A_82 = arith.constant 256 : i32
    %add3A_83 = arith.addi %add3A_71, %add3A_82 : i32
    "tpu.region"() ({
      %run_scoped3A = tpu.sem_alloc : memref<!tpu.dma_semaphore, #tpu.memory_space<semaphore_mem>>
      %dma_start3A_92 = arith.constant 0 : i32
      %dma_start3A_93 = tpu.memref_slice %arg7[%add3A_83, %dma_start3A_92] : memref<20480x32xf32, #tpu.memory_space<hbm>> -> memref<128x32xf32, #tpu.memory_space<hbm>>
      %dma_start3A_94 = arith.constant 0 : i32
      %dma_start3A_95 = tpu.memref_slice %arg7[%add3A_83, %dma_start3A_94] : memref<20480x32xf32, #tpu.memory_space<hbm>> -> memref<128x32xf32, #tpu.memory_space<hbm>>
      tpu.enqueue_dma source(%arg13 : memref<128x32xf32, #tpu.memory_space<vmem>>) target(%dma_start3A_95 : memref<128x32xf32, #tpu.memory_space<hbm>>) target_semaphore(%run_scoped3A : memref<!tpu.dma_semaphore, #tpu.memory_space<semaphore_mem>>)
      %dma_wait3A_96 = arith.constant 0 : i32
      %dma_wait3A_97 = tpu.memref_slice %arg7[%add3A_83, %dma_wait3A_96] : memref<20480x32xf32, #tpu.memory_space<hbm>> -> memref<128x32xf32, #tpu.memory_space<hbm>>
      %dma_wait3A_98 = arith.constant 0 : i32
      %dma_wait3A_99 = tpu.memref_slice %arg7[%add3A_83, %dma_wait3A_98] : memref<20480x32xf32, #tpu.memory_space<hbm>> -> memref<128x32xf32, #tpu.memory_space<hbm>>
      tpu.wait_dma2 semaphore(%run_scoped3A : memref<!tpu.dma_semaphore, #tpu.memory_space<semaphore_mem>>) src(%arg13 : memref<128x32xf32, #tpu.memory_space<vmem>>) dst(%dma_wait3A_99 : memref<128x32xf32, #tpu.memory_space<hbm>>)
      tpu.yield
    }) : () -> ()
    %add3A_84 = arith.constant 384 : i32
    %add3A_85 = arith.addi %mul3A_8, %add3A_84 : i32
    "tpu.region"() ({
      %run_scoped3A = tpu.sem_alloc : memref<!tpu.dma_semaphore, #tpu.memory_space<semaphore_mem>>
      %dma_start3A_92 = arith.constant 0 : i32
      %dma_start3A_93 = tpu.memref_slice %arg22[%add3A_85, %dma_start3A_92] : memref<10240x32xf32, #tpu.memory_space<vmem_shared>> -> memref<128x32xf32, #tpu.memory_space<vmem_shared>>
      %dma_start3A_94 = arith.constant 0 : i32
      %dma_start3A_95 = tpu.memref_slice %arg22[%add3A_85, %dma_start3A_94] : memref<10240x32xf32, #tpu.memory_space<vmem_shared>> -> memref<128x32xf32, #tpu.memory_space<vmem_shared>>
      tpu.enqueue_dma source(%dma_start3A_95 : memref<128x32xf32, #tpu.memory_space<vmem_shared>>) target(%arg13 : memref<128x32xf32, #tpu.memory_space<vmem>>) target_semaphore(%run_scoped3A : memref<!tpu.dma_semaphore, #tpu.memory_space<semaphore_mem>>)
      %dma_wait3A_96 = arith.constant 0 : i32
      %dma_wait3A_97 = tpu.memref_slice %arg22[%add3A_85, %dma_wait3A_96] : memref<10240x32xf32, #tpu.memory_space<vmem_shared>> -> memref<128x32xf32, #tpu.memory_space<vmem_shared>>
      %dma_wait3A_98 = arith.constant 0 : i32
      %dma_wait3A_99 = tpu.memref_slice %arg22[%add3A_85, %dma_wait3A_98] : memref<10240x32xf32, #tpu.memory_space<vmem_shared>> -> memref<128x32xf32, #tpu.memory_space<vmem_shared>>
      tpu.wait_dma2 semaphore(%run_scoped3A : memref<!tpu.dma_semaphore, #tpu.memory_space<semaphore_mem>>) src(%dma_wait3A_99 : memref<128x32xf32, #tpu.memory_space<vmem_shared>>) dst(%arg13 : memref<128x32xf32, #tpu.memory_space<vmem>>)
      tpu.yield
    }) : () -> ()
    %add3A_86 = arith.constant 384 : i32
    %add3A_87 = arith.addi %add3A_71, %add3A_86 : i32
    "tpu.region"() ({
      %run_scoped3A = tpu.sem_alloc : memref<!tpu.dma_semaphore, #tpu.memory_space<semaphore_mem>>
      %dma_start3A_92 = arith.constant 0 : i32
      %dma_start3A_93 = tpu.memref_slice %arg7[%add3A_87, %dma_start3A_92] : memref<20480x32xf32, #tpu.memory_space<hbm>> -> memref<128x32xf32, #tpu.memory_space<hbm>>
      %dma_start3A_94 = arith.constant 0 : i32
      %dma_start3A_95 = tpu.memref_slice %arg7[%add3A_87, %dma_start3A_94] : memref<20480x32xf32, #tpu.memory_space<hbm>> -> memref<128x32xf32, #tpu.memory_space<hbm>>
      tpu.enqueue_dma source(%arg13 : memref<128x32xf32, #tpu.memory_space<vmem>>) target(%dma_start3A_95 : memref<128x32xf32, #tpu.memory_space<hbm>>) target_semaphore(%run_scoped3A : memref<!tpu.dma_semaphore, #tpu.memory_space<semaphore_mem>>)
      %dma_wait3A_96 = arith.constant 0 : i32
      %dma_wait3A_97 = tpu.memref_slice %arg7[%add3A_87, %dma_wait3A_96] : memref<20480x32xf32, #tpu.memory_space<hbm>> -> memref<128x32xf32, #tpu.memory_space<hbm>>
      %dma_wait3A_98 = arith.constant 0 : i32
      %dma_wait3A_99 = tpu.memref_slice %arg7[%add3A_87, %dma_wait3A_98] : memref<20480x32xf32, #tpu.memory_space<hbm>> -> memref<128x32xf32, #tpu.memory_space<hbm>>
      tpu.wait_dma2 semaphore(%run_scoped3A : memref<!tpu.dma_semaphore, #tpu.memory_space<semaphore_mem>>) src(%arg13 : memref<128x32xf32, #tpu.memory_space<vmem>>) dst(%dma_wait3A_99 : memref<128x32xf32, #tpu.memory_space<hbm>>)
      tpu.yield
    }) : () -> ()
    %add3A_88 = arith.constant 512 : i32
    %add3A_89 = arith.addi %mul3A_8, %add3A_88 : i32
    "tpu.region"() ({
      %run_scoped3A = tpu.sem_alloc : memref<!tpu.dma_semaphore, #tpu.memory_space<semaphore_mem>>
      %dma_start3A_92 = arith.constant 0 : i32
      %dma_start3A_93 = tpu.memref_slice %arg22[%add3A_89, %dma_start3A_92] : memref<10240x32xf32, #tpu.memory_space<vmem_shared>> -> memref<128x32xf32, #tpu.memory_space<vmem_shared>>
      %dma_start3A_94 = arith.constant 0 : i32
      %dma_start3A_95 = tpu.memref_slice %arg22[%add3A_89, %dma_start3A_94] : memref<10240x32xf32, #tpu.memory_space<vmem_shared>> -> memref<128x32xf32, #tpu.memory_space<vmem_shared>>
      tpu.enqueue_dma source(%dma_start3A_95 : memref<128x32xf32, #tpu.memory_space<vmem_shared>>) target(%arg13 : memref<128x32xf32, #tpu.memory_space<vmem>>) target_semaphore(%run_scoped3A : memref<!tpu.dma_semaphore, #tpu.memory_space<semaphore_mem>>)
      %dma_wait3A_96 = arith.constant 0 : i32
      %dma_wait3A_97 = tpu.memref_slice %arg22[%add3A_89, %dma_wait3A_96] : memref<10240x32xf32, #tpu.memory_space<vmem_shared>> -> memref<128x32xf32, #tpu.memory_space<vmem_shared>>
      %dma_wait3A_98 = arith.constant 0 : i32
      %dma_wait3A_99 = tpu.memref_slice %arg22[%add3A_89, %dma_wait3A_98] : memref<10240x32xf32, #tpu.memory_space<vmem_shared>> -> memref<128x32xf32, #tpu.memory_space<vmem_shared>>
      tpu.wait_dma2 semaphore(%run_scoped3A : memref<!tpu.dma_semaphore, #tpu.memory_space<semaphore_mem>>) src(%dma_wait3A_99 : memref<128x32xf32, #tpu.memory_space<vmem_shared>>) dst(%arg13 : memref<128x32xf32, #tpu.memory_space<vmem>>)
      tpu.yield
    }) : () -> ()
    %add3A_90 = arith.constant 512 : i32
    %add3A_91 = arith.addi %add3A_71, %add3A_90 : i32
    "tpu.region"() ({
      %run_scoped3A = tpu.sem_alloc : memref<!tpu.dma_semaphore, #tpu.memory_space<semaphore_mem>>
      %dma_start3A_92 = arith.constant 0 : i32
      %dma_start3A_93 = tpu.memref_slice %arg7[%add3A_91, %dma_start3A_92] : memref<20480x32xf32, #tpu.memory_space<hbm>> -> memref<128x32xf32, #tpu.memory_space<hbm>>
      %dma_start3A_94 = arith.constant 0 : i32
      %dma_start3A_95 = tpu.memref_slice %arg7[%add3A_91, %dma_start3A_94] : memref<20480x32xf32, #tpu.memory_space<hbm>> -> memref<128x32xf32, #tpu.memory_space<hbm>>
      tpu.enqueue_dma source(%arg13 : memref<128x32xf32, #tpu.memory_space<vmem>>) target(%dma_start3A_95 : memref<128x32xf32, #tpu.memory_space<hbm>>) target_semaphore(%run_scoped3A : memref<!tpu.dma_semaphore, #tpu.memory_space<semaphore_mem>>)
      %dma_wait3A_96 = arith.constant 0 : i32
      %dma_wait3A_97 = tpu.memref_slice %arg7[%add3A_91, %dma_wait3A_96] : memref<20480x32xf32, #tpu.memory_space<hbm>> -> memref<128x32xf32, #tpu.memory_space<hbm>>
      %dma_wait3A_98 = arith.constant 0 : i32
      %dma_wait3A_99 = tpu.memref_slice %arg7[%add3A_91, %dma_wait3A_98] : memref<20480x32xf32, #tpu.memory_space<hbm>> -> memref<128x32xf32, #tpu.memory_space<hbm>>
      tpu.wait_dma2 semaphore(%run_scoped3A : memref<!tpu.dma_semaphore, #tpu.memory_space<semaphore_mem>>) src(%arg13 : memref<128x32xf32, #tpu.memory_space<vmem>>) dst(%dma_wait3A_99 : memref<128x32xf32, #tpu.memory_space<hbm>>)
      tpu.yield
    }) : () -> ()
    return
  }
}

module attributes {stable_mosaic.version = 14 : i64} {
  func.func @_tca_body(%arg0: i32, %arg1: memref<512x128xf32, #tpu.memory_space<vmem>>, %arg2: memref<128x96xf32, #tpu.memory_space<vmem>>, %arg3: memref<128x96xf32, #tpu.memory_space<vmem>>, %arg4: memref<96x16xf32, #tpu.memory_space<vmem>>, %arg5: memref<96x16xf32, #tpu.memory_space<vmem>>, %arg6: memref<96x16xf32, #tpu.memory_space<vmem>>, %arg7: memref<96x16xf32, #tpu.memory_space<vmem>>, %arg8: memref<512x96xbf16, #tpu.memory_space<vmem>>, %arg9: memref<512x96xbf16, #tpu.memory_space<vmem>>, %arg10: memref<512x16xf32, #tpu.memory_space<vmem>>, %arg11: memref<512x16xf32, #tpu.memory_space<vmem>>) attributes {dimension_semantics = [#tpu.dimension_semantics<arbitrary>], iteration_bounds = array<i64: 20>, scalar_prefetch = 0 : i64, scratch_operands = 0 : i64, tpu.core_type = #tpu.core_type<tc>, window_params = [{transform_indices = @transform_0, window_bounds = array<i64: 512, 128>}, {pipeline_mode = #tpu.pipeline_mode<synchronous>, transform_indices = @transform_1, window_bounds = array<i64: 128, 96>}, {pipeline_mode = #tpu.pipeline_mode<synchronous>, transform_indices = @transform_2, window_bounds = array<i64: 128, 96>}, {pipeline_mode = #tpu.pipeline_mode<synchronous>, transform_indices = @transform_3, window_bounds = array<i64: 96, 16>}, {pipeline_mode = #tpu.pipeline_mode<synchronous>, transform_indices = @transform_4, window_bounds = array<i64: 96, 16>}, {pipeline_mode = #tpu.pipeline_mode<synchronous>, transform_indices = @transform_5, window_bounds = array<i64: 96, 16>}, {pipeline_mode = #tpu.pipeline_mode<synchronous>, transform_indices = @transform_6, window_bounds = array<i64: 96, 16>}, {transform_indices = @transform_7, window_bounds = array<i64: 512, 96>}, {transform_indices = @transform_8, window_bounds = array<i64: 512, 96>}, {transform_indices = @transform_9, window_bounds = array<i64: 512, 16>}, {transform_indices = @transform_10, window_bounds = array<i64: 512, 16>}]} {
    %get3A = arith.constant 0 : index
    %get3A_0 = arith.constant 0 : index
    %get3A_1 = vector.load %arg1[%get3A, %get3A_0] : memref<512x128xf32, #tpu.memory_space<vmem>>, vector<512x128xf32>
    %get3A_2 = arith.constant 0 : index
    %get3A_3 = arith.constant 0 : index
    %get3A_4 = vector.load %arg2[%get3A_2, %get3A_3] : memref<128x96xf32, #tpu.memory_space<vmem>>, vector<128x96xf32>
    %dot_general3A = arith.constant dense<0.000000e+00> : vector<512x96xf32>
    %dot_general3A_5 = tpu.matmul %get3A_1, %get3A_4, %dot_general3A {dimension_numbers = #tpu.dot_dimension_numbers<[1], [0], [0], [1], [0, 0, 1, 1], [], []>, transpose_lhs_hint = false} : vector<512x128xf32>, vector<128x96xf32>, vector<512x96xf32> -> vector<512x96xf32>
    %get3A_6 = arith.constant 0 : index
    %get3A_7 = arith.constant 0 : index
    %get3A_8 = vector.load %arg3[%get3A_6, %get3A_7] : memref<128x96xf32, #tpu.memory_space<vmem>>, vector<128x96xf32>
    %dot_general3A_9 = arith.constant dense<0.000000e+00> : vector<512x96xf32>
    %dot_general3A_10 = tpu.matmul %get3A_1, %get3A_8, %dot_general3A_9 {dimension_numbers = #tpu.dot_dimension_numbers<[1], [0], [0], [1], [0, 0, 1, 1], [], []>, transpose_lhs_hint = false} : vector<512x128xf32>, vector<128x96xf32>, vector<512x96xf32> -> vector<512x96xf32>
    %convert_element_type3A = arith.truncf %dot_general3A_5 : vector<512x96xf32> to vector<512x96xbf16>
    %swap3A = arith.constant 0 : index
    %swap3A_11 = arith.constant 0 : index
    %swap3A_12 = vector.load %arg8[%swap3A, %swap3A_11] : memref<512x96xbf16, #tpu.memory_space<vmem>>, vector<512x96xbf16>
    tpu.vector_store %arg8[%swap3A, %swap3A_11], %convert_element_type3A {strides = array<i32>} : memref<512x96xbf16, #tpu.memory_space<vmem>>, vector<512x96xbf16>,
    %convert_element_type3A_13 = arith.truncf %dot_general3A_10 : vector<512x96xf32> to vector<512x96xbf16>
    %swap3A_14 = arith.constant 0 : index
    %swap3A_15 = arith.constant 0 : index
    %swap3A_16 = vector.load %arg9[%swap3A_14, %swap3A_15] : memref<512x96xbf16, #tpu.memory_space<vmem>>, vector<512x96xbf16>
    tpu.vector_store %arg9[%swap3A_14, %swap3A_15], %convert_element_type3A_13 {strides = array<i32>} : memref<512x96xbf16, #tpu.memory_space<vmem>>, vector<512x96xbf16>,
    %get3A_17 = arith.constant 0 : index
    %get3A_18 = arith.constant 0 : index
    %get3A_19 = vector.load %arg4[%get3A_17, %get3A_18] : memref<96x16xf32, #tpu.memory_space<vmem>>, vector<96x16xf32>
    %dot_general3A_20 = arith.constant dense<0.000000e+00> : vector<512x16xf32>
    %dot_general3A_21 = tpu.matmul %dot_general3A_5, %get3A_19, %dot_general3A_20 {dimension_numbers = #tpu.dot_dimension_numbers<[1], [0], [0], [1], [0, 0, 1, 1], [], []>, transpose_lhs_hint = false} : vector<512x96xf32>, vector<96x16xf32>, vector<512x16xf32> -> vector<512x16xf32>
    %get3A_22 = arith.constant 0 : index
    %get3A_23 = arith.constant 0 : index
    %get3A_24 = vector.load %arg5[%get3A_22, %get3A_23] : memref<96x16xf32, #tpu.memory_space<vmem>>, vector<96x16xf32>
    %dot_general3A_25 = arith.constant dense<0.000000e+00> : vector<512x16xf32>
    %dot_general3A_26 = tpu.matmul %dot_general3A_10, %get3A_24, %dot_general3A_25 {dimension_numbers = #tpu.dot_dimension_numbers<[1], [0], [0], [1], [0, 0, 1, 1], [], []>, transpose_lhs_hint = false} : vector<512x96xf32>, vector<96x16xf32>, vector<512x16xf32> -> vector<512x16xf32>
    %add3A = arith.addf %dot_general3A_21, %dot_general3A_26 : vector<512x16xf32>
    %swap3A_27 = arith.constant 0 : index
    %swap3A_28 = arith.constant 0 : index
    %swap3A_29 = vector.load %arg10[%swap3A_27, %swap3A_28] : memref<512x16xf32, #tpu.memory_space<vmem>>, vector<512x16xf32>
    tpu.vector_store %arg10[%swap3A_27, %swap3A_28], %add3A {strides = array<i32>} : memref<512x16xf32, #tpu.memory_space<vmem>>, vector<512x16xf32>,
    %get3A_30 = arith.constant 0 : index
    %get3A_31 = arith.constant 0 : index
    %get3A_32 = vector.load %arg6[%get3A_30, %get3A_31] : memref<96x16xf32, #tpu.memory_space<vmem>>, vector<96x16xf32>
    %dot_general3A_33 = arith.constant dense<0.000000e+00> : vector<512x16xf32>
    %dot_general3A_34 = tpu.matmul %dot_general3A_5, %get3A_32, %dot_general3A_33 {dimension_numbers = #tpu.dot_dimension_numbers<[1], [0], [0], [1], [0, 0, 1, 1], [], []>, transpose_lhs_hint = false} : vector<512x96xf32>, vector<96x16xf32>, vector<512x16xf32> -> vector<512x16xf32>
    %get3A_35 = arith.constant 0 : index
    %get3A_36 = arith.constant 0 : index
    %get3A_37 = vector.load %arg7[%get3A_35, %get3A_36] : memref<96x16xf32, #tpu.memory_space<vmem>>, vector<96x16xf32>
    %dot_general3A_38 = arith.constant dense<0.000000e+00> : vector<512x16xf32>
    %dot_general3A_39 = tpu.matmul %dot_general3A_10, %get3A_37, %dot_general3A_38 {dimension_numbers = #tpu.dot_dimension_numbers<[1], [0], [0], [1], [0, 0, 1, 1], [], []>, transpose_lhs_hint = false} : vector<512x96xf32>, vector<96x16xf32>, vector<512x16xf32> -> vector<512x16xf32>
    %add3A_40 = arith.addf %dot_general3A_34, %dot_general3A_39 : vector<512x16xf32>
    %swap3A_41 = arith.constant 0 : index
    %swap3A_42 = arith.constant 0 : index
    %swap3A_43 = vector.load %arg11[%swap3A_41, %swap3A_42] : memref<512x16xf32, #tpu.memory_space<vmem>>, vector<512x16xf32>
    tpu.vector_store %arg11[%swap3A_41, %swap3A_42], %add3A_40 {strides = array<i32>} : memref<512x16xf32, #tpu.memory_space<vmem>>, vector<512x16xf32>,
    return
  }
  func.func @transform_0(%arg0: i32) -> (i32, i32) {
    %c0_i32 = arith.constant 0 : i32
    %c0_i32_0 = arith.constant 0 : i32
    return %arg0, %c0_i32 : i32, i32
  }
  func.func @transform_1(%arg0: i32) -> (i32, i32) {
    %c0_i32 = arith.constant 0 : i32
    %c0_i32_0 = arith.constant 0 : i32
    %c0_i32_1 = arith.constant 0 : i32
    return %c0_i32, %c0_i32_0 : i32, i32
  }
  func.func @transform_2(%arg0: i32) -> (i32, i32) {
    %c0_i32 = arith.constant 0 : i32
    %c0_i32_0 = arith.constant 0 : i32
    %c0_i32_1 = arith.constant 0 : i32
    return %c0_i32, %c0_i32_0 : i32, i32
  }
  func.func @transform_3(%arg0: i32) -> (i32, i32) {
    %c0_i32 = arith.constant 0 : i32
    %c0_i32_0 = arith.constant 0 : i32
    %c0_i32_1 = arith.constant 0 : i32
    return %c0_i32, %c0_i32_0 : i32, i32
  }
  func.func @transform_4(%arg0: i32) -> (i32, i32) {
    %c0_i32 = arith.constant 0 : i32
    %c0_i32_0 = arith.constant 0 : i32
    %c0_i32_1 = arith.constant 0 : i32
    return %c0_i32, %c0_i32_0 : i32, i32
  }
  func.func @transform_5(%arg0: i32) -> (i32, i32) {
    %c0_i32 = arith.constant 0 : i32
    %c0_i32_0 = arith.constant 0 : i32
    %c0_i32_1 = arith.constant 0 : i32
    return %c0_i32, %c0_i32_0 : i32, i32
  }
  func.func @transform_6(%arg0: i32) -> (i32, i32) {
    %c0_i32 = arith.constant 0 : i32
    %c0_i32_0 = arith.constant 0 : i32
    %c0_i32_1 = arith.constant 0 : i32
    return %c0_i32, %c0_i32_0 : i32, i32
  }
  func.func @transform_7(%arg0: i32) -> (i32, i32) {
    %c0_i32 = arith.constant 0 : i32
    %c0_i32_0 = arith.constant 0 : i32
    return %arg0, %c0_i32 : i32, i32
  }
  func.func @transform_8(%arg0: i32) -> (i32, i32) {
    %c0_i32 = arith.constant 0 : i32
    %c0_i32_0 = arith.constant 0 : i32
    return %arg0, %c0_i32 : i32, i32
  }
  func.func @transform_9(%arg0: i32) -> (i32, i32) {
    %c0_i32 = arith.constant 0 : i32
    %c0_i32_0 = arith.constant 0 : i32
    return %arg0, %c0_i32 : i32, i32
  }
  func.func @transform_10(%arg0: i32) -> (i32, i32) {
    %c0_i32 = arith.constant 0 : i32
    %c0_i32_0 = arith.constant 0 : i32
    return %arg0, %c0_i32 : i32, i32
  }
}

module attributes {stable_mosaic.version = 14 : i64} {
  func.func @_tcb_body(%arg0: i32, %arg1: memref<512x96xf32, #tpu.memory_space<vmem>>, %arg2: memref<512x96xf32, #tpu.memory_space<vmem>>, %arg3: memref<512x96xf32, #tpu.memory_space<vmem>>, %arg4: memref<512x96xf32, #tpu.memory_space<vmem>>, %arg5: memref<80x16xf32, #tpu.memory_space<vmem>>, %arg6: memref<80x16xf32, #tpu.memory_space<vmem>>, %arg7: memref<1x160xf32, #tpu.memory_space<vmem>>, %arg8: memref<8x160xf32, #tpu.memory_space<vmem>>, %arg9: memref<1x16xf32, #tpu.memory_space<vmem>>, %arg10: memref<1x16xf32, #tpu.memory_space<vmem>>, %arg11: memref<512x16xf32, #tpu.memory_space<vmem>>, %arg12: memref<512xf32, #tpu.memory_space<vmem>>, %arg13: memref<512xf32, #tpu.memory_space<vmem>>) attributes {dimension_semantics = [#tpu.dimension_semantics<arbitrary>], iteration_bounds = array<i64: 20>, scalar_prefetch = 0 : i64, scratch_operands = 0 : i64, tpu.core_type = #tpu.core_type<tc>, window_params = [{transform_indices = @transform_0, window_bounds = array<i64: 512, 96>}, {transform_indices = @transform_1, window_bounds = array<i64: 512, 96>}, {transform_indices = @transform_2, window_bounds = array<i64: 512, 96>}, {transform_indices = @transform_3, window_bounds = array<i64: 512, 96>}, {pipeline_mode = #tpu.pipeline_mode<synchronous>, transform_indices = @transform_4, window_bounds = array<i64: 80, 16>}, {pipeline_mode = #tpu.pipeline_mode<synchronous>, transform_indices = @transform_5, window_bounds = array<i64: 80, 16>}, {pipeline_mode = #tpu.pipeline_mode<synchronous>, transform_indices = @transform_6, window_bounds = array<i64: 1, 160>}, {pipeline_mode = #tpu.pipeline_mode<synchronous>, transform_indices = @transform_7, window_bounds = array<i64: 8, 160>}, {pipeline_mode = #tpu.pipeline_mode<synchronous>, transform_indices = @transform_8, window_bounds = array<i64: 1, 16>}, {pipeline_mode = #tpu.pipeline_mode<synchronous>, transform_indices = @transform_9, window_bounds = array<i64: 1, 16>}, {transform_indices = @transform_10, window_bounds = array<i64: 512, 16>}, {transform_indices = @transform_11, window_bounds = array<i64: 512>}, {transform_indices = @transform_12, window_bounds = array<i64: 512>}]} {
    %get3A = arith.constant 0 : index
    %get3A_0 = arith.constant 0 : index
    %get3A_1 = vector.load %arg1[%get3A, %get3A_0] : memref<512x96xf32, #tpu.memory_space<vmem>>, vector<512x96xf32>
    %get3A_2 = arith.constant 0 : index
    %get3A_3 = arith.constant 0 : index
    %get3A_4 = vector.load %arg2[%get3A_2, %get3A_3] : memref<512x96xf32, #tpu.memory_space<vmem>>, vector<512x96xf32>
    %add3A = arith.addf %get3A_1, %get3A_4 : vector<512x96xf32>
    %get3A_5 = arith.constant 0 : index
    %get3A_6 = arith.constant 0 : index
    %get3A_7 = vector.load %arg3[%get3A_5, %get3A_6] : memref<512x96xf32, #tpu.memory_space<vmem>>, vector<512x96xf32>
    %get3A_8 = arith.constant 0 : index
    %get3A_9 = arith.constant 0 : index
    %get3A_10 = vector.load %arg4[%get3A_8, %get3A_9] : memref<512x96xf32, #tpu.memory_space<vmem>>, vector<512x96xf32>
    %add3A_11 = arith.addf %get3A_7, %get3A_10 : vector<512x96xf32>
    %slice3A = vector.extract_strided_slice %add3A {offsets = [0, 80], sizes = [512, 8], strides = [1, 1]} : vector<512x96xf32> to vector<512x8xf32>
    %add3A_12 = arith.constant 1.000000e-16 : f32
    %add3A_13 = vector.broadcast %add3A_12 : f32 to vector<512x8xf32>
    %add3A_14 = arith.addf %slice3A, %add3A_13 : vector<512x8xf32>
    %div3A = arith.constant 1.000000e+00 : f32
    %div3A_15 = vector.broadcast %div3A : f32 to vector<512x8xf32>
    %div3A_16 = arith.divf %div3A_15, %add3A_14 : vector<512x8xf32>
    %get3A_17 = arith.constant 0 : index
    %get3A_18 = arith.constant 0 : index
    %get3A_19 = vector.load %arg8[%get3A_17, %get3A_18] : memref<8x160xf32, #tpu.memory_space<vmem>>, vector<8x160xf32>
    %dot_general3A = arith.constant dense<0.000000e+00> : vector<512x160xf32>
    %dot_general3A_20 = tpu.matmul %div3A_16, %get3A_19, %dot_general3A {dimension_numbers = #tpu.dot_dimension_numbers<[1], [0], [0], [1], [0, 0, 1, 1], [], []>, transpose_lhs_hint = false} : vector<512x8xf32>, vector<8x160xf32>, vector<512x160xf32> -> vector<512x160xf32>
    %slice3A_21 = vector.extract_strided_slice %add3A {offsets = [0, 0], sizes = [512, 80], strides = [1, 1]} : vector<512x96xf32> to vector<512x80xf32>
    %slice3A_22 = vector.extract_strided_slice %dot_general3A_20 {offsets = [0, 0], sizes = [512, 80], strides = [1, 1]} : vector<512x160xf32> to vector<512x80xf32>
    %mul3A = arith.mulf %slice3A_21, %slice3A_22 : vector<512x80xf32>
    %get3A_23 = arith.constant 0 : index
    %get3A_24 = arith.constant 0 : index
    %get3A_25 = vector.load %arg7[%get3A_23, %get3A_24] : memref<1x160xf32, #tpu.memory_space<vmem>>, vector<1x80xf32>
    %add3A_26 = vector.broadcast %get3A_25 : vector<1x80xf32> to vector<512x80xf32>
    %add3A_27 = arith.addf %mul3A, %add3A_26 : vector<512x80xf32>
    %max3A = arith.constant 0.000000e+00 : f32
    %max3A_28 = vector.broadcast %max3A : f32 to vector<512x80xf32>
    %max3A_29 = arith.maximumf %add3A_27, %max3A_28 : vector<512x80xf32>
    %slice3A_30 = vector.extract_strided_slice %add3A_11 {offsets = [0, 0], sizes = [512, 80], strides = [1, 1]} : vector<512x96xf32> to vector<512x80xf32>
    %slice3A_31 = vector.extract_strided_slice %dot_general3A_20 {offsets = [0, 80], sizes = [512, 80], strides = [1, 1]} : vector<512x160xf32> to vector<512x80xf32>
    %mul3A_32 = arith.mulf %slice3A_30, %slice3A_31 : vector<512x80xf32>
    %get3A_33 = arith.constant 0 : index
    %get3A_34 = arith.constant 80 : index
    %get3A_35 = vector.load %arg7[%get3A_33, %get3A_34] : memref<1x160xf32, #tpu.memory_space<vmem>>, vector<1x80xf32>
    %add3A_36 = vector.broadcast %get3A_35 : vector<1x80xf32> to vector<512x80xf32>
    %add3A_37 = arith.addf %mul3A_32, %add3A_36 : vector<512x80xf32>
    %max3A_38 = arith.constant 0.000000e+00 : f32
    %max3A_39 = vector.broadcast %max3A_38 : f32 to vector<512x80xf32>
    %max3A_40 = arith.maximumf %add3A_37, %max3A_39 : vector<512x80xf32>
    %get3A_41 = arith.constant 0 : index
    %get3A_42 = arith.constant 0 : index
    %get3A_43 = vector.load %arg5[%get3A_41, %get3A_42] : memref<80x16xf32, #tpu.memory_space<vmem>>, vector<80x16xf32>
    %dot_general3A_44 = arith.constant dense<0.000000e+00> : vector<512x16xf32>
    %dot_general3A_45 = tpu.matmul %max3A_29, %get3A_43, %dot_general3A_44 {dimension_numbers = #tpu.dot_dimension_numbers<[1], [0], [0], [1], [0, 0, 1, 1], [], []>, transpose_lhs_hint = false} : vector<512x80xf32>, vector<80x16xf32>, vector<512x16xf32> -> vector<512x16xf32>
    %get3A_46 = arith.constant 0 : index
    %get3A_47 = arith.constant 0 : index
    %get3A_48 = vector.load %arg6[%get3A_46, %get3A_47] : memref<80x16xf32, #tpu.memory_space<vmem>>, vector<80x16xf32>
    %dot_general3A_49 = arith.constant dense<0.000000e+00> : vector<512x16xf32>
    %dot_general3A_50 = tpu.matmul %max3A_40, %get3A_48, %dot_general3A_49 {dimension_numbers = #tpu.dot_dimension_numbers<[1], [0], [0], [1], [0, 0, 1, 1], [], []>, transpose_lhs_hint = false} : vector<512x80xf32>, vector<80x16xf32>, vector<512x16xf32> -> vector<512x16xf32>
    %add3A_51 = arith.addf %dot_general3A_45, %dot_general3A_50 : vector<512x16xf32>
    %swap3A = arith.constant 0 : index
    %swap3A_52 = arith.constant 0 : index
    %swap3A_53 = vector.load %arg11[%swap3A, %swap3A_52] : memref<512x16xf32, #tpu.memory_space<vmem>>, vector<512x16xf32>
    tpu.vector_store %arg11[%swap3A, %swap3A_52], %add3A_51 {strides = array<i32>} : memref<512x16xf32, #tpu.memory_space<vmem>>, vector<512x16xf32>,
    %get3A_54 = arith.constant 0 : index
    %get3A_55 = arith.constant 0 : index
    %get3A_56 = vector.load %arg9[%get3A_54, %get3A_55] : memref<1x16xf32, #tpu.memory_space<vmem>>, vector<1x16xf32>
    %mul3A_57 = vector.broadcast %get3A_56 : vector<1x16xf32> to vector<512x16xf32>
    %mul3A_58 = arith.mulf %add3A_51, %mul3A_57 : vector<512x16xf32>
    %reduce_sum3A = arith.constant dense<0.000000e+00> : vector<512xf32>
    %reduce_sum3A_59 = vector.multi_reduction <add>, %mul3A_58, %reduce_sum3A [1] : vector<512x16xf32> to vector<512xf32>
    %swap3A_60 = arith.constant 0 : index
    %swap3A_61 = vector.load %arg12[%swap3A_60] : memref<512xf32, #tpu.memory_space<vmem>>, vector<512xf32>
    tpu.vector_store %arg12[%swap3A_60], %reduce_sum3A_59 {strides = array<i32>} : memref<512xf32, #tpu.memory_space<vmem>>, vector<512xf32>,
    %get3A_62 = arith.constant 0 : index
    %get3A_63 = arith.constant 0 : index
    %get3A_64 = vector.load %arg10[%get3A_62, %get3A_63] : memref<1x16xf32, #tpu.memory_space<vmem>>, vector<1x16xf32>
    %mul3A_65 = vector.broadcast %get3A_64 : vector<1x16xf32> to vector<512x16xf32>
    %mul3A_66 = arith.mulf %add3A_51, %mul3A_65 : vector<512x16xf32>
    %reduce_sum3A_67 = arith.constant dense<0.000000e+00> : vector<512xf32>
    %reduce_sum3A_68 = vector.multi_reduction <add>, %mul3A_66, %reduce_sum3A_67 [1] : vector<512x16xf32> to vector<512xf32>
    %swap3A_69 = arith.constant 0 : index
    %swap3A_70 = vector.load %arg13[%swap3A_69] : memref<512xf32, #tpu.memory_space<vmem>>, vector<512xf32>
    tpu.vector_store %arg13[%swap3A_69], %reduce_sum3A_68 {strides = array<i32>} : memref<512xf32, #tpu.memory_space<vmem>>, vector<512xf32>,
    return
  }
  func.func @transform_0(%arg0: i32) -> (i32, i32) {
    %c0_i32 = arith.constant 0 : i32
    %c0_i32_0 = arith.constant 0 : i32
    return %arg0, %c0_i32 : i32, i32
  }
  func.func @transform_1(%arg0: i32) -> (i32, i32) {
    %add3A = arith.constant 40 : i32
    %add3A_0 = arith.addi %arg0, %add3A : i32
    %c0_i32 = arith.constant 0 : i32
    %c0_i32_1 = arith.constant 0 : i32
    return %add3A_0, %c0_i32 : i32, i32
  }
  func.func @transform_2(%arg0: i32) -> (i32, i32) {
    %add3A = arith.constant 20 : i32
    %add3A_0 = arith.addi %arg0, %add3A : i32
    %c0_i32 = arith.constant 0 : i32
    %c0_i32_1 = arith.constant 0 : i32
    return %add3A_0, %c0_i32 : i32, i32
  }
  func.func @transform_3(%arg0: i32) -> (i32, i32) {
    %add3A = arith.constant 60 : i32
    %add3A_0 = arith.addi %arg0, %add3A : i32
    %c0_i32 = arith.constant 0 : i32
    %c0_i32_1 = arith.constant 0 : i32
    return %add3A_0, %c0_i32 : i32, i32
  }
  func.func @transform_4(%arg0: i32) -> (i32, i32) {
    %c0_i32 = arith.constant 0 : i32
    %c0_i32_0 = arith.constant 0 : i32
    %c0_i32_1 = arith.constant 0 : i32
    return %c0_i32, %c0_i32_0 : i32, i32
  }
  func.func @transform_5(%arg0: i32) -> (i32, i32) {
    %c0_i32 = arith.constant 0 : i32
    %c0_i32_0 = arith.constant 0 : i32
    %c0_i32_1 = arith.constant 0 : i32
    return %c0_i32, %c0_i32_0 : i32, i32
  }
  func.func @transform_6(%arg0: i32) -> (i32, i32) {
    %c0_i32 = arith.constant 0 : i32
    %c0_i32_0 = arith.constant 0 : i32
    %c0_i32_1 = arith.constant 0 : i32
    return %c0_i32, %c0_i32_0 : i32, i32
  }
  func.func @transform_7(%arg0: i32) -> (i32, i32) {
    %c0_i32 = arith.constant 0 : i32
    %c0_i32_0 = arith.constant 0 : i32
    %c0_i32_1 = arith.constant 0 : i32
    return %c0_i32, %c0_i32_0 : i32, i32
  }
  func.func @transform_8(%arg0: i32) -> (i32, i32) {
    %c0_i32 = arith.constant 0 : i32
    %c0_i32_0 = arith.constant 0 : i32
    %c0_i32_1 = arith.constant 0 : i32
    return %c0_i32, %c0_i32_0 : i32, i32
  }
  func.func @transform_9(%arg0: i32) -> (i32, i32) {
    %c0_i32 = arith.constant 0 : i32
    %c0_i32_0 = arith.constant 0 : i32
    %c0_i32_1 = arith.constant 0 : i32
    return %c0_i32, %c0_i32_0 : i32, i32
  }
  func.func @transform_10(%arg0: i32) -> (i32, i32) {
    %c0_i32 = arith.constant 0 : i32
    %c0_i32_0 = arith.constant 0 : i32
    return %arg0, %c0_i32 : i32, i32
  }
  func.func @transform_11(%arg0: i32) -> i32 {
    %c0_i32 = arith.constant 0 : i32
    return %arg0 : i32
  }
  func.func @transform_12(%arg0: i32) -> i32 {
    %c0_i32 = arith.constant 0 : i32
    return %arg0 : i32
  }
}

module attributes {stable_mosaic.version = 14 : i64} {
  func.func @_tcc_body(%arg0: i32, %arg1: memref<512x32xf32, #tpu.memory_space<vmem>>, %arg2: memref<512x32xf32, #tpu.memory_space<vmem>>, %arg3: memref<1x16xf32, #tpu.memory_space<vmem>>, %arg4: memref<512x16xf32, #tpu.memory_space<vmem>>) attributes {dimension_semantics = [#tpu.dimension_semantics<arbitrary>], iteration_bounds = array<i64: 20>, scalar_prefetch = 0 : i64, scratch_operands = 0 : i64, tpu.core_type = #tpu.core_type<tc>, window_params = [{transform_indices = @transform_0, window_bounds = array<i64: 512, 32>}, {transform_indices = @transform_1, window_bounds = array<i64: 512, 32>}, {pipeline_mode = #tpu.pipeline_mode<synchronous>, transform_indices = @transform_2, window_bounds = array<i64: 1, 16>}, {transform_indices = @transform_3, window_bounds = array<i64: 512, 16>}]} {
    %get3A = arith.constant 0 : index
    %get3A_0 = arith.constant 0 : index
    %get3A_1 = vector.load %arg1[%get3A, %get3A_0] : memref<512x32xf32, #tpu.memory_space<vmem>>, vector<512x32xf32>
    %get3A_2 = arith.constant 0 : index
    %get3A_3 = arith.constant 0 : index
    %get3A_4 = vector.load %arg2[%get3A_2, %get3A_3] : memref<512x32xf32, #tpu.memory_space<vmem>>, vector<512x32xf32>
    %add3A = arith.addf %get3A_1, %get3A_4 : vector<512x32xf32>
    %slice3A = vector.extract_strided_slice %add3A {offsets = [0, 16], sizes = [512, 1], strides = [1, 1]} : vector<512x32xf32> to vector<512x1xf32>
    %slice3A_5 = vector.extract_strided_slice %add3A {offsets = [0, 0], sizes = [512, 16], strides = [1, 1]} : vector<512x32xf32> to vector<512x16xf32>
    %add3A_6 = arith.constant 1.000000e-16 : f32
    %add3A_7 = vector.broadcast %add3A_6 : f32 to vector<512x1xf32>
    %add3A_8 = arith.addf %slice3A, %add3A_7 : vector<512x1xf32>
    %div3A = vector.broadcast %add3A_8 : vector<512x1xf32> to vector<512x16xf32>
    %div3A_9 = arith.divf %slice3A_5, %div3A : vector<512x16xf32>
    %get3A_10 = arith.constant 0 : index
    %get3A_11 = arith.constant 0 : index
    %get3A_12 = vector.load %arg3[%get3A_10, %get3A_11] : memref<1x16xf32, #tpu.memory_space<vmem>>, vector<1x16xf32>
    %add3A_13 = vector.broadcast %get3A_12 : vector<1x16xf32> to vector<512x16xf32>
    %add3A_14 = arith.addf %div3A_9, %add3A_13 : vector<512x16xf32>
    %swap3A = arith.constant 0 : index
    %swap3A_15 = arith.constant 0 : index
    %swap3A_16 = vector.load %arg4[%swap3A, %swap3A_15] : memref<512x16xf32, #tpu.memory_space<vmem>>, vector<512x16xf32>
    tpu.vector_store %arg4[%swap3A, %swap3A_15], %add3A_14 {strides = array<i32>} : memref<512x16xf32, #tpu.memory_space<vmem>>, vector<512x16xf32>,
    return
  }
  func.func @transform_0(%arg0: i32) -> (i32, i32) {
    %c0_i32 = arith.constant 0 : i32
    %c0_i32_0 = arith.constant 0 : i32
    return %arg0, %c0_i32 : i32, i32
  }
  func.func @transform_1(%arg0: i32) -> (i32, i32) {
    %add3A = arith.constant 20 : i32
    %add3A_0 = arith.addi %arg0, %add3A : i32
    %c0_i32 = arith.constant 0 : i32
    %c0_i32_1 = arith.constant 0 : i32
    return %add3A_0, %c0_i32 : i32, i32
  }
  func.func @transform_2(%arg0: i32) -> (i32, i32) {
    %c0_i32 = arith.constant 0 : i32
    %c0_i32_0 = arith.constant 0 : i32
    %c0_i32_1 = arith.constant 0 : i32
    return %c0_i32, %c0_i32_0 : i32, i32
  }
  func.func @transform_3(%arg0: i32) -> (i32, i32) {
    %c0_i32 = arith.constant 0 : i32
    %c0_i32_0 = arith.constant 0 : i32
    return %arg0, %c0_i32 : i32, i32
  }
}

</mosaic_0001>

<sc_bundles>
// kernel: kernel.10.cloned.1.call-start
scs
__scs_entry_jumppad:
0x0: {  	(pc) =	sbr.rel $0x88, $3  }
0x1: {  	(tag) =	ssettag $0x0;
	lr =	simm.s32 $0x1  }
0x2: {  	[smem:$0x3F97] =	sst lr;
	_ =	strace $0xD0000000  }
0x3: {  	_ = 	snop  }
0x4: {  	_ = 	snop  }
0x5: {  	_ = 	snop  }
0x6: {  	_ = 	snop  }
0x7: {  	_ = 	snop  }
__scs_overlays_trampoline_lowered:
0x8: {  	[smem:$0x3FA6] =	sst s0  }
0x9: {  	[smem:$0x3FA7] =	sst s1  }
0xa: {  	[smem:$0x3FA8] =	sst s2  }
0xb: {  	[smem:$0x3FA9] =	sst s3  }
0xc: {  	[smem:$0x3FAA] =	sst s4  }
0xd: {  	[smem:$0x3FAB] =	sst s5  }
0xe: {  	[smem:$0x3FAC] =	sst s6  }
0xf: {  	[smem:$0x3FAD] =	sst s7  }
0x10: {  	[smem:$0x3FAE] =	sst s8  }
0x11: {  	[smem:$0x3FAF] =	sst s9;
	s0 =	simm.s32 @!p0 $0x0  }
0x12: {  	s1 =	sld [smem:$0x3F95];
	s0 =	simm.s32 @p0 $0x1  }
0x13: {  	[smem:$0x3FB0] =	sst s0;
	s0 =	simm.s32 @!p1 $0x0  }
0x14: {  	s2 =	sld [smem:$0x3F94];
	s0 =	simm.s32 @p1 $0x1  }
0x15: {  	[smem:$0x3FB1] =	sst s0;
	s0 =	simm.s32 @!p2 $0x0  }
0x16: {  	s3 =	sld [smem:$0x3FDB];
	s0 =	simm.s32 @p2 $0x1  }
0x17: {  	s4 =	simm.s32 $0x1BF5;
	[smem:$0x3FB3] =	sst s0  }
0x18: {  	s0 =	sld [smem:$0x3F96];
	_ =	swait.ge [sflag:s4], $0x0  }
0x19: {  	s7 =	sld [smem:$0x3F97]  }
0x1a: {  	s8 =	sadd.s32 $0xFFFFE003, lr  }
0x1b: {  	s9 =	sadd.s32 $0xFFFFFEF7, lr;
	s5 =	simm.s32 $0xFFFFFFFF;
	p2 =	slt.u32 s8, $0xFFFFF086  }
0x1c: {  	p1 =	slt.u32 s9, $0xF7A;
	s5 =	simm.s32 @!p2 $0x0  }
0x1d: {  	s5 =	simm.s32 @p1 $0x1;
	p0 =	seq.s32 s7, s2  }
0x1e: {  	s7 =	smul.u32 @!p0 $0xF7A, s2;
	p2 =	seq.s32 @!p0 s5, $0x0  }
0x1f: {  	s9 =	smul.u32 $0xF7A, s1;
	s8 =	simm.s32 @!p0 $0x1BF5;
	p2 =	por !p2, p0  }
0x20: {  	[sflag:s8] =	ssyncset.s32 @!p0 $0xFFFFF086;
	s6 =	sadd.s32 @!p0 s3, s7;
	s7 =	simm.s32 @!p0 $0x108  }
0x21: {  	s3 =	sadd.s32 s3, s9;
	s6 =	sadd.s32 @!p0 $0x88, s6;
	s7 =	simm.s32 @p2 $0x1082  }
0x22: {  	[simem:s7], [sflag:s8] =	dma.local @!p0 [hbm:s6], $0xF7A  }
0x23: {  	s9 =	sor.u32 $0xD0000000, s2;
	s6 =	simm.s32 $0x108;
	_ =	swait.ge @!p0 [sflag:s8], $0x0  }
0x24: {  	s3 =	sadd.s32 $0x88, s3;
	s6 =	simm.s32 @!p1 $0x1082;
	[sflag:s4] =	ssyncset.s32 $0xFFFFF086  }
0x25: {  	[simem:s6], [sflag:s4] =	dma.local [hbm:s3], $0xF7A  }
0x26: {  	[smem:$0x3F97] =	sst s1;
	(tag) =	ssettag s2;
	_ =	strace s9  }
0x27: {  	s1 =	sld [smem:$0x3FA7]  }
0x28: {  	s2 =	sld [smem:$0x3FA8]  }
0x29: {  	s4 =	sld [smem:$0x3FAA]  }
0x2a: {  	p0 =	seq.s32 s5, $0x0;
	s5 =	sld [smem:$0x3FAB]  }
0x2b: {  	s6 =	sld [smem:$0x3FAC]  }
0x2c: {  	s7 =	sld [smem:$0x3FAD]  }
0x2d: {  	s3 =	simm.s32 $0x108;
	s8 =	sld [smem:$0x3FAE]  }
0x2e: {  	s3 =	simm.s32 @!p0 $0x1082;
	s9 =	sld [smem:$0x3FAF]  }
0x2f: {  	lr =	sadd.s32 s0, s3;
	s0 =	sld [smem:$0x3FA6]  }
0x30: {  	s3 =	sld [smem:$0x3FA9]  }
0x31: {  	[smem:$0x3FB2] =	sst s10  }
0x32: {  	s10 =	sld [smem:$0x3FB0];
	_ =	sdelay $0x3  }
0x33: {  	p0 =	seq.s32 s10, $0x1;
	s10 =	sld [smem:$0x3FB2];
	_ =	sdelay $0x3  }
0x34: {  	[smem:$0x3FB2] =	sst s10  }
0x35: {  	s10 =	sld [smem:$0x3FB1];
	_ =	sdelay $0x3  }
0x36: {  	p1 =	seq.s32 s10, $0x1;
	s10 =	sld [smem:$0x3FB2];
	_ =	sdelay $0x3  }
0x37: {  	[smem:$0x3FB2] =	sst s10  }
0x38: {  	s10 =	sld [smem:$0x3FB3]  }
0x39: {  	_ = 	snop;
	(pc) =	sbr.ind lr, $3  }
0x3a: {  	_ = 	snop  }
0x3b: {  	_ = 	snop  }
0x3c: {  	p2 =	seq.s32 s10, $0x1;
	s10 =	sld [smem:$0x3FB2]  }
0x3d: {  	_ =	shalt  }
0x3e: {  	_ =	shalt  }
0x3f: {  	_ =	shalt  }
0x40: {  	_ =	shalt  }
0x41: {  	_ =	shalt  }
0x42: {  	_ =	shalt  }
0x43: {  	_ =	shalt  }
0x44: {  	_ =	shalt  }
0x45: {  	_ =	shalt  }
0x46: {  	_ =	shalt  }
0x47: {  	_ =	shalt  }
0x48: {  	_ =	shalt  }
0x49: {  	_ =	shalt  }
0x4a: {  	_ =	shalt  }
0x4b: {  	_ =	shalt  }
0x4c: {  	_ =	shalt  }
0x4d: {  	_ =	shalt  }
0x4e: {  	_ =	shalt  }
0x4f: {  	_ =	shalt  }
0x50: {  	_ =	shalt  }
0x51: {  	_ =	shalt  }
0x52: {  	_ =	shalt  }
0x53: {  	_ =	shalt  }
0x54: {  	_ =	shalt  }
0x55: {  	_ =	shalt  }
0x56: {  	_ =	shalt  }
0x57: {  	_ =	shalt  }
0x58: {  	_ =	shalt  }
0x59: {  	_ =	shalt  }
0x5a: {  	_ =	shalt  }
0x5b: {  	_ =	shalt  }
0x5c: {  	_ =	shalt  }
0x5d: {  	_ =	shalt  }
0x5e: {  	_ =	shalt  }
0x5f: {  	_ =	shalt  }
0x60: {  	_ =	shalt  }
0x61: {  	_ =	shalt  }
0x62: {  	_ =	shalt  }
0x63: {  	_ =	shalt  }
0x64: {  	_ =	shalt  }
0x65: {  	_ =	shalt  }
0x66: {  	_ =	shalt  }
0x67: {  	_ =	shalt  }
0x68: {  	_ =	shalt  }
0x69: {  	_ =	shalt  }
0x6a: {  	_ =	shalt  }
0x6b: {  	_ =	shalt  }
0x6c: {  	_ =	shalt  }
0x6d: {  	_ =	shalt  }
0x6e: {  	_ =	shalt  }
0x6f: {  	_ =	shalt  }
0x70: {  	_ =	shalt  }
0x71: {  	_ =	shalt  }
0x72: {  	_ =	shalt  }
0x73: {  	_ =	shalt  }
0x74: {  	_ =	shalt  }
0x75: {  	_ =	shalt  }
0x76: {  	_ =	shalt  }
0x77: {  	_ =	shalt  }
0x78: {  	_ =	shalt  }
0x79: {  	_ =	shalt  }
0x7a: {  	_ =	shalt  }
0x7b: {  	_ =	shalt  }
0x7c: {  	_ =	shalt  }
0x7d: {  	_ =	shalt  }
0x7e: {  	_ =	shalt  }
0x7f: {  	_ =	shalt  }
0x80: {  	_ =	shalt  }
0x81: {  	_ =	shalt  }
0x82: {  	_ =	shalt  }
0x83: {  	_ =	shalt  }
0x84: {  	_ =	shalt  }
0x85: {  	_ =	shalt  }
0x86: {  	_ =	shalt  }
0x87: {  	_ =	shalt  }
.Lfunc_end0:
.L_simem_size_0:
called_computation.1_lowered:
.L_overlay_start_0:
0x88: {  	s2 =	sld [smem:$0x3FD9]  }
0x89: {  	s3 =	sld [smem:$0x3FFE];
	_ =	sdelay $0x1  }
0x8a: {  	s1 =	srdreg.scid  }
0x8b: {  	s0 =	sand.u32 $0x1, s1  }
0x8c: {  	s17 =	sshll.u32 s0, $0xA;
	s2 =	sadd.s32 s3, s2  }
0x8d: {  	s2 =	sadd.s32 s2, s17  }
0x8e: {  	[smem:$0x3FBE] =	sst s2  }
0x8f: {  	_ = 	snop  }
0x90: {  	s2 =	sld [smem:$0x3FD0];
	(tm) =	ssettm $0x1  }
0x91: {  	s18 =	sld [smem:$0x3FFB];
	_ =	sdelay $0x3  }
0x92: {  	_ =	strace s18  }
0x93: {  	s3 =	sld [smem:$0x3FFC];
	_ =	sdelay $0x3  }
0x94: {  	_ =	strace s3  }
0x95: {  	s3 =	sld [smem:$0x3FFD];
	_ =	sdelay $0x3  }
0x96: {  	_ =	strace s3  }
0x97: {  	_ =	strace $0x8FFFFFFF  }
0x98: {  	s19 =	sld [smem:$0x3FDB];
	_ =	sdelay $0x1  }
0x99: {  	s4 =	simm.s32 $_scs_section_size  }
0x9a: {  	s5 =	simm.s32 $_size__tile_overlayer_lowered;
	s6 =	simm.s32 $_tile_overlayer_lowered  }
0x9b: {  	s22 =	simm.s32 $0x1BFF;
	s21 =	sshll.u32 s6, $0x1;
	s3 =	sadd.s32 s4, s19  }
0x9c: {  	s7 =	simm.s32 $0x0;
	s20 =	sshll.u32 s5, $0x1;
	s5 =	sadd.s32 s21, s3  }
0x9d: {  	[timem:s7], [sflag:s22] =	dma.local [hbm:s5], s20  }
0x9e: {  	_ =	swait.ge [sflag:s22], s20  }
0x9f: {  	s4 =	ssub.s32 $0x0, s20;
	[sflag:s22] =	ssyncset.done $0x0  }
0xa0: {  	[sflag:s22] =	ssyncadd.s32 s4;
	_ =	sdelay $0x1  }
0xa1: {  	s23 =	simm.s32 $0x1B8B  }
0xa2: {  	_ =	swait.ge [sflag:s23], $0x1  }
0xa3: {  	[sflag:s23] =	ssyncset.done $0x0  }
0xa4: {  	s25 =	simm.s32 $0x1B8E;
	s24 =	sld [smem:$0x3FFE];
	[sflag:s23] =	ssyncadd.s32 $0xFFFFFFFF  }
0xa5: {  	s26 =	simm.s32 $execute0_lowered;
	[smem:$0x3FD2] =	sst s25  }
0xa6: {  	s5 =	sshll.u32 s26, $0x1;
	_ =	strace $0x80000049;
	[dreg:$0x1] =	wrdreg $0xFFFFFFFF  }
0xa7: {  	s28 =	simm.s32 $_size_execute0_lowered;
	s3 =	sadd.s32 s3, s5;
	[dreg:$0x0] =	wrdreg $0x0  }
0xa8: {  	s5 =	sshll.u32 s28, $0x1;
	[dreg:$0x2] =	wrdreg s3  }
0xa9: {  	[dreg:$0x3] =	wrdreg s5  }
0xaa: {  	[dreg:$0x4] =	wrdreg $0xC0  }
0xab: {  	_ =	task [dreg:s7], $0x5FFFF  }
0xac: {  	[dreg:$0x1] =	wrdreg $0xFFFFFFFF  }
0xad: {  	[dreg:$0x0] =	wrdreg $0x60  }
0xae: {  	[dreg:$0x2] =	wrdreg s24  }
0xaf: {  	[dreg:$0x3] =	wrdreg s2  }
0xb0: {  	[dreg:$0x4] =	wrdreg $0x84000  }
0xb1: {  	[dreg:$0x5] =	wrdreg $0x9  }
0xb2: {  	_ =	task.clear_ibuf [dreg:s7], $0x6FFFF;
	_ =	strace $0x90000049  }
0xb3: {  	s29 =	simm.s32 $0x9;
	_ =	strace $0x8000004B  }
0xb4: {  	_ =	swait.ge [sflag:s29], $0x1  }
0xb5: {  	[sflag:s29] =	ssyncadd.s32 $0xFFFFFFFF  }
0xb6: {  	_ =	strace $0x9000004B  }
0xb7: {  	_ =	sfence  }
0xb8: {  	s30 =	sld [smem:$0x0];
	_ =	sdelay $0x2  }
0xb9: {  	s31 =	sshll.u32 s1, $0xD;
	s1 =	sshrl.u32 s1, $0x2  }
0xba: {  	s3 =	sand.u32 $0x4000, s31;
	s1 =	sadd.s32 s1, s30  }
0xbb: {  	s0 =	sor.u32 s3, s0;
	s1 =	sshll.u32 s1, $0x11  }
0xbc: {  	s0 =	sor.u32 s1, s0  }
0xbd: {  	s0 =	sadd.s32 $0x8F2B, s0  }
0xbe: {  	[sflag:s0] =	ssyncadd.remote.s32 $0x1  }
0xbf: {  	_ =	sfence.sel $0xFFFF  }
0xc0: {  	[dreg:$0x0] =	wrdreg $0xFFFFFFFF;
	(pc) =	sbr.abs _section_cstart, $3  }
0xc1: {  	[dreg:$0x1] =	wrdreg $0xFFFFFFFF  }
0xc2: {  	_ =	task.clear_ibuf [dreg:s7], $0x2FFFF;
	_ =	strace $0x9FFFFFFF  }
0xc3: {  	(tm) =	ssettm $0x7FFFFFFF  }
tec
execute0_lowered:
.L_overlay_start_1:
0x0: {  	(tag) =	ssettag $0x1  }
0x1: {  	s0 =	rddreg [dreg:$0x0]  }
0x2: {  	s3 =	rddreg [dreg:$0x2]  }
0x3: {  	s10 =	simm.s32 $0x0;
	s1 =	srdreg.scid;
	s7 =	stileid.u32  }
0x4: {  	s28 =	simm.s32 $0x7;
	s29 =	simm.s32 $0x5C00;
	s30 =	simm.s32 $0xA00  }
0x5: {  	s31 =	simm.s32 $0x80;
	[smem:$0x7FF] =	sst s10;
	s1 =	sand.u32 $0x1, s1  }
0x6: {  	s2 =	smul.u32 $0x280, s7;
	s5 =	sadd.s32 $0x34200, s0;
	s6 =	sadd.s32 $0x29C00, s0  }
0x7: {  	s8 =	sadd.s32 $0x1C00, s0;
	s12 =	sshll.u32 s7, $0x1;
	s7 =	smul.u32 $0x14000, s7  }
0x8: {  	_ =	strace $0x8000004A;
	s4 =	smul.u32 $0x2800, s1;
	s9 =	ssub.s32 $0x2, s1  }
0x9: {  	[dreg:$0x4] =	wrdreg s8;
	s13 =	sshrl.u32 s9, $0x1;
	s7 =	sshrl.u32 s7, $0x2  }
0xa: {  	s8 =	sadd.s32 $0x2200, s0;
	s14 =	ssub.s32 s9, s13;
	s11 =	sadd.s32 s7, s3  }
0xb: {  	s1 =	sor.u32 s1, s12;
	s26 =	smax.u32 s14, $0x1;
	[dreg:$0x5] =	wrdreg s11  }
0xc: {  	s1 =	smul.u32 $0x2900, s1;
	s12 =	sadd.s32 $0x1000, s11;
	[dreg:$0x13] =	wrdreg s26  }
0xd: {  	s2 =	sadd.s32 s2, s4;
	s13 =	sadd.s32 $0x2000, s11;
	[dreg:$0x6] =	wrdreg s12  }
0xe: {  	s7 =	simm.s32 $0x200;
	s16 =	sadd.s32 $0x3000, s11;
	[dreg:$0x7] =	wrdreg s13  }
0xf: {  	s15 =	sshrl.u32 s1, $0x3;
	s20 =	sadd.s32 $0x4000, s11;
	[dreg:$0x8] =	wrdreg s16  }
0x10: {  	s9 =	simm.s32 $0x0;
	s18 =	sadd.s32 s5, s15;
	[dreg:$0x9] =	wrdreg s20  }
0x11: {  	s17 =	sor.u32 $0x10, s15;
	s4 =	sadd.s32 s6, s15;
	[dreg:$0xa] =	wrdreg s18  }
0x12: {  	s2 =	sshll.u32 s2, $0x2;
	[dreg:$0xb] =	wrdreg s4;
	s19 =	sadd.s32 s5, s17  }
0x13: {  	s0 =	sadd.s32 s2, s0;
	s21 =	sadd.s32 s6, s17;
	[dreg:$0xc] =	wrdreg s19  }
0x14: {  	s14 =	simm.s32 $0x2;
	s22 =	sadd.s32 $0x7200, s0;
	[dreg:$0xd] =	wrdreg s21  }
0x15: {  	s26 =	simm.s32 $0x3400;
	s23 =	sadd.s32 $0x7400, s0;
	[dreg:$0xe] =	wrdreg s22  }
0x16: {  	s2 =	simm.s32 $0x1A80;
	s24 =	sadd.s32 $0x7600, s0;
	[dreg:$0xf] =	wrdreg s23  }
0x17: {  	s15 =	simm.s32 $0x4;
	s25 =	sadd.s32 $0x7800, s0;
	[dreg:$0x10] =	wrdreg s24  }
0x18: {  	s18 =	sadd.s32 $0x100, s1;
	s0 =	sadd.s32 $0x7A00, s0;
	[dreg:$0x11] =	wrdreg s25  }
0x19: {  	s17 =	simm.s32 $0x180;
	s19 =	sadd.s32 $0x180, s1;
	[dreg:$0x12] =	wrdreg s0  }
0x1a: {  	v0 =	vimm.f32 $0.0e+00;
	vm0 =	vcmask $0x300;
	s0 =	simm.s32 $0x1A00;
	s1 =	simm.s32 $0x1;
	s21 =	simm.s32 $0x5  }
0x1b: {  	v1 =	vsel vm0, $0x3F800000, v0;
	s22 =	simm.s32 $0x1B80;
	s23 =	simm.s32 $0x1B00;
	s24 =	simm.s32 $0x2400  }
.LBB2_1:
0x1c: {  	[dreg:$0x14] =	wrdreg s9  }
0x1d: {  	s4 =	rddreg [dreg:$0x1]  }
0x1e: {  	[tilespmem:s26], [sflag:$0x7] =	stream.linear.gather [hbm4b:s4+s10], $0x2800, $0x38;
	[tilespmem:$0xD400] =	vst v63  }
0x1f: {  	_ =	swait.ge [sflag:s28], $0x2800  }
0x20: {  	[sflag:s28] =	ssyncset.done $0x0  }
0x21: {  	s25 =	rddreg [dreg:$0x4];
	[sflag:s28] =	ssyncadd.s32 $0xFFFFD800  }
0x22: {  	[tilespmem:s29], [sflag:$0x7] =	stream.linear.gather [hbm4b:s25+s10], $0x2800, $0x38;
	[tilespmem:$0xD400] =	vst v63  }
0x23: {  	_ =	swait.ge [sflag:s28], $0x2800  }
0x24: {  	[sflag:s28] =	ssyncset.done $0x0  }
0x25: {  	s9 =	simm.s32 $0x0;
	s4 =	simm.s32 $0x80;
	[sflag:s28] =	ssyncadd.s32 $0xFFFFD800  }
.LBB2_2:
0x26: {  	p0 =	sne.s32 s4, $0x3F80;
	[tilespmem:s9+$0xA00] =	vst v0;
	s10 =	smov.u32 s4;
	s4 =	sadd.s32 $0x80, s4  }
.Ltmp0:
0x27: {  	[tilespmem:s9+$0xA10] =	vst v0;
	(pc) =	sbr.rel @p0 .LBB2_2-.Ltmp0, $2  }
0x28: {  	_ =	sdelay $0x2  }
0x29: {  	s9 =	sshra.s32 s10, $0x2  }
0x2a: {  	[tilespmem:s9+$0xA00] =	vst v0  }
0x2b: {  	[tilespmem:s9+$0xA10] =	vst v0  }
0x2c: {  	[spmem:s11] =	stream.linear.scatter [tilespmem:s30], [sflag:$0x7], $0x1000, $0x38;
	[tilespmem:$0xD400] =	vst v63  }
0x2d: {  	_ =	swait.ge [sflag:s28], $0x1000  }
0x2e: {  	[sflag:s28] =	ssyncset.done $0x0  }
0x2f: {  	[sflag:s28] =	ssyncadd.s32 $0xFFFFF000  }
0x30: {  	[spmem:s12] =	stream.linear.scatter [tilespmem:s30], [sflag:$0x7], $0x1000, $0x38;
	[tilespmem:$0xD400] =	vst v63  }
0x31: {  	_ =	swait.ge [sflag:s28], $0x1000  }
0x32: {  	[sflag:s28] =	ssyncset.done $0x0  }
0x33: {  	[sflag:s28] =	ssyncadd.s32 $0xFFFFF000  }
0x34: {  	[spmem:s13] =	stream.linear.scatter [tilespmem:s30], [sflag:$0x7], $0x1000, $0x38;
	[tilespmem:$0xD400] =	vst v63  }
0x35: {  	_ =	swait.ge [sflag:s28], $0x1000  }
0x36: {  	[sflag:s28] =	ssyncset.done $0x0  }
0x37: {  	[sflag:s28] =	ssyncadd.s32 $0xFFFFF000  }
0x38: {  	[spmem:s16] =	stream.linear.scatter [tilespmem:s30], [sflag:$0x7], $0x1000, $0x38;
	[tilespmem:$0xD400] =	vst v63  }
0x39: {  	_ =	swait.ge [sflag:s28], $0x1000  }
0x3a: {  	[sflag:s28] =	ssyncset.done $0x0  }
0x3b: {  	[sflag:s28] =	ssyncadd.s32 $0xFFFFF000  }
0x3c: {  	[spmem:s20] =	stream.linear.scatter [tilespmem:s30], [sflag:$0x7], $0x1000, $0x38;
	[tilespmem:$0xD400] =	vst v63  }
0x3d: {  	_ =	swait.ge [sflag:s28], $0x1000  }
0x3e: {  	[sflag:s28] =	ssyncset.done $0x0  }
0x3f: {  	[sflag:s28] =	ssyncadd.s32 $0xFFFFF000  }
0x40: {  	[bflag:$0x0] =	sbarrier.arrive $0xFFFF  }
0x41: {  	s10 =	simm.s32 $0x0;
	s4 =	rddreg [dreg:$0xa]  }
0x42: {  	[tilespmem:s10], [sflag:$0x1] =	stream.linear.gather [hbm4b:s4+s10], $0x80, $0x38;
	[tilespmem:$0xD400] =	vst v63  }
0x43: {  	s16 =	rddreg [dreg:$0xb]  }
0x44: {  	[tilespmem:s31], [sflag:$0x1] =	stream.linear.gather [hbm4b:s16+s10], $0x80, $0x38;
	[tilespmem:$0xD400] =	vst v63  }
0x45: {  	s20 =	rddreg [dreg:$0xc]  }
0x46: {  	[tilespmem:s0], [sflag:$0x4] =	stream.linear.gather [hbm4b:s20+s10], $0x80, $0x38;
	[tilespmem:$0xD400] =	vst v63  }
0x47: {  	s25 =	rddreg [dreg:$0xd]  }
0x48: {  	[tilespmem:s2], [sflag:$0x4] =	stream.linear.gather [hbm4b:s25+s10], $0x80, $0x38;
	[tilespmem:$0xD400] =	vst v63  }
0x49: {  	_ =	swait.ge [sflag:s1], $0x80  }
0x4a: {  	[sflag:s1] =	ssyncset.done $0x0  }
0x4b: {  	[sflag:s1] =	ssyncadd.s32 $0xFFFFFF80  }
0x4c: {  	_ =	swait.ge [sflag:s1], $0x80  }
0x4d: {  	[sflag:s1] =	ssyncset.done $0x0  }
0x4e: {  	[sflag:s1] =	ssyncadd.s32 $0xFFFFFF80  }
0x4f: {  	[tilespmem:s7], [sflag:$0x2] =	stream.indirect.gather [hbm4b:s8+s31], $0x10, s10, s31, $0xb8;
	[tilespmem:$0xD400] =	vst v63  }
.LBB2_4:
0x50: {  	p0 =	seq.s32 s10, $0x0  }
0x51: {  	s4 =	simm.s32 @!p0 $0x3  }
0x52: {  	_ =	swait.ge @!p0 [sflag:s4], $0x1000  }
0x53: {  	[sflag:s4] =	ssyncset.done @!p0 $0x0  }
0x54: {  	[sflag:s4] =	ssyncadd.s32 @!p0 $0xFFFFF000  }
0x55: {  	_ =	swait.ge [sflag:s14], $0x800  }
0x56: {  	[sflag:s14] =	ssyncset.done $0x0  }
0x57: {  	s4 =	simm.s32 $0x0;
	[sflag:s14] =	ssyncadd.s32 $0xFFFFF800  }
0x58: {  	s11 =	sshll.u32 s10, $0x8;
	s9 =	simm.s32 $0x40;
	v2 =	vld [tilespmem:s4+$0x80]  }
.LBB2_5:
0x59: {  	p1 =	sne.s32 s9, $0x1C0  }
.Ltmp1:
0x5a: {  	_ = 	snop;
	(pc) =	sbr.rel @p1 .LBB2_5-.Ltmp1, $3  }
0x5b: {  	_ =	sdelay $0x1  }
0x5c: {  	[tilespmem:s4+$0x100] =	vst v2;
	s4 =	sshra.s32 s9, $0x2;
	s9 =	sadd.s32 $0x40, s9  }
0x5d: {  	v2 =	vld [tilespmem:s4+$0x80]  }
0x5e: {  	_ =	sdelay $0x1  }
0x5f: {  	s9 =	sadd.s32 s11, s18  }
0x60: {  	s9 =	sshrl.u32 s9, $0x3  }
0x61: {  	s12 =	sadd.s32 s5, s9;
	[tilespmem:s4+$0x100] =	vst v2;
	s4 =	simm.s32 $0x0  }
0x62: {  	[tilespmem:s4], [sflag:$0x1] =	stream.linear.gather [hbm4b:s12+s4], $0x80, $0x38;
	[tilespmem:$0xD400] =	vst v63  }
0x63: {  	s9 =	sadd.s32 s6, s9  }
0x64: {  	[tilespmem:s31], [sflag:$0x1] =	stream.linear.gather [hbm4b:s9+s4], $0x80, $0x38;
	[tilespmem:$0xD400] =	vst v63  }
0x65: {  	_ =	swait.ge [sflag:s15], $0x80  }
0x66: {  	[sflag:s15] =	ssyncset.done $0x0  }
0x67: {  	[sflag:s15] =	ssyncadd.s32 $0xFFFFFF80  }
0x68: {  	_ =	swait.ge [sflag:s15], $0x80  }
0x69: {  	[sflag:s15] =	ssyncset.done $0x0  }
0x6a: {  	s25 =	simm.s32 $0x1C00;
	s12 =	simm.s32 $0x0;
	[sflag:s15] =	ssyncadd.s32 $0xFFFFFF80  }
0x6b: {  	[tilespmem:s25], [sflag:$0x5] =	stream.indirect.gather [hbm4b:s8+s31], $0x10, s0, s31, $0xb8;
	[tilespmem:$0xD400] =	vst v63  }
0x6c: {  	v2 =	vld [tilespmem:s12+$0x0]  }
0x6d: {  	v3 =	vld [tilespmem:s12+$0x80];
	_ =	sdelay $0x3  }
0x6e: {  	s13 =	simm.s32 $0x10  }
0x6f: {  	v4 =	vld [tilespmem:s13+$0x0]  }
0x70: {  	v5 =	vld [tilespmem:s13+$0x80]  }
0x71: {  	v2 =	vld.idx.msk [tilespmem:v2+s26+$0x0], $0xffff  }
0x72: {  	v3 =	vld.idx.msk [tilespmem:v3+s29+$0x0], $0xffff;
	_ =	sdelay $0x3  }
0x73: {  	s9 =	simm.s32 $0x20  }
0x74: {  	v7 =	vld [tilespmem:s9+$0x0];
	v3 =	vadd.f32 v3, v2  }
0x75: {  	v6 =	vld.idx.msk [tilespmem:v4+s26+$0x0], $0xffff  }
0x76: {  	v2 =	vld [tilespmem:s9+$0x80];
	v4 =	vmul.f32 $2.000000030e-01, v3  }
0x77: {  	v5 =	vld.idx.msk [tilespmem:v5+s29+$0x0], $0xffff  }
0x78: {  	v3 =	vmax.f32 v3, v4  }
0x79: {  	v8 =	vmul.f32 $1.442695020e+00, v3  }
0x7a: {  	s25 =	simm.s32 $0x30  }
0x7b: {  	v3 =	vld [tilespmem:s25+$0x0];
	(erf) = vpow2.f32 v8  }
0x7c: {  	v6 =	vadd.f32 v5, v6;
	v4 =	vld [tilespmem:s25+$0x80]  }
0x7d: {  	s16 =	simm.s32 $0x100;
	v5 =	vld.idx.msk [tilespmem:v7+s26+$0x0], $0xffff  }
.LBB2_7:
0x7e: {  	p1 =	sne.s32 s16, $0x1C0;
	v7 =	vld.idx.msk [tilespmem:v2+s29+$0x0], $0xffff;
	v10 =	vmul.f32 $2.000000030e-01, v6;
	s20 =	smov.u32 s9;
	s9 =	smov.u32 s25  }
0x7f: {  	_ = 	snop  }
0x80: {  	v9 =	vmax.f32 v6, v10;
	v8 =	vmov v3  }
.Ltmp2:
0x81: {  	v6 =	vmul.f32 $1.442695020e+00, v9;
	v2 =	vmov v4;
	(pc) =	sbr.rel @p1 .LBB2_7-.Ltmp2, $4  }
0x82: {  	s25 =	sshra.s32 s16, $0x2  }
0x83: {  	v3 =	vld [tilespmem:s25+$0x0];
	(erf) = vpow2.f32 v6  }
0x84: {  	v6 =	vadd.f32 v7, v5;
	v4 =	vld [tilespmem:s25+$0x80];
	v7 =	vpop (erf)  }
0x85: {  	s16 =	sadd.s32 $0x40, s16;
	v5 =	vld.idx.msk [tilespmem:v8+s26+$0x0], $0xffff;
	[tilespmem:s12+$0x180] =	vst v7;
	s12 =	smov.u32 s13;
	s13 =	smov.u32 s20  }
0x86: {  	_ =	sdelay $0x4  }
0x87: {  	v2 =	vld.idx.msk [tilespmem:v2+s29+$0x0], $0xffff  }
0x88: {  	v3 =	vld.idx.msk [tilespmem:v3+s26+$0x0], $0xffff  }
0x89: {  	v4 =	vld.idx.msk [tilespmem:v4+s29+$0x0], $0xffff;
	_ =	sdelay $0x3  }
0x8a: {  	v2 =	vadd.f32 v2, v5  }
0x8b: {  	v5 =	vmul.f32 $2.000000030e-01, v6;
	v3 =	vadd.f32 v4, v3  }
0x8c: {  	v4 =	vmul.f32 $2.000000030e-01, v2  }
0x8d: {  	v5 =	vmax.f32 v6, v5;
	v6 =	vmul.f32 $2.000000030e-01, v3  }
0x8e: {  	v5 =	vmul.f32 $1.442695020e+00, v5;
	v2 =	vmax.f32 v2, v4  }
0x8f: {  	v2 =	vmul.f32 $1.442695020e+00, v2;
	v3 =	vmax.f32 v3, v6  }
0x90: {  	(erf) = vpow2.f32 v5;
	v3 =	vmul.f32 $1.442695020e+00, v3  }
0x91: {  	(erf) = vpow2.f32 v2  }
0x92: {  	(erf) = vpow2.f32 v3;
	_ =	sdelay $0x1  }
0x93: {  	s16 =	simm.s32 $0x1  }
0x94: {  	s20 =	simm.s32 $0x2;
	v2 =	vmov s16  }
0x95: {  	v2 =	vand.u32 $0xFFFFFFFD, v2;
	v3 =	vmov s20  }
0x96: {  	v4 =	vmov s4;
	v2 =	vbroadcast v2, $0x0;
	v3 =	vand.u32 $0xFFFFFFFE, v3  }
0x97: {  	v4 =	vand.u32 $0xFFFFFFFC, v4;
	v5 =	vpop (erf);
	v3 =	vbroadcast v3, $0x0  }
0x98: {  	v4 =	vbroadcast v4, $0x0;
	[tilespmem:s12+$0x180] =	vst v5;
	v6 =	vpop (erf)  }
0x99: {  	s16 =	simm.s32 $0x3;
	s20 =	simm.s32 $0x5;
	[tilespmem:s13+$0x180] =	vst v6;
	v6 =	vpop (erf)  }
0x9a: {  	v7 =	vmov s16;
	v5 =	vmov s20;
	s20 =	simm.s32 $0x6;
	[tilespmem:s9+$0x180] =	vst v6;
	v6 =	vpop (erf)  }
0x9b: {  	v5 =	vand.u32 $0xFFFFFFFD, v5;
	v8 =	vmov s20;
	[tilespmem:s25+$0x180] =	vst v6  }
0x9c: {  	v5 =	vbroadcast v5, $0x0;
	v6 =	vand.u32 $0xFFFFFFFE, v8;
	v16 =	vld.idx.msk [tilespmem:v2+s17+$0x0], $0xffff  }
0x9d: {  	v8 =	vbroadcast v6, $0x0;
	v3 =	vld.idx.msk [tilespmem:v3+s17+$0x0], $0xffff  }
0x9e: {  	s12 =	simm.s32 $0x4;
	v12 =	vld.idx.msk [tilespmem:v4+s17+$0x0], $0xffff  }
0x9f: {  	s13 =	simm.s32 $0x9;
	s9 =	simm.s32 $0x220;
	v2 =	vmov s12;
	v6 =	vld.idx.msk [tilespmem:v7+s17+$0x0], $0xffff  }
0xa0: {  	v4 =	vmov s13;
	v13 =	vld [tilespmem:s9+$0x0];
	v2 =	vand.u32 $0xFFFFFFFC, v2  }
0xa1: {  	s16 =	simm.s32 $0x7;
	v18 =	vld [tilespmem:s9+$0xFFFFFFF0];
	v4 =	vand.u32 $0xFFFFFFFD, v4;
	v7 =	vbroadcast v2, $0x0  }
0xa2: {  	s20 =	simm.s32 $0xA;
	v2 =	vld.idx.msk [tilespmem:v5+s17+$0x0], $0xffff;
	v14 =	vbroadcast v4, $0x0;
	v4 =	vmov s16;
	v5 =	vmul.f32 v1, v3  }
0xa3: {  	s12 =	simm.s32 $0xA40;
	v9 =	vld.idx.msk [tilespmem:v8+s17+$0x0], $0xffff;
	v8 =	vmov s20  }
0xa4: {  	[tilespmem:s12+$0x10] =	vst v5;
	v5 =	vand.u32 $0xFFFFFFFE, v8  }
0xa5: {  	s25 =	simm.s32 $0x8;
	v17 =	vld [tilespmem:s9+$0xFFFFFFE0];
	v15 =	vmul.f32 v1, v16;
	v11 =	vbroadcast v5, $0x0  }
0xa6: {  	v19 =	vmov s25;
	v10 =	vld [tilespmem:s9+$0x10];
	v8 =	vmul.f32 v1, v12  }
0xa7: {  	s16 =	simm.s32 $0xD;
	[tilespmem:s12+$0xFFFFFFF0] =	vst v15;
	v15 =	vand.u32 $0xFFFFFFFC, v19;
	v4 =	vld.idx.msk [tilespmem:v4+s17+$0x0], $0xffff;
	v19 =	vmul.f32 v1, v6  }
0xa8: {  	v16 =	vmul.f32 v18, v16;
	v5 =	vld.idx.msk [tilespmem:v7+s17+$0x0], $0xffff;
	v7 =	vmul.f32 v13, v3;
	v3 =	vmov s16;
	[tilespmem:s12+$0xFFFFFFD0] =	vst v8  }
0xa9: {  	s4 =	simm.s32 $0x260;
	s9 =	simm.s32 $0xC;
	s20 =	simm.s32 $0xB;
	v8 =	vbroadcast v15, $0x0;
	v20 =	vand.u32 $0xFFFFFFFD, v3;
	v3 =	vld.idx.msk [tilespmem:v14+s17+$0x0], $0xffff;
	[tilespmem:s12+$0x30] =	vst v19;
	v15 =	vmul.f32 v1, v9  }
0xaa: {  	s25 =	simm.s32 $0x10;
	s13 =	simm.s32 $0xAC0;
	v13 =	vmul.f32 v17, v12;
	s16 =	simm.s32 $0xE;
	v12 =	vmov s20;
	v14 =	vld [tilespmem:s4+$0x0];
	[tilespmem:s12+$0x0] =	vst v7;
	v7 =	vbroadcast v20, $0x0  }
.LBB2_9:
0xab: {  	p1 =	slt.u32 s25, $0x7C;
	v17 =	vmov s16;
	v18 =	vld.idx.msk [tilespmem:v11+s17+$0x0], $0xffff;
	v21 =	vmul.f32 v1, v2;
	[tilespmem:s13+$0x10] =	vst v15;
	v15 =	vmul.f32 v10, v6  }
0xac: {  	v22 =	vand.u32 $0xFFFFFFFE, v17;
	v17 =	vld [tilespmem:s4+$0xFFFFFFE0];
	[tilespmem:s12+$0xFFFFFFE0] =	vst v16  }
0xad: {  	v16 =	vmul.f32 v1, v5;
	v19 =	vmov v5;
	v11 =	vbroadcast v22, $0x0;
	v20 =	vld [tilespmem:s4+$0xFFFFFFF0];
	[tilespmem:s13+$0xFFFFFFF0] =	vst v21  }
.Ltmp3:
0xae: {  	v5 =	vmov s9;
	v6 =	vmov v4;
	v10 =	vld [tilespmem:s4+$0x10];
	[tilespmem:s12+$0xFFFFFFC0] =	vst v13;
	(pc) =	sbr.rel @p1 .LBB2_9-.Ltmp3, $4  }
0xaf: {  	s16 =	sadd.s32 $0x1, s25;
	v4 =	vand.u32 $0xFFFFFFFC, v5;
	v5 =	vld.idx.msk [tilespmem:v8+s17+$0x0], $0xffff;
	[tilespmem:s13+$0xFFFFFFD0] =	vst v16;
	v23 =	vmul.f32 v14, v9;
	v21 =	vmov v3  }
0xb0: {  	v22 =	vmul.f32 v1, v6;
	v3 =	vmov s16;
	v8 =	vbroadcast v4, $0x0;
	v4 =	vld.idx.msk [tilespmem:v12+s17+$0x0], $0xffff;
	[tilespmem:s12+$0x20] =	vst v15;
	s12 =	smov.u32 s13  }
0xb1: {  	s20 =	sadd.s32 $0x3, s9;
	s9 =	smov.u32 s25;
	s4 =	sadd.s32 $0x40, s4;
	v12 =	vand.u32 $0xFFFFFFFD, v3;
	v15 =	vmul.f32 v1, v18;
	v3 =	vld.idx.msk [tilespmem:v7+s17+$0x0], $0xffff;
	v13 =	vmul.f32 v17, v19;
	[tilespmem:s13+$0x0] =	vst v23  }
0xb2: {  	s25 =	sadd.s32 $0x4, s25;
	s16 =	sadd.s32 $0x2, s9;
	v9 =	vmovc v18;
	v7 =	vbroadcast v12, $0x0;
	v12 =	vmov s20;
	s13 =	sadd.s32 $0x80, s13;
	v14 =	vld [tilespmem:s4+$0x0];
	v16 =	vmul.f32 v20, v2;
	[tilespmem:s12+$0x30] =	vst v22;
	v2 =	vmovc v21  }
0xb3: {  	_ =	sdelay $0x2  }
0xb4: {  	[tilespmem:s13+$0x10] =	vst v15  }
0xb5: {  	v11 =	vld.idx.msk [tilespmem:v11+s17+$0x0], $0xffff;
	v18 =	vmul.f32 v1, v2;
	[tilespmem:s12+$0xFFFFFFC0] =	vst v13  }
0xb6: {  	v38 =	vld [tilespmem:s4+$0xFFFFFFF0];
	v6 =	vmul.f32 v10, v6;
	[tilespmem:s12+$0xFFFFFFE0] =	vst v16  }
0xb7: {  	v40 =	vld [tilespmem:s4+$0xFFFFFFE0];
	v39 =	vmul.f32 v1, v5;
	[tilespmem:s13+$0xFFFFFFF0] =	vst v18  }
0xb8: {  	v41 =	vld [tilespmem:s4+$0x10];
	v43 =	vmul.f32 v1, v4;
	[tilespmem:s12+$0x20] =	vst v6  }
0xb9: {  	v17 =	vmov s16;
	v8 =	vld.idx.msk [tilespmem:v8+s17+$0x0], $0xffff;
	[tilespmem:s13+$0xFFFFFFD0] =	vst v39;
	v9 =	vmul.f32 v14, v9  }
0xba: {  	v42 =	vmov s9;
	v12 =	vld.idx.msk [tilespmem:v12+s17+$0x0], $0xffff;
	s20 =	sadd.s32 $0x40, s4;
	v37 =	vand.u32 $0xFFFFFFFE, v17;
	[tilespmem:s13+$0x30] =	vst v43;
	v45 =	vmul.f32 v1, v11  }
0xbb: {  	s25 =	sadd.s32 $0x80, s13;
	v44 =	vand.u32 $0xFFFFFFFC, v42;
	v46 =	vld [tilespmem:s20+$0x0];
	v15 =	vbroadcast v37, $0x0;
	v2 =	vmul.f32 v38, v2;
	[tilespmem:s13+$0x0] =	vst v9  }
0xbc: {  	v52 =	vld [tilespmem:s20+$0xFFFFFFE0];
	v6 =	vbroadcast v44, $0x0;
	v47 =	vmul.f32 v1, v3;
	[tilespmem:s25+$0x10] =	vst v45  }
0xbd: {  	v55 =	vld [tilespmem:s20+$0x10];
	v48 =	vmul.f32 v40, v5;
	[tilespmem:s13+$0xFFFFFFE0] =	vst v2  }
0xbe: {  	v49 =	vmul.f32 v1, v8;
	v2 =	vld [tilespmem:s20+$0xFFFFFFF0];
	[tilespmem:s25+$0xFFFFFFF0] =	vst v47  }
0xbf: {  	s16 =	sadd.s32 $0x3, s9;
	v51 =	vmul.f32 v41, v4;
	[tilespmem:s13+$0xFFFFFFC0] =	vst v48  }
0xc0: {  	v7 =	vld.idx.msk [tilespmem:v7+s17+$0x0], $0xffff;
	v50 =	vmov s16;
	v54 =	vmul.f32 v1, v12;
	[tilespmem:s25+$0xFFFFFFD0] =	vst v49  }
0xc1: {  	v53 =	vmul.f32 v46, v11;
	[tilespmem:s13+$0x20] =	vst v51;
	v15 =	vld.idx.msk [tilespmem:v15+s17+$0x0], $0xffff  }
0xc2: {  	s4 =	sadd.s32 $0x40, s20;
	v8 =	vmul.f32 v52, v8;
	[tilespmem:s25+$0x30] =	vst v54;
	v6 =	vld.idx.msk [tilespmem:v6+s17+$0x0], $0xffff  }
0xc3: {  	v57 =	vld [tilespmem:s4+$0x0];
	v4 =	vmul.f32 v55, v12;
	[tilespmem:s25+$0x0] =	vst v53  }
0xc4: {  	v59 =	vld [tilespmem:s4+$0xFFFFFFE0];
	[tilespmem:s25+$0xFFFFFFC0] =	vst v8;
	v2 =	vmul.f32 v2, v3  }
0xc5: {  	v58 =	vmul.f32 v1, v7;
	[tilespmem:s25+$0x20] =	vst v4;
	v3 =	vld.idx.msk [tilespmem:v50+s17+$0x0], $0xffff  }
0xc6: {  	v61 =	vld [tilespmem:s4+$0x10];
	s20 =	sadd.s32 $0x80, s25;
	v56 =	vmul.f32 v1, v15;
	[tilespmem:s25+$0xFFFFFFE0] =	vst v2  }
0xc7: {  	v60 =	vmul.f32 v1, v6;
	v2 =	vld [tilespmem:s4+$0xFFFFFFF0];
	[tilespmem:s20+$0xFFFFFFF0] =	vst v58  }
0xc8: {  	v5 =	vmul.f32 v57, v15;
	[tilespmem:s20+$0x10] =	vst v56  }
0xc9: {  	v63 =	vmul.f32 v59, v6;
	[tilespmem:s20+$0xFFFFFFD0] =	vst v60  }
0xca: {  	[tilespmem:s20+$0x0] =	vst v5;
	v62 =	vmul.f32 v1, v3  }
0xcb: {  	[tilespmem:s20+$0xFFFFFFC0] =	vst v63;
	v3 =	vmul.f32 v61, v3  }
0xcc: {  	v2 =	vmul.f32 v2, v7;
	[tilespmem:s20+$0x30] =	vst v62  }
0xcd: {  	[tilespmem:s20+$0x20] =	vst v3  }
0xce: {  	s25 =	simm.s32 $0x100;
	s4 =	simm.s32 @!p0 $0x6;
	[tilespmem:s20+$0xFFFFFFE0] =	vst v2  }
0xcf: {  	[spmem:s3] =	stream.indirect.scatter.add.f32 [tilespmem:s30], [sflag:$0x3], $0x20, s25, s31, $0xb8;
	[tilespmem:$0xD400] =	vst v63  }
0xd0: {  	_ =	swait.ge @!p0 [sflag:s4], $0x1000  }
0xd1: {  	[sflag:s4] =	ssyncset.done @!p0 $0x0  }
0xd2: {  	[sflag:s4] =	ssyncadd.s32 @!p0 $0xFFFFF000  }
0xd3: {  	_ =	swait.ge [sflag:s21], $0x800  }
0xd4: {  	[sflag:s21] =	ssyncset.done $0x0  }
0xd5: {  	s4 =	simm.s32 $0x0;
	[sflag:s21] =	ssyncadd.s32 $0xFFFFF800  }
0xd6: {  	s9 =	simm.s32 $0x40;
	v2 =	vld [tilespmem:s4+$0x1A80]  }
.LBB2_11:
0xd7: {  	p0 =	sne.s32 s9, $0x1C0  }
.Ltmp4:
0xd8: {  	_ = 	snop;
	(pc) =	sbr.rel @p0 .LBB2_11-.Ltmp4, $3  }
0xd9: {  	_ =	sdelay $0x1  }
0xda: {  	[tilespmem:s4+$0x1B00] =	vst v2;
	s4 =	sshra.s32 s9, $0x2;
	s9 =	sadd.s32 $0x40, s9  }
0xdb: {  	v2 =	vld [tilespmem:s4+$0x1A80]  }
0xdc: {  	_ =	sdelay $0x1  }
0xdd: {  	s9 =	sadd.s32 s11, s19  }
0xde: {  	s9 =	sshrl.u32 s9, $0x3  }
0xdf: {  	s25 =	sadd.s32 s5, s9;
	[tilespmem:s4+$0x1B00] =	vst v2;
	s4 =	simm.s32 $0x0  }
0xe0: {  	[tilespmem:s0], [sflag:$0x4] =	stream.linear.gather [hbm4b:s25+s4], $0x80, $0x38;
	[tilespmem:$0xD400] =	vst v63  }
0xe1: {  	s9 =	sadd.s32 s6, s9  }
0xe2: {  	[tilespmem:s2], [sflag:$0x4] =	stream.linear.gather [hbm4b:s9+s4], $0x80, $0x38;
	[tilespmem:$0xD400] =	vst v63  }
0xe3: {  	_ =	swait.ge [sflag:s1], $0x80  }
0xe4: {  	[sflag:s1] =	ssyncset.done $0x0  }
0xe5: {  	[sflag:s1] =	ssyncadd.s32 $0xFFFFFF80  }
0xe6: {  	_ =	swait.ge [sflag:s1], $0x80  }
0xe7: {  	[sflag:s1] =	ssyncset.done $0x0  }
0xe8: {  	s11 =	simm.s32 $0x0;
	[sflag:s1] =	ssyncadd.s32 $0xFFFFFF80  }
0xe9: {  	[tilespmem:s7], [sflag:$0x2] =	stream.indirect.gather [hbm4b:s8+s31], $0x10, s4, s31, $0xb8;
	[tilespmem:$0xD400] =	vst v63  }
0xea: {  	v2 =	vld [tilespmem:s11+$0x1A00]  }
0xeb: {  	v3 =	vld [tilespmem:s11+$0x1A80];
	_ =	sdelay $0x3  }
0xec: {  	s12 =	simm.s32 $0x10  }
0xed: {  	v4 =	vld [tilespmem:s12+$0x1A00]  }
0xee: {  	v5 =	vld [tilespmem:s12+$0x1A80]  }
0xef: {  	v2 =	vld.idx.msk [tilespmem:v2+s26+$0x0], $0xffff  }
0xf0: {  	v3 =	vld.idx.msk [tilespmem:v3+s29+$0x0], $0xffff;
	_ =	sdelay $0x3  }
0xf1: {  	s9 =	simm.s32 $0x20  }
0xf2: {  	v7 =	vld [tilespmem:s9+$0x1A00];
	v3 =	vadd.f32 v3, v2  }
0xf3: {  	v6 =	vld.idx.msk [tilespmem:v4+s26+$0x0], $0xffff  }
0xf4: {  	v2 =	vld [tilespmem:s9+$0x1A80];
	v4 =	vmul.f32 $2.000000030e-01, v3  }
0xf5: {  	v5 =	vld.idx.msk [tilespmem:v5+s29+$0x0], $0xffff  }
0xf6: {  	v3 =	vmax.f32 v3, v4  }
0xf7: {  	v8 =	vmul.f32 $1.442695020e+00, v3  }
0xf8: {  	s13 =	simm.s32 $0x30  }
0xf9: {  	v3 =	vld [tilespmem:s13+$0x1A00];
	(erf) = vpow2.f32 v8  }
0xfa: {  	v6 =	vadd.f32 v5, v6;
	v4 =	vld [tilespmem:s13+$0x1A80]  }
0xfb: {  	s16 =	simm.s32 $0x100;
	v5 =	vld.idx.msk [tilespmem:v7+s26+$0x0], $0xffff  }
.LBB2_13:
0xfc: {  	p0 =	sne.s32 s16, $0x1C0;
	v7 =	vld.idx.msk [tilespmem:v2+s29+$0x0], $0xffff;
	v10 =	vmul.f32 $2.000000030e-01, v6;
	s20 =	smov.u32 s9;
	s9 =	smov.u32 s13  }
0xfd: {  	_ = 	snop  }
0xfe: {  	v9 =	vmax.f32 v6, v10;
	v8 =	vmov v3  }
.Ltmp5:
0xff: {  	v6 =	vmul.f32 $1.442695020e+00, v9;
	v2 =	vmov v4;
	(pc) =	sbr.rel @p0 .LBB2_13-.Ltmp5, $4  }
0x100: {  	s13 =	sshra.s32 s16, $0x2  }
0x101: {  	v3 =	vld [tilespmem:s13+$0x1A00];
	(erf) = vpow2.f32 v6  }
0x102: {  	v6 =	vadd.f32 v7, v5;
	v4 =	vld [tilespmem:s13+$0x1A80];
	v7 =	vpop (erf)  }
0x103: {  	s16 =	sadd.s32 $0x40, s16;
	v5 =	vld.idx.msk [tilespmem:v8+s26+$0x0], $0xffff;
	[tilespmem:s11+$0x1B80] =	vst v7;
	s11 =	smov.u32 s12;
	s12 =	smov.u32 s20  }
0x104: {  	_ =	sdelay $0x4  }
0x105: {  	v2 =	vld.idx.msk [tilespmem:v2+s29+$0x0], $0xffff  }
0x106: {  	v3 =	vld.idx.msk [tilespmem:v3+s26+$0x0], $0xffff  }
0x107: {  	v4 =	vld.idx.msk [tilespmem:v4+s29+$0x0], $0xffff;
	_ =	sdelay $0x3  }
0x108: {  	v2 =	vadd.f32 v2, v5  }
0x109: {  	v5 =	vmul.f32 $2.000000030e-01, v6;
	v3 =	vadd.f32 v4, v3  }
0x10a: {  	v4 =	vmul.f32 $2.000000030e-01, v2  }
0x10b: {  	v5 =	vmax.f32 v6, v5;
	v6 =	vmul.f32 $2.000000030e-01, v3  }
0x10c: {  	v5 =	vmul.f32 $1.442695020e+00, v5;
	v2 =	vmax.f32 v2, v4  }
0x10d: {  	v2 =	vmul.f32 $1.442695020e+00, v2;
	v3 =	vmax.f32 v3, v6  }
0x10e: {  	(erf) = vpow2.f32 v5;
	v3 =	vmul.f32 $1.442695020e+00, v3  }
0x10f: {  	(erf) = vpow2.f32 v2  }
0x110: {  	(erf) = vpow2.f32 v3;
	_ =	sdelay $0x1  }
0x111: {  	s16 =	simm.s32 $0x1  }
0x112: {  	s20 =	simm.s32 $0x2;
	v2 =	vmov s16  }
0x113: {  	v2 =	vand.u32 $0xFFFFFFFD, v2;
	v3 =	vmov s20  }
0x114: {  	v4 =	vmov s4;
	v2 =	vbroadcast v2, $0x0;
	v3 =	vand.u32 $0xFFFFFFFE, v3  }
0x115: {  	v4 =	vand.u32 $0xFFFFFFFC, v4;
	v5 =	vpop (erf);
	v3 =	vbroadcast v3, $0x0  }
0x116: {  	v4 =	vbroadcast v4, $0x0;
	[tilespmem:s11+$0x1B80] =	vst v5;
	v6 =	vpop (erf)  }
0x117: {  	s25 =	simm.s32 $0x5;
	s11 =	simm.s32 $0x3;
	[tilespmem:s12+$0x1B80] =	vst v6;
	v6 =	vpop (erf)  }
0x118: {  	v5 =	vmov s25;
	v7 =	vmov s11;
	s12 =	simm.s32 $0x6;
	[tilespmem:s9+$0x1B80] =	vst v6;
	v6 =	vpop (erf)  }
0x119: {  	v5 =	vand.u32 $0xFFFFFFFD, v5;
	v8 =	vmov s12;
	[tilespmem:s13+$0x1B80] =	vst v6  }
0x11a: {  	v5 =	vbroadcast v5, $0x0;
	v6 =	vand.u32 $0xFFFFFFFE, v8;
	v16 =	vld.idx.msk [tilespmem:v2+s22+$0x0], $0xffff  }
0x11b: {  	v8 =	vbroadcast v6, $0x0;
	v3 =	vld.idx.msk [tilespmem:v3+s22+$0x0], $0xffff  }
0x11c: {  	s16 =	simm.s32 $0x4;
	v12 =	vld.idx.msk [tilespmem:v4+s22+$0x0], $0xffff  }
0x11d: {  	s25 =	simm.s32 $0x1C20;
	s20 =	simm.s32 $0x9;
	v2 =	vmov s16;
	v6 =	vld.idx.msk [tilespmem:v7+s22+$0x0], $0xffff  }
0x11e: {  	v4 =	vmov s20;
	v13 =	vld [tilespmem:s25+$0x0];
	v2 =	vand.u32 $0xFFFFFFFC, v2  }
0x11f: {  	s12 =	simm.s32 $0x7;
	v18 =	vld [tilespmem:s25+$0xFFFFFFF0];
	v4 =	vand.u32 $0xFFFFFFFD, v4;
	v7 =	vbroadcast v2, $0x0  }
0x120: {  	s13 =	simm.s32 $0xA;
	v2 =	vld.idx.msk [tilespmem:v5+s22+$0x0], $0xffff;
	v14 =	vbroadcast v4, $0x0;
	v4 =	vmov s12;
	v5 =	vmul.f32 v1, v3  }
0x121: {  	s11 =	simm.s32 $0x2440;
	v9 =	vld.idx.msk [tilespmem:v8+s22+$0x0], $0xffff;
	v8 =	vmov s13  }
0x122: {  	[tilespmem:s11+$0x10] =	vst v5;
	v5 =	vand.u32 $0xFFFFFFFE, v8  }
0x123: {  	v17 =	vld [tilespmem:s25+$0xFFFFFFE0];
	s16 =	simm.s32 $0x8;
	v15 =	vmul.f32 v1, v16;
	v11 =	vbroadcast v5, $0x0  }
0x124: {  	v10 =	vld [tilespmem:s25+$0x10];
	v19 =	vmov s16;
	v8 =	vmul.f32 v1, v12  }
0x125: {  	s20 =	simm.s32 $0xD;
	[tilespmem:s11+$0xFFFFFFF0] =	vst v15;
	v15 =	vand.u32 $0xFFFFFFFC, v19;
	v4 =	vld.idx.msk [tilespmem:v4+s22+$0x0], $0xffff;
	v19 =	vmul.f32 v1, v6  }
0x126: {  	v16 =	vmul.f32 v18, v16;
	v5 =	vld.idx.msk [tilespmem:v7+s22+$0x0], $0xffff;
	v7 =	vmul.f32 v13, v3;
	v3 =	vmov s20;
	[tilespmem:s11+$0xFFFFFFD0] =	vst v8  }
0x127: {  	s4 =	simm.s32 $0x1C60;
	s9 =	simm.s32 $0xC;
	s25 =	simm.s32 $0xB;
	v8 =	vbroadcast v15, $0x0;
	v20 =	vand.u32 $0xFFFFFFFD, v3;
	v3 =	vld.idx.msk [tilespmem:v14+s22+$0x0], $0xffff;
	[tilespmem:s11+$0x30] =	vst v19;
	v15 =	vmul.f32 v1, v9  }
0x128: {  	s16 =	simm.s32 $0xE;
	s12 =	simm.s32 $0x24C0;
	s13 =	simm.s32 $0x10;
	v13 =	vmul.f32 v17, v12;
	v12 =	vmov s25;
	v14 =	vld [tilespmem:s4+$0x0];
	[tilespmem:s11+$0x0] =	vst v7;
	v7 =	vbroadcast v20, $0x0  }
.LBB2_15:
0x129: {  	p0 =	slt.u32 s13, $0x7C;
	v17 =	vmov s16;
	v18 =	vld.idx.msk [tilespmem:v11+s22+$0x0], $0xffff;
	v21 =	vmul.f32 v1, v2;
	[tilespmem:s12+$0x10] =	vst v15;
	v15 =	vmul.f32 v10, v6  }
0x12a: {  	v22 =	vand.u32 $0xFFFFFFFE, v17;
	v17 =	vld [tilespmem:s4+$0xFFFFFFE0];
	[tilespmem:s11+$0xFFFFFFE0] =	vst v16  }
0x12b: {  	v16 =	vmul.f32 v1, v5;
	v19 =	vmov v5;
	v11 =	vbroadcast v22, $0x0;
	v20 =	vld [tilespmem:s4+$0xFFFFFFF0];
	[tilespmem:s12+$0xFFFFFFF0] =	vst v21  }
.Ltmp6:
0x12c: {  	v5 =	vmov s9;
	v6 =	vmov v4;
	v10 =	vld [tilespmem:s4+$0x10];
	[tilespmem:s11+$0xFFFFFFC0] =	vst v13;
	(pc) =	sbr.rel @p0 .LBB2_15-.Ltmp6, $4  }
0x12d: {  	s16 =	sadd.s32 $0x1, s13;
	v4 =	vand.u32 $0xFFFFFFFC, v5;
	v5 =	vld.idx.msk [tilespmem:v8+s22+$0x0], $0xffff;
	[tilespmem:s12+$0xFFFFFFD0] =	vst v16;
	v23 =	vmul.f32 v14, v9;
	v21 =	vmov v3  }
0x12e: {  	v22 =	vmul.f32 v1, v6;
	v3 =	vmov s16;
	v8 =	vbroadcast v4, $0x0;
	v4 =	vld.idx.msk [tilespmem:v12+s22+$0x0], $0xffff;
	[tilespmem:s11+$0x20] =	vst v15;
	s11 =	smov.u32 s12  }
0x12f: {  	s20 =	sadd.s32 $0x3, s9;
	s9 =	smov.u32 s13;
	s4 =	sadd.s32 $0x40, s4;
	v12 =	vand.u32 $0xFFFFFFFD, v3;
	v15 =	vmul.f32 v1, v18;
	v3 =	vld.idx.msk [tilespmem:v7+s22+$0x0], $0xffff;
	v13 =	vmul.f32 v17, v19;
	[tilespmem:s12+$0x0] =	vst v23  }
0x130: {  	s13 =	sadd.s32 $0x4, s13;
	s16 =	sadd.s32 $0x2, s9;
	v9 =	vmovc v18;
	v7 =	vbroadcast v12, $0x0;
	v12 =	vmov s20;
	s12 =	sadd.s32 $0x80, s12;
	v14 =	vld [tilespmem:s4+$0x0];
	v16 =	vmul.f32 v20, v2;
	[tilespmem:s11+$0x30] =	vst v22;
	v2 =	vmovc v21  }
0x131: {  	_ =	sdelay $0x2  }
0x132: {  	[tilespmem:s12+$0x10] =	vst v15  }
0x133: {  	v11 =	vld.idx.msk [tilespmem:v11+s22+$0x0], $0xffff;
	v18 =	vmul.f32 v1, v2;
	[tilespmem:s11+$0xFFFFFFC0] =	vst v13  }
0x134: {  	v38 =	vld [tilespmem:s4+$0xFFFFFFF0];
	v6 =	vmul.f32 v10, v6;
	[tilespmem:s11+$0xFFFFFFE0] =	vst v16  }
0x135: {  	v40 =	vld [tilespmem:s4+$0xFFFFFFE0];
	v39 =	vmul.f32 v1, v5;
	[tilespmem:s12+$0xFFFFFFF0] =	vst v18  }
0x136: {  	v41 =	vld [tilespmem:s4+$0x10];
	v43 =	vmul.f32 v1, v4;
	[tilespmem:s11+$0x20] =	vst v6  }
0x137: {  	v17 =	vmov s16;
	v8 =	vld.idx.msk [tilespmem:v8+s22+$0x0], $0xffff;
	[tilespmem:s12+$0xFFFFFFD0] =	vst v39;
	v9 =	vmul.f32 v14, v9  }
0x138: {  	v42 =	vmov s9;
	v12 =	vld.idx.msk [tilespmem:v12+s22+$0x0], $0xffff;
	s13 =	sadd.s32 $0x40, s4;
	v37 =	vand.u32 $0xFFFFFFFE, v17;
	[tilespmem:s12+$0x30] =	vst v43;
	v45 =	vmul.f32 v1, v11  }
0x139: {  	s16 =	sadd.s32 $0x80, s12;
	v44 =	vand.u32 $0xFFFFFFFC, v42;
	v46 =	vld [tilespmem:s13+$0x0];
	v15 =	vbroadcast v37, $0x0;
	v2 =	vmul.f32 v38, v2;
	[tilespmem:s12+$0x0] =	vst v9  }
0x13a: {  	v52 =	vld [tilespmem:s13+$0xFFFFFFE0];
	v6 =	vbroadcast v44, $0x0;
	v47 =	vmul.f32 v1, v3;
	[tilespmem:s16+$0x10] =	vst v45  }
0x13b: {  	v55 =	vld [tilespmem:s13+$0x10];
	v48 =	vmul.f32 v40, v5;
	[tilespmem:s12+$0xFFFFFFE0] =	vst v2  }
0x13c: {  	v49 =	vmul.f32 v1, v8;
	v2 =	vld [tilespmem:s13+$0xFFFFFFF0];
	[tilespmem:s16+$0xFFFFFFF0] =	vst v47  }
0x13d: {  	s20 =	sadd.s32 $0x3, s9;
	v51 =	vmul.f32 v41, v4;
	[tilespmem:s12+$0xFFFFFFC0] =	vst v48  }
0x13e: {  	v7 =	vld.idx.msk [tilespmem:v7+s22+$0x0], $0xffff;
	v50 =	vmov s20;
	v54 =	vmul.f32 v1, v12;
	[tilespmem:s16+$0xFFFFFFD0] =	vst v49  }
0x13f: {  	v53 =	vmul.f32 v46, v11;
	[tilespmem:s12+$0x20] =	vst v51;
	v15 =	vld.idx.msk [tilespmem:v15+s22+$0x0], $0xffff  }
0x140: {  	s4 =	sadd.s32 $0x40, s13;
	v8 =	vmul.f32 v52, v8;
	[tilespmem:s16+$0x30] =	vst v54;
	v6 =	vld.idx.msk [tilespmem:v6+s22+$0x0], $0xffff  }
0x141: {  	v57 =	vld [tilespmem:s4+$0x0];
	v4 =	vmul.f32 v55, v12;
	[tilespmem:s16+$0x0] =	vst v53  }
0x142: {  	v59 =	vld [tilespmem:s4+$0xFFFFFFE0];
	[tilespmem:s16+$0xFFFFFFC0] =	vst v8;
	v2 =	vmul.f32 v2, v3  }
0x143: {  	v58 =	vmul.f32 v1, v7;
	[tilespmem:s16+$0x20] =	vst v4;
	v3 =	vld.idx.msk [tilespmem:v50+s22+$0x0], $0xffff  }
0x144: {  	s25 =	sadd.s32 $0x80, s16;
	v61 =	vld [tilespmem:s4+$0x10];
	v56 =	vmul.f32 v1, v15;
	[tilespmem:s16+$0xFFFFFFE0] =	vst v2  }
0x145: {  	v60 =	vmul.f32 v1, v6;
	v2 =	vld [tilespmem:s4+$0xFFFFFFF0];
	[tilespmem:s25+$0xFFFFFFF0] =	vst v58  }
0x146: {  	v5 =	vmul.f32 v57, v15;
	[tilespmem:s25+$0x10] =	vst v56  }
0x147: {  	s10 =	sadd.s32 $0x1, s10;
	v63 =	vmul.f32 v59, v6;
	[tilespmem:s25+$0xFFFFFFD0] =	vst v60  }
0x148: {  	p0 =	sne.s32 s10, $0x29;
	[tilespmem:s25+$0x0] =	vst v5;
	v62 =	vmul.f32 v1, v3  }
.Ltmp7:
0x149: {  	[tilespmem:s25+$0xFFFFFFC0] =	vst v63;
	v3 =	vmul.f32 v61, v3;
	(pc) =	sbr.rel @p0 .LBB2_4-.Ltmp7, $4  }
0x14a: {  	v2 =	vmul.f32 v2, v7;
	[tilespmem:s25+$0x30] =	vst v62  }
0x14b: {  	[tilespmem:s25+$0x20] =	vst v3  }
0x14c: {  	[tilespmem:s25+$0xFFFFFFE0] =	vst v2  }
0x14d: {  	[spmem:s3] =	stream.indirect.scatter.add.f32 [tilespmem:s24], [sflag:$0x6], $0x20, s23, s31, $0xb8;
	[tilespmem:$0xD400] =	vst v63  }
0x14e: {  	_ =	swait.ge [sflag:s14], $0x800  }
0x14f: {  	[sflag:s14] =	ssyncset.done $0x0  }
0x150: {  	[sflag:s14] =	ssyncadd.s32 $0xFFFFF800  }
0x151: {  	_ =	swait.ge [sflag:s15], $0x80  }
0x152: {  	[sflag:s15] =	ssyncset.done $0x0  }
0x153: {  	[sflag:s15] =	ssyncadd.s32 $0xFFFFFF80  }
0x154: {  	_ =	swait.ge [sflag:s15], $0x80  }
0x155: {  	[sflag:s15] =	ssyncset.done $0x0  }
0x156: {  	s4 =	simm.s32 $0x3;
	[sflag:s15] =	ssyncadd.s32 $0xFFFFFF80  }
0x157: {  	_ =	swait.ge [sflag:s4], $0x1000  }
0x158: {  	[sflag:s4] =	ssyncset.done $0x0  }
0x159: {  	s12 =	simm.s32 $0x6;
	[sflag:s4] =	ssyncadd.s32 $0xFFFFF000  }
0x15a: {  	_ =	swait.ge [sflag:s12], $0x1000  }
0x15b: {  	[sflag:s12] =	ssyncset.done $0x0  }
0x15c: {  	[sflag:s12] =	ssyncadd.s32 $0xFFFFF000  }
0x15d: {  	[bflag:$0x0] =	sbarrier.arrive $0xFFFF  }
0x15e: {  	s11 =	rddreg [dreg:$0x5]  }
0x15f: {  	[tilespmem:s30], [sflag:$0x7] =	stream.linear.gather [spmem:s11], $0x1000, $0x38;
	[tilespmem:$0xD400] =	vst v63  }
0x160: {  	_ =	swait.ge [sflag:s28], $0x1000  }
0x161: {  	[sflag:s28] =	ssyncset.done $0x0  }
0x162: {  	s10 =	simm.s32 $0x0;
	s13 =	rddreg [dreg:$0xe];
	[sflag:s28] =	ssyncadd.s32 $0xFFFFF000  }
0x163: {  	[hbm4b:s13+s10] =	stream.linear.scatter [tilespmem:s30], [sflag:$0x7], $0x1000, $0x38;
	[tilespmem:$0xD400] =	vst v63  }
0x164: {  	_ =	swait.ge [sflag:s28], $0x1000  }
0x165: {  	[sflag:s28] =	ssyncset.done $0x0  }
0x166: {  	s12 =	rddreg [dreg:$0x6];
	[sflag:s28] =	ssyncadd.s32 $0xFFFFF000  }
0x167: {  	[tilespmem:s30], [sflag:$0x7] =	stream.linear.gather [spmem:s12], $0x1000, $0x38;
	[tilespmem:$0xD400] =	vst v63  }
0x168: {  	_ =	swait.ge [sflag:s28], $0x1000  }
0x169: {  	[sflag:s28] =	ssyncset.done $0x0  }
0x16a: {  	s16 =	rddreg [dreg:$0xf];
	[sflag:s28] =	ssyncadd.s32 $0xFFFFF000  }
0x16b: {  	[hbm4b:s16+s10] =	stream.linear.scatter [tilespmem:s30], [sflag:$0x7], $0x1000, $0x38;
	[tilespmem:$0xD400] =	vst v63  }
0x16c: {  	_ =	swait.ge [sflag:s28], $0x1000  }
0x16d: {  	[sflag:s28] =	ssyncset.done $0x0  }
0x16e: {  	s13 =	rddreg [dreg:$0x7];
	[sflag:s28] =	ssyncadd.s32 $0xFFFFF000  }
0x16f: {  	[tilespmem:s30], [sflag:$0x7] =	stream.linear.gather [spmem:s13], $0x1000, $0x38;
	[tilespmem:$0xD400] =	vst v63  }
0x170: {  	_ =	swait.ge [sflag:s28], $0x1000  }
0x171: {  	[sflag:s28] =	ssyncset.done $0x0  }
0x172: {  	s20 =	rddreg [dreg:$0x10];
	[sflag:s28] =	ssyncadd.s32 $0xFFFFF000  }
0x173: {  	[hbm4b:s20+s10] =	stream.linear.scatter [tilespmem:s30], [sflag:$0x7], $0x1000, $0x38;
	[tilespmem:$0xD400] =	vst v63  }
0x174: {  	_ =	swait.ge [sflag:s28], $0x1000  }
0x175: {  	[sflag:s28] =	ssyncset.done $0x0  }
0x176: {  	s16 =	rddreg [dreg:$0x8];
	[sflag:s28] =	ssyncadd.s32 $0xFFFFF000  }
0x177: {  	[tilespmem:s30], [sflag:$0x7] =	stream.linear.gather [spmem:s16], $0x1000, $0x38;
	[tilespmem:$0xD400] =	vst v63  }
0x178: {  	_ =	swait.ge [sflag:s28], $0x1000  }
0x179: {  	[sflag:s28] =	ssyncset.done $0x0  }
0x17a: {  	s25 =	rddreg [dreg:$0x11];
	[sflag:s28] =	ssyncadd.s32 $0xFFFFF000  }
0x17b: {  	[hbm4b:s25+s10] =	stream.linear.scatter [tilespmem:s30], [sflag:$0x7], $0x1000, $0x38;
	[tilespmem:$0xD400] =	vst v63  }
0x17c: {  	_ =	swait.ge [sflag:s28], $0x1000  }
0x17d: {  	[sflag:s28] =	ssyncset.done $0x0  }
0x17e: {  	s20 =	rddreg [dreg:$0x9];
	[sflag:s28] =	ssyncadd.s32 $0xFFFFF000  }
0x17f: {  	[tilespmem:s30], [sflag:$0x7] =	stream.linear.gather [spmem:s20], $0x1000, $0x38;
	[tilespmem:$0xD400] =	vst v63  }
0x180: {  	_ =	swait.ge [sflag:s28], $0x1000  }
0x181: {  	[sflag:s28] =	ssyncset.done $0x0  }
0x182: {  	s9 =	rddreg [dreg:$0x12];
	[sflag:s28] =	ssyncadd.s32 $0xFFFFF000  }
0x183: {  	[hbm4b:s9+s10] =	stream.linear.scatter [tilespmem:s30], [sflag:$0x7], $0x1000, $0x38;
	[tilespmem:$0xD400] =	vst v63  }
0x184: {  	_ =	swait.ge [sflag:s28], $0x1000  }
0x185: {  	s9 =	rddreg [dreg:$0x14]  }
0x186: {  	s25 =	rddreg [dreg:$0x13];
	s9 =	sadd.s32 $0x1, s9  }
0x187: {  	p0 =	sne.s32 s9, s25  }
.Ltmp8:
0x188: {  	_ = 	snop;
	(pc) =	sbr.rel @p0 .LBB2_1-.Ltmp8, $3  }
0x189: {  	_ =	sdelay $0x1  }
0x18a: {  	[sflag:s28] =	ssyncset.done $0x0  }
0x18b: {  	[sflag:s28] =	ssyncadd.s32 $0xFFFFF000  }
0x18c: {  	_ =	sfence.sel $0x180000  }
0x18d: {  	[bflag:$0x0] =	sbarrier.arrive $0xFFFF  }
0x18e: {  	_ =	strace $0x9000004A  }
0x18f: {  	s0 =	stileid.u32;
	[bflag:$0x2] =	sbarrier.arrive $0xFFFF  }
0x190: {  	p0 =	sne.s32 s0, $0x0;
	s0 =	rddreg [dreg:$0x3]  }
0x191: {  	s0 =	sadd.s32 @!p0 $0x100000, s0  }
0x192: {  	[sflag:s0] =	ssyncadd.tile.s32 @!p0 $0x1;
	_ =	shalt  }
.Lfunc_end2:
_tile_overlayer_lowered:
.L_overlay_start_2:
0x193: {  	(tag) =	ssettag $0x2  }
0x194: {  	s0 =	rddreg [dreg:$0x0];
	s2 =	stileid.u32  }
0x195: {  	s1 =	rddreg [dreg:$0x1];
	p0 =	sne.s32 s2, $0x0  }
0x196: {  	s3 =	rddreg [dreg:$0x2];
	[bflag:$0x3] =	sbarrier.arrive $0xFFFF;
	s2 =	simm.s32 @!p0 $0x1C07  }
0x197: {  	[timem:s3], [sflag:s2] =	dma.local @!p0 [hbm:s0], s1  }
0x198: {  	s0 =	simm.s32 @!p0 $0x7  }
0x199: {  	_ =	swait.ge @!p0 [sflag:s0], s1  }
0x19a: {  	s1 =	ssub.s32 @!p0 $0x0, s1;
	[sflag:s0] =	ssyncset.done @!p0 $0x0  }
0x19b: {  	[sflag:s0] =	ssyncadd.s32 @!p0 s1  }
0x19c: {  	[bflag:$0x3] =	sbarrier.arrive $0xFFFF  }
0x19d: {  	_ =	shalt  }

// kernel: kernel.7.cloned.1.call-start
scs
__scs_entry_jumppad:
0x0: {  	(pc) =	sbr.rel $0x88, $3  }
0x1: {  	(tag) =	ssettag $0x0;
	lr =	simm.s32 $0x1  }
0x2: {  	[smem:$0x3F97] =	sst lr;
	_ =	strace $0xD0000000  }
0x3: {  	_ = 	snop  }
0x4: {  	_ = 	snop  }
0x5: {  	_ = 	snop  }
0x6: {  	_ = 	snop  }
0x7: {  	_ = 	snop  }
__scs_overlays_trampoline_lowered:
0x8: {  	[smem:$0x3FA6] =	sst s0  }
0x9: {  	[smem:$0x3FA7] =	sst s1  }
0xa: {  	[smem:$0x3FA8] =	sst s2  }
0xb: {  	[smem:$0x3FA9] =	sst s3  }
0xc: {  	[smem:$0x3FAA] =	sst s4  }
0xd: {  	[smem:$0x3FAB] =	sst s5  }
0xe: {  	[smem:$0x3FAC] =	sst s6  }
0xf: {  	[smem:$0x3FAD] =	sst s7  }
0x10: {  	[smem:$0x3FAE] =	sst s8  }
0x11: {  	[smem:$0x3FAF] =	sst s9;
	s0 =	simm.s32 @!p0 $0x0  }
0x12: {  	s1 =	sld [smem:$0x3F95];
	s0 =	simm.s32 @p0 $0x1  }
0x13: {  	[smem:$0x3FB0] =	sst s0;
	s0 =	simm.s32 @!p1 $0x0  }
0x14: {  	s2 =	sld [smem:$0x3F94];
	s0 =	simm.s32 @p1 $0x1  }
0x15: {  	[smem:$0x3FB1] =	sst s0;
	s0 =	simm.s32 @!p2 $0x0  }
0x16: {  	s3 =	sld [smem:$0x3FDB];
	s0 =	simm.s32 @p2 $0x1  }
0x17: {  	s4 =	simm.s32 $0x1BF5;
	[smem:$0x3FB3] =	sst s0  }
0x18: {  	s0 =	sld [smem:$0x3F96];
	_ =	swait.ge [sflag:s4], $0x0  }
0x19: {  	s7 =	sld [smem:$0x3F97]  }
0x1a: {  	s8 =	sadd.s32 $0xFFFFE003, lr  }
0x1b: {  	s9 =	sadd.s32 $0xFFFFFEF7, lr;
	s5 =	simm.s32 $0xFFFFFFFF;
	p2 =	slt.u32 s8, $0xFFFFF086  }
0x1c: {  	p1 =	slt.u32 s9, $0xF7A;
	s5 =	simm.s32 @!p2 $0x0  }
0x1d: {  	s5 =	simm.s32 @p1 $0x1;
	p0 =	seq.s32 s7, s2  }
0x1e: {  	s7 =	smul.u32 @!p0 $0xF7A, s2;
	p2 =	seq.s32 @!p0 s5, $0x0  }
0x1f: {  	s9 =	smul.u32 $0xF7A, s1;
	s8 =	simm.s32 @!p0 $0x1BF5;
	p2 =	por !p2, p0  }
0x20: {  	[sflag:s8] =	ssyncset.s32 @!p0 $0xFFFFF086;
	s6 =	sadd.s32 @!p0 s3, s7;
	s7 =	simm.s32 @!p0 $0x108  }
0x21: {  	s3 =	sadd.s32 s3, s9;
	s6 =	sadd.s32 @!p0 $0x88, s6;
	s7 =	simm.s32 @p2 $0x1082  }
0x22: {  	[simem:s7], [sflag:s8] =	dma.local @!p0 [hbm:s6], $0xF7A  }
0x23: {  	s9 =	sor.u32 $0xD0000000, s2;
	s6 =	simm.s32 $0x108;
	_ =	swait.ge @!p0 [sflag:s8], $0x0  }
0x24: {  	s3 =	sadd.s32 $0x88, s3;
	s6 =	simm.s32 @!p1 $0x1082;
	[sflag:s4] =	ssyncset.s32 $0xFFFFF086  }
0x25: {  	[simem:s6], [sflag:s4] =	dma.local [hbm:s3], $0xF7A  }
0x26: {  	[smem:$0x3F97] =	sst s1;
	(tag) =	ssettag s2;
	_ =	strace s9  }
0x27: {  	s1 =	sld [smem:$0x3FA7]  }
0x28: {  	s2 =	sld [smem:$0x3FA8]  }
0x29: {  	s4 =	sld [smem:$0x3FAA]  }
0x2a: {  	p0 =	seq.s32 s5, $0x0;
	s5 =	sld [smem:$0x3FAB]  }
0x2b: {  	s6 =	sld [smem:$0x3FAC]  }
0x2c: {  	s7 =	sld [smem:$0x3FAD]  }
0x2d: {  	s3 =	simm.s32 $0x108;
	s8 =	sld [smem:$0x3FAE]  }
0x2e: {  	s3 =	simm.s32 @!p0 $0x1082;
	s9 =	sld [smem:$0x3FAF]  }
0x2f: {  	lr =	sadd.s32 s0, s3;
	s0 =	sld [smem:$0x3FA6]  }
0x30: {  	s3 =	sld [smem:$0x3FA9]  }
0x31: {  	[smem:$0x3FB2] =	sst s10  }
0x32: {  	s10 =	sld [smem:$0x3FB0];
	_ =	sdelay $0x3  }
0x33: {  	p0 =	seq.s32 s10, $0x1;
	s10 =	sld [smem:$0x3FB2];
	_ =	sdelay $0x3  }
0x34: {  	[smem:$0x3FB2] =	sst s10  }
0x35: {  	s10 =	sld [smem:$0x3FB1];
	_ =	sdelay $0x3  }
0x36: {  	p1 =	seq.s32 s10, $0x1;
	s10 =	sld [smem:$0x3FB2];
	_ =	sdelay $0x3  }
0x37: {  	[smem:$0x3FB2] =	sst s10  }
0x38: {  	s10 =	sld [smem:$0x3FB3]  }
0x39: {  	_ = 	snop;
	(pc) =	sbr.ind lr, $3  }
0x3a: {  	_ = 	snop  }
0x3b: {  	_ = 	snop  }
0x3c: {  	p2 =	seq.s32 s10, $0x1;
	s10 =	sld [smem:$0x3FB2]  }
0x3d: {  	_ =	shalt  }
0x3e: {  	_ =	shalt  }
0x3f: {  	_ =	shalt  }
0x40: {  	_ =	shalt  }
0x41: {  	_ =	shalt  }
0x42: {  	_ =	shalt  }
0x43: {  	_ =	shalt  }
0x44: {  	_ =	shalt  }
0x45: {  	_ =	shalt  }
0x46: {  	_ =	shalt  }
0x47: {  	_ =	shalt  }
0x48: {  	_ =	shalt  }
0x49: {  	_ =	shalt  }
0x4a: {  	_ =	shalt  }
0x4b: {  	_ =	shalt  }
0x4c: {  	_ =	shalt  }
0x4d: {  	_ =	shalt  }
0x4e: {  	_ =	shalt  }
0x4f: {  	_ =	shalt  }
0x50: {  	_ =	shalt  }
0x51: {  	_ =	shalt  }
0x52: {  	_ =	shalt  }
0x53: {  	_ =	shalt  }
0x54: {  	_ =	shalt  }
0x55: {  	_ =	shalt  }
0x56: {  	_ =	shalt  }
0x57: {  	_ =	shalt  }
0x58: {  	_ =	shalt  }
0x59: {  	_ =	shalt  }
0x5a: {  	_ =	shalt  }
0x5b: {  	_ =	shalt  }
0x5c: {  	_ =	shalt  }
0x5d: {  	_ =	shalt  }
0x5e: {  	_ =	shalt  }
0x5f: {  	_ =	shalt  }
0x60: {  	_ =	shalt  }
0x61: {  	_ =	shalt  }
0x62: {  	_ =	shalt  }
0x63: {  	_ =	shalt  }
0x64: {  	_ =	shalt  }
0x65: {  	_ =	shalt  }
0x66: {  	_ =	shalt  }
0x67: {  	_ =	shalt  }
0x68: {  	_ =	shalt  }
0x69: {  	_ =	shalt  }
0x6a: {  	_ =	shalt  }
0x6b: {  	_ =	shalt  }
0x6c: {  	_ =	shalt  }
0x6d: {  	_ =	shalt  }
0x6e: {  	_ =	shalt  }
0x6f: {  	_ =	shalt  }
0x70: {  	_ =	shalt  }
0x71: {  	_ =	shalt  }
0x72: {  	_ =	shalt  }
0x73: {  	_ =	shalt  }
0x74: {  	_ =	shalt  }
0x75: {  	_ =	shalt  }
0x76: {  	_ =	shalt  }
0x77: {  	_ =	shalt  }
0x78: {  	_ =	shalt  }
0x79: {  	_ =	shalt  }
0x7a: {  	_ =	shalt  }
0x7b: {  	_ =	shalt  }
0x7c: {  	_ =	shalt  }
0x7d: {  	_ =	shalt  }
0x7e: {  	_ =	shalt  }
0x7f: {  	_ =	shalt  }
0x80: {  	_ =	shalt  }
0x81: {  	_ =	shalt  }
0x82: {  	_ =	shalt  }
0x83: {  	_ =	shalt  }
0x84: {  	_ =	shalt  }
0x85: {  	_ =	shalt  }
0x86: {  	_ =	shalt  }
0x87: {  	_ =	shalt  }
.Lfunc_end0:
.L_simem_size_0:
called_computation_lowered:
.L_overlay_start_0:
0x88: {  	s2 =	sld [smem:$0x3FD9]  }
0x89: {  	s3 =	sld [smem:$0x3FFE];
	_ =	sdelay $0x1  }
0x8a: {  	s1 =	srdreg.scid  }
0x8b: {  	s0 =	sand.u32 $0x1, s1  }
0x8c: {  	s16 =	sshll.u32 s0, $0xA;
	s2 =	sadd.s32 s3, s2  }
0x8d: {  	s2 =	sadd.s32 s2, s16  }
0x8e: {  	[smem:$0x3FBE] =	sst s2  }
0x8f: {  	_ = 	snop  }
0x90: {  	(tm) =	ssettm $0x1  }
0x91: {  	s17 =	sld [smem:$0x3FFB];
	_ =	sdelay $0x3  }
0x92: {  	_ =	strace s17  }
0x93: {  	s2 =	sld [smem:$0x3FFC];
	_ =	sdelay $0x3  }
0x94: {  	_ =	strace s2  }
0x95: {  	s2 =	sld [smem:$0x3FFD];
	_ =	sdelay $0x3  }
0x96: {  	_ =	strace s2  }
0x97: {  	_ =	strace $0x8FFFFFFF  }
0x98: {  	s18 =	sld [smem:$0x3FDB];
	_ =	sdelay $0x1  }
0x99: {  	s19 =	simm.s32 $_scs_section_size  }
0x9a: {  	s4 =	simm.s32 $_size__tile_overlayer_lowered;
	s5 =	simm.s32 $_tile_overlayer_lowered  }
0x9b: {  	s22 =	simm.s32 $0x1BFF;
	s21 =	sshll.u32 s5, $0x1;
	s2 =	sadd.s32 s19, s18  }
0x9c: {  	s6 =	simm.s32 $0x0;
	s20 =	sshll.u32 s4, $0x1;
	s4 =	sadd.s32 s21, s2  }
0x9d: {  	[timem:s6], [sflag:s22] =	dma.local [hbm:s4], s20  }
0x9e: {  	_ =	swait.ge [sflag:s22], s20  }
0x9f: {  	s3 =	ssub.s32 $0x0, s20;
	[sflag:s22] =	ssyncset.done $0x0  }
0xa0: {  	[sflag:s22] =	ssyncadd.s32 s3;
	_ =	sdelay $0x1  }
0xa1: {  	s23 =	simm.s32 $0x1B8B  }
0xa2: {  	_ =	swait.ge [sflag:s23], $0x1  }
0xa3: {  	[sflag:s23] =	ssyncset.done $0x0  }
0xa4: {  	s25 =	simm.s32 $0x1B8E;
	s24 =	sld [smem:$0x3FFE];
	[sflag:s23] =	ssyncadd.s32 $0xFFFFFFFF  }
0xa5: {  	s26 =	simm.s32 $execute0_lowered;
	[smem:$0x3FD2] =	sst s25  }
0xa6: {  	s4 =	sshll.u32 s26, $0x1;
	_ =	strace $0x80000046;
	[dreg:$0x1] =	wrdreg $0xFFFFFFFF  }
0xa7: {  	s28 =	simm.s32 $_size_execute0_lowered;
	s2 =	sadd.s32 s2, s4;
	[dreg:$0x0] =	wrdreg $0x0  }
0xa8: {  	s4 =	sshll.u32 s28, $0x1;
	[dreg:$0x2] =	wrdreg s2  }
0xa9: {  	[dreg:$0x3] =	wrdreg s4  }
0xaa: {  	[dreg:$0x4] =	wrdreg $0xC0  }
0xab: {  	_ =	task [dreg:s6], $0x5FFFF  }
0xac: {  	[dreg:$0x1] =	wrdreg $0xFFFFFFFF  }
0xad: {  	[dreg:$0x0] =	wrdreg $0x60  }
0xae: {  	[dreg:$0x2] =	wrdreg s24  }
0xaf: {  	[dreg:$0x3] =	wrdreg $0xC3000  }
0xb0: {  	[dreg:$0x4] =	wrdreg $0x9  }
0xb1: {  	_ =	task.clear_ibuf [dreg:s6], $0x5FFFF;
	_ =	strace $0x90000046  }
0xb2: {  	s29 =	simm.s32 $0x9;
	_ =	strace $0x80000048  }
0xb3: {  	_ =	swait.ge [sflag:s29], $0x1  }
0xb4: {  	[sflag:s29] =	ssyncadd.s32 $0xFFFFFFFF  }
0xb5: {  	_ =	strace $0x90000048  }
0xb6: {  	_ =	sfence  }
0xb7: {  	s30 =	sld [smem:$0x0];
	_ =	sdelay $0x2  }
0xb8: {  	s31 =	sshll.u32 s1, $0xD;
	s1 =	sshrl.u32 s1, $0x2  }
0xb9: {  	s3 =	sand.u32 $0x4000, s31;
	s1 =	sadd.s32 s1, s30  }
0xba: {  	s0 =	sor.u32 s3, s0;
	s1 =	sshll.u32 s1, $0x11  }
0xbb: {  	s0 =	sor.u32 s1, s0  }
0xbc: {  	s0 =	sadd.s32 $0x8F2B, s0  }
0xbd: {  	[sflag:s0] =	ssyncadd.remote.s32 $0x1  }
0xbe: {  	_ =	sfence.sel $0xFFFF  }
0xbf: {  	[dreg:$0x0] =	wrdreg $0xFFFFFFFF;
	(pc) =	sbr.abs _section_cstart, $3  }
0xc0: {  	[dreg:$0x1] =	wrdreg $0xFFFFFFFF  }
0xc1: {  	_ =	task.clear_ibuf [dreg:s6], $0x2FFFF;
	_ =	strace $0x9FFFFFFF  }
0xc2: {  	(tm) =	ssettm $0x7FFFFFFF  }
0xc3: {  	_ =	shalt  }
tec
execute0_lowered:
.L_overlay_start_1:
0x0: {  	(tag) =	ssettag $0x1  }
0x1: {  	s0 =	rddreg [dreg:$0x0]  }
0x2: {  	s1 =	rddreg [dreg:$0x1]  }
0x3: {  	s2 =	simm.s32 $0x0;
	s3 =	srdreg.scid;
	s13 =	stileid.u32  }
0x4: {  	s28 =	simm.s32 $0x5;
	s29 =	simm.s32 $0xBB00;
	[smem:$0x7FF] =	sst s2  }
0x5: {  	s4 =	sadd.s32 $0x34200, s0;
	s5 =	sadd.s32 $0x29C00, s0;
	s3 =	sand.u32 $0x1, s3  }
0x6: {  	s7 =	sshll.u32 s13, $0x1;
	s6 =	sadd.s32 $0x24C00, s0;
	s10 =	smul.u32 $0x280, s13  }
0x7: {  	s8 =	sadd.s32 $0x10C00, s0;
	s13 =	smul.u32 $0x3C000, s13;
	_ =	strace $0x80000047  }
0x8: {  	s9 =	sor.u32 s3, s7;
	s12 =	ssub.s32 $0x2, s3;
	s3 =	smul.u32 $0x5000, s3  }
0x9: {  	s7 =	sadd.s32 $0x1FC00, s0;
	s11 =	smul.u32 $0x2900, s9;
	s9 =	sadd.s32 $0x1C00, s0  }
0xa: {  	s0 =	sadd.s32 $0x3E800, s0;
	s14 =	sshrl.u32 s12, $0x1;
	s13 =	sshrl.u32 s13, $0x2  }
0xb: {  	s12 =	ssub.s32 s12, s14;
	s17 =	sadd.s32 s13, s1;
	s3 =	sadd.s32 s10, s3  }
0xc: {  	s22 =	sshrl.u32 s11, $0x3;
	s18 =	sadd.s32 $0x9000, s17;
	[dreg:$0x3] =	wrdreg s17  }
0xd: {  	s26 =	smul.u32 $0x60, s3;
	s23 =	sadd.s32 s4, s22;
	[dreg:$0x14] =	wrdreg s18  }
0xe: {  	s24 =	sadd.s32 s5, s22;
	s25 =	sor.u32 $0x10, s22;
	[dreg:$0x4] =	wrdreg s23  }
0xf: {  	s3 =	smul.u32 $0xC, s3;
	[dreg:$0x5] =	wrdreg s24;
	s14 =	sadd.s32 s4, s25  }
0x10: {  	s13 =	simm.s32 $0x5980;
	s10 =	sadd.s32 s5, s25;
	[dreg:$0x6] =	wrdreg s14  }
0x11: {  	s30 =	sshrl.u32 s26, $0x3;
	s31 =	sadd.s32 s0, s3;
	[dreg:$0x7] =	wrdreg s10  }
0x12: {  	s19 =	sadd.s32 s0, s30;
	s30 =	smax.u32 s12, $0x1;
	[dreg:$0x8] =	wrdreg s31  }
0x13: {  	s15 =	sadd.s32 $0x100, s11;
	s31 =	sadd.s32 $0x1E000, s31;
	[dreg:$0x11] =	wrdreg s30  }
0x14: {  	s16 =	sadd.s32 $0x180, s11;
	s12 =	sadd.s32 $0x3000, s17;
	[dreg:$0x16] =	wrdreg s31  }
0x15: {  	s11 =	simm.s32 $0x0;
	s14 =	sadd.s32 $0x6000, s17;
	[dreg:$0x12] =	wrdreg s12  }
0x16: {  	s20 =	sadd.s32 $0xF0000, s26;
	s21 =	sadd.s32 $0x600, s19;
	[dreg:$0x13] =	wrdreg s14  }
0x17: {  	s10 =	sshrl.u32 s20, $0x3;
	s22 =	sadd.s32 $0xC00, s19;
	[dreg:$0x9] =	wrdreg s21  }
0x18: {  	s20 =	simm.s32 $0x6180;
	s23 =	sadd.s32 $0x1200, s19;
	[dreg:$0xa] =	wrdreg s22  }
0x19: {  	s3 =	sadd.s32 $0x1800, s19;
	s0 =	sadd.s32 s0, s10;
	[dreg:$0xb] =	wrdreg s23  }
0x1a: {  	v0 =	vimm.f32 $0.0e+00;
	vm0 =	vcmask $0x1F00;
	s19 =	simm.s32 $0x80;
	[dreg:$0xc] =	wrdreg s3;
	s24 =	sadd.s32 $0x600, s0  }
0x1b: {  	vm1 =	vcmask $0xF00;
	v2 =	vimm.s32 $0x1;
	v3 =	vlaneseq.u32;
	s25 =	sadd.s32 $0xC00, s0;
	s26 =	sadd.s32 $0x1200, s0;
	[dreg:$0xd] =	wrdreg s24  }
0x1c: {  	vm15 =	vcmask $0x2F00;
	v4 =	vimm.s32 $0x5;
	v5 =	vimm.s32 $0x3;
	s0 =	sadd.s32 $0x1800, s0;
	s23 =	sadd.s32 $0xC000, s17;
	[dreg:$0xe] =	wrdreg s25  }
0x1d: {  	v7 =	vimm.s32 $0x7;
	v1 =	vsel vm0, $0x3F800000, v0;
	v2 =	vsel vm1, $0x0, v2;
	s3 =	simm.s32 $0x2980;
	s21 =	simm.s32 $0x6200;
	[dreg:$0xf] =	wrdreg s26  }
0x1e: {  	v6 =	vshrl.u32 v3, $0x3;
	v4 =	vsel vm1, $0x4, v4;
	v5 =	vsel vm15, $0x2, v5;
	s22 =	simm.s32 $0x1;
	[dreg:$0x10] =	wrdreg s0;
	s24 =	simm.s32 $0x7  }
0x1f: {  	v7 =	vsel vm15, $0x6, v7;
	v3 =	vadd.s32 $0x1, v6;
	v6 =	vadd.s32 $0x5, v6;
	s26 =	simm.s32 $0x2;
	s0 =	simm.s32 $0x4;
	[dreg:$0x15] =	wrdreg s23  }
.LBB2_1:
0x20: {  	s10 =	simm.s32 $0x0  }
0x21: {  	[tilespmem:s10+$0x29D0] =	vst v0  }
0x22: {  	[tilespmem:s10+$0x2980] =	vst v0  }
0x23: {  	[tilespmem:s10+$0x2990] =	vst v0  }
0x24: {  	[tilespmem:s10+$0x29A0] =	vst v0  }
0x25: {  	[dreg:$0x17] =	wrdreg s11;
	s11 =	simm.s32 $0x180;
	[tilespmem:s10+$0x29B0] =	vst v0  }
.LBB2_2:
0x26: {  	p0 =	sne.s32 s11, $0xBE80;
	[tilespmem:s10+$0x29C0] =	vst v0;
	s10 =	sshra.s32 s11, $0x2;
	s11 =	sadd.s32 $0x180, s11  }
.Ltmp0:
0x27: {  	[tilespmem:s10+$0x29D0] =	vst v0;
	(pc) =	sbr.rel @p0 .LBB2_2-.Ltmp0, $4  }
0x28: {  	[tilespmem:s10+$0x2980] =	vst v0  }
0x29: {  	[tilespmem:s10+$0x2990] =	vst v0  }
0x2a: {  	[tilespmem:s10+$0x29A0] =	vst v0  }
0x2b: {  	[tilespmem:s10+$0x29B0] =	vst v0  }
0x2c: {  	[tilespmem:s10+$0x29C0] =	vst v0  }
0x2d: {  	[spmem:s17] =	stream.linear.scatter [tilespmem:s3], [sflag:$0x7], $0x3000, $0x38;
	[tilespmem:$0x1B300] =	vst v63  }
0x2e: {  	_ =	swait.ge [sflag:s24], $0x3000  }
0x2f: {  	[sflag:s24] =	ssyncset.done $0x0  }
0x30: {  	[sflag:s24] =	ssyncadd.s32 $0xFFFFD000  }
0x31: {  	[spmem:s12] =	stream.linear.scatter [tilespmem:s3], [sflag:$0x7], $0x3000, $0x38;
	[tilespmem:$0x1B300] =	vst v63  }
0x32: {  	_ =	swait.ge [sflag:s24], $0x3000  }
0x33: {  	[sflag:s24] =	ssyncset.done $0x0  }
0x34: {  	[sflag:s24] =	ssyncadd.s32 $0xFFFFD000  }
0x35: {  	[spmem:s14] =	stream.linear.scatter [tilespmem:s3], [sflag:$0x7], $0x3000, $0x38;
	[tilespmem:$0x1B300] =	vst v63  }
0x36: {  	_ =	swait.ge [sflag:s24], $0x3000  }
0x37: {  	[sflag:s24] =	ssyncset.done $0x0  }
0x38: {  	[sflag:s24] =	ssyncadd.s32 $0xFFFFD000  }
0x39: {  	[spmem:s18] =	stream.linear.scatter [tilespmem:s3], [sflag:$0x7], $0x3000, $0x38;
	[tilespmem:$0x1B300] =	vst v63  }
0x3a: {  	_ =	swait.ge [sflag:s24], $0x3000  }
0x3b: {  	[sflag:s24] =	ssyncset.done $0x0  }
0x3c: {  	[sflag:s24] =	ssyncadd.s32 $0xFFFFD000  }
0x3d: {  	[spmem:s23] =	stream.linear.scatter [tilespmem:s3], [sflag:$0x7], $0x3000, $0x38;
	[tilespmem:$0x1B300] =	vst v63  }
0x3e: {  	_ =	swait.ge [sflag:s24], $0x3000  }
0x3f: {  	[sflag:s24] =	ssyncset.done $0x0  }
0x40: {  	[sflag:s24] =	ssyncadd.s32 $0xFFFFD000  }
0x41: {  	[bflag:$0x0] =	sbarrier.arrive $0xFFFF  }
0x42: {  	s10 =	simm.s32 $0x0;
	s11 =	rddreg [dreg:$0x4]  }
0x43: {  	[tilespmem:s10], [sflag:$0x1] =	stream.linear.gather [hbm4b:s11+s10], $0x80, $0x38;
	[tilespmem:$0x1B300] =	vst v63  }
0x44: {  	s18 =	rddreg [dreg:$0x5]  }
0x45: {  	[tilespmem:s19], [sflag:$0x1] =	stream.linear.gather [hbm4b:s18+s10], $0x80, $0x38;
	[tilespmem:$0x1B300] =	vst v63  }
0x46: {  	s23 =	rddreg [dreg:$0x6]  }
0x47: {  	[tilespmem:s20], [sflag:$0x4] =	stream.linear.gather [hbm4b:s23+s10], $0x80, $0x38;
	[tilespmem:$0x1B300] =	vst v63  }
0x48: {  	s24 =	rddreg [dreg:$0x7]  }
0x49: {  	[tilespmem:s21], [sflag:$0x4] =	stream.linear.gather [hbm4b:s24+s10], $0x80, $0x38;
	[tilespmem:$0x1B300] =	vst v63  }
0x4a: {  	_ =	swait.ge [sflag:s22], $0x80  }
0x4b: {  	[sflag:s22] =	ssyncset.done $0x0  }
0x4c: {  	[sflag:s22] =	ssyncadd.s32 $0xFFFFFF80  }
0x4d: {  	_ =	swait.ge [sflag:s22], $0x80  }
0x4e: {  	[sflag:s22] =	ssyncset.done $0x0  }
0x4f: {  	s25 =	simm.s32 $0x180;
	[sflag:s22] =	ssyncadd.s32 $0xFFFFFF80  }
0x50: {  	[tilespmem:s25], [sflag:$0x2] =	stream.indirect.gather [hbm4b:s6+s19], $0x10, s10, s19, $0xb8;
	[tilespmem:$0x1B300] =	vst v63  }
0x51: {  	s30 =	simm.s32 $0x980  }
0x52: {  	[tilespmem:s30], [sflag:$0x2] =	stream.indirect.gather [hbm4b:s7+s19], $0x10, s19, s19, $0xb8;
	[tilespmem:$0x1B300] =	vst v63  }
0x53: {  	s31 =	simm.s32 $0x1180  }
0x54: {  	[tilespmem:s31], [sflag:$0x2] =	stream.indirect.gather [hbm4b:s8+s19], $0x30, s10, s19, $0xb8;
	[tilespmem:$0x1B300] =	vst v63  }
.LBB2_4:
0x55: {  	p0 =	seq.s32 s10, $0x0  }
0x56: {  	s11 =	simm.s32 @!p0 $0x3  }
0x57: {  	_ =	swait.ge @!p0 [sflag:s11], $0x3000  }
0x58: {  	[sflag:s11] =	ssyncset.done @!p0 $0x0  }
0x59: {  	[sflag:s11] =	ssyncadd.s32 @!p0 $0xFFFFD000  }
0x5a: {  	_ =	swait.ge [sflag:s26], $0x800  }
0x5b: {  	[sflag:s26] =	ssyncset.done $0x0  }
0x5c: {  	[sflag:s26] =	ssyncadd.s32 $0xFFFFF800  }
0x5d: {  	_ =	swait.ge [sflag:s26], $0x800  }
0x5e: {  	[sflag:s26] =	ssyncset.done $0x0  }
0x5f: {  	[sflag:s26] =	ssyncadd.s32 $0xFFFFF800  }
0x60: {  	_ =	swait.ge [sflag:s26], $0x1800  }
0x61: {  	[sflag:s26] =	ssyncset.done $0x0  }
0x62: {  	s11 =	simm.s32 $0x0;
	[sflag:s26] =	ssyncadd.s32 $0xFFFFE800  }
0x63: {  	s17 =	sshll.u32 s10, $0x8;
	s12 =	simm.s32 $0x40;
	v8 =	vld [tilespmem:s11+$0x80]  }
.LBB2_5:
0x64: {  	p1 =	sne.s32 s12, $0x1C0  }
.Ltmp1:
0x65: {  	_ = 	snop;
	(pc) =	sbr.rel @p1 .LBB2_5-.Ltmp1, $3  }
0x66: {  	_ =	sdelay $0x1  }
0x67: {  	[tilespmem:s11+$0x100] =	vst v8;
	s11 =	sshra.s32 s12, $0x2;
	s12 =	sadd.s32 $0x40, s12  }
0x68: {  	v8 =	vld [tilespmem:s11+$0x80]  }
0x69: {  	_ =	sdelay $0x1  }
0x6a: {  	s12 =	sadd.s32 s17, s15  }
0x6b: {  	s12 =	sshrl.u32 s12, $0x3  }
0x6c: {  	s25 =	sadd.s32 s4, s12;
	[tilespmem:s11+$0x100] =	vst v8  }
0x6d: {  	[tilespmem:s2], [sflag:$0x1] =	stream.linear.gather [hbm4b:s25+s2], $0x80, $0x38;
	[tilespmem:$0x1B300] =	vst v63  }
0x6e: {  	s12 =	sadd.s32 s5, s12  }
0x6f: {  	[tilespmem:s19], [sflag:$0x1] =	stream.linear.gather [hbm4b:s12+s2], $0x80, $0x38;
	[tilespmem:$0x1B300] =	vst v63  }
0x70: {  	_ =	swait.ge [sflag:s0], $0x80  }
0x71: {  	[sflag:s0] =	ssyncset.done $0x0  }
0x72: {  	[sflag:s0] =	ssyncadd.s32 $0xFFFFFF80  }
0x73: {  	_ =	swait.ge [sflag:s0], $0x80  }
0x74: {  	[sflag:s0] =	ssyncset.done $0x0  }
0x75: {  	s14 =	simm.s32 $0x6300;
	[sflag:s0] =	ssyncadd.s32 $0xFFFFFF80  }
0x76: {  	[tilespmem:s14], [sflag:$0x5] =	stream.indirect.gather [hbm4b:s6+s19], $0x10, s20, s19, $0xb8;
	[tilespmem:$0x1B300] =	vst v63  }
0x77: {  	s18 =	simm.s32 $0x6B00  }
0x78: {  	[tilespmem:s18], [sflag:$0x5] =	stream.indirect.gather [hbm4b:s7+s19], $0x10, s21, s19, $0xb8;
	[tilespmem:$0x1B300] =	vst v63  }
0x79: {  	s23 =	simm.s32 $0x7300;
	s24 =	simm.s32 $0x1A0  }
0x7a: {  	[tilespmem:s23], [sflag:$0x5] =	stream.indirect.gather [hbm4b:s8+s19], $0x30, s20, s19, $0xb8;
	[tilespmem:$0x1B300] =	vst v63  }
0x7b: {  	s25 =	simm.s32 $0x9A0;
	v8 =	vld [tilespmem:s24+$0x10]  }
0x7c: {  	v9 =	vld [tilespmem:s25+$0x10]  }
0x7d: {  	v10 =	vld [tilespmem:s25+$0xFFFFFFE0]  }
0x7e: {  	v11 =	vld [tilespmem:s24+$0xFFFFFFF0]  }
0x7f: {  	v12 =	vld [tilespmem:s25+$0xFFFFFFF0]  }
0x80: {  	v13 =	vld [tilespmem:s24+$0x0]  }
0x81: {  	v14 =	vld [tilespmem:s25+$0x0]  }
0x82: {  	s14 =	simm.s32 $0x1E0;
	v8 =	vadd.f32 v9, v8;
	v9 =	vld [tilespmem:s24+$0xFFFFFFE0]  }
0x83: {  	s18 =	simm.s32 $0x9E0;
	v15 =	vld [tilespmem:s14+$0x10]  }
0x84: {  	v11 =	vadd.f32 v12, v11;
	v12 =	vld [tilespmem:s18+$0x10]  }
0x85: {  	v18 =	vld [tilespmem:s14+$0xFFFFFFF0];
	v16 =	vmul.f32 $2.000000030e-01, v8  }
0x86: {  	v19 =	vld [tilespmem:s18+$0x0];
	v17 =	vmul.f32 $2.000000030e-01, v11  }
0x87: {  	v8 =	vmax.f32 v8, v16;
	v16 =	vld [tilespmem:s18+$0xFFFFFFE0];
	v9 =	vadd.f32 v10, v9  }
0x88: {  	v11 =	vmax.f32 v11, v17;
	v8 =	vmul.f32 $1.442695020e+00, v8;
	v10 =	vadd.f32 v14, v13;
	v13 =	vld [tilespmem:s18+$0xFFFFFFF0]  }
0x89: {  	v17 =	vld [tilespmem:s14+$0xFFFFFFE0];
	v12 =	vadd.f32 v12, v15;
	v11 =	vmul.f32 $1.442695020e+00, v11;
	v14 =	vmul.f32 $2.000000030e-01, v9  }
0x8a: {  	s24 =	simm.s32 $0xA20;
	(erf) = vpow2.f32 v8;
	v8 =	vld [tilespmem:s14+$0x0];
	v15 =	vmul.f32 $2.000000030e-01, v10  }
0x8b: {  	s23 =	simm.s32 $0x220;
	(erf) = vpow2.f32 v11;
	v11 =	vld [tilespmem:s24+$0x10];
	v9 =	vmax.f32 v9, v14;
	v14 =	vmul.f32 $2.000000030e-01, v12  }
0x8c: {  	v10 =	vmax.f32 v10, v15;
	v15 =	vld [tilespmem:s23+$0x10];
	v9 =	vmul.f32 $1.442695020e+00, v9  }
0x8d: {  	v21 =	vld [tilespmem:s23+$0xFFFFFFE0];
	v10 =	vmul.f32 $1.442695020e+00, v10;
	v13 =	vadd.f32 v13, v18;
	v12 =	vmax.f32 v12, v14  }
0x8e: {  	v16 =	vadd.f32 v16, v17;
	v17 =	vld [tilespmem:s24+$0xFFFFFFF0];
	(erf) = vpow2.f32 v9;
	v12 =	vmul.f32 $1.442695020e+00, v12  }
0x8f: {  	v14 =	vld [tilespmem:s23+$0xFFFFFFF0];
	v8 =	vadd.f32 v19, v8;
	(erf) = vpow2.f32 v10;
	v10 =	vmul.f32 $2.000000030e-01, v13  }
0x90: {  	v20 =	vld [tilespmem:s24+$0x0];
	v18 =	vmul.f32 $2.000000030e-01, v16;
	(erf) = vpow2.f32 v12  }
0x91: {  	v12 =	vld [tilespmem:s23+$0x0];
	v11 =	vadd.f32 v11, v15;
	v10 =	vmax.f32 v13, v10;
	v13 =	vmul.f32 $2.000000030e-01, v8  }
0x92: {  	v9 =	vld [tilespmem:s24+$0xFFFFFFE0];
	v16 =	vmax.f32 v16, v18  }
0x93: {  	v19 =	vpop (erf);
	v10 =	vmul.f32 $1.442695020e+00, v10;
	v8 =	vmax.f32 v8, v13;
	v13 =	vmul.f32 $2.000000030e-01, v11  }
0x94: {  	s25 =	simm.s32 $0x59A0;
	s24 =	simm.s32 $0x260;
	v16 =	vmul.f32 $1.442695020e+00, v16;
	v14 =	vadd.f32 v17, v14;
	v15 =	vmul.f32 v1, v19  }
0x95: {  	s12 =	simm.s32 $0x2A90;
	s23 =	simm.s32 $0xA60;
	[tilespmem:s25+$0x10] =	vst v19;
	v19 =	vld [tilespmem:s24+$0x10];
	v18 =	vmul.f32 $1.442695020e+00, v8;
	(erf) = vpow2.f32 v10;
	v10 =	vmax.f32 v11, v13  }
0x96: {  	[tilespmem:s12+$0x60] =	vst v15;
	v15 =	vld [tilespmem:s23+$0x10];
	v12 =	vadd.f32 v20, v12;
	v8 =	vpop (erf);
	(erf) = vpow2.f32 v16;
	v17 =	vmul.f32 $1.442695020e+00, v10  }
0x97: {  	v20 =	vadd.f32 v9, v21;
	v9 =	vld [tilespmem:s24+$0x0];
	v16 =	vmul.f32 $2.000000030e-01, v14;
	v11 =	vmul.f32 v1, v8;
	[tilespmem:s25+$0xFFFFFFF0] =	vst v8;
	v13 =	vpop (erf)  }
0x98: {  	v10 =	vld [tilespmem:s24+$0xFFFFFFF0];
	(erf) = vpow2.f32 v18;
	v63 =	vmul.f32 $2.000000030e-01, v12;
	[tilespmem:s25+$0xFFFFFFE0] =	vst v13  }
0x99: {  	v13 =	vmul.f32 v1, v13;
	v18 =	vpop (erf);
	(erf) = vpow2.f32 v17;
	v14 =	vmax.f32 v14, v16;
	[tilespmem:s12+$0xFFFFFFA0] =	vst v11;
	v11 =	vld [tilespmem:s23+$0xFFFFFFF0]  }
0x9a: {  	v8 =	vld [tilespmem:s23+$0xFFFFFFE0];
	v22 =	vmul.f32 $2.000000030e-01, v20;
	[tilespmem:s25+$0x0] =	vst v18;
	v16 =	vmul.f32 $1.442695020e+00, v14;
	v17 =	vpop (erf)  }
0x9b: {  	s30 =	simm.s32 $0x59E0;
	s31 =	simm.s32 $0xC;
	v14 =	vld [tilespmem:s23+$0x0];
	[tilespmem:s12+$0xFFFFFF40] =	vst v13;
	v15 =	vadd.f32 v15, v19;
	v13 =	vmax.f32 v12, v63;
	v23 =	vmul.f32 v1, v17  }
0x9c: {  	s14 =	simm.s32 $0x2C10;
	v12 =	vld [tilespmem:s24+$0xFFFFFFE0];
	v19 =	vmax.f32 v20, v22;
	s24 =	simm.s32 $0x2A0;
	[tilespmem:s30+$0x10] =	vst v17;
	v13 =	vmul.f32 $1.442695020e+00, v13;
	v17 =	vmul.f32 v1, v18  }
0x9d: {  	s11 =	simm.s32 $0x0;
	v19 =	vmul.f32 $1.442695020e+00, v19;
	v18 =	vmul.f32 $2.000000030e-01, v15;
	[tilespmem:s14+$0x60] =	vst v23  }
.LBB2_7:
0x9e: {  	v20 =	vld [tilespmem:s24+$0x10];
	v21 =	vadd.f32 v11, v10;
	s23 =	sadd.s32 $0x40, s23;
	(erf) = vpow2.f32 v16;
	v10 =	vpop (erf);
	[tilespmem:s12+$0x0] =	vst v17;
	s12 =	smov.u32 s14;
	s31 =	sadd.s32 $0x4, s31  }
0x9f: {  	v16 =	vld [tilespmem:s23+$0x10];
	v11 =	vmax.f32 v15, v18;
	(erf) = vpow2.f32 v19;
	[tilespmem:s30+$0xFFFFFFF0] =	vst v10;
	v15 =	vmul.f32 v1, v10;
	v17 =	vpop (erf);
	p1 =	slt.u32 s31, $0x7C  }
0xa0: {  	v18 =	vld [tilespmem:s23+$0xFFFFFFE0];
	v19 =	vmul.f32 $2.000000030e-01, v21;
	v22 =	vadd.f32 v14, v9;
	v9 =	vmul.f32 $1.442695020e+00, v11;
	[tilespmem:s30+$0xFFFFFFE0] =	vst v17  }
0xa1: {  	v10 =	vld [tilespmem:s24+$0xFFFFFFF0];
	v8 =	vadd.f32 v8, v12;
	(erf) = vpow2.f32 v13;
	v12 =	vmul.f32 v1, v17;
	[tilespmem:s14+$0xFFFFFFA0] =	vst v15;
	v17 =	vpop (erf)  }
.Ltmp2:
0xa2: {  	v11 =	vld [tilespmem:s23+$0xFFFFFFF0];
	v13 =	vmax.f32 v21, v19;
	v19 =	vmul.f32 $2.000000030e-01, v22;
	(erf) = vpow2.f32 v9;
	v21 =	vpop (erf);
	[tilespmem:s30+$0x0] =	vst v17;
	(pc) =	sbr.rel @p1 .LBB2_7-.Ltmp2, $4  }
0xa3: {  	s30 =	sadd.s32 $0x40, s30;
	v9 =	vld [tilespmem:s24+$0x0];
	v23 =	vmul.f32 $2.000000030e-01, v8;
	v24 =	vmul.f32 v1, v21;
	[tilespmem:s14+$0xFFFFFF40] =	vst v12  }
0xa4: {  	s14 =	sadd.s32 $0x180, s14;
	v14 =	vld [tilespmem:s23+$0x0];
	v15 =	vadd.f32 v16, v20;
	v16 =	vmul.f32 $1.442695020e+00, v13;
	v13 =	vmax.f32 v22, v19;
	[tilespmem:s30+$0x10] =	vst v21  }
0xa5: {  	v17 =	vmul.f32 v1, v17;
	v12 =	vld [tilespmem:s24+$0xFFFFFFE0];
	v19 =	vmax.f32 v8, v23;
	v13 =	vmul.f32 $1.442695020e+00, v13;
	[tilespmem:s14+$0x60] =	vst v24;
	v8 =	vmovc v18  }
0xa6: {  	s24 =	sadd.s32 $0x40, s24;
	v18 =	vmul.f32 $2.000000030e-01, v15;
	v19 =	vmul.f32 $1.442695020e+00, v19  }
0xa7: {  	v10 =	vadd.f32 v11, v10;
	(erf) = vpow2.f32 v16;
	v11 =	vpop (erf)  }
0xa8: {  	v15 =	vmax.f32 v15, v18;
	(erf) = vpow2.f32 v19;
	v16 =	vmul.f32 v1, v11  }
0xa9: {  	[tilespmem:s12+$0x0] =	vst v17;
	v17 =	vmul.f32 $2.000000030e-01, v10;
	v15 =	vmul.f32 $1.442695020e+00, v15  }
0xaa: {  	[tilespmem:s30+$0xFFFFFFF0] =	vst v11;
	v11 =	vpop (erf);
	v9 =	vadd.f32 v14, v9;
	(erf) = vpow2.f32 v13;
	v8 =	vadd.f32 v8, v12  }
0xab: {  	[tilespmem:s30+$0xFFFFFFE0] =	vst v11;
	v11 =	vmul.f32 v1, v11;
	v12 =	vpop (erf);
	(erf) = vpow2.f32 v15;
	v10 =	vmax.f32 v10, v17  }
0xac: {  	[tilespmem:s14+$0xFFFFFFA0] =	vst v16;
	v13 =	vmul.f32 $2.000000030e-01, v8;
	v10 =	vmul.f32 $1.442695020e+00, v10  }
0xad: {  	v14 =	vmul.f32 $2.000000030e-01, v9;
	[tilespmem:s14+$0xFFFFFF40] =	vst v11;
	v11 =	vmul.f32 v1, v12  }
0xae: {  	[tilespmem:s30+$0x0] =	vst v12;
	v15 =	vpop (erf);
	v8 =	vmax.f32 v8, v13;
	(erf) = vpow2.f32 v10  }
0xaf: {  	s24 =	sadd.s32 $0x40, s30;
	v9 =	vmax.f32 v9, v14;
	[tilespmem:s14+$0x0] =	vst v11;
	v16 =	vmul.f32 v1, v15;
	v8 =	vmul.f32 $1.442695020e+00, v8  }
0xb0: {  	s23 =	sadd.s32 $0x180, s14;
	[tilespmem:s24+$0x10] =	vst v15;
	v9 =	vmul.f32 $1.442695020e+00, v9;
	v10 =	vpop (erf)  }
0xb1: {  	[tilespmem:s23+$0x60] =	vst v16;
	(erf) = vpow2.f32 v8;
	v8 =	vmul.f32 v1, v10  }
0xb2: {  	[tilespmem:s24+$0xFFFFFFF0] =	vst v10;
	v10 =	vpop (erf)  }
0xb3: {  	[tilespmem:s24+$0xFFFFFFE0] =	vst v10;
	(erf) = vpow2.f32 v9;
	v9 =	vmul.f32 v1, v10  }
0xb4: {  	[tilespmem:s23+$0xFFFFFFA0] =	vst v8  }
0xb5: {  	[tilespmem:s23+$0xFFFFFF40] =	vst v9;
	v8 =	vpop (erf)  }
0xb6: {  	s12 =	sadd.s32 $0x40, s24;
	v10 =	vpop (erf);
	[tilespmem:s24+$0x0] =	vst v8;
	v8 =	vmul.f32 v1, v8  }
0xb7: {  	[tilespmem:s12+$0x10] =	vst v10;
	v9 =	vpop (erf)  }
0xb8: {  	v11 =	vmul.f32 v1, v10;
	[tilespmem:s23+$0x0] =	vst v8;
	v8 =	vmul.f32 v1, v9  }
0xb9: {  	s25 =	sadd.s32 $0x180, s23;
	[tilespmem:s12+$0xFFFFFFF0] =	vst v9  }
0xba: {  	[tilespmem:s25+$0x60] =	vst v11  }
0xbb: {  	v9 =	vpop (erf);
	[tilespmem:s25+$0xFFFFFFA0] =	vst v8  }
0xbc: {  	[tilespmem:s12+$0xFFFFFFE0] =	vst v9;
	v9 =	vmul.f32 v1, v9;
	v8 =	vpop (erf)  }
0xbd: {  	[tilespmem:s12+$0x0] =	vst v8;
	v8 =	vmul.f32 v1, v8  }
0xbe: {  	s30 =	simm.s32 $0x10;
	[tilespmem:s25+$0xFFFFFF40] =	vst v9  }
0xbf: {  	s18 =	simm.s32 $0x30;
	v15 =	vor.u32 s30, v2;
	s12 =	simm.s32 $0x11E0;
	[tilespmem:s25+$0x0] =	vst v8  }
0xc0: {  	v20 =	vor.u32 s18, v3;
	v16 =	vld [tilespmem:s12+$0x30]  }
0xc1: {  	s24 =	simm.s32 $0x20;
	v9 =	vmov s18;
	v17 =	vld [tilespmem:s12+$0xFFFFFFD0]  }
0xc2: {  	s25 =	simm.s32 $0x0;
	v8 =	vor.u32 s24, v5;
	v18 =	vld [tilespmem:s12+$0xFFFFFFA0]  }
0xc3: {  	v13 =	vor.u32 s25, v3;
	v23 =	vld [tilespmem:s12+$0x0]  }
0xc4: {  	v19 =	vor.u32 s25, v2;
	v26 =	vld.idx.msk [tilespmem:v15+s13+$0x0], $0xffff  }
0xc5: {  	v10 =	vmov s25;
	v15 =	vld.idx.msk [tilespmem:v20+s13+$0x0], $0xffff  }
0xc6: {  	v11 =	vor.u32 $0x3, v10;
	v21 =	vld.idx.msk [tilespmem:v9+s13+$0x0], $0xffff  }
0xc7: {  	v20 =	vor.u32 s18, v2;
	v12 =	vld.idx.msk [tilespmem:v8+s13+$0x0], $0xffff  }
0xc8: {  	v27 =	vor.u32 s24, v3;
	v14 =	vld.idx.msk [tilespmem:v13+s13+$0x0], $0xffff  }
0xc9: {  	v9 =	vor.u32 $0x3, v9;
	v19 =	vld.idx.msk [tilespmem:v19+s13+$0x0], $0xffff  }
0xca: {  	v13 =	vmov s24;
	v10 =	vld.idx.msk [tilespmem:v10+s13+$0x0], $0xffff  }
0xcb: {  	v8 =	vld.idx.msk [tilespmem:v11+s13+$0x0], $0xffff;
	v11 =	vor.u32 s24, v2  }
0xcc: {  	v22 =	vor.u32 s30, v3;
	v63 =	vld.idx.msk [tilespmem:v20+s13+$0x0], $0xffff  }
0xcd: {  	v24 =	vor.u32 s25, v5;
	v20 =	vld.idx.msk [tilespmem:v27+s13+$0x0], $0xffff  }
0xce: {  	v29 =	vor.u32 s18, v5;
	v9 =	vld.idx.msk [tilespmem:v9+s13+$0x0], $0xffff  }
0xcf: {  	v30 =	vmov s30;
	v31 =	vunpack.i.u.bf16.f32 v18;
	v28 =	vld.idx.msk [tilespmem:v13+s13+$0x0], $0xffff  }
0xd0: {  	v18 =	vunpack.i.l.bf16.f32 v18;
	v13 =	vor.u32 $0x3, v13;
	v19 =	vmul.f32 v31, v19;
	v25 =	vld.idx.msk [tilespmem:v11+s13+$0x0], $0xffff  }
0xd1: {  	v32 =	vor.u32 $0x3, v30;
	s14 =	simm.s32 $0x2A40;
	v10 =	vmul.f32 v18, v10;
	v11 =	vld.idx.msk [tilespmem:v22+s13+$0x0], $0xffff  }
0xd2: {  	v33 =	vor.u32 s30, v5;
	v22 =	vld.idx.msk [tilespmem:v24+s13+$0x0], $0xffff;
	[tilespmem:s14+$0xFFFFFF50] =	vst v19  }
0xd3: {  	v19 =	vld.idx.msk [tilespmem:v29+s13+$0x0], $0xffff;
	[tilespmem:s14+$0xFFFFFF40] =	vst v10  }
0xd4: {  	v18 =	vunpack.i.l.bf16.f32 v16;
	v24 =	vld [tilespmem:s12+$0xFFFFFFB0]  }
0xd5: {  	v18 =	vmul.f32 v18, v21;
	v10 =	vld.idx.msk [tilespmem:v13+s13+$0x0], $0xffff;
	v13 =	vunpack.i.l.bf16.f32 v23  }
0xd6: {  	v21 =	vunpack.i.u.bf16.f32 v23;
	v27 =	vmul.f32 v13, v28;
	v13 =	vld.idx.msk [tilespmem:v32+s13+$0x0], $0xffff  }
0xd7: {  	[tilespmem:s14+$0x60] =	vst v18;
	v23 =	vunpack.i.u.bf16.f32 v17;
	v25 =	vmul.f32 v21, v25;
	v21 =	vunpack.i.u.bf16.f32 v16;
	v16 =	vld.idx.msk [tilespmem:v33+s13+$0x0], $0xffff  }
0xd8: {  	s31 =	simm.s32 $0x12A0;
	s30 =	simm.s32 $0x2A40;
	s23 =	simm.s32 $0x70;
	v18 =	vunpack.i.l.bf16.f32 v17;
	v23 =	vmul.f32 v23, v26;
	v26 =	vld.idx.msk [tilespmem:v30+s13+$0x0], $0xffff;
	[tilespmem:s14+$0x0] =	vst v27;
	v27 =	vmul.f32 v21, v63  }
.LBB2_9:
0xd9: {  	s24 =	sadd.s32 $0xFFFFFFD0, s23;
	s25 =	sadd.s32 $0xFFFFFFF0, s23;
	v28 =	vmov s23;
	v29 =	vor.u32 s23, v3;
	v17 =	vld [tilespmem:s31+$0x30];
	s11 =	sadd.s32 $0x4, s11;
	[tilespmem:s14+$0x10] =	vst v25  }
0xda: {  	v25 =	vmov s24;
	v30 =	vld [tilespmem:s31+$0xFFFFFFD0];
	v31 =	vor.u32 s25, v5;
	p1 =	slt.u32 s11, $0x7C;
	v32 =	vunpack.i.l.bf16.f32 v24;
	[tilespmem:s14+$0x70] =	vst v27  }
0xdb: {  	s18 =	sadd.s32 $0xFFFFFFE0, s23;
	v27 =	vor.u32 s24, v2;
	v24 =	vunpack.i.u.bf16.f32 v24;
	v33 =	vor.u32 $0x3, v25;
	v34 =	vld [tilespmem:s12+$0x40]  }
0xdc: {  	v21 =	vmov s18;
	v35 =	vor.u32 $0x3, v28;
	v22 =	vmul.f32 v24, v22;
	v24 =	vld [tilespmem:s12+$0x10]  }
0xdd: {  	v36 =	vor.u32 s24, v3;
	v38 =	vor.u32 s18, v2;
	v39 =	vor.u32 $0x3, v21;
	v37 =	vld [tilespmem:s31+$0xFFFFFFA0]  }
0xde: {  	v40 =	vmov s25;
	v14 =	vmul.f32 v32, v14;
	v18 =	vmul.f32 v18, v26;
	v28 =	vld.idx.msk [tilespmem:v28+s13+$0x0], $0xffff;
	[tilespmem:s14+$0xFFFFFF70] =	vst v22  }
0xdf: {  	v22 =	vor.u32 s25, v2;
	v26 =	vld [tilespmem:s31+$0x0]  }
0xe0: {  	v32 =	vor.u32 s24, v5;
	v31 =	vld.idx.msk [tilespmem:v31+s13+$0x0], $0xffff;
	[tilespmem:s14+$0xFFFFFF60] =	vst v14;
	v41 =	vunpack.i.u.bf16.f32 v34;
	v14 =	vunpack.i.l.bf16.f32 v34  }
0xe1: {  	v34 =	vor.u32 s18, v3;
	v42 =	vld [tilespmem:s12+$0xFFFFFFC0];
	[tilespmem:s14+$0xFFFFFFA0] =	vst v18;
	v18 =	vunpack.i.l.bf16.f32 v24;
	v15 =	vmul.f32 v14, v15  }
0xe2: {  	v43 =	vor.u32 s18, v5;
	v24 =	vunpack.i.u.bf16.f32 v24;
	v33 =	vld.idx.msk [tilespmem:v33+s13+$0x0], $0xffff;
	v18 =	vmul.f32 v18, v20  }
0xe3: {  	v41 =	vmul.f32 v41, v19;
	v20 =	vor.u32 s25, v3;
	v24 =	vmul.f32 v24, v12;
	v14 =	vld.idx.msk [tilespmem:v36+s13+$0x0], $0xffff;
	[tilespmem:s14+$0x80] =	vst v15  }
0xe4: {  	v19 =	vunpack.i.l.bf16.f32 v37;
	v36 =	vld.idx.msk [tilespmem:v38+s13+$0x0], $0xffff;
	[tilespmem:s14+$0xFFFFFFB0] =	vst v23  }
0xe5: {  	v23 =	vld.idx.msk [tilespmem:v27+s13+$0x0], $0xffff;
	v27 =	vunpack.i.u.bf16.f32 v37;
	v37 =	vor.u32 $0x3, v40;
	[tilespmem:s14+$0x20] =	vst v18  }
0xe6: {  	v18 =	vunpack.i.l.bf16.f32 v30;
	s14 =	sadd.s32 $0x180, s14;
	v12 =	vmov v31;
	v15 =	vunpack.i.l.bf16.f32 v42;
	v38 =	vld [tilespmem:s12+$0xFFFFFFE0];
	[tilespmem:s30+$0x90] =	vst v41  }
0xe7: {  	v30 =	vunpack.i.u.bf16.f32 v30;
	v31 =	vld.idx.msk [tilespmem:v35+s13+$0x0], $0xffff;
	v35 =	vmul.f32 v15, v8  }
0xe8: {  	v41 =	vunpack.i.l.bf16.f32 v26;
	v8 =	vmov v33;
	v15 =	vld.idx.msk [tilespmem:v29+s13+$0x0], $0xffff  }
0xe9: {  	v26 =	vunpack.i.u.bf16.f32 v26;
	v29 =	vunpack.i.l.bf16.f32 v17;
	[tilespmem:s30+$0xFFFFFF80] =	vst v35;
	v33 =	vld [tilespmem:s12+$0x50]  }
0xea: {  	v28 =	vmul.f32 v29, v28;
	v35 =	vld.idx.msk [tilespmem:v22+s13+$0x0], $0xffff  }
0xeb: {  	v25 =	vld.idx.msk [tilespmem:v25+s13+$0x0], $0xffff;
	v22 =	vunpack.i.u.bf16.f32 v38;
	v29 =	vunpack.i.l.bf16.f32 v38  }
0xec: {  	v38 =	vld.idx.msk [tilespmem:v40+s13+$0x0], $0xffff;
	v40 =	vor.u32 s23, v2;
	v29 =	vmul.f32 v29, v11;
	v16 =	vmul.f32 v22, v16  }
0xed: {  	v11 =	vld.idx.msk [tilespmem:v34+s13+$0x0], $0xffff;
	[tilespmem:s30+$0x30] =	vst v24  }
0xee: {  	v23 =	vmul.f32 v27, v23;
	v24 =	vor.u32 s23, v5;
	[tilespmem:s30+$0xFFFFFFC0] =	vst v29;
	v27 =	vld [tilespmem:s12+$0x20];
	v29 =	vunpack.i.l.bf16.f32 v33  }
0xef: {  	v22 =	vld.idx.msk [tilespmem:v32+s13+$0x0], $0xffff;
	[tilespmem:s30+$0xFFFFFFD0] =	vst v16;
	v16 =	vmul.f32 v29, v9;
	v9 =	vmov v31  }
0xf0: {  	[tilespmem:s14+$0xFFFFFF50] =	vst v23;
	v29 =	vld [tilespmem:s12+$0xFFFFFFF0];
	s12 =	smov.u32 s31  }
0xf1: {  	v19 =	vmul.f32 v19, v25;
	v25 =	vmul.f32 v26, v35;
	v26 =	vld.idx.msk [tilespmem:v40+s13+$0x0], $0xffff;
	[tilespmem:s30+$0xA0] =	vst v16  }
0xf2: {  	v16 =	vmul.f32 v41, v38;
	v20 =	vld.idx.msk [tilespmem:v20+s13+$0x0], $0xffff  }
0xf3: {  	v23 =	vmul.f32 v30, v36;
	[tilespmem:s14+$0xFFFFFF40] =	vst v19;
	v19 =	vld.idx.msk [tilespmem:v24+s13+$0x0], $0xffff;
	v24 =	vunpack.i.l.bf16.f32 v27  }
.Ltmp3:
0xf4: {  	[tilespmem:s14+$0x60] =	vst v28;
	v27 =	vmul.f32 v24, v10;
	v10 =	vld.idx.msk [tilespmem:v37+s13+$0x0], $0xffff;
	(pc) =	sbr.rel @p1 .LBB2_9-.Ltmp3, $4  }
0xf5: {  	v24 =	vld [tilespmem:s31+$0xFFFFFFB0];
	[tilespmem:s14+$0x0] =	vst v16;
	v16 =	vunpack.i.l.bf16.f32 v29  }
0xf6: {  	v17 =	vunpack.i.u.bf16.f32 v17;
	v28 =	vmul.f32 v16, v13;
	v13 =	vld.idx.msk [tilespmem:v39+s13+$0x0], $0xffff;
	[tilespmem:s30+$0x40] =	vst v27  }
0xf7: {  	v27 =	vmul.f32 v17, v26;
	v16 =	vld.idx.msk [tilespmem:v43+s13+$0x0], $0xffff  }
0xf8: {  	s23 =	sadd.s32 $0x40, s23;
	s31 =	sadd.s32 $0xC0, s31;
	v26 =	vld.idx.msk [tilespmem:v21+s13+$0x0], $0xffff;
	[tilespmem:s30+$0xFFFFFFE0] =	vst v28;
	s30 =	smov.u32 s14  }
0xf9: {  	_ =	sdelay $0x1  }
0xfa: {  	[tilespmem:s14+$0x70] =	vst v27  }
0xfb: {  	[tilespmem:s14+$0x10] =	vst v25;
	v17 =	vld [tilespmem:s12+$0x40]  }
0xfc: {  	v21 =	vld [tilespmem:s12+$0x10];
	v18 =	vmul.f32 v18, v26  }
0xfd: {  	[tilespmem:s14+$0xFFFFFFB0] =	vst v23  }
0xfe: {  	v53 =	vunpack.i.l.bf16.f32 v24;
	[tilespmem:s14+$0xFFFFFFA0] =	vst v18  }
0xff: {  	v52 =	vunpack.i.u.bf16.f32 v24;
	v14 =	vmul.f32 v53, v14;
	v54 =	vld [tilespmem:s12+$0xFFFFFFE0]  }
0x100: {  	v18 =	vmul.f32 v52, v22;
	v55 =	vunpack.i.l.bf16.f32 v17  }
0x101: {  	[tilespmem:s14+$0xFFFFFF60] =	vst v14;
	v56 =	vunpack.i.l.bf16.f32 v21;
	v15 =	vmul.f32 v55, v15  }
0x102: {  	v57 =	vunpack.i.u.bf16.f32 v17;
	v58 =	vmul.f32 v56, v20;
	[tilespmem:s14+$0xFFFFFF70] =	vst v18  }
0x103: {  	v59 =	vunpack.i.u.bf16.f32 v21;
	v14 =	vmul.f32 v57, v19;
	[tilespmem:s14+$0x80] =	vst v15  }
0x104: {  	v12 =	vmul.f32 v59, v12;
	[tilespmem:s14+$0x20] =	vst v58;
	v60 =	vunpack.i.l.bf16.f32 v54  }
0x105: {  	[tilespmem:s30+$0x90] =	vst v14;
	v61 =	vunpack.i.u.bf16.f32 v54;
	v11 =	vmul.f32 v60, v11  }
0x106: {  	v62 =	vld [tilespmem:s12+$0xFFFFFFC0];
	[tilespmem:s30+$0x30] =	vst v12;
	v14 =	vmul.f32 v61, v16  }
0x107: {  	v63 =	vld [tilespmem:s12+$0x50];
	[tilespmem:s30+$0xFFFFFFC0] =	vst v11  }
0x108: {  	v11 =	vld [tilespmem:s12+$0x20];
	[tilespmem:s30+$0xFFFFFFD0] =	vst v14  }
0x109: {  	v14 =	vld [tilespmem:s12+$0xFFFFFFF0];
	_ =	sdelay $0x1  }
0x10a: {  	v15 =	vunpack.i.l.bf16.f32 v62  }
0x10b: {  	v8 =	vmul.f32 v15, v8;
	v12 =	vunpack.i.l.bf16.f32 v63  }
0x10c: {  	v9 =	vmul.f32 v12, v9;
	v11 =	vunpack.i.l.bf16.f32 v11  }
0x10d: {  	[tilespmem:s30+$0xFFFFFF80] =	vst v8;
	v8 =	vmul.f32 v11, v10;
	v10 =	vunpack.i.l.bf16.f32 v14  }
0x10e: {  	[tilespmem:s30+$0xA0] =	vst v9;
	v9 =	vmul.f32 v10, v13  }
0x10f: {  	[tilespmem:s30+$0x40] =	vst v8  }
0x110: {  	s11 =	simm.s32 $0x100;
	[tilespmem:s30+$0xFFFFFFE0] =	vst v9  }
0x111: {  	[spmem:s1] =	stream.indirect.scatter.add.f32 [tilespmem:s3], [sflag:$0x3], $0x60, s11, s19, $0xb8;
	[tilespmem:$0x1B300] =	vst v63  }
0x112: {  	s11 =	simm.s32 @!p0 $0x6  }
0x113: {  	_ =	swait.ge @!p0 [sflag:s11], $0x3000  }
0x114: {  	[sflag:s11] =	ssyncset.done @!p0 $0x0  }
0x115: {  	[sflag:s11] =	ssyncadd.s32 @!p0 $0xFFFFD000  }
0x116: {  	_ =	swait.ge [sflag:s28], $0x800  }
0x117: {  	[sflag:s28] =	ssyncset.done $0x0  }
0x118: {  	[sflag:s28] =	ssyncadd.s32 $0xFFFFF800  }
0x119: {  	_ =	swait.ge [sflag:s28], $0x800  }
0x11a: {  	[sflag:s28] =	ssyncset.done $0x0  }
0x11b: {  	[sflag:s28] =	ssyncadd.s32 $0xFFFFF800  }
0x11c: {  	_ =	swait.ge [sflag:s28], $0x1800  }
0x11d: {  	[sflag:s28] =	ssyncset.done $0x0  }
0x11e: {  	s11 =	simm.s32 $0x0;
	[sflag:s28] =	ssyncadd.s32 $0xFFFFE800  }
0x11f: {  	s12 =	simm.s32 $0x40;
	v8 =	vld [tilespmem:s11+$0x6200]  }
.LBB2_11:
0x120: {  	p0 =	sne.s32 s12, $0x1C0  }
.Ltmp4:
0x121: {  	_ = 	snop;
	(pc) =	sbr.rel @p0 .LBB2_11-.Ltmp4, $3  }
0x122: {  	_ =	sdelay $0x1  }
0x123: {  	[tilespmem:s11+$0x6280] =	vst v8;
	s11 =	sshra.s32 s12, $0x2;
	s12 =	sadd.s32 $0x40, s12  }
0x124: {  	v8 =	vld [tilespmem:s11+$0x6200]  }
0x125: {  	_ =	sdelay $0x1  }
0x126: {  	s12 =	sadd.s32 s17, s16  }
0x127: {  	s12 =	sshrl.u32 s12, $0x3  }
0x128: {  	s23 =	sadd.s32 s4, s12;
	[tilespmem:s11+$0x6280] =	vst v8  }
0x129: {  	[tilespmem:s20], [sflag:$0x4] =	stream.linear.gather [hbm4b:s23+s2], $0x80, $0x38;
	[tilespmem:$0x1B300] =	vst v63  }
0x12a: {  	s24 =	sadd.s32 s5, s12  }
0x12b: {  	[tilespmem:s21], [sflag:$0x4] =	stream.linear.gather [hbm4b:s24+s2], $0x80, $0x38;
	[tilespmem:$0x1B300] =	vst v63  }
0x12c: {  	_ =	swait.ge [sflag:s22], $0x80  }
0x12d: {  	[sflag:s22] =	ssyncset.done $0x0  }
0x12e: {  	[sflag:s22] =	ssyncadd.s32 $0xFFFFFF80  }
0x12f: {  	_ =	swait.ge [sflag:s22], $0x80  }
0x130: {  	[sflag:s22] =	ssyncset.done $0x0  }
0x131: {  	s25 =	simm.s32 $0x180;
	[sflag:s22] =	ssyncadd.s32 $0xFFFFFF80  }
0x132: {  	[tilespmem:s25], [sflag:$0x2] =	stream.indirect.gather [hbm4b:s6+s19], $0x10, s2, s19, $0xb8;
	[tilespmem:$0x1B300] =	vst v63  }
0x133: {  	s31 =	simm.s32 $0x980  }
0x134: {  	[tilespmem:s31], [sflag:$0x2] =	stream.indirect.gather [hbm4b:s7+s19], $0x10, s19, s19, $0xb8;
	[tilespmem:$0x1B300] =	vst v63  }
0x135: {  	s14 =	simm.s32 $0x6320;
	s12 =	simm.s32 $0x1180  }
0x136: {  	[tilespmem:s12], [sflag:$0x2] =	stream.indirect.gather [hbm4b:s8+s19], $0x30, s2, s19, $0xb8;
	[tilespmem:$0x1B300] =	vst v63  }
0x137: {  	s17 =	simm.s32 $0x6B20;
	v8 =	vld [tilespmem:s14+$0x10]  }
0x138: {  	v9 =	vld [tilespmem:s17+$0x10]  }
0x139: {  	v10 =	vld [tilespmem:s17+$0xFFFFFFE0]  }
0x13a: {  	v11 =	vld [tilespmem:s14+$0xFFFFFFF0]  }
0x13b: {  	v12 =	vld [tilespmem:s17+$0xFFFFFFF0]  }
0x13c: {  	v13 =	vld [tilespmem:s14+$0x0]  }
0x13d: {  	v14 =	vld [tilespmem:s17+$0x0]  }
0x13e: {  	s18 =	simm.s32 $0x6360;
	v8 =	vadd.f32 v9, v8;
	v9 =	vld [tilespmem:s14+$0xFFFFFFE0]  }
0x13f: {  	s23 =	simm.s32 $0x6B60;
	v15 =	vld [tilespmem:s18+$0x10]  }
0x140: {  	v11 =	vadd.f32 v12, v11;
	v12 =	vld [tilespmem:s23+$0x10]  }
0x141: {  	v18 =	vld [tilespmem:s18+$0xFFFFFFF0];
	v16 =	vmul.f32 $2.000000030e-01, v8  }
0x142: {  	v19 =	vld [tilespmem:s23+$0x0];
	v17 =	vmul.f32 $2.000000030e-01, v11  }
0x143: {  	v8 =	vmax.f32 v8, v16;
	v16 =	vld [tilespmem:s23+$0xFFFFFFE0];
	v9 =	vadd.f32 v10, v9  }
0x144: {  	v11 =	vmax.f32 v11, v17;
	v8 =	vmul.f32 $1.442695020e+00, v8;
	v10 =	vadd.f32 v14, v13;
	v13 =	vld [tilespmem:s23+$0xFFFFFFF0]  }
0x145: {  	v17 =	vld [tilespmem:s18+$0xFFFFFFE0];
	v12 =	vadd.f32 v12, v15;
	v11 =	vmul.f32 $1.442695020e+00, v11;
	v14 =	vmul.f32 $2.000000030e-01, v9  }
0x146: {  	s25 =	simm.s32 $0x6BA0;
	(erf) = vpow2.f32 v8;
	v8 =	vld [tilespmem:s18+$0x0];
	v15 =	vmul.f32 $2.000000030e-01, v10  }
0x147: {  	s24 =	simm.s32 $0x63A0;
	(erf) = vpow2.f32 v11;
	v11 =	vld [tilespmem:s25+$0x10];
	v9 =	vmax.f32 v9, v14;
	v14 =	vmul.f32 $2.000000030e-01, v12  }
0x148: {  	v10 =	vmax.f32 v10, v15;
	v15 =	vld [tilespmem:s24+$0x10];
	v9 =	vmul.f32 $1.442695020e+00, v9  }
0x149: {  	v20 =	vld [tilespmem:s25+$0x0];
	v10 =	vmul.f32 $1.442695020e+00, v10;
	v13 =	vadd.f32 v13, v18;
	v12 =	vmax.f32 v12, v14  }
0x14a: {  	v16 =	vadd.f32 v16, v17;
	v17 =	vld [tilespmem:s25+$0xFFFFFFF0];
	(erf) = vpow2.f32 v9;
	v12 =	vmul.f32 $1.442695020e+00, v12  }
0x14b: {  	v14 =	vld [tilespmem:s24+$0xFFFFFFF0];
	v8 =	vadd.f32 v19, v8;
	(erf) = vpow2.f32 v10;
	v10 =	vmul.f32 $2.000000030e-01, v13  }
0x14c: {  	v21 =	vld [tilespmem:s24+$0xFFFFFFE0];
	v18 =	vmul.f32 $2.000000030e-01, v16;
	(erf) = vpow2.f32 v12  }
0x14d: {  	v12 =	vld [tilespmem:s24+$0x0];
	v11 =	vadd.f32 v11, v15;
	v10 =	vmax.f32 v13, v10;
	v13 =	vmul.f32 $2.000000030e-01, v8  }
0x14e: {  	v9 =	vld [tilespmem:s25+$0xFFFFFFE0];
	v16 =	vmax.f32 v16, v18  }
0x14f: {  	v19 =	vpop (erf);
	v10 =	vmul.f32 $1.442695020e+00, v10;
	v8 =	vmax.f32 v8, v13;
	v13 =	vmul.f32 $2.000000030e-01, v11  }
0x150: {  	s31 =	simm.s32 $0xBB20;
	s18 =	simm.s32 $0x63E0;
	v16 =	vmul.f32 $1.442695020e+00, v16;
	v14 =	vadd.f32 v17, v14;
	v15 =	vmul.f32 v1, v19  }
0x151: {  	s12 =	simm.s32 $0x8C10;
	s17 =	simm.s32 $0x6BE0;
	[tilespmem:s31+$0x10] =	vst v19;
	v19 =	vld [tilespmem:s18+$0x10];
	v18 =	vmul.f32 $1.442695020e+00, v8;
	(erf) = vpow2.f32 v10;
	v10 =	vmax.f32 v11, v13  }
0x152: {  	[tilespmem:s12+$0x60] =	vst v15;
	v15 =	vld [tilespmem:s17+$0x10];
	v12 =	vadd.f32 v20, v12;
	v8 =	vpop (erf);
	(erf) = vpow2.f32 v16;
	v17 =	vmul.f32 $1.442695020e+00, v10  }
0x153: {  	v20 =	vadd.f32 v9, v21;
	v9 =	vld [tilespmem:s18+$0x0];
	v16 =	vmul.f32 $2.000000030e-01, v14;
	v11 =	vmul.f32 v1, v8;
	[tilespmem:s31+$0xFFFFFFF0] =	vst v8;
	v13 =	vpop (erf)  }
0x154: {  	v10 =	vld [tilespmem:s18+$0xFFFFFFF0];
	(erf) = vpow2.f32 v18;
	v63 =	vmul.f32 $2.000000030e-01, v12;
	[tilespmem:s31+$0xFFFFFFE0] =	vst v13  }
0x155: {  	v13 =	vmul.f32 v1, v13;
	v18 =	vpop (erf);
	(erf) = vpow2.f32 v17;
	v14 =	vmax.f32 v14, v16;
	[tilespmem:s12+$0xFFFFFFA0] =	vst v11;
	v11 =	vld [tilespmem:s17+$0xFFFFFFF0]  }
0x156: {  	v8 =	vld [tilespmem:s17+$0xFFFFFFE0];
	v22 =	vmul.f32 $2.000000030e-01, v20;
	[tilespmem:s31+$0x0] =	vst v18;
	v16 =	vmul.f32 $1.442695020e+00, v14;
	v17 =	vpop (erf)  }
0x157: {  	s30 =	simm.s32 $0xC;
	s23 =	simm.s32 $0xBB60;
	v14 =	vld [tilespmem:s17+$0x0];
	[tilespmem:s12+$0xFFFFFF40] =	vst v13;
	v15 =	vadd.f32 v15, v19;
	v13 =	vmax.f32 v12, v63;
	v23 =	vmul.f32 v1, v17  }
0x158: {  	s14 =	simm.s32 $0x8D90;
	s24 =	simm.s32 $0x6420;
	v12 =	vld [tilespmem:s18+$0xFFFFFFE0];
	v19 =	vmax.f32 v20, v22;
	[tilespmem:s23+$0x10] =	vst v17;
	v13 =	vmul.f32 $1.442695020e+00, v13;
	v17 =	vmul.f32 v1, v18  }
0x159: {  	s11 =	simm.s32 $0x0;
	v19 =	vmul.f32 $1.442695020e+00, v19;
	v18 =	vmul.f32 $2.000000030e-01, v15;
	[tilespmem:s14+$0x60] =	vst v23  }
.LBB2_13:
0x15a: {  	v20 =	vld [tilespmem:s24+$0x10];
	v21 =	vadd.f32 v11, v10;
	s17 =	sadd.s32 $0x40, s17;
	(erf) = vpow2.f32 v16;
	v10 =	vpop (erf);
	[tilespmem:s12+$0x0] =	vst v17;
	s12 =	smov.u32 s14;
	s30 =	sadd.s32 $0x4, s30  }
0x15b: {  	v16 =	vld [tilespmem:s17+$0x10];
	v11 =	vmax.f32 v15, v18;
	(erf) = vpow2.f32 v19;
	[tilespmem:s23+$0xFFFFFFF0] =	vst v10;
	v15 =	vmul.f32 v1, v10;
	v17 =	vpop (erf);
	p0 =	slt.u32 s30, $0x7C  }
0x15c: {  	v18 =	vld [tilespmem:s17+$0xFFFFFFE0];
	v19 =	vmul.f32 $2.000000030e-01, v21;
	v22 =	vadd.f32 v14, v9;
	v9 =	vmul.f32 $1.442695020e+00, v11;
	[tilespmem:s23+$0xFFFFFFE0] =	vst v17  }
0x15d: {  	v10 =	vld [tilespmem:s24+$0xFFFFFFF0];
	v8 =	vadd.f32 v8, v12;
	(erf) = vpow2.f32 v13;
	v12 =	vmul.f32 v1, v17;
	[tilespmem:s14+$0xFFFFFFA0] =	vst v15;
	v17 =	vpop (erf)  }
.Ltmp5:
0x15e: {  	v11 =	vld [tilespmem:s17+$0xFFFFFFF0];
	v13 =	vmax.f32 v21, v19;
	v19 =	vmul.f32 $2.000000030e-01, v22;
	(erf) = vpow2.f32 v9;
	v21 =	vpop (erf);
	[tilespmem:s23+$0x0] =	vst v17;
	(pc) =	sbr.rel @p0 .LBB2_13-.Ltmp5, $4  }
0x15f: {  	s23 =	sadd.s32 $0x40, s23;
	v9 =	vld [tilespmem:s24+$0x0];
	v23 =	vmul.f32 $2.000000030e-01, v8;
	v24 =	vmul.f32 v1, v21;
	[tilespmem:s14+$0xFFFFFF40] =	vst v12  }
0x160: {  	s14 =	sadd.s32 $0x180, s14;
	v14 =	vld [tilespmem:s17+$0x0];
	v15 =	vadd.f32 v16, v20;
	v16 =	vmul.f32 $1.442695020e+00, v13;
	v13 =	vmax.f32 v22, v19;
	[tilespmem:s23+$0x10] =	vst v21  }
0x161: {  	v17 =	vmul.f32 v1, v17;
	v12 =	vld [tilespmem:s24+$0xFFFFFFE0];
	v19 =	vmax.f32 v8, v23;
	v13 =	vmul.f32 $1.442695020e+00, v13;
	[tilespmem:s14+$0x60] =	vst v24;
	v8 =	vmovc v18  }
0x162: {  	s24 =	sadd.s32 $0x40, s24;
	v18 =	vmul.f32 $2.000000030e-01, v15;
	v19 =	vmul.f32 $1.442695020e+00, v19  }
0x163: {  	v10 =	vadd.f32 v11, v10;
	(erf) = vpow2.f32 v16;
	v11 =	vpop (erf)  }
0x164: {  	v15 =	vmax.f32 v15, v18;
	(erf) = vpow2.f32 v19;
	v16 =	vmul.f32 v1, v11  }
0x165: {  	[tilespmem:s12+$0x0] =	vst v17;
	v17 =	vmul.f32 $2.000000030e-01, v10;
	v15 =	vmul.f32 $1.442695020e+00, v15  }
0x166: {  	[tilespmem:s23+$0xFFFFFFF0] =	vst v11;
	v11 =	vpop (erf);
	v9 =	vadd.f32 v14, v9;
	(erf) = vpow2.f32 v13;
	v8 =	vadd.f32 v8, v12  }
0x167: {  	[tilespmem:s23+$0xFFFFFFE0] =	vst v11;
	v11 =	vmul.f32 v1, v11;
	v12 =	vpop (erf);
	(erf) = vpow2.f32 v15;
	v10 =	vmax.f32 v10, v17  }
0x168: {  	[tilespmem:s14+$0xFFFFFFA0] =	vst v16;
	v13 =	vmul.f32 $2.000000030e-01, v8;
	v10 =	vmul.f32 $1.442695020e+00, v10  }
0x169: {  	v14 =	vmul.f32 $2.000000030e-01, v9;
	[tilespmem:s14+$0xFFFFFF40] =	vst v11;
	v11 =	vmul.f32 v1, v12  }
0x16a: {  	[tilespmem:s23+$0x0] =	vst v12;
	v15 =	vpop (erf);
	v8 =	vmax.f32 v8, v13;
	(erf) = vpow2.f32 v10  }
0x16b: {  	s18 =	sadd.s32 $0x40, s23;
	v9 =	vmax.f32 v9, v14;
	[tilespmem:s14+$0x0] =	vst v11;
	v16 =	vmul.f32 v1, v15;
	v8 =	vmul.f32 $1.442695020e+00, v8  }
0x16c: {  	s17 =	sadd.s32 $0x180, s14;
	[tilespmem:s18+$0x10] =	vst v15;
	v9 =	vmul.f32 $1.442695020e+00, v9;
	v10 =	vpop (erf)  }
0x16d: {  	[tilespmem:s17+$0x60] =	vst v16;
	(erf) = vpow2.f32 v8;
	v8 =	vmul.f32 v1, v10  }
0x16e: {  	[tilespmem:s18+$0xFFFFFFF0] =	vst v10;
	v10 =	vpop (erf)  }
0x16f: {  	[tilespmem:s18+$0xFFFFFFE0] =	vst v10;
	(erf) = vpow2.f32 v9;
	v9 =	vmul.f32 v1, v10  }
0x170: {  	[tilespmem:s17+$0xFFFFFFA0] =	vst v8  }
0x171: {  	[tilespmem:s17+$0xFFFFFF40] =	vst v9;
	v8 =	vpop (erf)  }
0x172: {  	s12 =	sadd.s32 $0x40, s18;
	v10 =	vpop (erf);
	[tilespmem:s18+$0x0] =	vst v8;
	v8 =	vmul.f32 v1, v8  }
0x173: {  	[tilespmem:s12+$0x10] =	vst v10;
	v9 =	vpop (erf)  }
0x174: {  	v11 =	vmul.f32 v1, v10;
	[tilespmem:s17+$0x0] =	vst v8;
	v8 =	vmul.f32 v1, v9  }
0x175: {  	s23 =	sadd.s32 $0x180, s17;
	[tilespmem:s12+$0xFFFFFFF0] =	vst v9  }
0x176: {  	[tilespmem:s23+$0x60] =	vst v11  }
0x177: {  	v9 =	vpop (erf);
	[tilespmem:s23+$0xFFFFFFA0] =	vst v8  }
0x178: {  	[tilespmem:s12+$0xFFFFFFE0] =	vst v9;
	v9 =	vmul.f32 v1, v9;
	v8 =	vpop (erf)  }
0x179: {  	[tilespmem:s12+$0x0] =	vst v8;
	v8 =	vmul.f32 v1, v8  }
0x17a: {  	s25 =	simm.s32 $0x0;
	[tilespmem:s23+$0xFFFFFF40] =	vst v9  }
0x17b: {  	s31 =	simm.s32 $0x10;
	v13 =	vor.u32 s25, v3;
	s12 =	simm.s32 $0x7360;
	[tilespmem:s23+$0x0] =	vst v8  }
0x17c: {  	v15 =	vor.u32 s31, v2;
	v16 =	vld [tilespmem:s12+$0x30]  }
0x17d: {  	s24 =	simm.s32 $0x30;
	v19 =	vor.u32 s25, v2;
	v17 =	vld [tilespmem:s12+$0xFFFFFFD0]  }
0x17e: {  	v20 =	vor.u32 s24, v3;
	v18 =	vld [tilespmem:s12+$0xFFFFFFA0]  }
0x17f: {  	v10 =	vmov s25;
	v23 =	vld [tilespmem:s12+$0x0]  }
0x180: {  	s18 =	simm.s32 $0x20;
	v9 =	vmov s24;
	v14 =	vld.idx.msk [tilespmem:v13+s29+$0x0], $0xffff  }
0x181: {  	v8 =	vor.u32 s18, v5;
	v26 =	vld.idx.msk [tilespmem:v15+s29+$0x0], $0xffff  }
0x182: {  	v11 =	vor.u32 $0x3, v10;
	v19 =	vld.idx.msk [tilespmem:v19+s29+$0x0], $0xffff  }
0x183: {  	v13 =	vmov s18;
	v15 =	vld.idx.msk [tilespmem:v20+s29+$0x0], $0xffff  }
0x184: {  	v20 =	vor.u32 s24, v2;
	v10 =	vld.idx.msk [tilespmem:v10+s29+$0x0], $0xffff  }
0x185: {  	v27 =	vor.u32 s18, v3;
	v21 =	vld.idx.msk [tilespmem:v9+s29+$0x0], $0xffff  }
0x186: {  	v9 =	vor.u32 $0x3, v9;
	v12 =	vld.idx.msk [tilespmem:v8+s29+$0x0], $0xffff  }
0x187: {  	v8 =	vld.idx.msk [tilespmem:v11+s29+$0x0], $0xffff;
	v11 =	vor.u32 s18, v2  }
0x188: {  	v22 =	vor.u32 s31, v3;
	v28 =	vld.idx.msk [tilespmem:v13+s29+$0x0], $0xffff  }
0x189: {  	v24 =	vor.u32 s25, v5;
	v63 =	vld.idx.msk [tilespmem:v20+s29+$0x0], $0xffff  }
0x18a: {  	v29 =	vor.u32 s24, v5;
	v20 =	vld.idx.msk [tilespmem:v27+s29+$0x0], $0xffff  }
0x18b: {  	v13 =	vor.u32 $0x3, v13;
	v9 =	vld.idx.msk [tilespmem:v9+s29+$0x0], $0xffff  }
0x18c: {  	v30 =	vmov s31;
	v31 =	vunpack.i.u.bf16.f32 v18;
	v25 =	vld.idx.msk [tilespmem:v11+s29+$0x0], $0xffff  }
0x18d: {  	v32 =	vor.u32 $0x3, v30;
	v18 =	vunpack.i.l.bf16.f32 v18;
	v19 =	vmul.f32 v31, v19;
	v11 =	vld.idx.msk [tilespmem:v22+s29+$0x0], $0xffff  }
0x18e: {  	s14 =	simm.s32 $0x8BC0;
	v10 =	vmul.f32 v18, v10;
	v22 =	vld.idx.msk [tilespmem:v24+s29+$0x0], $0xffff  }
0x18f: {  	v33 =	vor.u32 s31, v5;
	[tilespmem:s14+$0xFFFFFF50] =	vst v19;
	v19 =	vld.idx.msk [tilespmem:v29+s29+$0x0], $0xffff  }
0x190: {  	v18 =	vunpack.i.l.bf16.f32 v16;
	[tilespmem:s14+$0xFFFFFF40] =	vst v10;
	v10 =	vld.idx.msk [tilespmem:v13+s29+$0x0], $0xffff  }
0x191: {  	v18 =	vmul.f32 v18, v21;
	v13 =	vunpack.i.l.bf16.f32 v23;
	v24 =	vld [tilespmem:s12+$0xFFFFFFB0]  }
0x192: {  	v21 =	vunpack.i.u.bf16.f32 v23;
	v23 =	vunpack.i.u.bf16.f32 v17;
	v27 =	vmul.f32 v13, v28;
	v13 =	vld.idx.msk [tilespmem:v32+s29+$0x0], $0xffff  }
0x193: {  	[tilespmem:s14+$0x60] =	vst v18;
	v23 =	vmul.f32 v23, v26;
	v26 =	vld.idx.msk [tilespmem:v30+s29+$0x0], $0xffff;
	v25 =	vmul.f32 v21, v25;
	v21 =	vunpack.i.u.bf16.f32 v16  }
0x194: {  	s30 =	simm.s32 $0x7420;
	s17 =	simm.s32 $0x8BC0;
	s23 =	simm.s32 $0x70;
	v18 =	vunpack.i.l.bf16.f32 v17;
	[tilespmem:s14+$0x0] =	vst v27;
	v16 =	vld.idx.msk [tilespmem:v33+s29+$0x0], $0xffff;
	v27 =	vmul.f32 v21, v63  }
.LBB2_15:
0x195: {  	s18 =	sadd.s32 $0xFFFFFFD0, s23;
	s24 =	sadd.s32 $0xFFFFFFF0, s23;
	v28 =	vmov s23;
	v29 =	vor.u32 s23, v3;
	v17 =	vld [tilespmem:s30+$0x30];
	s11 =	sadd.s32 $0x4, s11;
	[tilespmem:s14+$0x10] =	vst v25  }
0x196: {  	v25 =	vmov s18;
	v30 =	vld [tilespmem:s30+$0xFFFFFFD0];
	v31 =	vor.u32 s24, v5;
	p0 =	slt.u32 s11, $0x7C;
	v32 =	vunpack.i.l.bf16.f32 v24;
	[tilespmem:s14+$0x70] =	vst v27  }
0x197: {  	s25 =	sadd.s32 $0xFFFFFFE0, s23;
	v27 =	vor.u32 s18, v2;
	v24 =	vunpack.i.u.bf16.f32 v24;
	v33 =	vor.u32 $0x3, v25;
	v34 =	vld [tilespmem:s12+$0x40]  }
0x198: {  	v21 =	vmov s25;
	v35 =	vor.u32 $0x3, v28;
	v22 =	vmul.f32 v24, v22;
	v24 =	vld [tilespmem:s12+$0x10]  }
0x199: {  	v36 =	vor.u32 s18, v3;
	v38 =	vor.u32 s25, v2;
	v39 =	vor.u32 $0x3, v21;
	v37 =	vld [tilespmem:s30+$0xFFFFFFA0]  }
0x19a: {  	v40 =	vmov s24;
	v14 =	vmul.f32 v32, v14;
	v18 =	vmul.f32 v18, v26;
	v28 =	vld.idx.msk [tilespmem:v28+s29+$0x0], $0xffff;
	[tilespmem:s14+$0xFFFFFF70] =	vst v22  }
0x19b: {  	v22 =	vor.u32 s24, v2;
	v26 =	vld [tilespmem:s30+$0x0]  }
0x19c: {  	v32 =	vor.u32 s18, v5;
	v31 =	vld.idx.msk [tilespmem:v31+s29+$0x0], $0xffff;
	[tilespmem:s14+$0xFFFFFF60] =	vst v14;
	v41 =	vunpack.i.u.bf16.f32 v34;
	v14 =	vunpack.i.l.bf16.f32 v34  }
0x19d: {  	v34 =	vor.u32 s25, v3;
	v42 =	vld [tilespmem:s12+$0xFFFFFFC0];
	[tilespmem:s14+$0xFFFFFFA0] =	vst v18;
	v18 =	vunpack.i.l.bf16.f32 v24;
	v15 =	vmul.f32 v14, v15  }
0x19e: {  	v43 =	vor.u32 s25, v5;
	v24 =	vunpack.i.u.bf16.f32 v24;
	v33 =	vld.idx.msk [tilespmem:v33+s29+$0x0], $0xffff;
	v18 =	vmul.f32 v18, v20  }
0x19f: {  	v41 =	vmul.f32 v41, v19;
	v20 =	vor.u32 s24, v3;
	v24 =	vmul.f32 v24, v12;
	v14 =	vld.idx.msk [tilespmem:v36+s29+$0x0], $0xffff;
	[tilespmem:s14+$0x80] =	vst v15  }
0x1a0: {  	v19 =	vunpack.i.l.bf16.f32 v37;
	v36 =	vld.idx.msk [tilespmem:v38+s29+$0x0], $0xffff;
	[tilespmem:s14+$0xFFFFFFB0] =	vst v23  }
0x1a1: {  	v23 =	vld.idx.msk [tilespmem:v27+s29+$0x0], $0xffff;
	v27 =	vunpack.i.u.bf16.f32 v37;
	v37 =	vor.u32 $0x3, v40;
	[tilespmem:s14+$0x20] =	vst v18  }
0x1a2: {  	v18 =	vunpack.i.l.bf16.f32 v30;
	s14 =	sadd.s32 $0x180, s14;
	v12 =	vmov v31;
	v15 =	vunpack.i.l.bf16.f32 v42;
	v38 =	vld [tilespmem:s12+$0xFFFFFFE0];
	[tilespmem:s17+$0x90] =	vst v41  }
0x1a3: {  	v30 =	vunpack.i.u.bf16.f32 v30;
	v31 =	vld.idx.msk [tilespmem:v35+s29+$0x0], $0xffff;
	v35 =	vmul.f32 v15, v8  }
0x1a4: {  	v41 =	vunpack.i.l.bf16.f32 v26;
	v8 =	vmov v33;
	v15 =	vld.idx.msk [tilespmem:v29+s29+$0x0], $0xffff  }
0x1a5: {  	v26 =	vunpack.i.u.bf16.f32 v26;
	v29 =	vunpack.i.l.bf16.f32 v17;
	[tilespmem:s17+$0xFFFFFF80] =	vst v35;
	v33 =	vld [tilespmem:s12+$0x50]  }
0x1a6: {  	v28 =	vmul.f32 v29, v28;
	v35 =	vld.idx.msk [tilespmem:v22+s29+$0x0], $0xffff  }
0x1a7: {  	v25 =	vld.idx.msk [tilespmem:v25+s29+$0x0], $0xffff;
	v22 =	vunpack.i.u.bf16.f32 v38;
	v29 =	vunpack.i.l.bf16.f32 v38  }
0x1a8: {  	v38 =	vld.idx.msk [tilespmem:v40+s29+$0x0], $0xffff;
	v40 =	vor.u32 s23, v2;
	v29 =	vmul.f32 v29, v11;
	v16 =	vmul.f32 v22, v16  }
0x1a9: {  	v11 =	vld.idx.msk [tilespmem:v34+s29+$0x0], $0xffff;
	[tilespmem:s17+$0x30] =	vst v24  }
0x1aa: {  	v23 =	vmul.f32 v27, v23;
	v24 =	vor.u32 s23, v5;
	[tilespmem:s17+$0xFFFFFFC0] =	vst v29;
	v27 =	vld [tilespmem:s12+$0x20];
	v29 =	vunpack.i.l.bf16.f32 v33  }
0x1ab: {  	v22 =	vld.idx.msk [tilespmem:v32+s29+$0x0], $0xffff;
	[tilespmem:s17+$0xFFFFFFD0] =	vst v16;
	v16 =	vmul.f32 v29, v9;
	v9 =	vmov v31  }
0x1ac: {  	[tilespmem:s14+$0xFFFFFF50] =	vst v23;
	v29 =	vld [tilespmem:s12+$0xFFFFFFF0];
	s12 =	smov.u32 s30  }
0x1ad: {  	v19 =	vmul.f32 v19, v25;
	v25 =	vmul.f32 v26, v35;
	v26 =	vld.idx.msk [tilespmem:v40+s29+$0x0], $0xffff;
	[tilespmem:s17+$0xA0] =	vst v16  }
0x1ae: {  	v16 =	vmul.f32 v41, v38;
	v20 =	vld.idx.msk [tilespmem:v20+s29+$0x0], $0xffff  }
0x1af: {  	v23 =	vmul.f32 v30, v36;
	[tilespmem:s14+$0xFFFFFF40] =	vst v19;
	v19 =	vld.idx.msk [tilespmem:v24+s29+$0x0], $0xffff;
	v24 =	vunpack.i.l.bf16.f32 v27  }
.Ltmp6:
0x1b0: {  	[tilespmem:s14+$0x60] =	vst v28;
	v27 =	vmul.f32 v24, v10;
	v10 =	vld.idx.msk [tilespmem:v37+s29+$0x0], $0xffff;
	(pc) =	sbr.rel @p0 .LBB2_15-.Ltmp6, $4  }
0x1b1: {  	v24 =	vld [tilespmem:s30+$0xFFFFFFB0];
	[tilespmem:s14+$0x0] =	vst v16;
	v16 =	vunpack.i.l.bf16.f32 v29  }
0x1b2: {  	v17 =	vunpack.i.u.bf16.f32 v17;
	v28 =	vmul.f32 v16, v13;
	v13 =	vld.idx.msk [tilespmem:v39+s29+$0x0], $0xffff;
	[tilespmem:s17+$0x40] =	vst v27  }
0x1b3: {  	v27 =	vmul.f32 v17, v26;
	v16 =	vld.idx.msk [tilespmem:v43+s29+$0x0], $0xffff  }
0x1b4: {  	s23 =	sadd.s32 $0x40, s23;
	s30 =	sadd.s32 $0xC0, s30;
	v26 =	vld.idx.msk [tilespmem:v21+s29+$0x0], $0xffff;
	[tilespmem:s17+$0xFFFFFFE0] =	vst v28;
	s17 =	smov.u32 s14  }
0x1b5: {  	_ =	sdelay $0x1  }
0x1b6: {  	[tilespmem:s14+$0x70] =	vst v27  }
0x1b7: {  	[tilespmem:s14+$0x10] =	vst v25;
	v17 =	vld [tilespmem:s12+$0x40]  }
0x1b8: {  	v21 =	vld [tilespmem:s12+$0x10];
	v18 =	vmul.f32 v18, v26  }
0x1b9: {  	[tilespmem:s14+$0xFFFFFFB0] =	vst v23  }
0x1ba: {  	v50 =	vunpack.i.l.bf16.f32 v24;
	[tilespmem:s14+$0xFFFFFFA0] =	vst v18  }
0x1bb: {  	v49 =	vunpack.i.u.bf16.f32 v24;
	v14 =	vmul.f32 v50, v14;
	v51 =	vld [tilespmem:s12+$0xFFFFFFE0]  }
0x1bc: {  	v18 =	vmul.f32 v49, v22;
	v52 =	vunpack.i.l.bf16.f32 v17  }
0x1bd: {  	[tilespmem:s14+$0xFFFFFF60] =	vst v14;
	v53 =	vunpack.i.l.bf16.f32 v21;
	v15 =	vmul.f32 v52, v15  }
0x1be: {  	v54 =	vunpack.i.u.bf16.f32 v17;
	v55 =	vmul.f32 v53, v20;
	[tilespmem:s14+$0xFFFFFF70] =	vst v18  }
0x1bf: {  	v56 =	vunpack.i.u.bf16.f32 v21;
	v14 =	vmul.f32 v54, v19;
	[tilespmem:s14+$0x80] =	vst v15  }
0x1c0: {  	v12 =	vmul.f32 v56, v12;
	[tilespmem:s14+$0x20] =	vst v55;
	v57 =	vunpack.i.l.bf16.f32 v51  }
0x1c1: {  	[tilespmem:s17+$0x90] =	vst v14;
	v58 =	vunpack.i.u.bf16.f32 v51;
	v11 =	vmul.f32 v57, v11  }
0x1c2: {  	v59 =	vld [tilespmem:s12+$0xFFFFFFC0];
	[tilespmem:s17+$0x30] =	vst v12;
	v14 =	vmul.f32 v58, v16  }
0x1c3: {  	v60 =	vld [tilespmem:s12+$0x50];
	[tilespmem:s17+$0xFFFFFFC0] =	vst v11  }
0x1c4: {  	v61 =	vld [tilespmem:s12+$0x20];
	[tilespmem:s17+$0xFFFFFFD0] =	vst v14  }
0x1c5: {  	v14 =	vld [tilespmem:s12+$0xFFFFFFF0];
	_ =	sdelay $0x1  }
0x1c6: {  	v15 =	vunpack.i.l.bf16.f32 v59  }
0x1c7: {  	s10 =	sadd.s32 $0x1, s10;
	v8 =	vmul.f32 v15, v8;
	v12 =	vunpack.i.l.bf16.f32 v60  }
0x1c8: {  	p0 =	sne.s32 s10, $0x29;
	v11 =	vunpack.i.l.bf16.f32 v61;
	v9 =	vmul.f32 v12, v9  }
.Ltmp7:
0x1c9: {  	[tilespmem:s17+$0xFFFFFF80] =	vst v8;
	v8 =	vmul.f32 v11, v10;
	v62 =	vunpack.i.l.bf16.f32 v14;
	(pc) =	sbr.rel @p0 .LBB2_4-.Ltmp7, $4  }
0x1ca: {  	[tilespmem:s17+$0xA0] =	vst v9;
	v63 =	vmul.f32 v62, v13  }
0x1cb: {  	[tilespmem:s17+$0x40] =	vst v8  }
0x1cc: {  	s11 =	simm.s32 $0x6280;
	s31 =	simm.s32 $0x8B00;
	[tilespmem:s17+$0xFFFFFFE0] =	vst v63  }
0x1cd: {  	[spmem:s1] =	stream.indirect.scatter.add.f32 [tilespmem:s31], [sflag:$0x6], $0x60, s11, s19, $0xb8;
	[tilespmem:$0x1B300] =	vst v63  }
0x1ce: {  	_ =	swait.ge [sflag:s26], $0x800  }
0x1cf: {  	[sflag:s26] =	ssyncset.done $0x0  }
0x1d0: {  	[sflag:s26] =	ssyncadd.s32 $0xFFFFF800  }
0x1d1: {  	_ =	swait.ge [sflag:s26], $0x800  }
0x1d2: {  	[sflag:s26] =	ssyncset.done $0x0  }
0x1d3: {  	[sflag:s26] =	ssyncadd.s32 $0xFFFFF800  }
0x1d4: {  	_ =	swait.ge [sflag:s26], $0x1800  }
0x1d5: {  	[sflag:s26] =	ssyncset.done $0x0  }
0x1d6: {  	[sflag:s26] =	ssyncadd.s32 $0xFFFFE800  }
0x1d7: {  	_ =	swait.ge [sflag:s0], $0x80  }
0x1d8: {  	[sflag:s0] =	ssyncset.done $0x0  }
0x1d9: {  	[sflag:s0] =	ssyncadd.s32 $0xFFFFFF80  }
0x1da: {  	_ =	swait.ge [sflag:s0], $0x80  }
0x1db: {  	[sflag:s0] =	ssyncset.done $0x0  }
0x1dc: {  	s10 =	simm.s32 $0x3;
	[sflag:s0] =	ssyncadd.s32 $0xFFFFFF80  }
0x1dd: {  	_ =	swait.ge [sflag:s10], $0x3000  }
0x1de: {  	[sflag:s10] =	ssyncset.done $0x0  }
0x1df: {  	s18 =	simm.s32 $0x6;
	[sflag:s10] =	ssyncadd.s32 $0xFFFFD000  }
0x1e0: {  	_ =	swait.ge [sflag:s18], $0x3000  }
0x1e1: {  	[sflag:s18] =	ssyncset.done $0x0  }
0x1e2: {  	[sflag:s18] =	ssyncadd.s32 $0xFFFFD000  }
0x1e3: {  	[bflag:$0x0] =	sbarrier.arrive $0xFFFF  }
0x1e4: {  	s24 =	simm.s32 $0x7;
	s12 =	rddreg [dreg:$0x3]  }
0x1e5: {  	[tilespmem:s3], [sflag:$0x7] =	stream.linear.gather [spmem:s12], $0x3000, $0x38;
	[tilespmem:$0x1B300] =	vst v63  }
0x1e6: {  	_ =	swait.ge [sflag:s24], $0x3000  }
0x1e7: {  	[sflag:s24] =	ssyncset.done $0x0  }
0x1e8: {  	s10 =	simm.s32 $0x0;
	s11 =	rddreg [dreg:$0x8];
	[sflag:s24] =	ssyncadd.s32 $0xFFFFD000  }
0x1e9: {  	[hbm4b:s11+s10] =	stream.linear.scatter [tilespmem:s3], [sflag:$0x7], $0x3000, $0x38;
	[tilespmem:$0x1B300] =	vst v63  }
0x1ea: {  	_ =	swait.ge [sflag:s24], $0x3000  }
0x1eb: {  	[sflag:s24] =	ssyncset.done $0x0  }
0x1ec: {  	s14 =	rddreg [dreg:$0x12];
	[sflag:s24] =	ssyncadd.s32 $0xFFFFD000  }
0x1ed: {  	[tilespmem:s3], [sflag:$0x7] =	stream.linear.gather [spmem:s14], $0x3000, $0x38;
	[tilespmem:$0x1B300] =	vst v63  }
0x1ee: {  	_ =	swait.ge [sflag:s24], $0x3000  }
0x1ef: {  	[sflag:s24] =	ssyncset.done $0x0  }
0x1f0: {  	s23 =	rddreg [dreg:$0x9];
	[sflag:s24] =	ssyncadd.s32 $0xFFFFD000  }
0x1f1: {  	[hbm4b:s23+s10] =	stream.linear.scatter [tilespmem:s3], [sflag:$0x7], $0x3000, $0x38;
	[tilespmem:$0x1B300] =	vst v63  }
0x1f2: {  	_ =	swait.ge [sflag:s24], $0x3000  }
0x1f3: {  	[sflag:s24] =	ssyncset.done $0x0  }
0x1f4: {  	s17 =	rddreg [dreg:$0x13];
	[sflag:s24] =	ssyncadd.s32 $0xFFFFD000  }
0x1f5: {  	[tilespmem:s3], [sflag:$0x7] =	stream.linear.gather [spmem:s17], $0x3000, $0x38;
	[tilespmem:$0x1B300] =	vst v63  }
0x1f6: {  	_ =	swait.ge [sflag:s24], $0x3000  }
0x1f7: {  	[sflag:s24] =	ssyncset.done $0x0  }
0x1f8: {  	s25 =	rddreg [dreg:$0xa];
	[sflag:s24] =	ssyncadd.s32 $0xFFFFD000  }
0x1f9: {  	[hbm4b:s25+s10] =	stream.linear.scatter [tilespmem:s3], [sflag:$0x7], $0x3000, $0x38;
	[tilespmem:$0x1B300] =	vst v63  }
0x1fa: {  	_ =	swait.ge [sflag:s24], $0x3000  }
0x1fb: {  	[sflag:s24] =	ssyncset.done $0x0  }
0x1fc: {  	s18 =	rddreg [dreg:$0x14];
	[sflag:s24] =	ssyncadd.s32 $0xFFFFD000  }
0x1fd: {  	[tilespmem:s3], [sflag:$0x7] =	stream.linear.gather [spmem:s18], $0x3000, $0x38;
	[tilespmem:$0x1B300] =	vst v63  }
0x1fe: {  	_ =	swait.ge [sflag:s24], $0x3000  }
0x1ff: {  	[sflag:s24] =	ssyncset.done $0x0  }
0x200: {  	s30 =	rddreg [dreg:$0xb];
	[sflag:s24] =	ssyncadd.s32 $0xFFFFD000  }
0x201: {  	[hbm4b:s30+s10] =	stream.linear.scatter [tilespmem:s3], [sflag:$0x7], $0x3000, $0x38;
	[tilespmem:$0x1B300] =	vst v63  }
0x202: {  	_ =	swait.ge [sflag:s24], $0x3000  }
0x203: {  	[sflag:s24] =	ssyncset.done $0x0  }
0x204: {  	s23 =	rddreg [dreg:$0x15];
	[sflag:s24] =	ssyncadd.s32 $0xFFFFD000  }
0x205: {  	[tilespmem:s3], [sflag:$0x7] =	stream.linear.gather [spmem:s23], $0x3000, $0x38;
	[tilespmem:$0x1B300] =	vst v63  }
0x206: {  	_ =	swait.ge [sflag:s24], $0x3000  }
0x207: {  	[sflag:s24] =	ssyncset.done $0x0  }
0x208: {  	s31 =	rddreg [dreg:$0xc];
	[sflag:s24] =	ssyncadd.s32 $0xFFFFD000  }
0x209: {  	[hbm4b:s31+s10] =	stream.linear.scatter [tilespmem:s3], [sflag:$0x7], $0x3000, $0x38;
	[tilespmem:$0x1B300] =	vst v63  }
0x20a: {  	_ =	swait.ge [sflag:s24], $0x3000  }
0x20b: {  	[sflag:s24] =	ssyncset.done $0x0  }
0x20c: {  	[sflag:s24] =	ssyncadd.s32 $0xFFFFD000  }
0x20d: {  	s10 =	simm.s32 $0x0;
	[bflag:$0x0] =	sbarrier.arrive $0xFFFF  }
0x20e: {  	[tilespmem:s10+$0x29D0] =	vst v0  }
0x20f: {  	[tilespmem:s10+$0x2980] =	vst v0  }
0x210: {  	[tilespmem:s10+$0x2990] =	vst v0  }
0x211: {  	[tilespmem:s10+$0x29A0] =	vst v0  }
0x212: {  	s11 =	simm.s32 $0x180;
	[tilespmem:s10+$0x29B0] =	vst v0  }
.LBB2_18:
0x213: {  	p0 =	sne.s32 s11, $0xBE80;
	[tilespmem:s10+$0x29C0] =	vst v0;
	s10 =	sshra.s32 s11, $0x2;
	s11 =	sadd.s32 $0x180, s11  }
.Ltmp8:
0x214: {  	[tilespmem:s10+$0x29D0] =	vst v0;
	(pc) =	sbr.rel @p0 .LBB2_18-.Ltmp8, $4  }
0x215: {  	[tilespmem:s10+$0x2980] =	vst v0  }
0x216: {  	[tilespmem:s10+$0x2990] =	vst v0  }
0x217: {  	[tilespmem:s10+$0x29A0] =	vst v0  }
0x218: {  	[tilespmem:s10+$0x29B0] =	vst v0  }
0x219: {  	[tilespmem:s10+$0x29C0] =	vst v0  }
0x21a: {  	[spmem:s12] =	stream.linear.scatter [tilespmem:s3], [sflag:$0x7], $0x3000, $0x38;
	[tilespmem:$0x1B300] =	vst v63  }
0x21b: {  	_ =	swait.ge [sflag:s24], $0x3000  }
0x21c: {  	[sflag:s24] =	ssyncset.done $0x0  }
0x21d: {  	[sflag:s24] =	ssyncadd.s32 $0xFFFFD000  }
0x21e: {  	[spmem:s14] =	stream.linear.scatter [tilespmem:s3], [sflag:$0x7], $0x3000, $0x38;
	[tilespmem:$0x1B300] =	vst v63  }
0x21f: {  	_ =	swait.ge [sflag:s24], $0x3000  }
0x220: {  	[sflag:s24] =	ssyncset.done $0x0  }
0x221: {  	[sflag:s24] =	ssyncadd.s32 $0xFFFFD000  }
0x222: {  	[spmem:s17] =	stream.linear.scatter [tilespmem:s3], [sflag:$0x7], $0x3000, $0x38;
	[tilespmem:$0x1B300] =	vst v63  }
0x223: {  	_ =	swait.ge [sflag:s24], $0x3000  }
0x224: {  	[sflag:s24] =	ssyncset.done $0x0  }
0x225: {  	[sflag:s24] =	ssyncadd.s32 $0xFFFFD000  }
0x226: {  	[spmem:s18] =	stream.linear.scatter [tilespmem:s3], [sflag:$0x7], $0x3000, $0x38;
	[tilespmem:$0x1B300] =	vst v63  }
0x227: {  	_ =	swait.ge [sflag:s24], $0x3000  }
0x228: {  	[sflag:s24] =	ssyncset.done $0x0  }
0x229: {  	[sflag:s24] =	ssyncadd.s32 $0xFFFFD000  }
0x22a: {  	[spmem:s23] =	stream.linear.scatter [tilespmem:s3], [sflag:$0x7], $0x3000, $0x38;
	[tilespmem:$0x1B300] =	vst v63  }
0x22b: {  	_ =	swait.ge [sflag:s24], $0x3000  }
0x22c: {  	[sflag:s24] =	ssyncset.done $0x0  }
0x22d: {  	[sflag:s24] =	ssyncadd.s32 $0xFFFFD000  }
0x22e: {  	[bflag:$0x0] =	sbarrier.arrive $0xFFFF  }
0x22f: {  	s10 =	simm.s32 $0x0;
	s11 =	rddreg [dreg:$0x4]  }
0x230: {  	[tilespmem:s10], [sflag:$0x1] =	stream.linear.gather [hbm4b:s11+s10], $0x80, $0x38;
	[tilespmem:$0x1B300] =	vst v63  }
0x231: {  	s18 =	rddreg [dreg:$0x5]  }
0x232: {  	[tilespmem:s19], [sflag:$0x1] =	stream.linear.gather [hbm4b:s18+s10], $0x80, $0x38;
	[tilespmem:$0x1B300] =	vst v63  }
0x233: {  	s23 =	rddreg [dreg:$0x6]  }
0x234: {  	[tilespmem:s20], [sflag:$0x4] =	stream.linear.gather [hbm4b:s23+s10], $0x80, $0x38;
	[tilespmem:$0x1B300] =	vst v63  }
0x235: {  	s24 =	rddreg [dreg:$0x7]  }
0x236: {  	[tilespmem:s21], [sflag:$0x4] =	stream.linear.gather [hbm4b:s24+s10], $0x80, $0x38;
	[tilespmem:$0x1B300] =	vst v63  }
0x237: {  	_ =	swait.ge [sflag:s22], $0x80  }
0x238: {  	[sflag:s22] =	ssyncset.done $0x0  }
0x239: {  	[sflag:s22] =	ssyncadd.s32 $0xFFFFFF80  }
0x23a: {  	_ =	swait.ge [sflag:s22], $0x80  }
0x23b: {  	[sflag:s22] =	ssyncset.done $0x0  }
0x23c: {  	s25 =	simm.s32 $0x180;
	[sflag:s22] =	ssyncadd.s32 $0xFFFFFF80  }
0x23d: {  	[tilespmem:s25], [sflag:$0x2] =	stream.indirect.gather [hbm4b:s6+s19], $0x10, s10, s19, $0xb8;
	[tilespmem:$0x1B300] =	vst v63  }
0x23e: {  	s30 =	simm.s32 $0x980  }
0x23f: {  	[tilespmem:s30], [sflag:$0x2] =	stream.indirect.gather [hbm4b:s7+s19], $0x10, s19, s19, $0xb8;
	[tilespmem:$0x1B300] =	vst v63  }
0x240: {  	s31 =	simm.s32 $0x1180  }
0x241: {  	[tilespmem:s31], [sflag:$0x2] =	stream.indirect.gather [hbm4b:s9+s19], $0x30, s10, s19, $0xb8;
	[tilespmem:$0x1B300] =	vst v63  }
.LBB2_20:
0x242: {  	p0 =	seq.s32 s10, $0x0  }
0x243: {  	s11 =	simm.s32 @!p0 $0x3  }
0x244: {  	_ =	swait.ge @!p0 [sflag:s11], $0x3000  }
0x245: {  	[sflag:s11] =	ssyncset.done @!p0 $0x0  }
0x246: {  	[sflag:s11] =	ssyncadd.s32 @!p0 $0xFFFFD000  }
0x247: {  	_ =	swait.ge [sflag:s26], $0x800  }
0x248: {  	[sflag:s26] =	ssyncset.done $0x0  }
0x249: {  	[sflag:s26] =	ssyncadd.s32 $0xFFFFF800  }
0x24a: {  	_ =	swait.ge [sflag:s26], $0x800  }
0x24b: {  	[sflag:s26] =	ssyncset.done $0x0  }
0x24c: {  	[sflag:s26] =	ssyncadd.s32 $0xFFFFF800  }
0x24d: {  	_ =	swait.ge [sflag:s26], $0x1800  }
0x24e: {  	[sflag:s26] =	ssyncset.done $0x0  }
0x24f: {  	s11 =	simm.s32 $0x0;
	[sflag:s26] =	ssyncadd.s32 $0xFFFFE800  }
0x250: {  	s17 =	sshll.u32 s10, $0x8;
	s12 =	simm.s32 $0x40;
	v8 =	vld [tilespmem:s11+$0x80]  }
.LBB2_21:
0x251: {  	p1 =	sne.s32 s12, $0x1C0  }
.Ltmp9:
0x252: {  	_ = 	snop;
	(pc) =	sbr.rel @p1 .LBB2_21-.Ltmp9, $3  }
0x253: {  	_ =	sdelay $0x1  }
0x254: {  	[tilespmem:s11+$0x100] =	vst v8;
	s11 =	sshra.s32 s12, $0x2;
	s12 =	sadd.s32 $0x40, s12  }
0x255: {  	v8 =	vld [tilespmem:s11+$0x80]  }
0x256: {  	_ =	sdelay $0x1  }
0x257: {  	s12 =	sadd.s32 s17, s15  }
0x258: {  	s12 =	sshrl.u32 s12, $0x3  }
0x259: {  	s25 =	sadd.s32 s4, s12;
	[tilespmem:s11+$0x100] =	vst v8  }
0x25a: {  	[tilespmem:s2], [sflag:$0x1] =	stream.linear.gather [hbm4b:s25+s2], $0x80, $0x38;
	[tilespmem:$0x1B300] =	vst v63  }
0x25b: {  	s12 =	sadd.s32 s5, s12  }
0x25c: {  	[tilespmem:s19], [sflag:$0x1] =	stream.linear.gather [hbm4b:s12+s2], $0x80, $0x38;
	[tilespmem:$0x1B300] =	vst v63  }
0x25d: {  	_ =	swait.ge [sflag:s0], $0x80  }
0x25e: {  	[sflag:s0] =	ssyncset.done $0x0  }
0x25f: {  	[sflag:s0] =	ssyncadd.s32 $0xFFFFFF80  }
0x260: {  	_ =	swait.ge [sflag:s0], $0x80  }
0x261: {  	[sflag:s0] =	ssyncset.done $0x0  }
0x262: {  	s14 =	simm.s32 $0x6300;
	[sflag:s0] =	ssyncadd.s32 $0xFFFFFF80  }
0x263: {  	[tilespmem:s14], [sflag:$0x5] =	stream.indirect.gather [hbm4b:s6+s19], $0x10, s20, s19, $0xb8;
	[tilespmem:$0x1B300] =	vst v63  }
0x264: {  	s18 =	simm.s32 $0x6B00  }
0x265: {  	[tilespmem:s18], [sflag:$0x5] =	stream.indirect.gather [hbm4b:s7+s19], $0x10, s21, s19, $0xb8;
	[tilespmem:$0x1B300] =	vst v63  }
0x266: {  	s23 =	simm.s32 $0x7300;
	s24 =	simm.s32 $0x1A0  }
0x267: {  	[tilespmem:s23], [sflag:$0x5] =	stream.indirect.gather [hbm4b:s9+s19], $0x30, s20, s19, $0xb8;
	[tilespmem:$0x1B300] =	vst v63  }
0x268: {  	s25 =	simm.s32 $0x9A0;
	v8 =	vld [tilespmem:s24+$0x10]  }
0x269: {  	v9 =	vld [tilespmem:s25+$0x10]  }
0x26a: {  	v10 =	vld [tilespmem:s25+$0xFFFFFFE0]  }
0x26b: {  	v11 =	vld [tilespmem:s24+$0xFFFFFFF0]  }
0x26c: {  	v12 =	vld [tilespmem:s25+$0xFFFFFFF0]  }
0x26d: {  	v13 =	vld [tilespmem:s24+$0x0]  }
0x26e: {  	v14 =	vld [tilespmem:s25+$0x0]  }
0x26f: {  	s14 =	simm.s32 $0x1E0;
	v8 =	vadd.f32 v9, v8;
	v9 =	vld [tilespmem:s24+$0xFFFFFFE0]  }
0x270: {  	s18 =	simm.s32 $0x9E0;
	v15 =	vld [tilespmem:s14+$0x10]  }
0x271: {  	v11 =	vadd.f32 v12, v11;
	v12 =	vld [tilespmem:s18+$0x10]  }
0x272: {  	v18 =	vld [tilespmem:s14+$0xFFFFFFF0];
	v16 =	vmul.f32 $2.000000030e-01, v8  }
0x273: {  	v19 =	vld [tilespmem:s18+$0x0];
	v17 =	vmul.f32 $2.000000030e-01, v11  }
0x274: {  	v8 =	vmax.f32 v8, v16;
	v16 =	vld [tilespmem:s18+$0xFFFFFFE0];
	v9 =	vadd.f32 v10, v9  }
0x275: {  	v11 =	vmax.f32 v11, v17;
	v8 =	vmul.f32 $1.442695020e+00, v8;
	v10 =	vadd.f32 v14, v13;
	v13 =	vld [tilespmem:s18+$0xFFFFFFF0]  }
0x276: {  	v17 =	vld [tilespmem:s14+$0xFFFFFFE0];
	v12 =	vadd.f32 v12, v15;
	v11 =	vmul.f32 $1.442695020e+00, v11;
	v14 =	vmul.f32 $2.000000030e-01, v9  }
0x277: {  	s24 =	simm.s32 $0xA20;
	(erf) = vpow2.f32 v8;
	v8 =	vld [tilespmem:s14+$0x0];
	v15 =	vmul.f32 $2.000000030e-01, v10  }
0x278: {  	s23 =	simm.s32 $0x220;
	(erf) = vpow2.f32 v11;
	v11 =	vld [tilespmem:s24+$0x10];
	v9 =	vmax.f32 v9, v14;
	v14 =	vmul.f32 $2.000000030e-01, v12  }
0x279: {  	v10 =	vmax.f32 v10, v15;
	v15 =	vld [tilespmem:s23+$0x10];
	v9 =	vmul.f32 $1.442695020e+00, v9  }
0x27a: {  	v21 =	vld [tilespmem:s23+$0xFFFFFFE0];
	v10 =	vmul.f32 $1.442695020e+00, v10;
	v13 =	vadd.f32 v13, v18;
	v12 =	vmax.f32 v12, v14  }
0x27b: {  	v16 =	vadd.f32 v16, v17;
	v17 =	vld [tilespmem:s24+$0xFFFFFFF0];
	(erf) = vpow2.f32 v9;
	v12 =	vmul.f32 $1.442695020e+00, v12  }
0x27c: {  	v14 =	vld [tilespmem:s23+$0xFFFFFFF0];
	v8 =	vadd.f32 v19, v8;
	(erf) = vpow2.f32 v10;
	v10 =	vmul.f32 $2.000000030e-01, v13  }
0x27d: {  	v20 =	vld [tilespmem:s24+$0x0];
	v18 =	vmul.f32 $2.000000030e-01, v16;
	(erf) = vpow2.f32 v12  }
0x27e: {  	v12 =	vld [tilespmem:s23+$0x0];
	v11 =	vadd.f32 v11, v15;
	v10 =	vmax.f32 v13, v10;
	v13 =	vmul.f32 $2.000000030e-01, v8  }
0x27f: {  	v9 =	vld [tilespmem:s24+$0xFFFFFFE0];
	v16 =	vmax.f32 v16, v18  }
0x280: {  	v19 =	vpop (erf);
	v10 =	vmul.f32 $1.442695020e+00, v10;
	v8 =	vmax.f32 v8, v13;
	v13 =	vmul.f32 $2.000000030e-01, v11  }
0x281: {  	s25 =	simm.s32 $0x59A0;
	s18 =	simm.s32 $0x260;
	v16 =	vmul.f32 $1.442695020e+00, v16;
	v14 =	vadd.f32 v17, v14;
	v15 =	vmul.f32 v1, v19  }
0x282: {  	s12 =	simm.s32 $0x2A90;
	s23 =	simm.s32 $0xA60;
	[tilespmem:s25+$0x10] =	vst v19;
	v19 =	vld [tilespmem:s18+$0x10];
	v18 =	vmul.f32 $1.442695020e+00, v8;
	(erf) = vpow2.f32 v10;
	v10 =	vmax.f32 v11, v13  }
0x283: {  	[tilespmem:s12+$0x60] =	vst v15;
	v15 =	vld [tilespmem:s23+$0x10];
	v12 =	vadd.f32 v20, v12;
	v8 =	vpop (erf);
	(erf) = vpow2.f32 v16;
	v17 =	vmul.f32 $1.442695020e+00, v10  }
0x284: {  	v20 =	vadd.f32 v9, v21;
	v9 =	vld [tilespmem:s18+$0x0];
	v16 =	vmul.f32 $2.000000030e-01, v14;
	v11 =	vmul.f32 v1, v8;
	[tilespmem:s25+$0xFFFFFFF0] =	vst v8;
	v13 =	vpop (erf)  }
0x285: {  	v10 =	vld [tilespmem:s18+$0xFFFFFFF0];
	(erf) = vpow2.f32 v18;
	v63 =	vmul.f32 $2.000000030e-01, v12;
	[tilespmem:s25+$0xFFFFFFE0] =	vst v13  }
0x286: {  	v13 =	vmul.f32 v1, v13;
	v18 =	vpop (erf);
	(erf) = vpow2.f32 v17;
	v14 =	vmax.f32 v14, v16;
	[tilespmem:s12+$0xFFFFFFA0] =	vst v11;
	v11 =	vld [tilespmem:s23+$0xFFFFFFF0]  }
0x287: {  	v8 =	vld [tilespmem:s23+$0xFFFFFFE0];
	v22 =	vmul.f32 $2.000000030e-01, v20;
	[tilespmem:s25+$0x0] =	vst v18;
	v16 =	vmul.f32 $1.442695020e+00, v14;
	v17 =	vpop (erf)  }
0x288: {  	s30 =	simm.s32 $0x59E0;
	s31 =	simm.s32 $0xC;
	v14 =	vld [tilespmem:s23+$0x0];
	[tilespmem:s12+$0xFFFFFF40] =	vst v13;
	v15 =	vadd.f32 v15, v19;
	v13 =	vmax.f32 v12, v63;
	v23 =	vmul.f32 v1, v17  }
0x289: {  	s14 =	simm.s32 $0x2C10;
	s24 =	simm.s32 $0x2A0;
	v12 =	vld [tilespmem:s18+$0xFFFFFFE0];
	v19 =	vmax.f32 v20, v22;
	[tilespmem:s30+$0x10] =	vst v17;
	v13 =	vmul.f32 $1.442695020e+00, v13;
	v17 =	vmul.f32 v1, v18  }
0x28a: {  	s11 =	simm.s32 $0x4;
	v19 =	vmul.f32 $1.442695020e+00, v19;
	v18 =	vmul.f32 $2.000000030e-01, v15;
	[tilespmem:s14+$0x60] =	vst v23  }
.LBB2_23:
0x28b: {  	v20 =	vld [tilespmem:s24+$0x10];
	v21 =	vadd.f32 v11, v10;
	s23 =	sadd.s32 $0x40, s23;
	(erf) = vpow2.f32 v16;
	v10 =	vpop (erf);
	[tilespmem:s12+$0x0] =	vst v17;
	s12 =	smov.u32 s14;
	s31 =	sadd.s32 $0x4, s31  }
0x28c: {  	v16 =	vld [tilespmem:s23+$0x10];
	v11 =	vmax.f32 v15, v18;
	(erf) = vpow2.f32 v19;
	[tilespmem:s30+$0xFFFFFFF0] =	vst v10;
	v15 =	vmul.f32 v1, v10;
	v17 =	vpop (erf);
	p1 =	slt.u32 s31, $0x7C  }
0x28d: {  	v18 =	vld [tilespmem:s23+$0xFFFFFFE0];
	v19 =	vmul.f32 $2.000000030e-01, v21;
	v22 =	vadd.f32 v14, v9;
	v9 =	vmul.f32 $1.442695020e+00, v11;
	[tilespmem:s30+$0xFFFFFFE0] =	vst v17  }
0x28e: {  	v10 =	vld [tilespmem:s24+$0xFFFFFFF0];
	v8 =	vadd.f32 v8, v12;
	(erf) = vpow2.f32 v13;
	v12 =	vmul.f32 v1, v17;
	[tilespmem:s14+$0xFFFFFFA0] =	vst v15;
	v17 =	vpop (erf)  }
.Ltmp10:
0x28f: {  	v11 =	vld [tilespmem:s23+$0xFFFFFFF0];
	v13 =	vmax.f32 v21, v19;
	v19 =	vmul.f32 $2.000000030e-01, v22;
	(erf) = vpow2.f32 v9;
	v21 =	vpop (erf);
	[tilespmem:s30+$0x0] =	vst v17;
	(pc) =	sbr.rel @p1 .LBB2_23-.Ltmp10, $4  }
0x290: {  	s30 =	sadd.s32 $0x40, s30;
	v9 =	vld [tilespmem:s24+$0x0];
	v23 =	vmul.f32 $2.000000030e-01, v8;
	v24 =	vmul.f32 v1, v21;
	[tilespmem:s14+$0xFFFFFF40] =	vst v12  }
0x291: {  	s14 =	sadd.s32 $0x180, s14;
	v14 =	vld [tilespmem:s23+$0x0];
	v15 =	vadd.f32 v16, v20;
	v16 =	vmul.f32 $1.442695020e+00, v13;
	v13 =	vmax.f32 v22, v19;
	[tilespmem:s30+$0x10] =	vst v21  }
0x292: {  	v17 =	vmul.f32 v1, v17;
	v12 =	vld [tilespmem:s24+$0xFFFFFFE0];
	v19 =	vmax.f32 v8, v23;
	v13 =	vmul.f32 $1.442695020e+00, v13;
	[tilespmem:s14+$0x60] =	vst v24;
	v8 =	vmovc v18  }
0x293: {  	s24 =	sadd.s32 $0x40, s24;
	v18 =	vmul.f32 $2.000000030e-01, v15;
	v19 =	vmul.f32 $1.442695020e+00, v19  }
0x294: {  	v10 =	vadd.f32 v11, v10;
	(erf) = vpow2.f32 v16;
	v11 =	vpop (erf)  }
0x295: {  	v15 =	vmax.f32 v15, v18;
	(erf) = vpow2.f32 v19;
	v16 =	vmul.f32 v1, v11  }
0x296: {  	[tilespmem:s12+$0x0] =	vst v17;
	v17 =	vmul.f32 $2.000000030e-01, v10;
	v15 =	vmul.f32 $1.442695020e+00, v15  }
0x297: {  	[tilespmem:s30+$0xFFFFFFF0] =	vst v11;
	v11 =	vpop (erf);
	v9 =	vadd.f32 v14, v9;
	(erf) = vpow2.f32 v13;
	v8 =	vadd.f32 v8, v12  }
0x298: {  	[tilespmem:s30+$0xFFFFFFE0] =	vst v11;
	v11 =	vmul.f32 v1, v11;
	v12 =	vpop (erf);
	(erf) = vpow2.f32 v15;
	v10 =	vmax.f32 v10, v17  }
0x299: {  	[tilespmem:s14+$0xFFFFFFA0] =	vst v16;
	v13 =	vmul.f32 $2.000000030e-01, v8;
	v10 =	vmul.f32 $1.442695020e+00, v10  }
0x29a: {  	v14 =	vmul.f32 $2.000000030e-01, v9;
	[tilespmem:s14+$0xFFFFFF40] =	vst v11;
	v11 =	vmul.f32 v1, v12  }
0x29b: {  	[tilespmem:s30+$0x0] =	vst v12;
	v15 =	vpop (erf);
	v8 =	vmax.f32 v8, v13;
	(erf) = vpow2.f32 v10  }
0x29c: {  	s24 =	sadd.s32 $0x40, s30;
	v9 =	vmax.f32 v9, v14;
	[tilespmem:s14+$0x0] =	vst v11;
	v16 =	vmul.f32 v1, v15;
	v8 =	vmul.f32 $1.442695020e+00, v8  }
0x29d: {  	s18 =	sadd.s32 $0x180, s14;
	[tilespmem:s24+$0x10] =	vst v15;
	v9 =	vmul.f32 $1.442695020e+00, v9;
	v10 =	vpop (erf)  }
0x29e: {  	[tilespmem:s18+$0x60] =	vst v16;
	(erf) = vpow2.f32 v8;
	v8 =	vmul.f32 v1, v10  }
0x29f: {  	[tilespmem:s24+$0xFFFFFFF0] =	vst v10;
	v10 =	vpop (erf)  }
0x2a0: {  	[tilespmem:s24+$0xFFFFFFE0] =	vst v10;
	(erf) = vpow2.f32 v9;
	v9 =	vmul.f32 v1, v10  }
0x2a1: {  	[tilespmem:s18+$0xFFFFFFA0] =	vst v8  }
0x2a2: {  	[tilespmem:s18+$0xFFFFFF40] =	vst v9;
	v8 =	vpop (erf)  }
0x2a3: {  	s12 =	sadd.s32 $0x40, s24;
	v10 =	vpop (erf);
	[tilespmem:s24+$0x0] =	vst v8;
	v8 =	vmul.f32 v1, v8  }
0x2a4: {  	[tilespmem:s12+$0x10] =	vst v10;
	v9 =	vpop (erf)  }
0x2a5: {  	v11 =	vmul.f32 v1, v10;
	[tilespmem:s18+$0x0] =	vst v8;
	v8 =	vmul.f32 v1, v9  }
0x2a6: {  	s25 =	sadd.s32 $0x180, s18;
	[tilespmem:s12+$0xFFFFFFF0] =	vst v9  }
0x2a7: {  	[tilespmem:s25+$0x60] =	vst v11  }
0x2a8: {  	v9 =	vpop (erf);
	[tilespmem:s25+$0xFFFFFFA0] =	vst v8  }
0x2a9: {  	[tilespmem:s12+$0xFFFFFFE0] =	vst v9;
	v9 =	vmul.f32 v1, v9;
	v8 =	vpop (erf)  }
0x2aa: {  	[tilespmem:s12+$0x0] =	vst v8;
	v8 =	vmul.f32 v1, v8  }
0x2ab: {  	s18 =	simm.s32 $0x30;
	[tilespmem:s25+$0xFFFFFF40] =	vst v9  }
0x2ac: {  	s23 =	simm.s32 $0x11E0;
	s14 =	simm.s32 $0x0;
	s24 =	simm.s32 $0x20;
	v10 =	vor.u32 s18, v4;
	[tilespmem:s25+$0x0] =	vst v8  }
0x2ad: {  	v12 =	vmov s14;
	v13 =	vor.u32 s24, v4;
	v11 =	vld [tilespmem:s23+$0x30]  }
0x2ae: {  	v15 =	vor.u32 $0x4, v12;
	v14 =	vld [tilespmem:s23+$0xFFFFFFA0]  }
0x2af: {  	v16 =	vor.u32 s24, v6;
	v18 =	vld [tilespmem:s23+$0x0]  }
0x2b0: {  	v12 =	vor.u32 $0x7, v12;
	v19 =	vld [tilespmem:s23+$0xFFFFFFD0]  }
0x2b1: {  	v21 =	vor.u32 s18, v7;
	v10 =	vld.idx.msk [tilespmem:v10+s13+$0x0], $0xffff  }
0x2b2: {  	s30 =	simm.s32 $0x60;
	v23 =	vor.u32 s14, v4;
	v13 =	vld.idx.msk [tilespmem:v13+s13+$0x0], $0xffff  }
0x2b3: {  	v34 =	vor.u32 s30, v4;
	v15 =	vld.idx.msk [tilespmem:v15+s13+$0x0], $0xffff  }
0x2b4: {  	v24 =	vld.idx.msk [tilespmem:v16+s13+$0x0], $0xffff  }
0x2b5: {  	v16 =	vld.idx.msk [tilespmem:v12+s13+$0x0], $0xffff  }
0x2b6: {  	v9 =	vmov s18;
	v27 =	vld.idx.msk [tilespmem:v21+s13+$0x0], $0xffff  }
0x2b7: {  	v8 =	vor.u32 $0x4, v9;
	v23 =	vld.idx.msk [tilespmem:v23+s13+$0x0], $0xffff  }
0x2b8: {  	v28 =	vor.u32 s14, v6;
	s25 =	simm.s32 $0x10;
	v9 =	vor.u32 $0x7, v9;
	v21 =	vor.u32 s14, v7;
	s14 =	simm.s32 $0x12A0;
	v34 =	vld.idx.msk [tilespmem:v34+s13+$0x0], $0xffff  }
0x2b9: {  	v17 =	vor.u32 s25, v6;
	v32 =	vld [tilespmem:s14+$0xFFFFFFA0]  }
0x2ba: {  	v20 =	vmov s25;
	v12 =	vor.u32 s18, v6;
	v35 =	vld [tilespmem:s14+$0x0]  }
0x2bb: {  	v22 =	vor.u32 $0x4, v20;
	v37 =	vld [tilespmem:s14+$0xFFFFFFD0]  }
0x2bc: {  	v8 =	vld.idx.msk [tilespmem:v8+s13+$0x0], $0xffff  }
0x2bd: {  	v29 =	vor.u32 $0x7, v20;
	v20 =	vld.idx.msk [tilespmem:v9+s13+$0x0], $0xffff  }
0x2be: {  	v26 =	vld.idx.msk [tilespmem:v17+s13+$0x0], $0xffff  }
0x2bf: {  	v25 =	vmov s24;
	v12 =	vld.idx.msk [tilespmem:v12+s13+$0x0], $0xffff  }
0x2c0: {  	v17 =	vor.u32 $0x7, v25;
	v9 =	vunpack.i.l.bf16.f32 v14;
	v22 =	vld.idx.msk [tilespmem:v22+s13+$0x0], $0xffff  }
0x2c1: {  	s31 =	simm.s32 $0x50;
	v30 =	vor.u32 s25, v4;
	v14 =	vunpack.i.u.bf16.f32 v14;
	v9 =	vmul.f32 v9, v15;
	v15 =	vld.idx.msk [tilespmem:v21+s13+$0x0], $0xffff  }
0x2c2: {  	v40 =	vmov s31;
	v14 =	vmul.f32 v14, v23;
	v23 =	vld.idx.msk [tilespmem:v28+s13+$0x0], $0xffff  }
0x2c3: {  	v59 =	vor.u32 $0x4, v40;
	s12 =	simm.s32 $0x2A40;
	v31 =	vunpack.i.l.bf16.f32 v11;
	v21 =	vld.idx.msk [tilespmem:v29+s13+$0x0], $0xffff  }
0x2c4: {  	v29 =	vld [tilespmem:s14+$0x30];
	[tilespmem:s12+$0xFFFFFF40] =	vst v9;
	v9 =	vor.u32 s25, v7;
	v8 =	vmul.f32 v31, v8  }
0x2c5: {  	v25 =	vor.u32 $0x4, v25;
	v11 =	vunpack.i.u.bf16.f32 v11;
	[tilespmem:s12+$0xFFFFFF50] =	vst v14;
	s25 =	simm.s32 $0x40;
	v17 =	vld.idx.msk [tilespmem:v17+s13+$0x0], $0xffff  }
0x2c6: {  	s18 =	simm.s32 $0x70;
	v33 =	vmov s25;
	[tilespmem:s12+$0x60] =	vst v8;
	v8 =	vmul.f32 v11, v10;
	v10 =	vld.idx.msk [tilespmem:v30+s13+$0x0], $0xffff  }
0x2c7: {  	v38 =	vunpack.i.l.bf16.f32 v19;
	v28 =	vmov s18;
	v36 =	vor.u32 $0x4, v33;
	v11 =	vld [tilespmem:s23+$0xFFFFFFB0]  }
0x2c8: {  	v30 =	vor.u32 $0x4, v28;
	v22 =	vmul.f32 v38, v22;
	v38 =	vld.idx.msk [tilespmem:v59+s13+$0x0], $0xffff  }
0x2c9: {  	v31 =	vld.idx.msk [tilespmem:v9+s13+$0x0], $0xffff;
	v9 =	vor.u32 s18, v4  }
0x2ca: {  	[tilespmem:s12+$0x70] =	vst v8;
	v8 =	vld.idx.msk [tilespmem:v25+s13+$0x0], $0xffff;
	v25 =	vor.u32 s24, v7  }
0x2cb: {  	v14 =	vld [tilespmem:s23+$0x40]  }
0x2cc: {  	v57 =	vor.u32 s30, v6;
	v19 =	vunpack.i.u.bf16.f32 v19;
	v36 =	vld.idx.msk [tilespmem:v36+s13+$0x0], $0xffff  }
0x2cd: {  	v30 =	vld.idx.msk [tilespmem:v30+s13+$0x0], $0xffff;
	v10 =	vmul.f32 v19, v10;
	v19 =	vor.u32 $0x7, v33  }
0x2ce: {  	[tilespmem:s12+$0xFFFFFFA0] =	vst v22;
	v22 =	vor.u32 s31, v6;
	v58 =	vld.idx.msk [tilespmem:v9+s13+$0x0], $0xffff;
	v9 =	vunpack.i.l.bf16.f32 v18  }
0x2cf: {  	v25 =	vld.idx.msk [tilespmem:v25+s13+$0x0], $0xffff;
	[tilespmem:s12+$0xFFFFFFB0] =	vst v10;
	v10 =	vunpack.i.u.bf16.f32 v18;
	v8 =	vmul.f32 v9, v8  }
0x2d0: {  	v18 =	vor.u32 s18, v7;
	v39 =	vld [tilespmem:s23+$0xFFFFFFE0];
	v10 =	vmul.f32 v10, v13;
	v13 =	vunpack.i.u.bf16.f32 v11  }
0x2d1: {  	v9 =	vld.idx.msk [tilespmem:v57+s13+$0x0], $0xffff;
	v11 =	vunpack.i.l.bf16.f32 v11;
	v13 =	vmul.f32 v13, v15;
	[tilespmem:s12+$0x0] =	vst v8  }
0x2d2: {  	v15 =	vor.u32 s25, v4;
	v11 =	vmul.f32 v11, v23;
	v8 =	vld.idx.msk [tilespmem:v19+s13+$0x0], $0xffff;
	[tilespmem:s12+$0x10] =	vst v10  }
0x2d3: {  	v10 =	vld.idx.msk [tilespmem:v22+s13+$0x0], $0xffff;
	[tilespmem:s12+$0xFFFFFF70] =	vst v13;
	v13 =	vunpack.i.l.bf16.f32 v14  }
0x2d4: {  	v19 =	vld [tilespmem:s23+$0x10];
	v14 =	vunpack.i.u.bf16.f32 v14;
	[tilespmem:s12+$0xFFFFFF60] =	vst v11;
	v11 =	vor.u32 s18, v6;
	v12 =	vmul.f32 v13, v12  }
0x2d5: {  	v22 =	vor.u32 $0x7, v28;
	v13 =	vld.idx.msk [tilespmem:v18+s13+$0x0], $0xffff;
	v18 =	vmov s30;
	v14 =	vmul.f32 v14, v27  }
0x2d6: {  	v27 =	vld [tilespmem:s23+$0xFFFFFFC0];
	v23 =	vor.u32 $0x7, v18;
	[tilespmem:s12+$0x80] =	vst v12;
	v12 =	vunpack.i.l.bf16.f32 v39  }
0x2d7: {  	[tilespmem:s12+$0x90] =	vst v14;
	v14 =	vunpack.i.u.bf16.f32 v39;
	v12 =	vmul.f32 v12, v26;
	v26 =	vld.idx.msk [tilespmem:v15+s13+$0x0], $0xffff  }
0x2d8: {  	v60 =	vor.u32 s25, v7;
	v14 =	vmul.f32 v14, v31;
	v31 =	vld [tilespmem:s23+$0x50]  }
0x2d9: {  	v28 =	vunpack.i.l.bf16.f32 v19;
	v15 =	vld.idx.msk [tilespmem:v11+s13+$0x0], $0xffff;
	[tilespmem:s12+$0xFFFFFFC0] =	vst v12;
	v12 =	vunpack.i.u.bf16.f32 v19  }
0x2da: {  	v19 =	vmul.f32 v28, v24;
	v24 =	vor.u32 s25, v6;
	[tilespmem:s12+$0xFFFFFFD0] =	vst v14;
	v14 =	vmul.f32 v12, v25;
	v12 =	vld.idx.msk [tilespmem:v22+s13+$0x0], $0xffff  }
0x2db: {  	v25 =	vor.u32 $0x7, v40;
	v11 =	vld.idx.msk [tilespmem:v23+s13+$0x0], $0xffff;
	v22 =	vunpack.i.l.bf16.f32 v29  }
0x2dc: {  	v28 =	vunpack.i.u.bf16.f32 v32;
	v61 =	vld [tilespmem:s23+$0xFFFFFFF0];
	v23 =	vunpack.i.l.bf16.f32 v32;
	[tilespmem:s12+$0x20] =	vst v19;
	v22 =	vmul.f32 v22, v30  }
0x2dd: {  	v19 =	vor.u32 s31, v4;
	v62 =	vmul.f32 v23, v36;
	v23 =	vld.idx.msk [tilespmem:v60+s13+$0x0], $0xffff;
	[tilespmem:s12+$0x30] =	vst v14;
	v14 =	vor.u32 s30, v7;
	s30 =	simm.s32 $0x2BC0  }
0x2de: {  	v26 =	vmul.f32 v28, v26;
	v30 =	vld [tilespmem:s23+$0x20];
	[tilespmem:s30+$0x60] =	vst v22  }
0x2df: {  	v41 =	vor.u32 $0x4, v18;
	v18 =	vor.u32 s31, v7;
	v29 =	vunpack.i.u.bf16.f32 v29;
	v22 =	vld.idx.msk [tilespmem:v24+s13+$0x0], $0xffff;
	[tilespmem:s30+$0xFFFFFF40] =	vst v62  }
0x2e0: {  	v27 =	vunpack.i.l.bf16.f32 v27;
	v29 =	vmul.f32 v29, v58;
	v28 =	vunpack.i.u.bf16.f32 v35;
	[tilespmem:s30+$0xFFFFFF50] =	vst v26;
	v24 =	vld.idx.msk [tilespmem:v25+s13+$0x0], $0xffff  }
0x2e1: {  	v63 =	vmul.f32 v27, v16;
	v27 =	vunpack.i.l.bf16.f32 v31;
	v16 =	vmul.f32 v28, v34;
	v28 =	vld [tilespmem:s14+$0xFFFFFFB0]  }
0x2e2: {  	v31 =	vmul.f32 v27, v20;
	[tilespmem:s30+$0x70] =	vst v29;
	v25 =	vunpack.i.l.bf16.f32 v37;
	v29 =	vunpack.i.l.bf16.f32 v61;
	v26 =	vld.idx.msk [tilespmem:v19+s13+$0x0], $0xffff  }
0x2e3: {  	[tilespmem:s12+$0xFFFFFF80] =	vst v63;
	v27 =	vmul.f32 v25, v38;
	v25 =	vld [tilespmem:s14+$0x40];
	v21 =	vmul.f32 v29, v21;
	v30 =	vunpack.i.l.bf16.f32 v30  }
0x2e4: {  	s31 =	simm.s32 $0xB0;
	v20 =	vunpack.i.l.bf16.f32 v35;
	s23 =	simm.s32 $0x1360;
	[tilespmem:s12+$0xA0] =	vst v31;
	v19 =	vunpack.i.u.bf16.f32 v37;
	v29 =	vld.idx.msk [tilespmem:v41+s13+$0x0], $0xffff;
	v17 =	vmul.f32 v30, v17  }
.LBB2_25:
0x2e5: {  	s18 =	sadd.s32 $0xFFFFFFD0, s31;
	s24 =	sadd.s32 $0xFFFFFFF0, s31;
	v30 =	vmov s31;
	v31 =	vor.u32 s31, v4;
	v32 =	vld [tilespmem:s23+$0x30];
	s11 =	sadd.s32 $0x4, s11;
	[tilespmem:s12+$0xFFFFFFE0] =	vst v21  }
0x2e6: {  	s25 =	sadd.s32 $0xFFFFFFE0, s31;
	v21 =	vmov s18;
	v33 =	vor.u32 s24, v4;
	v34 =	vor.u32 $0x4, v30;
	p1 =	slt.u32 s11, $0x7C;
	v35 =	vld.idx.msk [tilespmem:v18+s13+$0x0], $0xffff;
	[tilespmem:s12+$0x40] =	vst v17;
	v17 =	vmovc v24;
	s12 =	smov.u32 s30  }
0x2e7: {  	v36 =	vmov s25;
	v18 =	vor.u32 $0x4, v21;
	v24 =	vld [tilespmem:s23+$0xFFFFFFA0];
	v37 =	vunpack.i.l.bf16.f32 v28;
	[tilespmem:s30+$0xFFFFFFA0] =	vst v27  }
0x2e8: {  	v38 =	vmov s24;
	v27 =	vor.u32 $0x4, v36;
	v28 =	vunpack.i.u.bf16.f32 v28;
	v39 =	vld [tilespmem:s23+$0x0]  }
0x2e9: {  	v40 =	vor.u32 s25, v4;
	v42 =	vor.u32 s24, v6;
	v43 =	vor.u32 $0x7, v38;
	v41 =	vld [tilespmem:s23+$0xFFFFFFD0]  }
0x2ea: {  	v44 =	vor.u32 s18, v4;
	v30 =	vor.u32 $0x7, v30;
	v23 =	vmul.f32 v28, v23;
	v28 =	vld.idx.msk [tilespmem:v14+s13+$0x0], $0xffff  }
0x2eb: {  	v45 =	vor.u32 s18, v6;
	v19 =	vmul.f32 v19, v26;
	v14 =	vor.u32 s24, v7;
	v34 =	vld.idx.msk [tilespmem:v34+s13+$0x0], $0xffff  }
0x2ec: {  	v26 =	vor.u32 s25, v6;
	v21 =	vor.u32 $0x7, v21;
	v20 =	vmul.f32 v20, v29;
	v31 =	vld.idx.msk [tilespmem:v31+s13+$0x0], $0xffff;
	[tilespmem:s30+$0xFFFFFF70] =	vst v23  }
0x2ed: {  	v23 =	vor.u32 s18, v7;
	v29 =	vld.idx.msk [tilespmem:v33+s13+$0x0], $0xffff;
	[tilespmem:s30+$0xFFFFFFB0] =	vst v19;
	v19 =	vunpack.i.u.bf16.f32 v25;
	v25 =	vunpack.i.l.bf16.f32 v25  }
0x2ee: {  	v36 =	vor.u32 $0x7, v36;
	v22 =	vmul.f32 v37, v22;
	v33 =	vld.idx.msk [tilespmem:v18+s13+$0x0], $0xffff;
	[tilespmem:s30+$0x0] =	vst v20;
	v15 =	vmul.f32 v25, v15  }
0x2ef: {  	v37 =	vor.u32 $0x4, v38;
	v20 =	vor.u32 s31, v7;
	v13 =	vmul.f32 v19, v13;
	v25 =	vld [tilespmem:s14+$0xFFFFFFE0];
	[tilespmem:s30+$0x10] =	vst v16  }
0x2f0: {  	v38 =	vunpack.i.u.bf16.f32 v24;
	v18 =	vor.u32 s25, v7;
	v42 =	vld.idx.msk [tilespmem:v42+s13+$0x0], $0xffff;
	[tilespmem:s30+$0x80] =	vst v15  }
0x2f1: {  	v24 =	vunpack.i.l.bf16.f32 v24;
	v16 =	vunpack.i.u.bf16.f32 v39;
	v15 =	vunpack.i.u.bf16.f32 v32;
	v21 =	vld.idx.msk [tilespmem:v21+s13+$0x0], $0xffff;
	[tilespmem:s30+$0xFFFFFF60] =	vst v22  }
0x2f2: {  	v32 =	vunpack.i.l.bf16.f32 v32;
	s30 =	sadd.s32 $0x180, s30;
	v22 =	vld.idx.msk [tilespmem:v26+s13+$0x0], $0xffff;
	v26 =	vunpack.i.l.bf16.f32 v41;
	[tilespmem:s12+$0x90] =	vst v13  }
0x2f3: {  	v46 =	vor.u32 s31, v6;
	v31 =	vmul.f32 v15, v31;
	v15 =	vld [tilespmem:s14+$0x10]  }
0x2f4: {  	v19 =	vunpack.i.u.bf16.f32 v41;
	v13 =	vld.idx.msk [tilespmem:v20+s13+$0x0], $0xffff;
	v20 =	vunpack.i.u.bf16.f32 v25  }
0x2f5: {  	v25 =	vunpack.i.l.bf16.f32 v25;
	v41 =	vld [tilespmem:s14+$0xFFFFFFC0];
	v35 =	vmul.f32 v20, v35  }
0x2f6: {  	v32 =	vmul.f32 v32, v34;
	v20 =	vmul.f32 v25, v10;
	v27 =	vld.idx.msk [tilespmem:v27+s13+$0x0], $0xffff  }
0x2f7: {  	v25 =	vld.idx.msk [tilespmem:v44+s13+$0x0], $0xffff  }
0x2f8: {  	v10 =	vmov v22;
	[tilespmem:s12+$0xFFFFFFC0] =	vst v20;
	v34 =	vunpack.i.u.bf16.f32 v15;
	v44 =	vunpack.i.l.bf16.f32 v15;
	v47 =	vld [tilespmem:s14+$0x50]  }
0x2f9: {  	v20 =	vunpack.i.l.bf16.f32 v39;
	v15 =	vld.idx.msk [tilespmem:v46+s13+$0x0], $0xffff;
	[tilespmem:s12+$0xFFFFFFD0] =	vst v35;
	v22 =	vmul.f32 v44, v9;
	v28 =	vmul.f32 v34, v28  }
0x2fa: {  	v16 =	vmul.f32 v16, v29;
	v9 =	vmov v42;
	v29 =	vld.idx.msk [tilespmem:v30+s13+$0x0], $0xffff;
	v30 =	vunpack.i.l.bf16.f32 v41  }
0x2fb: {  	v34 =	vld.idx.msk [tilespmem:v43+s13+$0x0], $0xffff;
	v30 =	vmul.f32 v30, v8;
	[tilespmem:s12+$0x20] =	vst v22;
	v8 =	vmov v21  }
0x2fc: {  	v21 =	vmul.f32 v24, v33;
	v27 =	vmul.f32 v26, v27;
	v33 =	vld [tilespmem:s14+$0xFFFFFFF0];
	[tilespmem:s12+$0x30] =	vst v28  }
0x2fd: {  	v25 =	vmul.f32 v38, v25;
	[tilespmem:s30+$0x60] =	vst v32;
	v32 =	vld [tilespmem:s14+$0x20];
	v22 =	vunpack.i.l.bf16.f32 v47;
	s14 =	smov.u32 s23  }
0x2fe: {  	v23 =	vld.idx.msk [tilespmem:v23+s13+$0x0], $0xffff;
	[tilespmem:s12+$0xFFFFFF80] =	vst v30;
	v30 =	vmul.f32 v22, v12  }
0x2ff: {  	v22 =	vld.idx.msk [tilespmem:v45+s13+$0x0], $0xffff  }
.Ltmp11:
0x300: {  	v12 =	vmov v29;
	[tilespmem:s30+$0xFFFFFF40] =	vst v21;
	v24 =	vld.idx.msk [tilespmem:v36+s13+$0x0], $0xffff;
	(pc) =	sbr.rel @p1 .LBB2_25-.Ltmp11, $4  }
0x301: {  	[tilespmem:s30+$0xFFFFFF50] =	vst v25;
	v26 =	vld.idx.msk [tilespmem:v40+s13+$0x0], $0xffff  }
0x302: {  	v21 =	vunpack.i.l.bf16.f32 v33;
	v28 =	vld [tilespmem:s23+$0xFFFFFFB0];
	[tilespmem:s30+$0x70] =	vst v31;
	v29 =	vunpack.i.l.bf16.f32 v32  }
0x303: {  	v21 =	vmul.f32 v21, v17;
	v25 =	vld [tilespmem:s23+$0x40];
	v17 =	vmul.f32 v29, v11;
	[tilespmem:s12+$0xA0] =	vst v30;
	v11 =	vmov v34  }
0x304: {  	s31 =	sadd.s32 $0x40, s31;
	s23 =	sadd.s32 $0xC0, s23;
	v29 =	vld.idx.msk [tilespmem:v37+s13+$0x0], $0xffff  }
0x305: {  	_ =	sdelay $0x2  }
0x306: {  	v19 =	vmul.f32 v19, v26  }
0x307: {  	v18 =	vld.idx.msk [tilespmem:v18+s13+$0x0], $0xffff;
	[tilespmem:s30+$0xFFFFFFA0] =	vst v27  }
0x308: {  	v14 =	vld.idx.msk [tilespmem:v14+s13+$0x0], $0xffff;
	[tilespmem:s30+$0xFFFFFFB0] =	vst v19;
	v20 =	vmul.f32 v20, v29  }
0x309: {  	[tilespmem:s30+$0x10] =	vst v16;
	v19 =	vld [tilespmem:s14+$0xFFFFFFE0]  }
0x30a: {  	v50 =	vunpack.i.u.bf16.f32 v28;
	[tilespmem:s30+$0x0] =	vst v20  }
0x30b: {  	v54 =	vunpack.i.l.bf16.f32 v28;
	v51 =	vmul.f32 v50, v23;
	v53 =	vld [tilespmem:s14+$0x10]  }
0x30c: {  	v52 =	vunpack.i.l.bf16.f32 v25;
	v56 =	vmul.f32 v54, v22  }
0x30d: {  	v55 =	vunpack.i.u.bf16.f32 v25;
	v15 =	vmul.f32 v52, v15;
	[tilespmem:s30+$0xFFFFFF70] =	vst v51  }
0x30e: {  	v13 =	vmul.f32 v55, v13;
	[tilespmem:s30+$0xFFFFFF60] =	vst v56;
	v57 =	vunpack.i.l.bf16.f32 v19  }
0x30f: {  	[tilespmem:s30+$0x80] =	vst v15;
	v58 =	vunpack.i.u.bf16.f32 v19;
	v10 =	vmul.f32 v57, v10  }
0x310: {  	[tilespmem:s30+$0x90] =	vst v13;
	v59 =	vmul.f32 v58, v18;
	v60 =	vunpack.i.l.bf16.f32 v53  }
0x311: {  	[tilespmem:s30+$0xFFFFFFC0] =	vst v10;
	v10 =	vunpack.i.u.bf16.f32 v53;
	v9 =	vmul.f32 v60, v9  }
0x312: {  	v61 =	vld [tilespmem:s14+$0xFFFFFFC0];
	[tilespmem:s30+$0xFFFFFFD0] =	vst v59;
	v10 =	vmul.f32 v10, v14  }
0x313: {  	v62 =	vld [tilespmem:s14+$0x50];
	[tilespmem:s30+$0x20] =	vst v9  }
0x314: {  	v9 =	vld [tilespmem:s14+$0xFFFFFFF0];
	[tilespmem:s30+$0x30] =	vst v10  }
0x315: {  	v10 =	vld [tilespmem:s14+$0x20];
	_ =	sdelay $0x1  }
0x316: {  	v63 =	vunpack.i.l.bf16.f32 v61  }
0x317: {  	[tilespmem:s12+$0xFFFFFFE0] =	vst v21;
	v8 =	vmul.f32 v63, v8;
	v13 =	vunpack.i.l.bf16.f32 v62  }
0x318: {  	[tilespmem:s12+$0x40] =	vst v17;
	v12 =	vmul.f32 v13, v12;
	v9 =	vunpack.i.l.bf16.f32 v9  }
0x319: {  	[tilespmem:s30+$0xFFFFFF80] =	vst v8;
	v8 =	vunpack.i.l.bf16.f32 v10;
	v9 =	vmul.f32 v9, v24  }
0x31a: {  	[tilespmem:s30+$0xA0] =	vst v12;
	v8 =	vmul.f32 v8, v11  }
0x31b: {  	[tilespmem:s30+$0xFFFFFFE0] =	vst v9  }
0x31c: {  	s11 =	simm.s32 $0x100;
	[tilespmem:s30+$0x40] =	vst v8  }
0x31d: {  	[spmem:s1] =	stream.indirect.scatter.add.f32 [tilespmem:s3], [sflag:$0x3], $0x60, s11, s19, $0xb8;
	[tilespmem:$0x1B300] =	vst v63  }
0x31e: {  	s11 =	simm.s32 @!p0 $0x6  }
0x31f: {  	_ =	swait.ge @!p0 [sflag:s11], $0x3000  }
0x320: {  	[sflag:s11] =	ssyncset.done @!p0 $0x0  }
0x321: {  	[sflag:s11] =	ssyncadd.s32 @!p0 $0xFFFFD000  }
0x322: {  	_ =	swait.ge [sflag:s28], $0x800  }
0x323: {  	[sflag:s28] =	ssyncset.done $0x0  }
0x324: {  	[sflag:s28] =	ssyncadd.s32 $0xFFFFF800  }
0x325: {  	_ =	swait.ge [sflag:s28], $0x800  }
0x326: {  	[sflag:s28] =	ssyncset.done $0x0  }
0x327: {  	[sflag:s28] =	ssyncadd.s32 $0xFFFFF800  }
0x328: {  	_ =	swait.ge [sflag:s28], $0x1800  }
0x329: {  	[sflag:s28] =	ssyncset.done $0x0  }
0x32a: {  	s11 =	simm.s32 $0x0;
	[sflag:s28] =	ssyncadd.s32 $0xFFFFE800  }
0x32b: {  	s12 =	simm.s32 $0x40;
	v8 =	vld [tilespmem:s11+$0x6200]  }
.LBB2_27:
0x32c: {  	p0 =	sne.s32 s12, $0x1C0  }
.Ltmp12:
0x32d: {  	_ = 	snop;
	(pc) =	sbr.rel @p0 .LBB2_27-.Ltmp12, $3  }
0x32e: {  	_ =	sdelay $0x1  }
0x32f: {  	[tilespmem:s11+$0x6280] =	vst v8;
	s11 =	sshra.s32 s12, $0x2;
	s12 =	sadd.s32 $0x40, s12  }
0x330: {  	v8 =	vld [tilespmem:s11+$0x6200]  }
0x331: {  	_ =	sdelay $0x1  }
0x332: {  	s12 =	sadd.s32 s17, s16  }
0x333: {  	s12 =	sshrl.u32 s12, $0x3  }
0x334: {  	s23 =	sadd.s32 s4, s12;
	[tilespmem:s11+$0x6280] =	vst v8  }
0x335: {  	[tilespmem:s20], [sflag:$0x4] =	stream.linear.gather [hbm4b:s23+s2], $0x80, $0x38;
	[tilespmem:$0x1B300] =	vst v63  }
0x336: {  	s24 =	sadd.s32 s5, s12  }
0x337: {  	[tilespmem:s21], [sflag:$0x4] =	stream.linear.gather [hbm4b:s24+s2], $0x80, $0x38;
	[tilespmem:$0x1B300] =	vst v63  }
0x338: {  	_ =	swait.ge [sflag:s22], $0x80  }
0x339: {  	[sflag:s22] =	ssyncset.done $0x0  }
0x33a: {  	[sflag:s22] =	ssyncadd.s32 $0xFFFFFF80  }
0x33b: {  	_ =	swait.ge [sflag:s22], $0x80  }
0x33c: {  	[sflag:s22] =	ssyncset.done $0x0  }
0x33d: {  	s25 =	simm.s32 $0x180;
	[sflag:s22] =	ssyncadd.s32 $0xFFFFFF80  }
0x33e: {  	[tilespmem:s25], [sflag:$0x2] =	stream.indirect.gather [hbm4b:s6+s19], $0x10, s2, s19, $0xb8;
	[tilespmem:$0x1B300] =	vst v63  }
0x33f: {  	s31 =	simm.s32 $0x980  }
0x340: {  	[tilespmem:s31], [sflag:$0x2] =	stream.indirect.gather [hbm4b:s7+s19], $0x10, s19, s19, $0xb8;
	[tilespmem:$0x1B300] =	vst v63  }
0x341: {  	s14 =	simm.s32 $0x6320;
	s12 =	simm.s32 $0x1180  }
0x342: {  	[tilespmem:s12], [sflag:$0x2] =	stream.indirect.gather [hbm4b:s9+s19], $0x30, s2, s19, $0xb8;
	[tilespmem:$0x1B300] =	vst v63  }
0x343: {  	s17 =	simm.s32 $0x6B20;
	v8 =	vld [tilespmem:s14+$0x10]  }
0x344: {  	v9 =	vld [tilespmem:s17+$0x10]  }
0x345: {  	v10 =	vld [tilespmem:s17+$0xFFFFFFE0]  }
0x346: {  	v11 =	vld [tilespmem:s14+$0xFFFFFFF0]  }
0x347: {  	v12 =	vld [tilespmem:s17+$0xFFFFFFF0]  }
0x348: {  	v13 =	vld [tilespmem:s14+$0x0]  }
0x349: {  	v14 =	vld [tilespmem:s17+$0x0]  }
0x34a: {  	s18 =	simm.s32 $0x6360;
	v8 =	vadd.f32 v9, v8;
	v9 =	vld [tilespmem:s14+$0xFFFFFFE0]  }
0x34b: {  	s23 =	simm.s32 $0x6B60;
	v15 =	vld [tilespmem:s18+$0x10]  }
0x34c: {  	v11 =	vadd.f32 v12, v11;
	v12 =	vld [tilespmem:s23+$0x10]  }
0x34d: {  	v18 =	vld [tilespmem:s18+$0xFFFFFFF0];
	v16 =	vmul.f32 $2.000000030e-01, v8  }
0x34e: {  	v19 =	vld [tilespmem:s23+$0x0];
	v17 =	vmul.f32 $2.000000030e-01, v11  }
0x34f: {  	v8 =	vmax.f32 v8, v16;
	v16 =	vld [tilespmem:s23+$0xFFFFFFE0];
	v9 =	vadd.f32 v10, v9  }
0x350: {  	v11 =	vmax.f32 v11, v17;
	v8 =	vmul.f32 $1.442695020e+00, v8;
	v10 =	vadd.f32 v14, v13;
	v13 =	vld [tilespmem:s23+$0xFFFFFFF0]  }
0x351: {  	v17 =	vld [tilespmem:s18+$0xFFFFFFE0];
	v12 =	vadd.f32 v12, v15;
	v11 =	vmul.f32 $1.442695020e+00, v11;
	v14 =	vmul.f32 $2.000000030e-01, v9  }
0x352: {  	s25 =	simm.s32 $0x6BA0;
	(erf) = vpow2.f32 v8;
	v8 =	vld [tilespmem:s18+$0x0];
	v15 =	vmul.f32 $2.000000030e-01, v10  }
0x353: {  	s24 =	simm.s32 $0x63A0;
	(erf) = vpow2.f32 v11;
	v11 =	vld [tilespmem:s25+$0x10];
	v9 =	vmax.f32 v9, v14;
	v14 =	vmul.f32 $2.000000030e-01, v12  }
0x354: {  	v10 =	vmax.f32 v10, v15;
	v15 =	vld [tilespmem:s24+$0x10];
	v9 =	vmul.f32 $1.442695020e+00, v9  }
0x355: {  	v20 =	vld [tilespmem:s25+$0x0];
	v10 =	vmul.f32 $1.442695020e+00, v10;
	v13 =	vadd.f32 v13, v18;
	v12 =	vmax.f32 v12, v14  }
0x356: {  	v16 =	vadd.f32 v16, v17;
	v17 =	vld [tilespmem:s25+$0xFFFFFFF0];
	(erf) = vpow2.f32 v9;
	v12 =	vmul.f32 $1.442695020e+00, v12  }
0x357: {  	v14 =	vld [tilespmem:s24+$0xFFFFFFF0];
	v8 =	vadd.f32 v19, v8;
	(erf) = vpow2.f32 v10;
	v10 =	vmul.f32 $2.000000030e-01, v13  }
0x358: {  	v21 =	vld [tilespmem:s24+$0xFFFFFFE0];
	v18 =	vmul.f32 $2.000000030e-01, v16;
	(erf) = vpow2.f32 v12  }
0x359: {  	v12 =	vld [tilespmem:s24+$0x0];
	v11 =	vadd.f32 v11, v15;
	v10 =	vmax.f32 v13, v10;
	v13 =	vmul.f32 $2.000000030e-01, v8  }
0x35a: {  	v9 =	vld [tilespmem:s25+$0xFFFFFFE0];
	v16 =	vmax.f32 v16, v18  }
0x35b: {  	v19 =	vpop (erf);
	v10 =	vmul.f32 $1.442695020e+00, v10;
	v8 =	vmax.f32 v8, v13;
	v13 =	vmul.f32 $2.000000030e-01, v11  }
0x35c: {  	s31 =	simm.s32 $0xBB20;
	s18 =	simm.s32 $0x63E0;
	v16 =	vmul.f32 $1.442695020e+00, v16;
	v14 =	vadd.f32 v17, v14;
	v15 =	vmul.f32 v1, v19  }
0x35d: {  	s12 =	simm.s32 $0x8C10;
	s17 =	simm.s32 $0x6BE0;
	[tilespmem:s31+$0x10] =	vst v19;
	v19 =	vld [tilespmem:s18+$0x10];
	v18 =	vmul.f32 $1.442695020e+00, v8;
	(erf) = vpow2.f32 v10;
	v10 =	vmax.f32 v11, v13  }
0x35e: {  	[tilespmem:s12+$0x60] =	vst v15;
	v15 =	vld [tilespmem:s17+$0x10];
	v12 =	vadd.f32 v20, v12;
	v8 =	vpop (erf);
	(erf) = vpow2.f32 v16;
	v17 =	vmul.f32 $1.442695020e+00, v10  }
0x35f: {  	v20 =	vadd.f32 v9, v21;
	v9 =	vld [tilespmem:s18+$0x0];
	v16 =	vmul.f32 $2.000000030e-01, v14;
	v11 =	vmul.f32 v1, v8;
	[tilespmem:s31+$0xFFFFFFF0] =	vst v8;
	v13 =	vpop (erf)  }
0x360: {  	v10 =	vld [tilespmem:s18+$0xFFFFFFF0];
	(erf) = vpow2.f32 v18;
	v63 =	vmul.f32 $2.000000030e-01, v12;
	[tilespmem:s31+$0xFFFFFFE0] =	vst v13  }
0x361: {  	v13 =	vmul.f32 v1, v13;
	v18 =	vpop (erf);
	(erf) = vpow2.f32 v17;
	v14 =	vmax.f32 v14, v16;
	[tilespmem:s12+$0xFFFFFFA0] =	vst v11;
	v11 =	vld [tilespmem:s17+$0xFFFFFFF0]  }
0x362: {  	v8 =	vld [tilespmem:s17+$0xFFFFFFE0];
	v22 =	vmul.f32 $2.000000030e-01, v20;
	[tilespmem:s31+$0x0] =	vst v18;
	v16 =	vmul.f32 $1.442695020e+00, v14;
	v17 =	vpop (erf)  }
0x363: {  	s30 =	simm.s32 $0xC;
	s23 =	simm.s32 $0xBB60;
	v14 =	vld [tilespmem:s17+$0x0];
	[tilespmem:s12+$0xFFFFFF40] =	vst v13;
	v15 =	vadd.f32 v15, v19;
	v13 =	vmax.f32 v12, v63;
	v23 =	vmul.f32 v1, v17  }
0x364: {  	s14 =	simm.s32 $0x8D90;
	s24 =	simm.s32 $0x6420;
	v12 =	vld [tilespmem:s18+$0xFFFFFFE0];
	v19 =	vmax.f32 v20, v22;
	[tilespmem:s23+$0x10] =	vst v17;
	v13 =	vmul.f32 $1.442695020e+00, v13;
	v17 =	vmul.f32 v1, v18  }
0x365: {  	s11 =	simm.s32 $0x4;
	v19 =	vmul.f32 $1.442695020e+00, v19;
	v18 =	vmul.f32 $2.000000030e-01, v15;
	[tilespmem:s14+$0x60] =	vst v23  }
.LBB2_29:
0x366: {  	v20 =	vld [tilespmem:s24+$0x10];
	v21 =	vadd.f32 v11, v10;
	s17 =	sadd.s32 $0x40, s17;
	(erf) = vpow2.f32 v16;
	v10 =	vpop (erf);
	[tilespmem:s12+$0x0] =	vst v17;
	s12 =	smov.u32 s14;
	s30 =	sadd.s32 $0x4, s30  }
0x367: {  	v16 =	vld [tilespmem:s17+$0x10];
	v11 =	vmax.f32 v15, v18;
	(erf) = vpow2.f32 v19;
	[tilespmem:s23+$0xFFFFFFF0] =	vst v10;
	v15 =	vmul.f32 v1, v10;
	v17 =	vpop (erf);
	p0 =	slt.u32 s30, $0x7C  }
0x368: {  	v18 =	vld [tilespmem:s17+$0xFFFFFFE0];
	v19 =	vmul.f32 $2.000000030e-01, v21;
	v22 =	vadd.f32 v14, v9;
	v9 =	vmul.f32 $1.442695020e+00, v11;
	[tilespmem:s23+$0xFFFFFFE0] =	vst v17  }
0x369: {  	v10 =	vld [tilespmem:s24+$0xFFFFFFF0];
	v8 =	vadd.f32 v8, v12;
	(erf) = vpow2.f32 v13;
	v12 =	vmul.f32 v1, v17;
	[tilespmem:s14+$0xFFFFFFA0] =	vst v15;
	v17 =	vpop (erf)  }
.Ltmp13:
0x36a: {  	v11 =	vld [tilespmem:s17+$0xFFFFFFF0];
	v13 =	vmax.f32 v21, v19;
	v19 =	vmul.f32 $2.000000030e-01, v22;
	(erf) = vpow2.f32 v9;
	v21 =	vpop (erf);
	[tilespmem:s23+$0x0] =	vst v17;
	(pc) =	sbr.rel @p0 .LBB2_29-.Ltmp13, $4  }
0x36b: {  	s23 =	sadd.s32 $0x40, s23;
	v9 =	vld [tilespmem:s24+$0x0];
	v23 =	vmul.f32 $2.000000030e-01, v8;
	v24 =	vmul.f32 v1, v21;
	[tilespmem:s14+$0xFFFFFF40] =	vst v12  }
0x36c: {  	s14 =	sadd.s32 $0x180, s14;
	v14 =	vld [tilespmem:s17+$0x0];
	v15 =	vadd.f32 v16, v20;
	v16 =	vmul.f32 $1.442695020e+00, v13;
	v13 =	vmax.f32 v22, v19;
	[tilespmem:s23+$0x10] =	vst v21  }
0x36d: {  	v17 =	vmul.f32 v1, v17;
	v12 =	vld [tilespmem:s24+$0xFFFFFFE0];
	v19 =	vmax.f32 v8, v23;
	v13 =	vmul.f32 $1.442695020e+00, v13;
	[tilespmem:s14+$0x60] =	vst v24;
	v8 =	vmovc v18  }
0x36e: {  	s24 =	sadd.s32 $0x40, s24;
	v18 =	vmul.f32 $2.000000030e-01, v15;
	v19 =	vmul.f32 $1.442695020e+00, v19  }
0x36f: {  	v10 =	vadd.f32 v11, v10;
	(erf) = vpow2.f32 v16;
	v11 =	vpop (erf)  }
0x370: {  	v15 =	vmax.f32 v15, v18;
	(erf) = vpow2.f32 v19;
	v16 =	vmul.f32 v1, v11  }
0x371: {  	[tilespmem:s12+$0x0] =	vst v17;
	v17 =	vmul.f32 $2.000000030e-01, v10;
	v15 =	vmul.f32 $1.442695020e+00, v15  }
0x372: {  	[tilespmem:s23+$0xFFFFFFF0] =	vst v11;
	v11 =	vpop (erf);
	v9 =	vadd.f32 v14, v9;
	(erf) = vpow2.f32 v13;
	v8 =	vadd.f32 v8, v12  }
0x373: {  	[tilespmem:s23+$0xFFFFFFE0] =	vst v11;
	v11 =	vmul.f32 v1, v11;
	v12 =	vpop (erf);
	(erf) = vpow2.f32 v15;
	v10 =	vmax.f32 v10, v17  }
0x374: {  	[tilespmem:s14+$0xFFFFFFA0] =	vst v16;
	v13 =	vmul.f32 $2.000000030e-01, v8;
	v10 =	vmul.f32 $1.442695020e+00, v10  }
0x375: {  	v14 =	vmul.f32 $2.000000030e-01, v9;
	[tilespmem:s14+$0xFFFFFF40] =	vst v11;
	v11 =	vmul.f32 v1, v12  }
0x376: {  	[tilespmem:s23+$0x0] =	vst v12;
	v15 =	vpop (erf);
	v8 =	vmax.f32 v8, v13;
	(erf) = vpow2.f32 v10  }
0x377: {  	s23 =	sadd.s32 $0x40, s23;
	v9 =	vmax.f32 v9, v14;
	[tilespmem:s14+$0x0] =	vst v11;
	v16 =	vmul.f32 v1, v15;
	v8 =	vmul.f32 $1.442695020e+00, v8  }
0x378: {  	s17 =	sadd.s32 $0x180, s14;
	[tilespmem:s23+$0x10] =	vst v15;
	v9 =	vmul.f32 $1.442695020e+00, v9;
	v10 =	vpop (erf)  }
0x379: {  	[tilespmem:s17+$0x60] =	vst v16;
	(erf) = vpow2.f32 v8;
	v8 =	vmul.f32 v1, v10  }
0x37a: {  	[tilespmem:s23+$0xFFFFFFF0] =	vst v10;
	v10 =	vpop (erf)  }
0x37b: {  	[tilespmem:s23+$0xFFFFFFE0] =	vst v10;
	(erf) = vpow2.f32 v9;
	v9 =	vmul.f32 v1, v10  }
0x37c: {  	[tilespmem:s17+$0xFFFFFFA0] =	vst v8  }
0x37d: {  	[tilespmem:s17+$0xFFFFFF40] =	vst v9;
	v8 =	vpop (erf)  }
0x37e: {  	s12 =	sadd.s32 $0x40, s23;
	v10 =	vpop (erf);
	[tilespmem:s23+$0x0] =	vst v8;
	v8 =	vmul.f32 v1, v8  }
0x37f: {  	[tilespmem:s12+$0x10] =	vst v10;
	v9 =	vpop (erf)  }
0x380: {  	v11 =	vmul.f32 v1, v10;
	[tilespmem:s17+$0x0] =	vst v8;
	v8 =	vmul.f32 v1, v9  }
0x381: {  	s24 =	sadd.s32 $0x180, s17;
	[tilespmem:s12+$0xFFFFFFF0] =	vst v9  }
0x382: {  	[tilespmem:s24+$0x60] =	vst v11  }
0x383: {  	v9 =	vpop (erf);
	[tilespmem:s24+$0xFFFFFFA0] =	vst v8  }
0x384: {  	[tilespmem:s12+$0xFFFFFFE0] =	vst v9;
	v9 =	vmul.f32 v1, v9;
	v8 =	vpop (erf)  }
0x385: {  	[tilespmem:s12+$0x0] =	vst v8;
	v8 =	vmul.f32 v1, v8  }
0x386: {  	s18 =	simm.s32 $0x30;
	[tilespmem:s24+$0xFFFFFF40] =	vst v9  }
0x387: {  	s25 =	simm.s32 $0x0;
	s31 =	simm.s32 $0x20;
	v10 =	vor.u32 s18, v4;
	s17 =	simm.s32 $0x7360;
	[tilespmem:s24+$0x0] =	vst v8  }
0x388: {  	v12 =	vmov s25;
	v13 =	vor.u32 s31, v4;
	v11 =	vld [tilespmem:s17+$0x30]  }
0x389: {  	v15 =	vor.u32 $0x4, v12;
	v14 =	vld [tilespmem:s17+$0xFFFFFFA0]  }
0x38a: {  	v16 =	vor.u32 s31, v6;
	v18 =	vld [tilespmem:s17+$0x0]  }
0x38b: {  	v12 =	vor.u32 $0x7, v12;
	v19 =	vld [tilespmem:s17+$0xFFFFFFD0]  }
0x38c: {  	v21 =	vor.u32 s18, v7;
	v10 =	vld.idx.msk [tilespmem:v10+s29+$0x0], $0xffff  }
0x38d: {  	v23 =	vor.u32 s25, v4;
	v13 =	vld.idx.msk [tilespmem:v13+s29+$0x0], $0xffff  }
0x38e: {  	v15 =	vld.idx.msk [tilespmem:v15+s29+$0x0], $0xffff  }
0x38f: {  	v24 =	vld.idx.msk [tilespmem:v16+s29+$0x0], $0xffff  }
0x390: {  	v9 =	vmov s18;
	v16 =	vld.idx.msk [tilespmem:v12+s29+$0x0], $0xffff  }
0x391: {  	v8 =	vor.u32 $0x4, v9;
	v27 =	vld.idx.msk [tilespmem:v21+s29+$0x0], $0xffff  }
0x392: {  	s14 =	simm.s32 $0x7420;
	s24 =	simm.s32 $0x10;
	v9 =	vor.u32 $0x7, v9;
	v23 =	vld.idx.msk [tilespmem:v23+s29+$0x0], $0xffff  }
0x393: {  	v17 =	vor.u32 s24, v6;
	v32 =	vld [tilespmem:s14+$0xFFFFFFA0]  }
0x394: {  	v20 =	vmov s24;
	v12 =	vor.u32 s18, v6;
	v35 =	vld [tilespmem:s14+$0x0]  }
0x395: {  	v37 =	vld [tilespmem:s14+$0xFFFFFFD0];
	v22 =	vor.u32 $0x4, v20  }
0x396: {  	v21 =	vor.u32 s25, v7;
	v8 =	vld.idx.msk [tilespmem:v8+s29+$0x0], $0xffff  }
0x397: {  	v28 =	vor.u32 s25, v6;
	v29 =	vor.u32 $0x7, v20;
	v20 =	vld.idx.msk [tilespmem:v9+s29+$0x0], $0xffff  }
0x398: {  	v26 =	vld.idx.msk [tilespmem:v17+s29+$0x0], $0xffff  }
0x399: {  	v25 =	vmov s31;
	v12 =	vld.idx.msk [tilespmem:v12+s29+$0x0], $0xffff  }
0x39a: {  	v17 =	vor.u32 $0x7, v25;
	v9 =	vunpack.i.l.bf16.f32 v14;
	v22 =	vld.idx.msk [tilespmem:v22+s29+$0x0], $0xffff  }
0x39b: {  	s30 =	simm.s32 $0x50;
	v30 =	vor.u32 s24, v4;
	v14 =	vunpack.i.u.bf16.f32 v14;
	v9 =	vmul.f32 v9, v15;
	v15 =	vld.idx.msk [tilespmem:v21+s29+$0x0], $0xffff  }
0x39c: {  	v40 =	vmov s30;
	v14 =	vmul.f32 v14, v23;
	v23 =	vld.idx.msk [tilespmem:v28+s29+$0x0], $0xffff  }
0x39d: {  	v59 =	vor.u32 $0x4, v40;
	s12 =	simm.s32 $0x8BC0;
	v31 =	vunpack.i.l.bf16.f32 v11;
	v21 =	vld.idx.msk [tilespmem:v29+s29+$0x0], $0xffff  }
0x39e: {  	v25 =	vor.u32 $0x4, v25;
	v29 =	vld [tilespmem:s14+$0x30];
	[tilespmem:s12+$0xFFFFFF40] =	vst v9;
	v8 =	vmul.f32 v31, v8  }
0x39f: {  	v11 =	vunpack.i.u.bf16.f32 v11;
	v9 =	vor.u32 s24, v7;
	[tilespmem:s12+$0xFFFFFF50] =	vst v14;
	s24 =	simm.s32 $0x40;
	v17 =	vld.idx.msk [tilespmem:v17+s29+$0x0], $0xffff  }
0x3a0: {  	s25 =	simm.s32 $0x70;
	v33 =	vmov s24;
	[tilespmem:s12+$0x60] =	vst v8;
	v8 =	vmul.f32 v11, v10;
	v10 =	vld.idx.msk [tilespmem:v30+s29+$0x0], $0xffff  }
0x3a1: {  	v38 =	vunpack.i.l.bf16.f32 v19;
	v28 =	vmov s25;
	v36 =	vor.u32 $0x4, v33;
	v11 =	vld [tilespmem:s17+$0xFFFFFFB0]  }
0x3a2: {  	v30 =	vor.u32 $0x4, v28;
	v22 =	vmul.f32 v38, v22;
	v38 =	vld.idx.msk [tilespmem:v59+s29+$0x0], $0xffff  }
0x3a3: {  	[tilespmem:s12+$0x70] =	vst v8;
	v8 =	vld.idx.msk [tilespmem:v25+s29+$0x0], $0xffff;
	v25 =	vor.u32 s31, v7  }
0x3a4: {  	v31 =	vld.idx.msk [tilespmem:v9+s29+$0x0], $0xffff;
	s31 =	simm.s32 $0x60;
	v9 =	vor.u32 s25, v4  }
0x3a5: {  	v14 =	vld [tilespmem:s17+$0x40];
	v34 =	vor.u32 s31, v4  }
0x3a6: {  	v36 =	vld.idx.msk [tilespmem:v36+s29+$0x0], $0xffff  }
0x3a7: {  	v19 =	vunpack.i.u.bf16.f32 v19;
	v57 =	vor.u32 s31, v6;
	v30 =	vld.idx.msk [tilespmem:v30+s29+$0x0], $0xffff  }
0x3a8: {  	v10 =	vmul.f32 v19, v10;
	v19 =	vor.u32 $0x7, v33;
	v25 =	vld.idx.msk [tilespmem:v25+s29+$0x0], $0xffff  }
0x3a9: {  	[tilespmem:s12+$0xFFFFFFA0] =	vst v22;
	v58 =	vld.idx.msk [tilespmem:v9+s29+$0x0], $0xffff;
	v9 =	vunpack.i.l.bf16.f32 v18  }
0x3aa: {  	v22 =	vor.u32 s30, v6;
	[tilespmem:s12+$0xFFFFFFB0] =	vst v10;
	v10 =	vunpack.i.u.bf16.f32 v18;
	v34 =	vld.idx.msk [tilespmem:v34+s29+$0x0], $0xffff;
	v8 =	vmul.f32 v9, v8  }
0x3ab: {  	v18 =	vor.u32 s25, v7;
	v39 =	vld [tilespmem:s17+$0xFFFFFFE0];
	v10 =	vmul.f32 v10, v13;
	v13 =	vunpack.i.u.bf16.f32 v11  }
0x3ac: {  	v9 =	vld.idx.msk [tilespmem:v57+s29+$0x0], $0xffff;
	v11 =	vunpack.i.l.bf16.f32 v11;
	v13 =	vmul.f32 v13, v15;
	[tilespmem:s12+$0x0] =	vst v8  }
0x3ad: {  	v15 =	vor.u32 s24, v4;
	v11 =	vmul.f32 v11, v23;
	v8 =	vld.idx.msk [tilespmem:v19+s29+$0x0], $0xffff;
	[tilespmem:s12+$0x10] =	vst v10  }
0x3ae: {  	[tilespmem:s12+$0xFFFFFF70] =	vst v13;
	v13 =	vunpack.i.l.bf16.f32 v14;
	v19 =	vld [tilespmem:s17+$0x10]  }
0x3af: {  	v10 =	vld.idx.msk [tilespmem:v22+s29+$0x0], $0xffff;
	v14 =	vunpack.i.u.bf16.f32 v14;
	[tilespmem:s12+$0xFFFFFF60] =	vst v11;
	v11 =	vor.u32 s25, v6;
	v12 =	vmul.f32 v13, v12  }
0x3b0: {  	v22 =	vor.u32 $0x7, v28;
	v13 =	vld.idx.msk [tilespmem:v18+s29+$0x0], $0xffff;
	v18 =	vmov s31;
	v14 =	vmul.f32 v14, v27  }
0x3b1: {  	v27 =	vld [tilespmem:s17+$0xFFFFFFC0];
	v23 =	vor.u32 $0x7, v18;
	[tilespmem:s12+$0x80] =	vst v12;
	v12 =	vunpack.i.l.bf16.f32 v39  }
0x3b2: {  	[tilespmem:s12+$0x90] =	vst v14;
	v14 =	vunpack.i.u.bf16.f32 v39;
	v12 =	vmul.f32 v12, v26;
	v26 =	vld.idx.msk [tilespmem:v15+s29+$0x0], $0xffff  }
0x3b3: {  	v14 =	vmul.f32 v14, v31;
	v31 =	vld [tilespmem:s17+$0x50];
	v28 =	vunpack.i.l.bf16.f32 v19  }
0x3b4: {  	v60 =	vor.u32 s24, v7;
	v15 =	vld.idx.msk [tilespmem:v11+s29+$0x0], $0xffff;
	[tilespmem:s12+$0xFFFFFFC0] =	vst v12;
	v12 =	vunpack.i.u.bf16.f32 v19;
	v19 =	vmul.f32 v28, v24  }
0x3b5: {  	v24 =	vor.u32 s24, v6;
	[tilespmem:s12+$0xFFFFFFD0] =	vst v14;
	v14 =	vmul.f32 v12, v25;
	v12 =	vld.idx.msk [tilespmem:v22+s29+$0x0], $0xffff  }
0x3b6: {  	v25 =	vor.u32 $0x7, v40;
	v11 =	vld.idx.msk [tilespmem:v23+s29+$0x0], $0xffff;
	v22 =	vunpack.i.l.bf16.f32 v29;
	[tilespmem:s12+$0x20] =	vst v19  }
0x3b7: {  	v61 =	vld [tilespmem:s17+$0xFFFFFFF0];
	v23 =	vunpack.i.l.bf16.f32 v32;
	v22 =	vmul.f32 v22, v30;
	[tilespmem:s12+$0x30] =	vst v14  }
0x3b8: {  	v28 =	vunpack.i.u.bf16.f32 v32;
	v19 =	vor.u32 s30, v4;
	v62 =	vmul.f32 v23, v36;
	v30 =	vld [tilespmem:s17+$0x20];
	s17 =	simm.s32 $0x8D40  }
0x3b9: {  	v41 =	vor.u32 $0x4, v18;
	v23 =	vld.idx.msk [tilespmem:v60+s29+$0x0], $0xffff;
	v26 =	vmul.f32 v28, v26;
	[tilespmem:s17+$0x60] =	vst v22  }
0x3ba: {  	v18 =	vor.u32 s30, v7;
	v27 =	vunpack.i.l.bf16.f32 v27;
	v29 =	vunpack.i.u.bf16.f32 v29;
	v22 =	vld.idx.msk [tilespmem:v24+s29+$0x0], $0xffff;
	[tilespmem:s17+$0xFFFFFF40] =	vst v62  }
0x3bb: {  	v63 =	vmul.f32 v27, v16;
	v29 =	vmul.f32 v29, v58;
	v28 =	vunpack.i.u.bf16.f32 v35;
	[tilespmem:s17+$0xFFFFFF50] =	vst v26;
	v24 =	vld.idx.msk [tilespmem:v25+s29+$0x0], $0xffff  }
0x3bc: {  	v14 =	vor.u32 s31, v7;
	v27 =	vunpack.i.l.bf16.f32 v31;
	v16 =	vmul.f32 v28, v34;
	v28 =	vld [tilespmem:s14+$0xFFFFFFB0]  }
0x3bd: {  	v31 =	vmul.f32 v27, v20;
	[tilespmem:s17+$0x70] =	vst v29;
	v25 =	vunpack.i.l.bf16.f32 v37;
	v29 =	vunpack.i.l.bf16.f32 v61;
	v26 =	vld.idx.msk [tilespmem:v19+s29+$0x0], $0xffff  }
0x3be: {  	[tilespmem:s12+$0xFFFFFF80] =	vst v63;
	v27 =	vmul.f32 v25, v38;
	v25 =	vld [tilespmem:s14+$0x40];
	v21 =	vmul.f32 v29, v21;
	v30 =	vunpack.i.l.bf16.f32 v30  }
0x3bf: {  	s23 =	simm.s32 $0x74E0;
	s30 =	simm.s32 $0xB0;
	v20 =	vunpack.i.l.bf16.f32 v35;
	[tilespmem:s12+$0xA0] =	vst v31;
	v19 =	vunpack.i.u.bf16.f32 v37;
	v29 =	vld.idx.msk [tilespmem:v41+s29+$0x0], $0xffff;
	v17 =	vmul.f32 v30, v17  }
.LBB2_31:
0x3c0: {  	s18 =	sadd.s32 $0xFFFFFFD0, s30;
	s24 =	sadd.s32 $0xFFFFFFF0, s30;
	v30 =	vmov s30;
	v31 =	vor.u32 s30, v4;
	v32 =	vld [tilespmem:s23+$0x30];
	s11 =	sadd.s32 $0x4, s11;
	[tilespmem:s12+$0xFFFFFFE0] =	vst v21  }
0x3c1: {  	s25 =	sadd.s32 $0xFFFFFFE0, s30;
	v21 =	vmov s18;
	v33 =	vor.u32 s24, v4;
	v34 =	vor.u32 $0x4, v30;
	p0 =	slt.u32 s11, $0x7C;
	v35 =	vld.idx.msk [tilespmem:v18+s29+$0x0], $0xffff;
	[tilespmem:s12+$0x40] =	vst v17;
	v17 =	vmovc v24;
	s12 =	smov.u32 s17  }
0x3c2: {  	v36 =	vmov s25;
	v18 =	vor.u32 $0x4, v21;
	v24 =	vld [tilespmem:s23+$0xFFFFFFA0];
	v37 =	vunpack.i.l.bf16.f32 v28;
	[tilespmem:s17+$0xFFFFFFA0] =	vst v27  }
0x3c3: {  	v38 =	vmov s24;
	v27 =	vor.u32 $0x4, v36;
	v28 =	vunpack.i.u.bf16.f32 v28;
	v39 =	vld [tilespmem:s23+$0x0]  }
0x3c4: {  	v40 =	vor.u32 s25, v4;
	v42 =	vor.u32 s24, v6;
	v43 =	vor.u32 $0x7, v38;
	v41 =	vld [tilespmem:s23+$0xFFFFFFD0]  }
0x3c5: {  	v44 =	vor.u32 s18, v4;
	v30 =	vor.u32 $0x7, v30;
	v23 =	vmul.f32 v28, v23;
	v28 =	vld.idx.msk [tilespmem:v14+s29+$0x0], $0xffff  }
0x3c6: {  	v45 =	vor.u32 s18, v6;
	v19 =	vmul.f32 v19, v26;
	v14 =	vor.u32 s24, v7;
	v34 =	vld.idx.msk [tilespmem:v34+s29+$0x0], $0xffff  }
0x3c7: {  	v26 =	vor.u32 s25, v6;
	v21 =	vor.u32 $0x7, v21;
	v20 =	vmul.f32 v20, v29;
	v31 =	vld.idx.msk [tilespmem:v31+s29+$0x0], $0xffff;
	[tilespmem:s17+$0xFFFFFF70] =	vst v23  }
0x3c8: {  	v23 =	vor.u32 s18, v7;
	v29 =	vld.idx.msk [tilespmem:v33+s29+$0x0], $0xffff;
	[tilespmem:s17+$0xFFFFFFB0] =	vst v19;
	v19 =	vunpack.i.u.bf16.f32 v25;
	v25 =	vunpack.i.l.bf16.f32 v25  }
0x3c9: {  	v36 =	vor.u32 $0x7, v36;
	v22 =	vmul.f32 v37, v22;
	v33 =	vld.idx.msk [tilespmem:v18+s29+$0x0], $0xffff;
	[tilespmem:s17+$0x0] =	vst v20;
	v15 =	vmul.f32 v25, v15  }
0x3ca: {  	v37 =	vor.u32 $0x4, v38;
	v20 =	vor.u32 s30, v7;
	v13 =	vmul.f32 v19, v13;
	v25 =	vld [tilespmem:s14+$0xFFFFFFE0];
	[tilespmem:s17+$0x10] =	vst v16  }
0x3cb: {  	v38 =	vunpack.i.u.bf16.f32 v24;
	v18 =	vor.u32 s25, v7;
	v42 =	vld.idx.msk [tilespmem:v42+s29+$0x0], $0xffff;
	[tilespmem:s17+$0x80] =	vst v15  }
0x3cc: {  	v24 =	vunpack.i.l.bf16.f32 v24;
	v16 =	vunpack.i.u.bf16.f32 v39;
	v15 =	vunpack.i.u.bf16.f32 v32;
	v21 =	vld.idx.msk [tilespmem:v21+s29+$0x0], $0xffff;
	[tilespmem:s17+$0xFFFFFF60] =	vst v22  }
0x3cd: {  	v32 =	vunpack.i.l.bf16.f32 v32;
	s17 =	sadd.s32 $0x180, s17;
	v22 =	vld.idx.msk [tilespmem:v26+s29+$0x0], $0xffff;
	v26 =	vunpack.i.l.bf16.f32 v41;
	[tilespmem:s12+$0x90] =	vst v13  }
0x3ce: {  	v46 =	vor.u32 s30, v6;
	v31 =	vmul.f32 v15, v31;
	v15 =	vld [tilespmem:s14+$0x10]  }
0x3cf: {  	v19 =	vunpack.i.u.bf16.f32 v41;
	v13 =	vld.idx.msk [tilespmem:v20+s29+$0x0], $0xffff;
	v20 =	vunpack.i.u.bf16.f32 v25  }
0x3d0: {  	v25 =	vunpack.i.l.bf16.f32 v25;
	v41 =	vld [tilespmem:s14+$0xFFFFFFC0];
	v35 =	vmul.f32 v20, v35  }
0x3d1: {  	v32 =	vmul.f32 v32, v34;
	v20 =	vmul.f32 v25, v10;
	v27 =	vld.idx.msk [tilespmem:v27+s29+$0x0], $0xffff  }
0x3d2: {  	v25 =	vld.idx.msk [tilespmem:v44+s29+$0x0], $0xffff  }
0x3d3: {  	v10 =	vmov v22;
	[tilespmem:s12+$0xFFFFFFC0] =	vst v20;
	v34 =	vunpack.i.u.bf16.f32 v15;
	v44 =	vunpack.i.l.bf16.f32 v15;
	v47 =	vld [tilespmem:s14+$0x50]  }
0x3d4: {  	v20 =	vunpack.i.l.bf16.f32 v39;
	v15 =	vld.idx.msk [tilespmem:v46+s29+$0x0], $0xffff;
	[tilespmem:s12+$0xFFFFFFD0] =	vst v35;
	v22 =	vmul.f32 v44, v9;
	v28 =	vmul.f32 v34, v28  }
0x3d5: {  	v16 =	vmul.f32 v16, v29;
	v9 =	vmov v42;
	v29 =	vld.idx.msk [tilespmem:v30+s29+$0x0], $0xffff;
	v30 =	vunpack.i.l.bf16.f32 v41  }
0x3d6: {  	v34 =	vld.idx.msk [tilespmem:v43+s29+$0x0], $0xffff;
	v30 =	vmul.f32 v30, v8;
	[tilespmem:s12+$0x20] =	vst v22;
	v8 =	vmov v21  }
0x3d7: {  	v21 =	vmul.f32 v24, v33;
	v27 =	vmul.f32 v26, v27;
	v33 =	vld [tilespmem:s14+$0xFFFFFFF0];
	[tilespmem:s12+$0x30] =	vst v28  }
0x3d8: {  	v25 =	vmul.f32 v38, v25;
	[tilespmem:s17+$0x60] =	vst v32;
	v32 =	vld [tilespmem:s14+$0x20];
	v22 =	vunpack.i.l.bf16.f32 v47;
	s14 =	smov.u32 s23  }
0x3d9: {  	v23 =	vld.idx.msk [tilespmem:v23+s29+$0x0], $0xffff;
	[tilespmem:s12+$0xFFFFFF80] =	vst v30;
	v30 =	vmul.f32 v22, v12  }
0x3da: {  	v22 =	vld.idx.msk [tilespmem:v45+s29+$0x0], $0xffff  }
.Ltmp14:
0x3db: {  	v12 =	vmov v29;
	[tilespmem:s17+$0xFFFFFF40] =	vst v21;
	v24 =	vld.idx.msk [tilespmem:v36+s29+$0x0], $0xffff;
	(pc) =	sbr.rel @p0 .LBB2_31-.Ltmp14, $4  }
0x3dc: {  	[tilespmem:s17+$0xFFFFFF50] =	vst v25;
	v26 =	vld.idx.msk [tilespmem:v40+s29+$0x0], $0xffff  }
0x3dd: {  	v21 =	vunpack.i.l.bf16.f32 v33;
	v28 =	vld [tilespmem:s23+$0xFFFFFFB0];
	[tilespmem:s17+$0x70] =	vst v31;
	v29 =	vunpack.i.l.bf16.f32 v32  }
0x3de: {  	v21 =	vmul.f32 v21, v17;
	v25 =	vld [tilespmem:s23+$0x40];
	v17 =	vmul.f32 v29, v11;
	[tilespmem:s12+$0xA0] =	vst v30;
	v11 =	vmov v34  }
0x3df: {  	s30 =	sadd.s32 $0x40, s30;
	s23 =	sadd.s32 $0xC0, s23;
	v29 =	vld.idx.msk [tilespmem:v37+s29+$0x0], $0xffff  }
0x3e0: {  	_ =	sdelay $0x2  }
0x3e1: {  	v19 =	vmul.f32 v19, v26  }
0x3e2: {  	v18 =	vld.idx.msk [tilespmem:v18+s29+$0x0], $0xffff;
	[tilespmem:s17+$0xFFFFFFA0] =	vst v27  }
0x3e3: {  	v14 =	vld.idx.msk [tilespmem:v14+s29+$0x0], $0xffff;
	[tilespmem:s17+$0xFFFFFFB0] =	vst v19;
	v20 =	vmul.f32 v20, v29  }
0x3e4: {  	[tilespmem:s17+$0x10] =	vst v16;
	v19 =	vld [tilespmem:s14+$0xFFFFFFE0]  }
0x3e5: {  	v48 =	vunpack.i.u.bf16.f32 v28;
	[tilespmem:s17+$0x0] =	vst v20  }
0x3e6: {  	v52 =	vunpack.i.l.bf16.f32 v28;
	v49 =	vmul.f32 v48, v23;
	v51 =	vld [tilespmem:s14+$0x10]  }
0x3e7: {  	v50 =	vunpack.i.l.bf16.f32 v25;
	v54 =	vmul.f32 v52, v22  }
0x3e8: {  	v53 =	vunpack.i.u.bf16.f32 v25;
	v15 =	vmul.f32 v50, v15;
	[tilespmem:s17+$0xFFFFFF70] =	vst v49  }
0x3e9: {  	v13 =	vmul.f32 v53, v13;
	[tilespmem:s17+$0xFFFFFF60] =	vst v54;
	v55 =	vunpack.i.l.bf16.f32 v19  }
0x3ea: {  	[tilespmem:s17+$0x80] =	vst v15;
	v56 =	vunpack.i.u.bf16.f32 v19;
	v10 =	vmul.f32 v55, v10  }
0x3eb: {  	[tilespmem:s17+$0x90] =	vst v13;
	v57 =	vmul.f32 v56, v18;
	v58 =	vunpack.i.l.bf16.f32 v51  }
0x3ec: {  	[tilespmem:s17+$0xFFFFFFC0] =	vst v10;
	v59 =	vunpack.i.u.bf16.f32 v51;
	v9 =	vmul.f32 v58, v9  }
0x3ed: {  	v60 =	vld [tilespmem:s14+$0xFFFFFFC0];
	[tilespmem:s17+$0xFFFFFFD0] =	vst v57;
	v10 =	vmul.f32 v59, v14  }
0x3ee: {  	v61 =	vld [tilespmem:s14+$0x50];
	[tilespmem:s17+$0x20] =	vst v9  }
0x3ef: {  	v62 =	vld [tilespmem:s14+$0xFFFFFFF0];
	[tilespmem:s17+$0x30] =	vst v10  }
0x3f0: {  	v10 =	vld [tilespmem:s14+$0x20];
	_ =	sdelay $0x1  }
0x3f1: {  	v63 =	vunpack.i.l.bf16.f32 v60  }
0x3f2: {  	[tilespmem:s12+$0xFFFFFFE0] =	vst v21;
	s10 =	sadd.s32 $0x1, s10;
	v8 =	vmul.f32 v63, v8;
	v13 =	vunpack.i.l.bf16.f32 v61  }
0x3f3: {  	[tilespmem:s12+$0x40] =	vst v17;
	p0 =	sne.s32 s10, $0x29;
	v12 =	vmul.f32 v13, v12;
	v9 =	vunpack.i.l.bf16.f32 v62  }
.Ltmp15:
0x3f4: {  	[tilespmem:s17+$0xFFFFFF80] =	vst v8;
	v9 =	vmul.f32 v9, v24;
	v8 =	vunpack.i.l.bf16.f32 v10;
	(pc) =	sbr.rel @p0 .LBB2_20-.Ltmp15, $4  }
0x3f5: {  	[tilespmem:s17+$0xA0] =	vst v12;
	v8 =	vmul.f32 v8, v11  }
0x3f6: {  	[tilespmem:s17+$0xFFFFFFE0] =	vst v9  }
0x3f7: {  	s11 =	simm.s32 $0x6280;
	s31 =	simm.s32 $0x8B00;
	[tilespmem:s17+$0x40] =	vst v8  }
0x3f8: {  	[spmem:s1] =	stream.indirect.scatter.add.f32 [tilespmem:s31], [sflag:$0x6], $0x60, s11, s19, $0xb8;
	[tilespmem:$0x1B300] =	vst v63  }
0x3f9: {  	_ =	swait.ge [sflag:s26], $0x800  }
0x3fa: {  	[sflag:s26] =	ssyncset.done $0x0  }
0x3fb: {  	[sflag:s26] =	ssyncadd.s32 $0xFFFFF800  }
0x3fc: {  	_ =	swait.ge [sflag:s26], $0x800  }
0x3fd: {  	[sflag:s26] =	ssyncset.done $0x0  }
0x3fe: {  	[sflag:s26] =	ssyncadd.s32 $0xFFFFF800  }
0x3ff: {  	_ =	swait.ge [sflag:s26], $0x1800  }
0x400: {  	[sflag:s26] =	ssyncset.done $0x0  }
0x401: {  	[sflag:s26] =	ssyncadd.s32 $0xFFFFE800  }
0x402: {  	_ =	swait.ge [sflag:s0], $0x80  }
0x403: {  	[sflag:s0] =	ssyncset.done $0x0  }
0x404: {  	[sflag:s0] =	ssyncadd.s32 $0xFFFFFF80  }
0x405: {  	_ =	swait.ge [sflag:s0], $0x80  }
0x406: {  	[sflag:s0] =	ssyncset.done $0x0  }
0x407: {  	s10 =	simm.s32 $0x3;
	[sflag:s0] =	ssyncadd.s32 $0xFFFFFF80  }
0x408: {  	_ =	swait.ge [sflag:s10], $0x3000  }
0x409: {  	[sflag:s10] =	ssyncset.done $0x0  }
0x40a: {  	s12 =	simm.s32 $0x6;
	[sflag:s10] =	ssyncadd.s32 $0xFFFFD000  }
0x40b: {  	_ =	swait.ge [sflag:s12], $0x3000  }
0x40c: {  	[sflag:s12] =	ssyncset.done $0x0  }
0x40d: {  	[sflag:s12] =	ssyncadd.s32 $0xFFFFD000  }
0x40e: {  	[bflag:$0x0] =	sbarrier.arrive $0xFFFF  }
0x40f: {  	s24 =	simm.s32 $0x7;
	s17 =	rddreg [dreg:$0x3]  }
0x410: {  	[tilespmem:s3], [sflag:$0x7] =	stream.linear.gather [spmem:s17], $0x3000, $0x38;
	[tilespmem:$0x1B300] =	vst v63  }
0x411: {  	_ =	swait.ge [sflag:s24], $0x3000  }
0x412: {  	[sflag:s24] =	ssyncset.done $0x0  }
0x413: {  	s14 =	rddreg [dreg:$0x16];
	[sflag:s24] =	ssyncadd.s32 $0xFFFFD000  }
0x414: {  	[hbm4b:s14+s2] =	stream.linear.scatter [tilespmem:s3], [sflag:$0x7], $0x3000, $0x38;
	[tilespmem:$0x1B300] =	vst v63  }
0x415: {  	_ =	swait.ge [sflag:s24], $0x3000  }
0x416: {  	[sflag:s24] =	ssyncset.done $0x0  }
0x417: {  	s12 =	rddreg [dreg:$0x12];
	[sflag:s24] =	ssyncadd.s32 $0xFFFFD000  }
0x418: {  	[tilespmem:s3], [sflag:$0x7] =	stream.linear.gather [spmem:s12], $0x3000, $0x38;
	[tilespmem:$0x1B300] =	vst v63  }
0x419: {  	_ =	swait.ge [sflag:s24], $0x3000  }
0x41a: {  	[sflag:s24] =	ssyncset.done $0x0  }
0x41b: {  	s18 =	rddreg [dreg:$0xd];
	[sflag:s24] =	ssyncadd.s32 $0xFFFFD000  }
0x41c: {  	[hbm4b:s18+s2] =	stream.linear.scatter [tilespmem:s3], [sflag:$0x7], $0x3000, $0x38;
	[tilespmem:$0x1B300] =	vst v63  }
0x41d: {  	_ =	swait.ge [sflag:s24], $0x3000  }
0x41e: {  	[sflag:s24] =	ssyncset.done $0x0  }
0x41f: {  	s14 =	rddreg [dreg:$0x13];
	[sflag:s24] =	ssyncadd.s32 $0xFFFFD000  }
0x420: {  	[tilespmem:s3], [sflag:$0x7] =	stream.linear.gather [spmem:s14], $0x3000, $0x38;
	[tilespmem:$0x1B300] =	vst v63  }
0x421: {  	_ =	swait.ge [sflag:s24], $0x3000  }
0x422: {  	[sflag:s24] =	ssyncset.done $0x0  }
0x423: {  	s23 =	rddreg [dreg:$0xe];
	[sflag:s24] =	ssyncadd.s32 $0xFFFFD000  }
0x424: {  	[hbm4b:s23+s2] =	stream.linear.scatter [tilespmem:s3], [sflag:$0x7], $0x3000, $0x38;
	[tilespmem:$0x1B300] =	vst v63  }
0x425: {  	_ =	swait.ge [sflag:s24], $0x3000  }
0x426: {  	[sflag:s24] =	ssyncset.done $0x0  }
0x427: {  	s18 =	rddreg [dreg:$0x14];
	[sflag:s24] =	ssyncadd.s32 $0xFFFFD000  }
0x428: {  	[tilespmem:s3], [sflag:$0x7] =	stream.linear.gather [spmem:s18], $0x3000, $0x38;
	[tilespmem:$0x1B300] =	vst v63  }
0x429: {  	_ =	swait.ge [sflag:s24], $0x3000  }
0x42a: {  	[sflag:s24] =	ssyncset.done $0x0  }
0x42b: {  	s25 =	rddreg [dreg:$0xf];
	[sflag:s24] =	ssyncadd.s32 $0xFFFFD000  }
0x42c: {  	[hbm4b:s25+s2] =	stream.linear.scatter [tilespmem:s3], [sflag:$0x7], $0x3000, $0x38;
	[tilespmem:$0x1B300] =	vst v63  }
0x42d: {  	_ =	swait.ge [sflag:s24], $0x3000  }
0x42e: {  	[sflag:s24] =	ssyncset.done $0x0  }
0x42f: {  	s23 =	rddreg [dreg:$0x15];
	[sflag:s24] =	ssyncadd.s32 $0xFFFFD000  }
0x430: {  	[tilespmem:s3], [sflag:$0x7] =	stream.linear.gather [spmem:s23], $0x3000, $0x38;
	[tilespmem:$0x1B300] =	vst v63  }
0x431: {  	_ =	swait.ge [sflag:s24], $0x3000  }
0x432: {  	[sflag:s24] =	ssyncset.done $0x0  }
0x433: {  	s30 =	rddreg [dreg:$0x10];
	[sflag:s24] =	ssyncadd.s32 $0xFFFFD000  }
0x434: {  	[hbm4b:s30+s2] =	stream.linear.scatter [tilespmem:s3], [sflag:$0x7], $0x3000, $0x38;
	[tilespmem:$0x1B300] =	vst v63  }
0x435: {  	_ =	swait.ge [sflag:s24], $0x3000  }
0x436: {  	s11 =	rddreg [dreg:$0x17]  }
0x437: {  	s31 =	rddreg [dreg:$0x11];
	s11 =	sadd.s32 $0x1, s11  }
0x438: {  	p0 =	sne.s32 s11, s31  }
.Ltmp16:
0x439: {  	_ = 	snop;
	(pc) =	sbr.rel @p0 .LBB2_1-.Ltmp16, $3  }
0x43a: {  	[sflag:s24] =	ssyncset.done $0x0  }
0x43b: {  	[sflag:s24] =	ssyncadd.s32 $0xFFFFD000  }
0x43c: {  	[bflag:$0x0] =	sbarrier.arrive $0xFFFF;
	_ =	sdelay $0x1  }
0x43d: {  	_ =	sfence.sel $0x180000  }
0x43e: {  	[bflag:$0x0] =	sbarrier.arrive $0xFFFF  }
0x43f: {  	_ =	strace $0x90000047  }
0x440: {  	s0 =	stileid.u32;
	[bflag:$0x2] =	sbarrier.arrive $0xFFFF  }
0x441: {  	p0 =	sne.s32 s0, $0x0;
	s0 =	rddreg [dreg:$0x2]  }
0x442: {  	s0 =	sadd.s32 @!p0 $0x100000, s0  }
0x443: {  	[sflag:s0] =	ssyncadd.tile.s32 @!p0 $0x1;
	_ =	shalt  }
.Lfunc_end2:
_tile_overlayer_lowered:
.L_overlay_start_2:
0x444: {  	(tag) =	ssettag $0x2  }
0x445: {  	s0 =	rddreg [dreg:$0x0];
	s2 =	stileid.u32  }
0x446: {  	s1 =	rddreg [dreg:$0x1];
	p0 =	sne.s32 s2, $0x0  }
0x447: {  	s3 =	rddreg [dreg:$0x2];
	[bflag:$0x3] =	sbarrier.arrive $0xFFFF;
	s2 =	simm.s32 @!p0 $0x1C07  }
0x448: {  	[timem:s3], [sflag:s2] =	dma.local @!p0 [hbm:s0], s1  }
0x449: {  	s0 =	simm.s32 @!p0 $0x7  }
0x44a: {  	_ =	swait.ge @!p0 [sflag:s0], s1  }
0x44b: {  	s1 =	ssub.s32 @!p0 $0x0, s1;
	[sflag:s0] =	ssyncset.done @!p0 $0x0  }
0x44c: {  	[sflag:s0] =	ssyncadd.s32 @!p0 s1  }
0x44d: {  	[bflag:$0x3] =	sbarrier.arrive $0xFFFF  }
0x44e: {  	_ =	shalt  }

</sc_bundles>
